<compile_context>
chip_gen: v7x
topology: tpu7x:2x2x1
jax: 0.10.2.dev20260603
libtpu: 0.0.44.dev20260713+nightly
codegen_flags: <defaults>
</compile_context>

<pallas_src>
import functools

import jax
import jax.numpy as jnp
from jax import lax
from jax.experimental import pallas as pl
from jax.experimental.pallas import tpu as pltpu
from jax.experimental.pallas import tpu_sc as plsc

NC = 2
NS = 16
NW = NC * NS
CH = 128
CW = 16
LANES = 16


def _round_up(v, m):
    return (v + m - 1) // m * m


GPC = 8
SPLIT0 = 0.2


@functools.lru_cache(maxsize=None)
def _make_sc_agg(n, d, cpt0, cpt1, nacc, with_counts):
    rpt = nacc // NS
    assert cpt0 % GPC == 0 and cpt1 % GPC == 0 and GPC % 2 == 0
    mesh = plsc.VectorSubcoreMesh(core_axis_name="c", subcore_axis_name="s")

    out_type = [jax.ShapeDtypeStruct((NC, nacc, d), jnp.float32)]
    scratch = [
        pltpu.VMEM_SHARED((nacc, d), jnp.float32),
        pltpu.VMEM((2, GPC, CH), jnp.int32),
        pltpu.VMEM((2, GPC, CH), jnp.int32),
        pltpu.VMEM((CH, d), jnp.float32),
        pltpu.VMEM((CH, d), jnp.float32),
        pltpu.SemaphoreType.DMA,
        pltpu.SemaphoreType.DMA,
        pltpu.SemaphoreType.DMA,
        pltpu.SemaphoreType.DMA,
        pltpu.SemaphoreType.DMA,
    ]
    if with_counts:
        out_type.append(jax.ShapeDtypeStruct((NC, nacc, CW), jnp.float32))
        scratch += [
            pltpu.VMEM_SHARED((nacc, CW), jnp.float32),
            pltpu.VMEM((CH, CW), jnp.float32),
            pltpu.SemaphoreType.DMA,
        ]

    def body(h, srcs, dsts, *rest):
        if with_counts:
            (part, cntp, acc, sidx, didx, bufA, bufB,
             semA, semB, semSA, semSB, semI, cacc, ones, semC) = rest
        else:
            (part, acc, sidx, didx, bufA, bufB,
             semA, semB, semSA, semSB, semI) = rest
            cntp = cacc = ones = semC = None
        cid = lax.axis_index("c")
        sid = lax.axis_index("s")
        is0 = cid == 0
        cpt_c = jnp.where(is0, cpt0, cpt1)
        ngrp = jnp.where(is0, cpt0 // GPC, cpt1 // GPC)
        base = cid * (NS * cpt0) + sid * cpt_c

        zv = jnp.zeros((LANES,), jnp.float32)

        def zrow(i, c):
            for j in range(d // LANES):
                bufA[i, pl.ds(j * LANES, LANES)] = zv
            if with_counts:
                ones[i, pl.ds(0, LANES)] = zv
            return c

        lax.fori_loop(0, CH, zrow, 0)

        def _stripe_copy(src_buf, dst_ref):
            r0 = sid * rpt
            for r in range(rpt // CH):
                pltpu.sync_copy(src_buf, dst_ref.at[pl.ds(r0 + r * CH, CH)])
            rem = rpt % CH
            if rem:
                pltpu.sync_copy(src_buf.at[pl.ds(0, rem)],
                                dst_ref.at[pl.ds(r0 + rpt - rem, rem)])

        _stripe_copy(bufA, acc)
        if with_counts:
            _stripe_copy(ones, cacc)
            ov = jnp.ones((LANES,), jnp.float32)

            def orow(i, c):
                ones[i, pl.ds(0, LANES)] = ov
                return c

            lax.fori_loop(0, CH, orow, 0)

        plsc.subcore_barrier()

        bufs = (bufA, bufB)
        semG = (semA, semB)
        semS = (semSA, semSB)
        pltpu.sync_copy(srcs.at[pl.ds(base, GPC)], sidx.at[0])
        pltpu.sync_copy(dsts.at[pl.ds(base, GPC)], didx.at[0])
        pltpu.async_copy(h.at[sidx.at[0, 0]], bufA, semA)

        def _wait_scatter(b):
            pltpu.make_async_copy(bufs[b], acc.at[didx.at[0, 0]],
                                  semS[b]).wait()

        def _wait_count():
            pltpu.make_async_copy(ones, cacc.at[didx.at[0, 0]],
                                  semC).wait()

        def group(g, carry):
            s = lax.rem(g, 2)
            sn = 1 - s

            for b8 in range(GPC):
                b = b8 % 2
                pltpu.make_async_copy(h.at[sidx.at[s, b8]], bufs[b],
                                      semG[b]).wait()

                if b8 == 2:
                    @pl.when(g + 1 < ngrp)
                    def _():
                        off = base + (g + 1) * GPC
                        pltpu.async_copy(srcs.at[pl.ds(off, GPC)],
                                         sidx.at[sn], semI)
                        pltpu.async_copy(dsts.at[pl.ds(off, GPC)],
                                         didx.at[sn], semI)

                if b8 == 0:
                    @pl.when(g >= 1)
                    def _():
                        _wait_scatter(1 - b)
                else:
                    _wait_scatter(1 - b)

                if b8 + 1 < GPC:
                    pltpu.async_copy(h.at[sidx.at[s, b8 + 1]], bufs[1 - b],
                                     semG[1 - b])
                else:
                    @pl.when(g + 1 < ngrp)
                    def _():
                        pltpu.make_async_copy(srcs.at[pl.ds(base, GPC)],
                                              sidx.at[sn], semI).wait()
                        pltpu.make_async_copy(dsts.at[pl.ds(base, GPC)],
                                              didx.at[sn], semI).wait()
                        pltpu.async_copy(h.at[sidx.at[sn, 0]], bufs[1 - b],
                                         semG[1 - b])

                pltpu.async_copy(bufs[b], acc.at[didx.at[s, b8]],
                                 semS[b], add=True)
                if with_counts:
                    if b8 == 0:
                        @pl.when(g >= 1)
                        def _():
                            _wait_count()
                    else:
                        _wait_count()
                    pltpu.async_copy(ones, cacc.at[didx.at[s, b8]],
                                     semC, add=True)
            return carry

        lax.fori_loop(0, ngrp, group, 0)

        _wait_scatter(1)
        if with_counts:
            _wait_count()

        plsc.subcore_barrier()

        pltpu.sync_copy(acc.at[pl.ds(sid * rpt, rpt)],
                        part.at[cid, pl.ds(sid * rpt, rpt)])
        if with_counts:
            pltpu.sync_copy(cacc.at[pl.ds(sid * rpt, rpt)],
                            cntp.at[cid, pl.ds(sid * rpt, rpt)])

    return pl.kernel(body, out_type=out_type, mesh=mesh,
                     scratch_types=scratch,
                     compiler_params=pltpu.CompilerParams(
                         use_tc_tiling_on_sc=False))


def _pick_br(n):
    for b in (400, 500, 250, 200, 100, 40, 8):
        if n % b == 0:
            return b
    return n


def _combine1(mp, cp, x, wl, bl, wr):
    n, d = x.shape
    br = _pick_br(n)

    def body(mp_ref, cp_ref, x_ref, wl_ref, wr_ref, bl_ref, h_ref, inv_ref):
        cnt = jnp.sum(cp_ref[...], axis=(0, 2)) * (1.0 / CW)
        inv = 1.0 / jnp.maximum(cnt, 1.0)
        inv2 = jnp.broadcast_to(inv[:, None], (br, d))
        m = (mp_ref[0] + mp_ref[1]) * inv2
        o = (jnp.dot(m, wl_ref[...], preferred_element_type=jnp.float32)
             + jnp.dot(x_ref[...], wr_ref[...],
                       preferred_element_type=jnp.float32)
             + bl_ref[...])
        h_ref[...] = jnp.maximum(o, 0.0)
        inv_ref[...] = inv2

    return pl.pallas_call(
        body,
        grid=(n // br,),
        in_specs=[
            pl.BlockSpec((NC, br, d), lambda i: (0, i, 0)),
            pl.BlockSpec((NC, br, CW), lambda i: (0, i, 0)),
            pl.BlockSpec((br, d), lambda i: (i, 0)),
            pl.BlockSpec((d, d), lambda i: (0, 0)),
            pl.BlockSpec((d, d), lambda i: (0, 0)),
            pl.BlockSpec((1, d), lambda i: (0, 0)),
        ],
        out_specs=[
            pl.BlockSpec((br, d), lambda i: (i, 0)),
            pl.BlockSpec((br, d), lambda i: (i, 0)),
        ],
        out_shape=[
            jax.ShapeDtypeStruct((n, d), jnp.float32),
            jax.ShapeDtypeStruct((n, d), jnp.float32),
        ],
    )(mp, cp, x, wl, wr, bl)


def _combine(mp, inv, x, wl, bl, wr, relu):
    n, d = x.shape
    br = _pick_br(n)

    def body(mp_ref, inv_ref, x_ref, wl_ref, wr_ref, bl_ref, h_ref):
        m = (mp_ref[0] + mp_ref[1]) * inv_ref[...]
        o = (jnp.dot(m, wl_ref[...], preferred_element_type=jnp.float32)
             + jnp.dot(x_ref[...], wr_ref[...],
                       preferred_element_type=jnp.float32)
             + bl_ref[...])
        if relu:
            o = jnp.maximum(o, 0.0)
        h_ref[...] = o

    return pl.pallas_call(
        body,
        grid=(n // br,),
        in_specs=[
            pl.BlockSpec((NC, br, d), lambda i: (0, i, 0)),
            pl.BlockSpec((br, d), lambda i: (i, 0)),
            pl.BlockSpec((br, d), lambda i: (i, 0)),
            pl.BlockSpec((d, d), lambda i: (0, 0)),
            pl.BlockSpec((d, d), lambda i: (0, 0)),
            pl.BlockSpec((1, d), lambda i: (0, 0)),
        ],
        out_specs=pl.BlockSpec((br, d), lambda i: (i, 0)),
        out_shape=jax.ShapeDtypeStruct((n, d), jnp.float32),
    )(mp, inv, x, wl, wr, bl)


def kernel(x, edge_index, Wl1, bl1, Wr1, Wl2, bl2, Wr2, Wl3, bl3, Wr3):
    n, d = x.shape
    e = edge_index.shape[1]
    cpt = _round_up(_round_up(e, NW * CH) // (NW * CH), GPC)
    cpt0 = max(GPC, _round_up(int(round(2 * cpt * SPLIT0)), GPC))
    cpt1 = 2 * cpt - cpt0
    epad = NS * (cpt0 + cpt1) * CH
    nacc = _round_up(n + 1, CH)

    src = edge_index[0].astype(jnp.int32)
    dst = edge_index[1].astype(jnp.int32)
    pad = epad - e
    srcs = jnp.concatenate([src, jnp.zeros((pad,), jnp.int32)])
    dsts = jnp.concatenate([dst, jnp.full((pad,), n, jnp.int32)])
    srcs = srcs.reshape(epad // CH, CH)
    dsts = dsts.reshape(epad // CH, CH)

    agg1 = _make_sc_agg(n, d, cpt0, cpt1, nacc, True)
    agg = _make_sc_agg(n, d, cpt0, cpt1, nacc, False)

    mp1, cp1 = agg1(x, srcs, dsts)
    h1, inv = _combine1(mp1, cp1, x, Wl1, bl1.reshape(1, d), Wr1)
    (mp2,) = agg(h1, srcs, dsts)
    h2 = _combine(mp2, inv, h1, Wl2, bl2.reshape(1, d), Wr2, relu=True)
    (mp3,) = agg(h2, srcs, dsts)
    h3 = _combine(mp3, inv, h2, Wl3, bl3.reshape(1, d), Wr3, relu=False)
    return h3

# --- scband reference (transcript-rebuilt; emitter-appended) ---
"""Pipeline reference for scband-sage-25623774888067 (READ-ONLY COPY).

The authoritative reference and input builder live on the scoring server;
editing this copy changes nothing except your own understanding.
"""

import jax, jax.numpy as jnp
import numpy as np

N_NODES = 10000
N_EDGES = 320000
D_IN = 128
D_HID = 128
D_OUT = 128


def _glorot(key, shape):
    fan_in, fan_out = shape[0], shape[1]
    limit = np.sqrt(6.0 / (fan_in + fan_out))
    return jax.random.uniform(key, shape, dtype=jnp.float32, minval=-limit, maxval=limit)


def setup_inputs(seed: int = 0) -> dict:
    key = jax.random.key(seed)
    ks = jax.random.split(key, 12)
    x = jax.random.normal(ks[0], (N_NODES, D_IN), dtype=jnp.float32)
    edge_index = jax.random.randint(ks[1], (2, N_EDGES), 0, N_NODES, dtype=jnp.int64) if jax.config.jax_enable_x64 else jax.random.randint(ks[1], (2, N_EDGES), 0, N_NODES).astype(jnp.int32)
    # Layer 1: in -> hidden
    Wl1 = _glorot(ks[2], (D_IN, D_HID)); bl1 = jnp.zeros((D_HID,), dtype=jnp.float32)
    Wr1 = _glorot(ks[3], (D_IN, D_HID))
    # Layer 2: hidden -> hidden
    Wl2 = _glorot(ks[4], (D_HID, D_HID)); bl2 = jnp.zeros((D_HID,), dtype=jnp.float32)
    Wr2 = _glorot(ks[5], (D_HID, D_HID))
    # Layer 3: hidden -> out
    Wl3 = _glorot(ks[6], (D_HID, D_OUT)); bl3 = jnp.zeros((D_OUT,), dtype=jnp.float32)
    Wr3 = _glorot(ks[7], (D_HID, D_OUT))
    return {"x": x, "edge_index": edge_index,
            "Wl1": Wl1, "bl1": bl1, "Wr1": Wr1,
            "Wl2": Wl2, "bl2": bl2, "Wr2": Wr2,
            "Wl3": Wl3, "bl3": bl3, "Wr3": Wr3}


def _sage_conv(x, src, dst, Wl, bl, Wr):
    # PyG SAGEConv with aggr='mean': mean over incoming messages x_j = x[src], aggregated at dst
    msg = jnp.take(x, src, axis=0)
    agg = jax.ops.segment_sum(msg, dst, num_segments=N_NODES)
    cnt = jax.ops.segment_sum(jnp.ones((src.shape[0],), dtype=x.dtype), dst, num_segments=N_NODES)
    mean = agg / jnp.clip(cnt, 1.0, None)[:, None]
    out = mean @ Wl + bl  # lin_l on aggregated neighbors
    out = out + x @ Wr    # lin_r on root features (root_weight=True, no bias)
    return out


def reference(x, edge_index, Wl1, bl1, Wr1, Wl2, bl2, Wr2, Wl3, bl3, Wr3):
    src = edge_index[0]
    dst = edge_index[1]
    h = _sage_conv(x, src, dst, Wl1, bl1, Wr1)
    h = jax.nn.relu(h)
    # dropout p=0.0 -> identity
    h = _sage_conv(h, src, dst, Wl2, bl2, Wr2)
    h = jax.nn.relu(h)
    h = _sage_conv(h, src, dst, Wl3, bl3, Wr3)
    return h

if __name__ == "__main__":
    import jax
    _d = setup_inputs()
    print(jax.jit(kernel)(*tuple(_d.values())))

</pallas_src>

<mosaic_0001>
#map = affine_map<(d0, d1) -> (0, 0)>
#map1 = affine_map<(d0, d1) -> (0, 0, 0)>
module attributes {stable_mosaic.version = 14 : i64} {
  func.func @body(%arg0: i32, %arg1: i32, %arg2: memref<10000x128xf32, #tpu.memory_space<hbm>>, %arg3: memref<2560x128xi32, #tpu.memory_space<hbm>>, %arg4: memref<2560x128xi32, #tpu.memory_space<hbm>>, %arg5: memref<2x10112x128xf32, #tpu.memory_space<hbm>>, %arg6: memref<10112x128xf32, #tpu.memory_space<vmem_shared>>, %arg7: memref<2x8x128xi32, #tpu.memory_space<vmem>>, %arg8: memref<2x8x128xi32, #tpu.memory_space<vmem>>, %arg9: memref<128x128xf32, #tpu.memory_space<vmem>>, %arg10: memref<128x128xf32, #tpu.memory_space<vmem>>, %arg11: memref<!tpu.dma_semaphore, #tpu.memory_space<semaphore_mem>>, %arg12: memref<!tpu.dma_semaphore, #tpu.memory_space<semaphore_mem>>, %arg13: memref<!tpu.dma_semaphore, #tpu.memory_space<semaphore_mem>>, %arg14: memref<!tpu.dma_semaphore, #tpu.memory_space<semaphore_mem>>, %arg15: memref<!tpu.dma_semaphore, #tpu.memory_space<semaphore_mem>>) attributes {dimension_semantics = [#tpu.dimension_semantics<core_parallel>, #tpu.dimension_semantics<subcore_parallel>], iteration_bounds = array<i64: 2, 16>, scalar_prefetch = 0 : i64, scratch_operands = 10 : i64, tpu.core_type = #tpu.core_type<sc_vector_subcore>, window_params = [{transform_indices = #map}, {transform_indices = #map}, {transform_indices = #map}, {transform_indices = #map1}]} {
    %eq3A = arith.constant 0 : i32
    %eq3A_0 = arith.cmpi eq, %arg0, %eq3A : i32
    %jit3A = arith.constant 32 : i32
    %jit3A_1 = arith.constant 128 : i32
    %select_n3A = arith.select %eq3A_0, %jit3A, %jit3A_1 : i32
    %jit3A_2 = arith.constant 4 : i32
    %jit3A_3 = arith.constant 16 : i32
    %select_n3A_4 = arith.select %eq3A_0, %jit3A_2, %jit3A_3 : i32
    %mul3A = arith.constant 512 : i32
    %mul3A_5 = arith.muli %arg0, %mul3A : i32
    %mul3A_6 = arith.muli %arg1, %select_n3A : i32
    %add3A = arith.addi %mul3A_5, %mul3A_6 : i32
    %broadcast_in_dim3A = arith.constant 0.000000e+00 : f32
    %broadcast_in_dim3A_7 = vector.broadcast %broadcast_in_dim3A : f32 to vector<16xf32>
    %scan3A = arith.constant 0 : i32
    %scan3A_8 = arith.constant 0 : i32
    %scan3A_9 = arith.constant 128 : i32
    %scan3A_10 = arith.addi %scan3A_8, %scan3A_9 : i32
    %scan3A_11 = arith.constant 1 : i32
    scf.for %scan3A_55 = %scan3A_8 to %scan3A_10 step %scan3A_11  : i32 {
      %swap3A = arith.index_cast %scan3A_55 : i32 to index
      %swap3A_56 = arith.constant 0 : index
      %swap3A_57 = tpu.vector_load %arg9[%swap3A, %swap3A_56] {strides = array<i32>} : memref<128x128xf32, #tpu.memory_space<vmem>>, vector<1x16xf32>,
      %swap3A_58 = vector.shape_cast %swap3A_57 : vector<1x16xf32> to vector<16xf32>
      %swap3A_59 = vector.shape_cast %broadcast_in_dim3A_7 : vector<16xf32> to vector<1x16xf32>
      tpu.vector_store %arg9[%swap3A, %swap3A_56], %swap3A_59 {strides = array<i32>} : memref<128x128xf32, #tpu.memory_space<vmem>>, vector<1x16xf32>,
      %swap3A_60 = arith.index_cast %scan3A_55 : i32 to index
      %swap3A_61 = arith.constant 16 : index
      %swap3A_62 = tpu.vector_load %arg9[%swap3A_60, %swap3A_61] {strides = array<i32>} : memref<128x128xf32, #tpu.memory_space<vmem>>, vector<1x16xf32>,
      %swap3A_63 = vector.shape_cast %swap3A_62 : vector<1x16xf32> to vector<16xf32>
      %swap3A_64 = vector.shape_cast %broadcast_in_dim3A_7 : vector<16xf32> to vector<1x16xf32>
      tpu.vector_store %arg9[%swap3A_60, %swap3A_61], %swap3A_64 {strides = array<i32>} : memref<128x128xf32, #tpu.memory_space<vmem>>, vector<1x16xf32>,
      %swap3A_65 = arith.index_cast %scan3A_55 : i32 to index
      %swap3A_66 = arith.constant 32 : index
      %swap3A_67 = tpu.vector_load %arg9[%swap3A_65, %swap3A_66] {strides = array<i32>} : memref<128x128xf32, #tpu.memory_space<vmem>>, vector<1x16xf32>,
      %swap3A_68 = vector.shape_cast %swap3A_67 : vector<1x16xf32> to vector<16xf32>
      %swap3A_69 = vector.shape_cast %broadcast_in_dim3A_7 : vector<16xf32> to vector<1x16xf32>
      tpu.vector_store %arg9[%swap3A_65, %swap3A_66], %swap3A_69 {strides = array<i32>} : memref<128x128xf32, #tpu.memory_space<vmem>>, vector<1x16xf32>,
      %swap3A_70 = arith.index_cast %scan3A_55 : i32 to index
      %swap3A_71 = arith.constant 48 : index
      %swap3A_72 = tpu.vector_load %arg9[%swap3A_70, %swap3A_71] {strides = array<i32>} : memref<128x128xf32, #tpu.memory_space<vmem>>, vector<1x16xf32>,
      %swap3A_73 = vector.shape_cast %swap3A_72 : vector<1x16xf32> to vector<16xf32>
      %swap3A_74 = vector.shape_cast %broadcast_in_dim3A_7 : vector<16xf32> to vector<1x16xf32>
      tpu.vector_store %arg9[%swap3A_70, %swap3A_71], %swap3A_74 {strides = array<i32>} : memref<128x128xf32, #tpu.memory_space<vmem>>, vector<1x16xf32>,
      %swap3A_75 = arith.index_cast %scan3A_55 : i32 to index
      %swap3A_76 = arith.constant 64 : index
      %swap3A_77 = tpu.vector_load %arg9[%swap3A_75, %swap3A_76] {strides = array<i32>} : memref<128x128xf32, #tpu.memory_space<vmem>>, vector<1x16xf32>,
      %swap3A_78 = vector.shape_cast %swap3A_77 : vector<1x16xf32> to vector<16xf32>
      %swap3A_79 = vector.shape_cast %broadcast_in_dim3A_7 : vector<16xf32> to vector<1x16xf32>
      tpu.vector_store %arg9[%swap3A_75, %swap3A_76], %swap3A_79 {strides = array<i32>} : memref<128x128xf32, #tpu.memory_space<vmem>>, vector<1x16xf32>,
      %swap3A_80 = arith.index_cast %scan3A_55 : i32 to index
      %swap3A_81 = arith.constant 80 : index
      %swap3A_82 = tpu.vector_load %arg9[%swap3A_80, %swap3A_81] {strides = array<i32>} : memref<128x128xf32, #tpu.memory_space<vmem>>, vector<1x16xf32>,
      %swap3A_83 = vector.shape_cast %swap3A_82 : vector<1x16xf32> to vector<16xf32>
      %swap3A_84 = vector.shape_cast %broadcast_in_dim3A_7 : vector<16xf32> to vector<1x16xf32>
      tpu.vector_store %arg9[%swap3A_80, %swap3A_81], %swap3A_84 {strides = array<i32>} : memref<128x128xf32, #tpu.memory_space<vmem>>, vector<1x16xf32>,
      %swap3A_85 = arith.index_cast %scan3A_55 : i32 to index
      %swap3A_86 = arith.constant 96 : index
      %swap3A_87 = tpu.vector_load %arg9[%swap3A_85, %swap3A_86] {strides = array<i32>} : memref<128x128xf32, #tpu.memory_space<vmem>>, vector<1x16xf32>,
      %swap3A_88 = vector.shape_cast %swap3A_87 : vector<1x16xf32> to vector<16xf32>
      %swap3A_89 = vector.shape_cast %broadcast_in_dim3A_7 : vector<16xf32> to vector<1x16xf32>
      tpu.vector_store %arg9[%swap3A_85, %swap3A_86], %swap3A_89 {strides = array<i32>} : memref<128x128xf32, #tpu.memory_space<vmem>>, vector<1x16xf32>,
      %swap3A_90 = arith.index_cast %scan3A_55 : i32 to index
      %swap3A_91 = arith.constant 112 : index
      %swap3A_92 = tpu.vector_load %arg9[%swap3A_90, %swap3A_91] {strides = array<i32>} : memref<128x128xf32, #tpu.memory_space<vmem>>, vector<1x16xf32>,
      %swap3A_93 = vector.shape_cast %swap3A_92 : vector<1x16xf32> to vector<16xf32>
      %swap3A_94 = vector.shape_cast %broadcast_in_dim3A_7 : vector<16xf32> to vector<1x16xf32>
      tpu.vector_store %arg9[%swap3A_90, %swap3A_91], %swap3A_94 {strides = array<i32>} : memref<128x128xf32, #tpu.memory_space<vmem>>, vector<1x16xf32>,
    }
    %scan3A_12 = arith.constant 128 : i32
    %mul3A_13 = arith.constant 632 : i32
    %mul3A_14 = arith.muli %arg1, %mul3A_13 : i32
    %add3A_15 = arith.constant 0 : i32
    %add3A_16 = arith.addi %mul3A_14, %add3A_15 : i32
    "tpu.region"() ({
      %run_scoped3A_55 = tpu.sem_alloc : memref<!tpu.dma_semaphore, #tpu.memory_space<semaphore_mem>>
      %dma_start3A_56 = arith.constant 0 : i32
      %dma_start3A_57 = tpu.memref_slice %arg6[%add3A_16, %dma_start3A_56] : memref<10112x128xf32, #tpu.memory_space<vmem_shared>> -> memref<128x128xf32, #tpu.memory_space<vmem_shared>>
      %dma_start3A_58 = arith.constant 0 : i32
      %dma_start3A_59 = tpu.memref_slice %arg6[%add3A_16, %dma_start3A_58] : memref<10112x128xf32, #tpu.memory_space<vmem_shared>> -> memref<128x128xf32, #tpu.memory_space<vmem_shared>>
      tpu.enqueue_dma source(%arg9 : memref<128x128xf32, #tpu.memory_space<vmem>>) target(%dma_start3A_59 : memref<128x128xf32, #tpu.memory_space<vmem_shared>>) target_semaphore(%run_scoped3A_55 : memref<!tpu.dma_semaphore, #tpu.memory_space<semaphore_mem>>)
      %dma_wait3A_60 = arith.constant 0 : i32
      %dma_wait3A_61 = tpu.memref_slice %arg6[%add3A_16, %dma_wait3A_60] : memref<10112x128xf32, #tpu.memory_space<vmem_shared>> -> memref<128x128xf32, #tpu.memory_space<vmem_shared>>
      %dma_wait3A_62 = arith.constant 0 : i32
      %dma_wait3A_63 = tpu.memref_slice %arg6[%add3A_16, %dma_wait3A_62] : memref<10112x128xf32, #tpu.memory_space<vmem_shared>> -> memref<128x128xf32, #tpu.memory_space<vmem_shared>>
      tpu.wait_dma2 semaphore(%run_scoped3A_55 : memref<!tpu.dma_semaphore, #tpu.memory_space<semaphore_mem>>) src(%arg9 : memref<128x128xf32, #tpu.memory_space<vmem>>) dst(%dma_wait3A_63 : memref<128x128xf32, #tpu.memory_space<vmem_shared>>)
      tpu.yield
    }) : () -> ()
    %add3A_17 = arith.constant 128 : i32
    %add3A_18 = arith.addi %mul3A_14, %add3A_17 : i32
    "tpu.region"() ({
      %run_scoped3A_55 = tpu.sem_alloc : memref<!tpu.dma_semaphore, #tpu.memory_space<semaphore_mem>>
      %dma_start3A_56 = arith.constant 0 : i32
      %dma_start3A_57 = tpu.memref_slice %arg6[%add3A_18, %dma_start3A_56] : memref<10112x128xf32, #tpu.memory_space<vmem_shared>> -> memref<128x128xf32, #tpu.memory_space<vmem_shared>>
      %dma_start3A_58 = arith.constant 0 : i32
      %dma_start3A_59 = tpu.memref_slice %arg6[%add3A_18, %dma_start3A_58] : memref<10112x128xf32, #tpu.memory_space<vmem_shared>> -> memref<128x128xf32, #tpu.memory_space<vmem_shared>>
      tpu.enqueue_dma source(%arg9 : memref<128x128xf32, #tpu.memory_space<vmem>>) target(%dma_start3A_59 : memref<128x128xf32, #tpu.memory_space<vmem_shared>>) target_semaphore(%run_scoped3A_55 : memref<!tpu.dma_semaphore, #tpu.memory_space<semaphore_mem>>)
      %dma_wait3A_60 = arith.constant 0 : i32
      %dma_wait3A_61 = tpu.memref_slice %arg6[%add3A_18, %dma_wait3A_60] : memref<10112x128xf32, #tpu.memory_space<vmem_shared>> -> memref<128x128xf32, #tpu.memory_space<vmem_shared>>
      %dma_wait3A_62 = arith.constant 0 : i32
      %dma_wait3A_63 = tpu.memref_slice %arg6[%add3A_18, %dma_wait3A_62] : memref<10112x128xf32, #tpu.memory_space<vmem_shared>> -> memref<128x128xf32, #tpu.memory_space<vmem_shared>>
      tpu.wait_dma2 semaphore(%run_scoped3A_55 : memref<!tpu.dma_semaphore, #tpu.memory_space<semaphore_mem>>) src(%arg9 : memref<128x128xf32, #tpu.memory_space<vmem>>) dst(%dma_wait3A_63 : memref<128x128xf32, #tpu.memory_space<vmem_shared>>)
      tpu.yield
    }) : () -> ()
    %add3A_19 = arith.constant 256 : i32
    %add3A_20 = arith.addi %mul3A_14, %add3A_19 : i32
    "tpu.region"() ({
      %run_scoped3A_55 = tpu.sem_alloc : memref<!tpu.dma_semaphore, #tpu.memory_space<semaphore_mem>>
      %dma_start3A_56 = arith.constant 0 : i32
      %dma_start3A_57 = tpu.memref_slice %arg6[%add3A_20, %dma_start3A_56] : memref<10112x128xf32, #tpu.memory_space<vmem_shared>> -> memref<128x128xf32, #tpu.memory_space<vmem_shared>>
      %dma_start3A_58 = arith.constant 0 : i32
      %dma_start3A_59 = tpu.memref_slice %arg6[%add3A_20, %dma_start3A_58] : memref<10112x128xf32, #tpu.memory_space<vmem_shared>> -> memref<128x128xf32, #tpu.memory_space<vmem_shared>>
      tpu.enqueue_dma source(%arg9 : memref<128x128xf32, #tpu.memory_space<vmem>>) target(%dma_start3A_59 : memref<128x128xf32, #tpu.memory_space<vmem_shared>>) target_semaphore(%run_scoped3A_55 : memref<!tpu.dma_semaphore, #tpu.memory_space<semaphore_mem>>)
      %dma_wait3A_60 = arith.constant 0 : i32
      %dma_wait3A_61 = tpu.memref_slice %arg6[%add3A_20, %dma_wait3A_60] : memref<10112x128xf32, #tpu.memory_space<vmem_shared>> -> memref<128x128xf32, #tpu.memory_space<vmem_shared>>
      %dma_wait3A_62 = arith.constant 0 : i32
      %dma_wait3A_63 = tpu.memref_slice %arg6[%add3A_20, %dma_wait3A_62] : memref<10112x128xf32, #tpu.memory_space<vmem_shared>> -> memref<128x128xf32, #tpu.memory_space<vmem_shared>>
      tpu.wait_dma2 semaphore(%run_scoped3A_55 : memref<!tpu.dma_semaphore, #tpu.memory_space<semaphore_mem>>) src(%arg9 : memref<128x128xf32, #tpu.memory_space<vmem>>) dst(%dma_wait3A_63 : memref<128x128xf32, #tpu.memory_space<vmem_shared>>)
      tpu.yield
    }) : () -> ()
    %add3A_21 = arith.constant 384 : i32
    %add3A_22 = arith.addi %mul3A_14, %add3A_21 : i32
    "tpu.region"() ({
      %run_scoped3A_55 = tpu.sem_alloc : memref<!tpu.dma_semaphore, #tpu.memory_space<semaphore_mem>>
      %dma_start3A_56 = arith.constant 0 : i32
      %dma_start3A_57 = tpu.memref_slice %arg6[%add3A_22, %dma_start3A_56] : memref<10112x128xf32, #tpu.memory_space<vmem_shared>> -> memref<128x128xf32, #tpu.memory_space<vmem_shared>>
      %dma_start3A_58 = arith.constant 0 : i32
      %dma_start3A_59 = tpu.memref_slice %arg6[%add3A_22, %dma_start3A_58] : memref<10112x128xf32, #tpu.memory_space<vmem_shared>> -> memref<128x128xf32, #tpu.memory_space<vmem_shared>>
      tpu.enqueue_dma source(%arg9 : memref<128x128xf32, #tpu.memory_space<vmem>>) target(%dma_start3A_59 : memref<128x128xf32, #tpu.memory_space<vmem_shared>>) target_semaphore(%run_scoped3A_55 : memref<!tpu.dma_semaphore, #tpu.memory_space<semaphore_mem>>)
      %dma_wait3A_60 = arith.constant 0 : i32
      %dma_wait3A_61 = tpu.memref_slice %arg6[%add3A_22, %dma_wait3A_60] : memref<10112x128xf32, #tpu.memory_space<vmem_shared>> -> memref<128x128xf32, #tpu.memory_space<vmem_shared>>
      %dma_wait3A_62 = arith.constant 0 : i32
      %dma_wait3A_63 = tpu.memref_slice %arg6[%add3A_22, %dma_wait3A_62] : memref<10112x128xf32, #tpu.memory_space<vmem_shared>> -> memref<128x128xf32, #tpu.memory_space<vmem_shared>>
      tpu.wait_dma2 semaphore(%run_scoped3A_55 : memref<!tpu.dma_semaphore, #tpu.memory_space<semaphore_mem>>) src(%arg9 : memref<128x128xf32, #tpu.memory_space<vmem>>) dst(%dma_wait3A_63 : memref<128x128xf32, #tpu.memory_space<vmem_shared>>)
      tpu.yield
    }) : () -> ()
    %add3A_23 = arith.constant 632 : i32
    %add3A_24 = arith.addi %mul3A_14, %add3A_23 : i32
    %sub3A = arith.constant 120 : i32
    %sub3A_25 = arith.subi %add3A_24, %sub3A : i32
    "tpu.region"() ({
      %run_scoped3A_55 = tpu.sem_alloc : memref<!tpu.dma_semaphore, #tpu.memory_space<semaphore_mem>>
      %dma_start3A_56 = arith.constant 0 : i32
      %dma_start3A_57 = arith.constant 0 : i32
      %dma_start3A_58 = tpu.memref_slice %arg9[%dma_start3A_56, %dma_start3A_57] : memref<128x128xf32, #tpu.memory_space<vmem>> -> memref<120x128xf32, #tpu.memory_space<vmem>>
      %dma_start3A_59 = arith.constant 0 : i32
      %dma_start3A_60 = tpu.memref_slice %arg6[%sub3A_25, %dma_start3A_59] : memref<10112x128xf32, #tpu.memory_space<vmem_shared>> -> memref<120x128xf32, #tpu.memory_space<vmem_shared>>
      %dma_start3A_61 = arith.constant 0 : i32
      %dma_start3A_62 = tpu.memref_slice %arg6[%sub3A_25, %dma_start3A_61] : memref<10112x128xf32, #tpu.memory_space<vmem_shared>> -> memref<120x128xf32, #tpu.memory_space<vmem_shared>>
      %dma_start3A_63 = arith.constant 0 : i32
      %dma_start3A_64 = arith.constant 0 : i32
      %dma_start3A_65 = tpu.memref_slice %arg9[%dma_start3A_63, %dma_start3A_64] : memref<128x128xf32, #tpu.memory_space<vmem>> -> memref<120x128xf32, #tpu.memory_space<vmem>>
      tpu.enqueue_dma source(%dma_start3A_65 : memref<120x128xf32, #tpu.memory_space<vmem>>) target(%dma_start3A_62 : memref<120x128xf32, #tpu.memory_space<vmem_shared>>) target_semaphore(%run_scoped3A_55 : memref<!tpu.dma_semaphore, #tpu.memory_space<semaphore_mem>>)
      %dma_wait3A_66 = arith.constant 0 : i32
      %dma_wait3A_67 = arith.constant 0 : i32
      %dma_wait3A_68 = tpu.memref_slice %arg9[%dma_wait3A_66, %dma_wait3A_67] : memref<128x128xf32, #tpu.memory_space<vmem>> -> memref<120x128xf32, #tpu.memory_space<vmem>>
      %dma_wait3A_69 = arith.constant 0 : i32
      %dma_wait3A_70 = tpu.memref_slice %arg6[%sub3A_25, %dma_wait3A_69] : memref<10112x128xf32, #tpu.memory_space<vmem_shared>> -> memref<120x128xf32, #tpu.memory_space<vmem_shared>>
      %dma_wait3A_71 = arith.constant 0 : i32
      %dma_wait3A_72 = tpu.memref_slice %arg6[%sub3A_25, %dma_wait3A_71] : memref<10112x128xf32, #tpu.memory_space<vmem_shared>> -> memref<120x128xf32, #tpu.memory_space<vmem_shared>>
      %dma_wait3A_73 = arith.constant 0 : i32
      %dma_wait3A_74 = arith.constant 0 : i32
      %dma_wait3A_75 = tpu.memref_slice %arg9[%dma_wait3A_73, %dma_wait3A_74] : memref<128x128xf32, #tpu.memory_space<vmem>> -> memref<120x128xf32, #tpu.memory_space<vmem>>
      tpu.wait_dma2 semaphore(%run_scoped3A_55 : memref<!tpu.dma_semaphore, #tpu.memory_space<semaphore_mem>>) src(%dma_wait3A_75 : memref<120x128xf32, #tpu.memory_space<vmem>>) dst(%dma_wait3A_72 : memref<120x128xf32, #tpu.memory_space<vmem_shared>>)
      tpu.yield
    }) : () -> ()
    %barrier3A = arith.constant 0 : index
    tpu.barrier barrier_id(%barrier3A)
    %run_scoped3A = arith.constant 0 : i32
    "tpu.region"() ({
      %run_scoped3A_55 = tpu.sem_alloc : memref<!tpu.dma_semaphore, #tpu.memory_space<semaphore_mem>>
      %dma_start3A_56 = arith.constant 0 : i32
      %dma_start3A_57 = arith.constant 0 : i32
      %dma_start3A_58 = tpu.memref_slice %arg7[%run_scoped3A, %dma_start3A_56, %dma_start3A_57] : memref<2x8x128xi32, #tpu.memory_space<vmem>> -> memref<1x8x128xi32, #tpu.memory_space<vmem>>
      %dma_start3A_59 = tpu.memref_squeeze %dma_start3A_58 : memref<1x8x128xi32, #tpu.memory_space<vmem>> -> memref<8x128xi32, #tpu.memory_space<vmem>>
      %dma_start3A_60 = arith.constant 0 : i32
      %dma_start3A_61 = tpu.memref_slice %arg3[%add3A, %dma_start3A_60] : memref<2560x128xi32, #tpu.memory_space<hbm>> -> memref<8x128xi32, #tpu.memory_space<hbm>>
      %dma_start3A_62 = arith.constant 0 : i32
      %dma_start3A_63 = arith.constant 0 : i32
      %dma_start3A_64 = tpu.memref_slice %arg7[%run_scoped3A, %dma_start3A_62, %dma_start3A_63] : memref<2x8x128xi32, #tpu.memory_space<vmem>> -> memref<1x8x128xi32, #tpu.memory_space<vmem>>
      %dma_start3A_65 = tpu.memref_squeeze %dma_start3A_64 : memref<1x8x128xi32, #tpu.memory_space<vmem>> -> memref<8x128xi32, #tpu.memory_space<vmem>>
      %dma_start3A_66 = arith.constant 0 : i32
      %dma_start3A_67 = tpu.memref_slice %arg3[%add3A, %dma_start3A_66] : memref<2560x128xi32, #tpu.memory_space<hbm>> -> memref<8x128xi32, #tpu.memory_space<hbm>>
      tpu.enqueue_dma source(%dma_start3A_67 : memref<8x128xi32, #tpu.memory_space<hbm>>) target(%dma_start3A_65 : memref<8x128xi32, #tpu.memory_space<vmem>>) target_semaphore(%run_scoped3A_55 : memref<!tpu.dma_semaphore, #tpu.memory_space<semaphore_mem>>)
      %dma_wait3A_68 = arith.constant 0 : i32
      %dma_wait3A_69 = arith.constant 0 : i32
      %dma_wait3A_70 = tpu.memref_slice %arg7[%run_scoped3A, %dma_wait3A_68, %dma_wait3A_69] : memref<2x8x128xi32, #tpu.memory_space<vmem>> -> memref<1x8x128xi32, #tpu.memory_space<vmem>>
      %dma_wait3A_71 = tpu.memref_squeeze %dma_wait3A_70 : memref<1x8x128xi32, #tpu.memory_space<vmem>> -> memref<8x128xi32, #tpu.memory_space<vmem>>
      %dma_wait3A_72 = arith.constant 0 : i32
      %dma_wait3A_73 = tpu.memref_slice %arg3[%add3A, %dma_wait3A_72] : memref<2560x128xi32, #tpu.memory_space<hbm>> -> memref<8x128xi32, #tpu.memory_space<hbm>>
      %dma_wait3A_74 = arith.constant 0 : i32
      %dma_wait3A_75 = arith.constant 0 : i32
      %dma_wait3A_76 = tpu.memref_slice %arg7[%run_scoped3A, %dma_wait3A_74, %dma_wait3A_75] : memref<2x8x128xi32, #tpu.memory_space<vmem>> -> memref<1x8x128xi32, #tpu.memory_space<vmem>>
      %dma_wait3A_77 = tpu.memref_squeeze %dma_wait3A_76 : memref<1x8x128xi32, #tpu.memory_space<vmem>> -> memref<8x128xi32, #tpu.memory_space<vmem>>
      %dma_wait3A_78 = arith.constant 0 : i32
      %dma_wait3A_79 = tpu.memref_slice %arg3[%add3A, %dma_wait3A_78] : memref<2560x128xi32, #tpu.memory_space<hbm>> -> memref<8x128xi32, #tpu.memory_space<hbm>>
      tpu.wait_dma2 semaphore(%run_scoped3A_55 : memref<!tpu.dma_semaphore, #tpu.memory_space<semaphore_mem>>) src(%dma_wait3A_79 : memref<8x128xi32, #tpu.memory_space<hbm>>) dst(%dma_wait3A_77 : memref<8x128xi32, #tpu.memory_space<vmem>>)
      tpu.yield
    }) : () -> ()
    %run_scoped3A_26 = arith.constant 0 : i32
    "tpu.region"() ({
      %run_scoped3A_55 = tpu.sem_alloc : memref<!tpu.dma_semaphore, #tpu.memory_space<semaphore_mem>>
      %dma_start3A_56 = arith.constant 0 : i32
      %dma_start3A_57 = arith.constant 0 : i32
      %dma_start3A_58 = tpu.memref_slice %arg8[%run_scoped3A_26, %dma_start3A_56, %dma_start3A_57] : memref<2x8x128xi32, #tpu.memory_space<vmem>> -> memref<1x8x128xi32, #tpu.memory_space<vmem>>
      %dma_start3A_59 = tpu.memref_squeeze %dma_start3A_58 : memref<1x8x128xi32, #tpu.memory_space<vmem>> -> memref<8x128xi32, #tpu.memory_space<vmem>>
      %dma_start3A_60 = arith.constant 0 : i32
      %dma_start3A_61 = tpu.memref_slice %arg4[%add3A, %dma_start3A_60] : memref<2560x128xi32, #tpu.memory_space<hbm>> -> memref<8x128xi32, #tpu.memory_space<hbm>>
      %dma_start3A_62 = arith.constant 0 : i32
      %dma_start3A_63 = arith.constant 0 : i32
      %dma_start3A_64 = tpu.memref_slice %arg8[%run_scoped3A_26, %dma_start3A_62, %dma_start3A_63] : memref<2x8x128xi32, #tpu.memory_space<vmem>> -> memref<1x8x128xi32, #tpu.memory_space<vmem>>
      %dma_start3A_65 = tpu.memref_squeeze %dma_start3A_64 : memref<1x8x128xi32, #tpu.memory_space<vmem>> -> memref<8x128xi32, #tpu.memory_space<vmem>>
      %dma_start3A_66 = arith.constant 0 : i32
      %dma_start3A_67 = tpu.memref_slice %arg4[%add3A, %dma_start3A_66] : memref<2560x128xi32, #tpu.memory_space<hbm>> -> memref<8x128xi32, #tpu.memory_space<hbm>>
      tpu.enqueue_dma source(%dma_start3A_67 : memref<8x128xi32, #tpu.memory_space<hbm>>) target(%dma_start3A_65 : memref<8x128xi32, #tpu.memory_space<vmem>>) target_semaphore(%run_scoped3A_55 : memref<!tpu.dma_semaphore, #tpu.memory_space<semaphore_mem>>)
      %dma_wait3A_68 = arith.constant 0 : i32
      %dma_wait3A_69 = arith.constant 0 : i32
      %dma_wait3A_70 = tpu.memref_slice %arg8[%run_scoped3A_26, %dma_wait3A_68, %dma_wait3A_69] : memref<2x8x128xi32, #tpu.memory_space<vmem>> -> memref<1x8x128xi32, #tpu.memory_space<vmem>>
      %dma_wait3A_71 = tpu.memref_squeeze %dma_wait3A_70 : memref<1x8x128xi32, #tpu.memory_space<vmem>> -> memref<8x128xi32, #tpu.memory_space<vmem>>
      %dma_wait3A_72 = arith.constant 0 : i32
      %dma_wait3A_73 = tpu.memref_slice %arg4[%add3A, %dma_wait3A_72] : memref<2560x128xi32, #tpu.memory_space<hbm>> -> memref<8x128xi32, #tpu.memory_space<hbm>>
      %dma_wait3A_74 = arith.constant 0 : i32
      %dma_wait3A_75 = arith.constant 0 : i32
      %dma_wait3A_76 = tpu.memref_slice %arg8[%run_scoped3A_26, %dma_wait3A_74, %dma_wait3A_75] : memref<2x8x128xi32, #tpu.memory_space<vmem>> -> memref<1x8x128xi32, #tpu.memory_space<vmem>>
      %dma_wait3A_77 = tpu.memref_squeeze %dma_wait3A_76 : memref<1x8x128xi32, #tpu.memory_space<vmem>> -> memref<8x128xi32, #tpu.memory_space<vmem>>
      %dma_wait3A_78 = arith.constant 0 : i32
      %dma_wait3A_79 = tpu.memref_slice %arg4[%add3A, %dma_wait3A_78] : memref<2560x128xi32, #tpu.memory_space<hbm>> -> memref<8x128xi32, #tpu.memory_space<hbm>>
      tpu.wait_dma2 semaphore(%run_scoped3A_55 : memref<!tpu.dma_semaphore, #tpu.memory_space<semaphore_mem>>) src(%dma_wait3A_79 : memref<8x128xi32, #tpu.memory_space<hbm>>) dst(%dma_wait3A_77 : memref<8x128xi32, #tpu.memory_space<vmem>>)
      tpu.yield
    }) : () -> ()
    %dma_start3A = arith.constant 0 : i32
    %dma_start3A_27 = arith.constant 0 : i32
    %dma_start3A_28 = arith.constant 0 : i32
    %dma_start3A_29 = tpu.memref_slice %arg7[%dma_start3A, %dma_start3A_27, %dma_start3A_28] : memref<2x8x128xi32, #tpu.memory_space<vmem>> -> memref<1x1x128xi32, #tpu.memory_space<vmem>>
    %dma_start3A_30 = tpu.memref_squeeze %dma_start3A_29 : memref<1x1x128xi32, #tpu.memory_space<vmem>> -> memref<128xi32, #tpu.memory_space<vmem>>
    %dma_start3A_31 = arith.constant 0 : i32
    %dma_start3A_32 = arith.constant 0 : i32
    %dma_start3A_33 = tpu.memref_slice %arg2[%dma_start3A_31, %dma_start3A_32] : memref<10000x128xf32, #tpu.memory_space<hbm>> -> memref<10000x128xf32, #tpu.memory_space<hbm>>
    tpu.enqueue_indirect_dma source(%dma_start3A_33 : memref<10000x128xf32, #tpu.memory_space<hbm>>) target(%arg9 : memref<128x128xf32, #tpu.memory_space<vmem>>) offsets(%dma_start3A_30 : memref<128xi32, #tpu.memory_space<vmem>>) semaphore(%arg11 : memref<!tpu.dma_semaphore, #tpu.memory_space<semaphore_mem>>)
    %while3A = arith.constant 0 : i32
    %while3A_34 = arith.constant 0 : i32
    %while3A_35 = arith.subi %select_n3A_4, %while3A_34 : i32
    %while3A_36 = arith.addi %while3A_34, %while3A_35 : i32
    %while3A_37 = arith.constant 1 : i32
    %while3A_38 = arith.divsi %while3A_35, %while3A_37 : i32
    %while3A_39 = arith.muli %while3A_38, %while3A_37 : i32
    %while3A_40 = arith.addi %while3A_34, %while3A_39 : i32
    %while3A_41 = arith.constant 1 : i32
    scf.for %while3A_55 = %while3A_34 to %while3A_40 step %while3A_41  : i32 {
      %rem3A = arith.constant 2 : i32
      %rem3A_56 = arith.remsi %while3A_55, %rem3A : i32
      %sub3A_57 = arith.constant 1 : i32
      %sub3A_58 = arith.subi %sub3A_57, %rem3A_56 : i32
      %dma_wait3A_59 = arith.constant 0 : i32
      %dma_wait3A_60 = arith.constant 0 : i32
      %dma_wait3A_61 = tpu.memref_slice %arg7[%rem3A_56, %dma_wait3A_59, %dma_wait3A_60] : memref<2x8x128xi32, #tpu.memory_space<vmem>> -> memref<1x1x128xi32, #tpu.memory_space<vmem>>
      %dma_wait3A_62 = tpu.memref_squeeze %dma_wait3A_61 : memref<1x1x128xi32, #tpu.memory_space<vmem>> -> memref<128xi32, #tpu.memory_space<vmem>>
      %dma_wait3A_63 = arith.constant 0 : i32
      %dma_wait3A_64 = arith.constant 0 : i32
      %dma_wait3A_65 = tpu.memref_slice %arg2[%dma_wait3A_63, %dma_wait3A_64] : memref<10000x128xf32, #tpu.memory_space<hbm>> -> memref<10000x128xf32, #tpu.memory_space<hbm>>
      tpu.wait_indirect_dma semaphore(%arg11 : memref<!tpu.dma_semaphore, #tpu.memory_space<semaphore_mem>>) src(%dma_wait3A_65 : memref<10000x128xf32, #tpu.memory_space<hbm>>) dst(%arg9 : memref<128x128xf32, #tpu.memory_space<vmem>>)
      %ge3A = arith.constant 1 : i32
      %ge3A_66 = arith.cmpi sge, %while3A_55, %ge3A : i32
      %convert_element_type3A = arith.extui %ge3A_66 : i1 to i32
      %cond3A = arith.constant 0 : i32
      %cond3A_67 = arith.cmpi ne, %convert_element_type3A, %cond3A : i32
      scf.if %cond3A_67 {
        %dma_wait3A_289 = arith.constant 0 : i32
        %dma_wait3A_290 = arith.constant 0 : i32
        %dma_wait3A_291 = arith.constant 0 : i32
        %dma_wait3A_292 = tpu.memref_slice %arg8[%dma_wait3A_289, %dma_wait3A_290, %dma_wait3A_291] : memref<2x8x128xi32, #tpu.memory_space<vmem>> -> memref<1x1x128xi32, #tpu.memory_space<vmem>>
        %dma_wait3A_293 = tpu.memref_squeeze %dma_wait3A_292 : memref<1x1x128xi32, #tpu.memory_space<vmem>> -> memref<128xi32, #tpu.memory_space<vmem>>
        %dma_wait3A_294 = arith.constant 0 : i32
        %dma_wait3A_295 = arith.constant 0 : i32
        %dma_wait3A_296 = tpu.memref_slice %arg6[%dma_wait3A_294, %dma_wait3A_295] : memref<10112x128xf32, #tpu.memory_space<vmem_shared>> -> memref<10112x128xf32, #tpu.memory_space<vmem_shared>>
        tpu.wait_indirect_dma semaphore(%arg14 : memref<!tpu.dma_semaphore, #tpu.memory_space<semaphore_mem>>) src(%arg10 : memref<128x128xf32, #tpu.memory_space<vmem>>) dst(%dma_wait3A_296 : memref<10112x128xf32, #tpu.memory_space<vmem_shared>>)
      } else {
      }
      %dma_start3A_68 = arith.constant 1 : i32
      %dma_start3A_69 = arith.constant 0 : i32
      %dma_start3A_70 = tpu.memref_slice %arg7[%rem3A_56, %dma_start3A_68, %dma_start3A_69] : memref<2x8x128xi32, #tpu.memory_space<vmem>> -> memref<1x1x128xi32, #tpu.memory_space<vmem>>
      %dma_start3A_71 = tpu.memref_squeeze %dma_start3A_70 : memref<1x1x128xi32, #tpu.memory_space<vmem>> -> memref<128xi32, #tpu.memory_space<vmem>>
      %dma_start3A_72 = arith.constant 0 : i32
      %dma_start3A_73 = arith.constant 0 : i32
      %dma_start3A_74 = tpu.memref_slice %arg2[%dma_start3A_72, %dma_start3A_73] : memref<10000x128xf32, #tpu.memory_space<hbm>> -> memref<10000x128xf32, #tpu.memory_space<hbm>>
      tpu.enqueue_indirect_dma source(%dma_start3A_74 : memref<10000x128xf32, #tpu.memory_space<hbm>>) target(%arg10 : memref<128x128xf32, #tpu.memory_space<vmem>>) offsets(%dma_start3A_71 : memref<128xi32, #tpu.memory_space<vmem>>) semaphore(%arg12 : memref<!tpu.dma_semaphore, #tpu.memory_space<semaphore_mem>>)
      %dma_start3A_75 = arith.constant 0 : i32
      %dma_start3A_76 = arith.constant 0 : i32
      %dma_start3A_77 = tpu.memref_slice %arg8[%rem3A_56, %dma_start3A_75, %dma_start3A_76] : memref<2x8x128xi32, #tpu.memory_space<vmem>> -> memref<1x1x128xi32, #tpu.memory_space<vmem>>
      %dma_start3A_78 = tpu.memref_squeeze %dma_start3A_77 : memref<1x1x128xi32, #tpu.memory_space<vmem>> -> memref<128xi32, #tpu.memory_space<vmem>>
      %dma_start3A_79 = arith.constant 0 : i32
      %dma_start3A_80 = arith.constant 0 : i32
      %dma_start3A_81 = tpu.memref_slice %arg6[%dma_start3A_79, %dma_start3A_80] : memref<10112x128xf32, #tpu.memory_space<vmem_shared>> -> memref<10112x128xf32, #tpu.memory_space<vmem_shared>>
      tpu.enqueue_indirect_dma source(%arg9 : memref<128x128xf32, #tpu.memory_space<vmem>>) target(%dma_start3A_81 : memref<10112x128xf32, #tpu.memory_space<vmem_shared>>) offsets(%dma_start3A_78 : memref<128xi32, #tpu.memory_space<vmem>>) semaphore(%arg13 : memref<!tpu.dma_semaphore, #tpu.memory_space<semaphore_mem>>) {add = true}
      %dma_wait3A_82 = arith.constant 1 : i32
      %dma_wait3A_83 = arith.constant 0 : i32
      %dma_wait3A_84 = tpu.memref_slice %arg7[%rem3A_56, %dma_wait3A_82, %dma_wait3A_83] : memref<2x8x128xi32, #tpu.memory_space<vmem>> -> memref<1x1x128xi32, #tpu.memory_space<vmem>>
      %dma_wait3A_85 = tpu.memref_squeeze %dma_wait3A_84 : memref<1x1x128xi32, #tpu.memory_space<vmem>> -> memref<128xi32, #tpu.memory_space<vmem>>
      %dma_wait3A_86 = arith.constant 0 : i32
      %dma_wait3A_87 = arith.constant 0 : i32
      %dma_wait3A_88 = tpu.memref_slice %arg2[%dma_wait3A_86, %dma_wait3A_87] : memref<10000x128xf32, #tpu.memory_space<hbm>> -> memref<10000x128xf32, #tpu.memory_space<hbm>>
      tpu.wait_indirect_dma semaphore(%arg12 : memref<!tpu.dma_semaphore, #tpu.memory_space<semaphore_mem>>) src(%dma_wait3A_88 : memref<10000x128xf32, #tpu.memory_space<hbm>>) dst(%arg10 : memref<128x128xf32, #tpu.memory_space<vmem>>)
      %dma_wait3A_89 = arith.constant 0 : i32
      %dma_wait3A_90 = arith.constant 0 : i32
      %dma_wait3A_91 = arith.constant 0 : i32
      %dma_wait3A_92 = tpu.memref_slice %arg8[%dma_wait3A_89, %dma_wait3A_90, %dma_wait3A_91] : memref<2x8x128xi32, #tpu.memory_space<vmem>> -> memref<1x1x128xi32, #tpu.memory_space<vmem>>
      %dma_wait3A_93 = tpu.memref_squeeze %dma_wait3A_92 : memref<1x1x128xi32, #tpu.memory_space<vmem>> -> memref<128xi32, #tpu.memory_space<vmem>>
      %dma_wait3A_94 = arith.constant 0 : i32
      %dma_wait3A_95 = arith.constant 0 : i32
      %dma_wait3A_96 = tpu.memref_slice %arg6[%dma_wait3A_94, %dma_wait3A_95] : memref<10112x128xf32, #tpu.memory_space<vmem_shared>> -> memref<10112x128xf32, #tpu.memory_space<vmem_shared>>
      tpu.wait_indirect_dma semaphore(%arg13 : memref<!tpu.dma_semaphore, #tpu.memory_space<semaphore_mem>>) src(%arg9 : memref<128x128xf32, #tpu.memory_space<vmem>>) dst(%dma_wait3A_96 : memref<10112x128xf32, #tpu.memory_space<vmem_shared>>)
      %dma_start3A_97 = arith.constant 2 : i32
      %dma_start3A_98 = arith.constant 0 : i32
      %dma_start3A_99 = tpu.memref_slice %arg7[%rem3A_56, %dma_start3A_97, %dma_start3A_98] : memref<2x8x128xi32, #tpu.memory_space<vmem>> -> memref<1x1x128xi32, #tpu.memory_space<vmem>>
      %dma_start3A_100 = tpu.memref_squeeze %dma_start3A_99 : memref<1x1x128xi32, #tpu.memory_space<vmem>> -> memref<128xi32, #tpu.memory_space<vmem>>
      %dma_start3A_101 = arith.constant 0 : i32
      %dma_start3A_102 = arith.constant 0 : i32
      %dma_start3A_103 = tpu.memref_slice %arg2[%dma_start3A_101, %dma_start3A_102] : memref<10000x128xf32, #tpu.memory_space<hbm>> -> memref<10000x128xf32, #tpu.memory_space<hbm>>
      tpu.enqueue_indirect_dma source(%dma_start3A_103 : memref<10000x128xf32, #tpu.memory_space<hbm>>) target(%arg9 : memref<128x128xf32, #tpu.memory_space<vmem>>) offsets(%dma_start3A_100 : memref<128xi32, #tpu.memory_space<vmem>>) semaphore(%arg11 : memref<!tpu.dma_semaphore, #tpu.memory_space<semaphore_mem>>)
      %dma_start3A_104 = arith.constant 1 : i32
      %dma_start3A_105 = arith.constant 0 : i32
      %dma_start3A_106 = tpu.memref_slice %arg8[%rem3A_56, %dma_start3A_104, %dma_start3A_105] : memref<2x8x128xi32, #tpu.memory_space<vmem>> -> memref<1x1x128xi32, #tpu.memory_space<vmem>>
      %dma_start3A_107 = tpu.memref_squeeze %dma_start3A_106 : memref<1x1x128xi32, #tpu.memory_space<vmem>> -> memref<128xi32, #tpu.memory_space<vmem>>
      %dma_start3A_108 = arith.constant 0 : i32
      %dma_start3A_109 = arith.constant 0 : i32
      %dma_start3A_110 = tpu.memref_slice %arg6[%dma_start3A_108, %dma_start3A_109] : memref<10112x128xf32, #tpu.memory_space<vmem_shared>> -> memref<10112x128xf32, #tpu.memory_space<vmem_shared>>
      tpu.enqueue_indirect_dma source(%arg10 : memref<128x128xf32, #tpu.memory_space<vmem>>) target(%dma_start3A_110 : memref<10112x128xf32, #tpu.memory_space<vmem_shared>>) offsets(%dma_start3A_107 : memref<128xi32, #tpu.memory_space<vmem>>) semaphore(%arg14 : memref<!tpu.dma_semaphore, #tpu.memory_space<semaphore_mem>>) {add = true}
      %dma_wait3A_111 = arith.constant 2 : i32
      %dma_wait3A_112 = arith.constant 0 : i32
      %dma_wait3A_113 = tpu.memref_slice %arg7[%rem3A_56, %dma_wait3A_111, %dma_wait3A_112] : memref<2x8x128xi32, #tpu.memory_space<vmem>> -> memref<1x1x128xi32, #tpu.memory_space<vmem>>
      %dma_wait3A_114 = tpu.memref_squeeze %dma_wait3A_113 : memref<1x1x128xi32, #tpu.memory_space<vmem>> -> memref<128xi32, #tpu.memory_space<vmem>>
      %dma_wait3A_115 = arith.constant 0 : i32
      %dma_wait3A_116 = arith.constant 0 : i32
      %dma_wait3A_117 = tpu.memref_slice %arg2[%dma_wait3A_115, %dma_wait3A_116] : memref<10000x128xf32, #tpu.memory_space<hbm>> -> memref<10000x128xf32, #tpu.memory_space<hbm>>
      tpu.wait_indirect_dma semaphore(%arg11 : memref<!tpu.dma_semaphore, #tpu.memory_space<semaphore_mem>>) src(%dma_wait3A_117 : memref<10000x128xf32, #tpu.memory_space<hbm>>) dst(%arg9 : memref<128x128xf32, #tpu.memory_space<vmem>>)
      %add3A_118 = arith.constant 1 : i32
      %add3A_119 = arith.addi %while3A_55, %add3A_118 : i32
      %lt3A = arith.cmpi slt, %add3A_119, %select_n3A_4 : i32
      %convert_element_type3A_120 = arith.extui %lt3A : i1 to i32
      %cond3A_121 = arith.constant 0 : i32
      %cond3A_122 = arith.cmpi ne, %convert_element_type3A_120, %cond3A_121 : i32
      scf.if %cond3A_122 {
        %add3A_289 = arith.constant 1 : i32
        %add3A_290 = arith.addi %while3A_55, %add3A_289 : i32
        %mul3A_291 = arith.constant 8 : i32
        %mul3A_292 = arith.muli %add3A_290, %mul3A_291 : i32
        %add3A_293 = arith.addi %add3A, %mul3A_292 : i32
        %dma_start3A_294 = arith.constant 0 : i32
        %dma_start3A_295 = arith.constant 0 : i32
        %dma_start3A_296 = tpu.memref_slice %arg7[%sub3A_58, %dma_start3A_294, %dma_start3A_295] : memref<2x8x128xi32, #tpu.memory_space<vmem>> -> memref<1x8x128xi32, #tpu.memory_space<vmem>>
        %dma_start3A_297 = tpu.memref_squeeze %dma_start3A_296 : memref<1x8x128xi32, #tpu.memory_space<vmem>> -> memref<8x128xi32, #tpu.memory_space<vmem>>
        %dma_start3A_298 = arith.constant 0 : i32
        %dma_start3A_299 = tpu.memref_slice %arg3[%add3A_293, %dma_start3A_298] : memref<2560x128xi32, #tpu.memory_space<hbm>> -> memref<8x128xi32, #tpu.memory_space<hbm>>
        %dma_start3A_300 = arith.constant 0 : i32
        %dma_start3A_301 = arith.constant 0 : i32
        %dma_start3A_302 = tpu.memref_slice %arg7[%sub3A_58, %dma_start3A_300, %dma_start3A_301] : memref<2x8x128xi32, #tpu.memory_space<vmem>> -> memref<1x8x128xi32, #tpu.memory_space<vmem>>
        %dma_start3A_303 = tpu.memref_squeeze %dma_start3A_302 : memref<1x8x128xi32, #tpu.memory_space<vmem>> -> memref<8x128xi32, #tpu.memory_space<vmem>>
        %dma_start3A_304 = arith.constant 0 : i32
        %dma_start3A_305 = tpu.memref_slice %arg3[%add3A_293, %dma_start3A_304] : memref<2560x128xi32, #tpu.memory_space<hbm>> -> memref<8x128xi32, #tpu.memory_space<hbm>>
        tpu.enqueue_dma source(%dma_start3A_305 : memref<8x128xi32, #tpu.memory_space<hbm>>) target(%dma_start3A_303 : memref<8x128xi32, #tpu.memory_space<vmem>>) target_semaphore(%arg15 : memref<!tpu.dma_semaphore, #tpu.memory_space<semaphore_mem>>)
        %dma_start3A_306 = arith.constant 0 : i32
        %dma_start3A_307 = arith.constant 0 : i32
        %dma_start3A_308 = tpu.memref_slice %arg8[%sub3A_58, %dma_start3A_306, %dma_start3A_307] : memref<2x8x128xi32, #tpu.memory_space<vmem>> -> memref<1x8x128xi32, #tpu.memory_space<vmem>>
        %dma_start3A_309 = tpu.memref_squeeze %dma_start3A_308 : memref<1x8x128xi32, #tpu.memory_space<vmem>> -> memref<8x128xi32, #tpu.memory_space<vmem>>
        %dma_start3A_310 = arith.constant 0 : i32
        %dma_start3A_311 = tpu.memref_slice %arg4[%add3A_293, %dma_start3A_310] : memref<2560x128xi32, #tpu.memory_space<hbm>> -> memref<8x128xi32, #tpu.memory_space<hbm>>
        %dma_start3A_312 = arith.constant 0 : i32
        %dma_start3A_313 = arith.constant 0 : i32
        %dma_start3A_314 = tpu.memref_slice %arg8[%sub3A_58, %dma_start3A_312, %dma_start3A_313] : memref<2x8x128xi32, #tpu.memory_space<vmem>> -> memref<1x8x128xi32, #tpu.memory_space<vmem>>
        %dma_start3A_315 = tpu.memref_squeeze %dma_start3A_314 : memref<1x8x128xi32, #tpu.memory_space<vmem>> -> memref<8x128xi32, #tpu.memory_space<vmem>>
        %dma_start3A_316 = arith.constant 0 : i32
        %dma_start3A_317 = tpu.memref_slice %arg4[%add3A_293, %dma_start3A_316] : memref<2560x128xi32, #tpu.memory_space<hbm>> -> memref<8x128xi32, #tpu.memory_space<hbm>>
        tpu.enqueue_dma source(%dma_start3A_317 : memref<8x128xi32, #tpu.memory_space<hbm>>) target(%dma_start3A_315 : memref<8x128xi32, #tpu.memory_space<vmem>>) target_semaphore(%arg15 : memref<!tpu.dma_semaphore, #tpu.memory_space<semaphore_mem>>)
      } else {
      }
      %dma_wait3A_123 = arith.constant 0 : i32
      %dma_wait3A_124 = arith.constant 0 : i32
      %dma_wait3A_125 = arith.constant 0 : i32
      %dma_wait3A_126 = tpu.memref_slice %arg8[%dma_wait3A_123, %dma_wait3A_124, %dma_wait3A_125] : memref<2x8x128xi32, #tpu.memory_space<vmem>> -> memref<1x1x128xi32, #tpu.memory_space<vmem>>
      %dma_wait3A_127 = tpu.memref_squeeze %dma_wait3A_126 : memref<1x1x128xi32, #tpu.memory_space<vmem>> -> memref<128xi32, #tpu.memory_space<vmem>>
      %dma_wait3A_128 = arith.constant 0 : i32
      %dma_wait3A_129 = arith.constant 0 : i32
      %dma_wait3A_130 = tpu.memref_slice %arg6[%dma_wait3A_128, %dma_wait3A_129] : memref<10112x128xf32, #tpu.memory_space<vmem_shared>> -> memref<10112x128xf32, #tpu.memory_space<vmem_shared>>
      tpu.wait_indirect_dma semaphore(%arg14 : memref<!tpu.dma_semaphore, #tpu.memory_space<semaphore_mem>>) src(%arg10 : memref<128x128xf32, #tpu.memory_space<vmem>>) dst(%dma_wait3A_130 : memref<10112x128xf32, #tpu.memory_space<vmem_shared>>)
      %dma_start3A_131 = arith.constant 3 : i32
      %dma_start3A_132 = arith.constant 0 : i32
      %dma_start3A_133 = tpu.memref_slice %arg7[%rem3A_56, %dma_start3A_131, %dma_start3A_132] : memref<2x8x128xi32, #tpu.memory_space<vmem>> -> memref<1x1x128xi32, #tpu.memory_space<vmem>>
      %dma_start3A_134 = tpu.memref_squeeze %dma_start3A_133 : memref<1x1x128xi32, #tpu.memory_space<vmem>> -> memref<128xi32, #tpu.memory_space<vmem>>
      %dma_start3A_135 = arith.constant 0 : i32
      %dma_start3A_136 = arith.constant 0 : i32
      %dma_start3A_137 = tpu.memref_slice %arg2[%dma_start3A_135, %dma_start3A_136] : memref<10000x128xf32, #tpu.memory_space<hbm>> -> memref<10000x128xf32, #tpu.memory_space<hbm>>
      tpu.enqueue_indirect_dma source(%dma_start3A_137 : memref<10000x128xf32, #tpu.memory_space<hbm>>) target(%arg10 : memref<128x128xf32, #tpu.memory_space<vmem>>) offsets(%dma_start3A_134 : memref<128xi32, #tpu.memory_space<vmem>>) semaphore(%arg12 : memref<!tpu.dma_semaphore, #tpu.memory_space<semaphore_mem>>)
      %dma_start3A_138 = arith.constant 2 : i32
      %dma_start3A_139 = arith.constant 0 : i32
      %dma_start3A_140 = tpu.memref_slice %arg8[%rem3A_56, %dma_start3A_138, %dma_start3A_139] : memref<2x8x128xi32, #tpu.memory_space<vmem>> -> memref<1x1x128xi32, #tpu.memory_space<vmem>>
      %dma_start3A_141 = tpu.memref_squeeze %dma_start3A_140 : memref<1x1x128xi32, #tpu.memory_space<vmem>> -> memref<128xi32, #tpu.memory_space<vmem>>
      %dma_start3A_142 = arith.constant 0 : i32
      %dma_start3A_143 = arith.constant 0 : i32
      %dma_start3A_144 = tpu.memref_slice %arg6[%dma_start3A_142, %dma_start3A_143] : memref<10112x128xf32, #tpu.memory_space<vmem_shared>> -> memref<10112x128xf32, #tpu.memory_space<vmem_shared>>
      tpu.enqueue_indirect_dma source(%arg9 : memref<128x128xf32, #tpu.memory_space<vmem>>) target(%dma_start3A_144 : memref<10112x128xf32, #tpu.memory_space<vmem_shared>>) offsets(%dma_start3A_141 : memref<128xi32, #tpu.memory_space<vmem>>) semaphore(%arg13 : memref<!tpu.dma_semaphore, #tpu.memory_space<semaphore_mem>>) {add = true}
      %dma_wait3A_145 = arith.constant 3 : i32
      %dma_wait3A_146 = arith.constant 0 : i32
      %dma_wait3A_147 = tpu.memref_slice %arg7[%rem3A_56, %dma_wait3A_145, %dma_wait3A_146] : memref<2x8x128xi32, #tpu.memory_space<vmem>> -> memref<1x1x128xi32, #tpu.memory_space<vmem>>
      %dma_wait3A_148 = tpu.memref_squeeze %dma_wait3A_147 : memref<1x1x128xi32, #tpu.memory_space<vmem>> -> memref<128xi32, #tpu.memory_space<vmem>>
      %dma_wait3A_149 = arith.constant 0 : i32
      %dma_wait3A_150 = arith.constant 0 : i32
      %dma_wait3A_151 = tpu.memref_slice %arg2[%dma_wait3A_149, %dma_wait3A_150] : memref<10000x128xf32, #tpu.memory_space<hbm>> -> memref<10000x128xf32, #tpu.memory_space<hbm>>
      tpu.wait_indirect_dma semaphore(%arg12 : memref<!tpu.dma_semaphore, #tpu.memory_space<semaphore_mem>>) src(%dma_wait3A_151 : memref<10000x128xf32, #tpu.memory_space<hbm>>) dst(%arg10 : memref<128x128xf32, #tpu.memory_space<vmem>>)
      %dma_wait3A_152 = arith.constant 0 : i32
      %dma_wait3A_153 = arith.constant 0 : i32
      %dma_wait3A_154 = arith.constant 0 : i32
      %dma_wait3A_155 = tpu.memref_slice %arg8[%dma_wait3A_152, %dma_wait3A_153, %dma_wait3A_154] : memref<2x8x128xi32, #tpu.memory_space<vmem>> -> memref<1x1x128xi32, #tpu.memory_space<vmem>>
      %dma_wait3A_156 = tpu.memref_squeeze %dma_wait3A_155 : memref<1x1x128xi32, #tpu.memory_space<vmem>> -> memref<128xi32, #tpu.memory_space<vmem>>
      %dma_wait3A_157 = arith.constant 0 : i32
      %dma_wait3A_158 = arith.constant 0 : i32
      %dma_wait3A_159 = tpu.memref_slice %arg6[%dma_wait3A_157, %dma_wait3A_158] : memref<10112x128xf32, #tpu.memory_space<vmem_shared>> -> memref<10112x128xf32, #tpu.memory_space<vmem_shared>>
      tpu.wait_indirect_dma semaphore(%arg13 : memref<!tpu.dma_semaphore, #tpu.memory_space<semaphore_mem>>) src(%arg9 : memref<128x128xf32, #tpu.memory_space<vmem>>) dst(%dma_wait3A_159 : memref<10112x128xf32, #tpu.memory_space<vmem_shared>>)
      %dma_start3A_160 = arith.constant 4 : i32
      %dma_start3A_161 = arith.constant 0 : i32
      %dma_start3A_162 = tpu.memref_slice %arg7[%rem3A_56, %dma_start3A_160, %dma_start3A_161] : memref<2x8x128xi32, #tpu.memory_space<vmem>> -> memref<1x1x128xi32, #tpu.memory_space<vmem>>
      %dma_start3A_163 = tpu.memref_squeeze %dma_start3A_162 : memref<1x1x128xi32, #tpu.memory_space<vmem>> -> memref<128xi32, #tpu.memory_space<vmem>>
      %dma_start3A_164 = arith.constant 0 : i32
      %dma_start3A_165 = arith.constant 0 : i32
      %dma_start3A_166 = tpu.memref_slice %arg2[%dma_start3A_164, %dma_start3A_165] : memref<10000x128xf32, #tpu.memory_space<hbm>> -> memref<10000x128xf32, #tpu.memory_space<hbm>>
      tpu.enqueue_indirect_dma source(%dma_start3A_166 : memref<10000x128xf32, #tpu.memory_space<hbm>>) target(%arg9 : memref<128x128xf32, #tpu.memory_space<vmem>>) offsets(%dma_start3A_163 : memref<128xi32, #tpu.memory_space<vmem>>) semaphore(%arg11 : memref<!tpu.dma_semaphore, #tpu.memory_space<semaphore_mem>>)
      %dma_start3A_167 = arith.constant 3 : i32
      %dma_start3A_168 = arith.constant 0 : i32
      %dma_start3A_169 = tpu.memref_slice %arg8[%rem3A_56, %dma_start3A_167, %dma_start3A_168] : memref<2x8x128xi32, #tpu.memory_space<vmem>> -> memref<1x1x128xi32, #tpu.memory_space<vmem>>
      %dma_start3A_170 = tpu.memref_squeeze %dma_start3A_169 : memref<1x1x128xi32, #tpu.memory_space<vmem>> -> memref<128xi32, #tpu.memory_space<vmem>>
      %dma_start3A_171 = arith.constant 0 : i32
      %dma_start3A_172 = arith.constant 0 : i32
      %dma_start3A_173 = tpu.memref_slice %arg6[%dma_start3A_171, %dma_start3A_172] : memref<10112x128xf32, #tpu.memory_space<vmem_shared>> -> memref<10112x128xf32, #tpu.memory_space<vmem_shared>>
      tpu.enqueue_indirect_dma source(%arg10 : memref<128x128xf32, #tpu.memory_space<vmem>>) target(%dma_start3A_173 : memref<10112x128xf32, #tpu.memory_space<vmem_shared>>) offsets(%dma_start3A_170 : memref<128xi32, #tpu.memory_space<vmem>>) semaphore(%arg14 : memref<!tpu.dma_semaphore, #tpu.memory_space<semaphore_mem>>) {add = true}
      %dma_wait3A_174 = arith.constant 4 : i32
      %dma_wait3A_175 = arith.constant 0 : i32
      %dma_wait3A_176 = tpu.memref_slice %arg7[%rem3A_56, %dma_wait3A_174, %dma_wait3A_175] : memref<2x8x128xi32, #tpu.memory_space<vmem>> -> memref<1x1x128xi32, #tpu.memory_space<vmem>>
      %dma_wait3A_177 = tpu.memref_squeeze %dma_wait3A_176 : memref<1x1x128xi32, #tpu.memory_space<vmem>> -> memref<128xi32, #tpu.memory_space<vmem>>
      %dma_wait3A_178 = arith.constant 0 : i32
      %dma_wait3A_179 = arith.constant 0 : i32
      %dma_wait3A_180 = tpu.memref_slice %arg2[%dma_wait3A_178, %dma_wait3A_179] : memref<10000x128xf32, #tpu.memory_space<hbm>> -> memref<10000x128xf32, #tpu.memory_space<hbm>>
      tpu.wait_indirect_dma semaphore(%arg11 : memref<!tpu.dma_semaphore, #tpu.memory_space<semaphore_mem>>) src(%dma_wait3A_180 : memref<10000x128xf32, #tpu.memory_space<hbm>>) dst(%arg9 : memref<128x128xf32, #tpu.memory_space<vmem>>)
      %dma_wait3A_181 = arith.constant 0 : i32
      %dma_wait3A_182 = arith.constant 0 : i32
      %dma_wait3A_183 = arith.constant 0 : i32
      %dma_wait3A_184 = tpu.memref_slice %arg8[%dma_wait3A_181, %dma_wait3A_182, %dma_wait3A_183] : memref<2x8x128xi32, #tpu.memory_space<vmem>> -> memref<1x1x128xi32, #tpu.memory_space<vmem>>
      %dma_wait3A_185 = tpu.memref_squeeze %dma_wait3A_184 : memref<1x1x128xi32, #tpu.memory_space<vmem>> -> memref<128xi32, #tpu.memory_space<vmem>>
      %dma_wait3A_186 = arith.constant 0 : i32
      %dma_wait3A_187 = arith.constant 0 : i32
      %dma_wait3A_188 = tpu.memref_slice %arg6[%dma_wait3A_186, %dma_wait3A_187] : memref<10112x128xf32, #tpu.memory_space<vmem_shared>> -> memref<10112x128xf32, #tpu.memory_space<vmem_shared>>
      tpu.wait_indirect_dma semaphore(%arg14 : memref<!tpu.dma_semaphore, #tpu.memory_space<semaphore_mem>>) src(%arg10 : memref<128x128xf32, #tpu.memory_space<vmem>>) dst(%dma_wait3A_188 : memref<10112x128xf32, #tpu.memory_space<vmem_shared>>)
      %dma_start3A_189 = arith.constant 5 : i32
      %dma_start3A_190 = arith.constant 0 : i32
      %dma_start3A_191 = tpu.memref_slice %arg7[%rem3A_56, %dma_start3A_189, %dma_start3A_190] : memref<2x8x128xi32, #tpu.memory_space<vmem>> -> memref<1x1x128xi32, #tpu.memory_space<vmem>>
      %dma_start3A_192 = tpu.memref_squeeze %dma_start3A_191 : memref<1x1x128xi32, #tpu.memory_space<vmem>> -> memref<128xi32, #tpu.memory_space<vmem>>
      %dma_start3A_193 = arith.constant 0 : i32
      %dma_start3A_194 = arith.constant 0 : i32
      %dma_start3A_195 = tpu.memref_slice %arg2[%dma_start3A_193, %dma_start3A_194] : memref<10000x128xf32, #tpu.memory_space<hbm>> -> memref<10000x128xf32, #tpu.memory_space<hbm>>
      tpu.enqueue_indirect_dma source(%dma_start3A_195 : memref<10000x128xf32, #tpu.memory_space<hbm>>) target(%arg10 : memref<128x128xf32, #tpu.memory_space<vmem>>) offsets(%dma_start3A_192 : memref<128xi32, #tpu.memory_space<vmem>>) semaphore(%arg12 : memref<!tpu.dma_semaphore, #tpu.memory_space<semaphore_mem>>)
      %dma_start3A_196 = arith.constant 4 : i32
      %dma_start3A_197 = arith.constant 0 : i32
      %dma_start3A_198 = tpu.memref_slice %arg8[%rem3A_56, %dma_start3A_196, %dma_start3A_197] : memref<2x8x128xi32, #tpu.memory_space<vmem>> -> memref<1x1x128xi32, #tpu.memory_space<vmem>>
      %dma_start3A_199 = tpu.memref_squeeze %dma_start3A_198 : memref<1x1x128xi32, #tpu.memory_space<vmem>> -> memref<128xi32, #tpu.memory_space<vmem>>
      %dma_start3A_200 = arith.constant 0 : i32
      %dma_start3A_201 = arith.constant 0 : i32
      %dma_start3A_202 = tpu.memref_slice %arg6[%dma_start3A_200, %dma_start3A_201] : memref<10112x128xf32, #tpu.memory_space<vmem_shared>> -> memref<10112x128xf32, #tpu.memory_space<vmem_shared>>
      tpu.enqueue_indirect_dma source(%arg9 : memref<128x128xf32, #tpu.memory_space<vmem>>) target(%dma_start3A_202 : memref<10112x128xf32, #tpu.memory_space<vmem_shared>>) offsets(%dma_start3A_199 : memref<128xi32, #tpu.memory_space<vmem>>) semaphore(%arg13 : memref<!tpu.dma_semaphore, #tpu.memory_space<semaphore_mem>>) {add = true}
      %dma_wait3A_203 = arith.constant 5 : i32
      %dma_wait3A_204 = arith.constant 0 : i32
      %dma_wait3A_205 = tpu.memref_slice %arg7[%rem3A_56, %dma_wait3A_203, %dma_wait3A_204] : memref<2x8x128xi32, #tpu.memory_space<vmem>> -> memref<1x1x128xi32, #tpu.memory_space<vmem>>
      %dma_wait3A_206 = tpu.memref_squeeze %dma_wait3A_205 : memref<1x1x128xi32, #tpu.memory_space<vmem>> -> memref<128xi32, #tpu.memory_space<vmem>>
      %dma_wait3A_207 = arith.constant 0 : i32
      %dma_wait3A_208 = arith.constant 0 : i32
      %dma_wait3A_209 = tpu.memref_slice %arg2[%dma_wait3A_207, %dma_wait3A_208] : memref<10000x128xf32, #tpu.memory_space<hbm>> -> memref<10000x128xf32, #tpu.memory_space<hbm>>
      tpu.wait_indirect_dma semaphore(%arg12 : memref<!tpu.dma_semaphore, #tpu.memory_space<semaphore_mem>>) src(%dma_wait3A_209 : memref<10000x128xf32, #tpu.memory_space<hbm>>) dst(%arg10 : memref<128x128xf32, #tpu.memory_space<vmem>>)
      %dma_wait3A_210 = arith.constant 0 : i32
      %dma_wait3A_211 = arith.constant 0 : i32
      %dma_wait3A_212 = arith.constant 0 : i32
      %dma_wait3A_213 = tpu.memref_slice %arg8[%dma_wait3A_210, %dma_wait3A_211, %dma_wait3A_212] : memref<2x8x128xi32, #tpu.memory_space<vmem>> -> memref<1x1x128xi32, #tpu.memory_space<vmem>>
      %dma_wait3A_214 = tpu.memref_squeeze %dma_wait3A_213 : memref<1x1x128xi32, #tpu.memory_space<vmem>> -> memref<128xi32, #tpu.memory_space<vmem>>
      %dma_wait3A_215 = arith.constant 0 : i32
      %dma_wait3A_216 = arith.constant 0 : i32
      %dma_wait3A_217 = tpu.memref_slice %arg6[%dma_wait3A_215, %dma_wait3A_216] : memref<10112x128xf32, #tpu.memory_space<vmem_shared>> -> memref<10112x128xf32, #tpu.memory_space<vmem_shared>>
      tpu.wait_indirect_dma semaphore(%arg13 : memref<!tpu.dma_semaphore, #tpu.memory_space<semaphore_mem>>) src(%arg9 : memref<128x128xf32, #tpu.memory_space<vmem>>) dst(%dma_wait3A_217 : memref<10112x128xf32, #tpu.memory_space<vmem_shared>>)
      %dma_start3A_218 = arith.constant 6 : i32
      %dma_start3A_219 = arith.constant 0 : i32
      %dma_start3A_220 = tpu.memref_slice %arg7[%rem3A_56, %dma_start3A_218, %dma_start3A_219] : memref<2x8x128xi32, #tpu.memory_space<vmem>> -> memref<1x1x128xi32, #tpu.memory_space<vmem>>
      %dma_start3A_221 = tpu.memref_squeeze %dma_start3A_220 : memref<1x1x128xi32, #tpu.memory_space<vmem>> -> memref<128xi32, #tpu.memory_space<vmem>>
      %dma_start3A_222 = arith.constant 0 : i32
      %dma_start3A_223 = arith.constant 0 : i32
      %dma_start3A_224 = tpu.memref_slice %arg2[%dma_start3A_222, %dma_start3A_223] : memref<10000x128xf32, #tpu.memory_space<hbm>> -> memref<10000x128xf32, #tpu.memory_space<hbm>>
      tpu.enqueue_indirect_dma source(%dma_start3A_224 : memref<10000x128xf32, #tpu.memory_space<hbm>>) target(%arg9 : memref<128x128xf32, #tpu.memory_space<vmem>>) offsets(%dma_start3A_221 : memref<128xi32, #tpu.memory_space<vmem>>) semaphore(%arg11 : memref<!tpu.dma_semaphore, #tpu.memory_space<semaphore_mem>>)
      %dma_start3A_225 = arith.constant 5 : i32
      %dma_start3A_226 = arith.constant 0 : i32
      %dma_start3A_227 = tpu.memref_slice %arg8[%rem3A_56, %dma_start3A_225, %dma_start3A_226] : memref<2x8x128xi32, #tpu.memory_space<vmem>> -> memref<1x1x128xi32, #tpu.memory_space<vmem>>
      %dma_start3A_228 = tpu.memref_squeeze %dma_start3A_227 : memref<1x1x128xi32, #tpu.memory_space<vmem>> -> memref<128xi32, #tpu.memory_space<vmem>>
      %dma_start3A_229 = arith.constant 0 : i32
      %dma_start3A_230 = arith.constant 0 : i32
      %dma_start3A_231 = tpu.memref_slice %arg6[%dma_start3A_229, %dma_start3A_230] : memref<10112x128xf32, #tpu.memory_space<vmem_shared>> -> memref<10112x128xf32, #tpu.memory_space<vmem_shared>>
      tpu.enqueue_indirect_dma source(%arg10 : memref<128x128xf32, #tpu.memory_space<vmem>>) target(%dma_start3A_231 : memref<10112x128xf32, #tpu.memory_space<vmem_shared>>) offsets(%dma_start3A_228 : memref<128xi32, #tpu.memory_space<vmem>>) semaphore(%arg14 : memref<!tpu.dma_semaphore, #tpu.memory_space<semaphore_mem>>) {add = true}
      %dma_wait3A_232 = arith.constant 6 : i32
      %dma_wait3A_233 = arith.constant 0 : i32
      %dma_wait3A_234 = tpu.memref_slice %arg7[%rem3A_56, %dma_wait3A_232, %dma_wait3A_233] : memref<2x8x128xi32, #tpu.memory_space<vmem>> -> memref<1x1x128xi32, #tpu.memory_space<vmem>>
      %dma_wait3A_235 = tpu.memref_squeeze %dma_wait3A_234 : memref<1x1x128xi32, #tpu.memory_space<vmem>> -> memref<128xi32, #tpu.memory_space<vmem>>
      %dma_wait3A_236 = arith.constant 0 : i32
      %dma_wait3A_237 = arith.constant 0 : i32
      %dma_wait3A_238 = tpu.memref_slice %arg2[%dma_wait3A_236, %dma_wait3A_237] : memref<10000x128xf32, #tpu.memory_space<hbm>> -> memref<10000x128xf32, #tpu.memory_space<hbm>>
      tpu.wait_indirect_dma semaphore(%arg11 : memref<!tpu.dma_semaphore, #tpu.memory_space<semaphore_mem>>) src(%dma_wait3A_238 : memref<10000x128xf32, #tpu.memory_space<hbm>>) dst(%arg9 : memref<128x128xf32, #tpu.memory_space<vmem>>)
      %dma_wait3A_239 = arith.constant 0 : i32
      %dma_wait3A_240 = arith.constant 0 : i32
      %dma_wait3A_241 = arith.constant 0 : i32
      %dma_wait3A_242 = tpu.memref_slice %arg8[%dma_wait3A_239, %dma_wait3A_240, %dma_wait3A_241] : memref<2x8x128xi32, #tpu.memory_space<vmem>> -> memref<1x1x128xi32, #tpu.memory_space<vmem>>
      %dma_wait3A_243 = tpu.memref_squeeze %dma_wait3A_242 : memref<1x1x128xi32, #tpu.memory_space<vmem>> -> memref<128xi32, #tpu.memory_space<vmem>>
      %dma_wait3A_244 = arith.constant 0 : i32
      %dma_wait3A_245 = arith.constant 0 : i32
      %dma_wait3A_246 = tpu.memref_slice %arg6[%dma_wait3A_244, %dma_wait3A_245] : memref<10112x128xf32, #tpu.memory_space<vmem_shared>> -> memref<10112x128xf32, #tpu.memory_space<vmem_shared>>
      tpu.wait_indirect_dma semaphore(%arg14 : memref<!tpu.dma_semaphore, #tpu.memory_space<semaphore_mem>>) src(%arg10 : memref<128x128xf32, #tpu.memory_space<vmem>>) dst(%dma_wait3A_246 : memref<10112x128xf32, #tpu.memory_space<vmem_shared>>)
      %dma_start3A_247 = arith.constant 7 : i32
      %dma_start3A_248 = arith.constant 0 : i32
      %dma_start3A_249 = tpu.memref_slice %arg7[%rem3A_56, %dma_start3A_247, %dma_start3A_248] : memref<2x8x128xi32, #tpu.memory_space<vmem>> -> memref<1x1x128xi32, #tpu.memory_space<vmem>>
      %dma_start3A_250 = tpu.memref_squeeze %dma_start3A_249 : memref<1x1x128xi32, #tpu.memory_space<vmem>> -> memref<128xi32, #tpu.memory_space<vmem>>
      %dma_start3A_251 = arith.constant 0 : i32
      %dma_start3A_252 = arith.constant 0 : i32
      %dma_start3A_253 = tpu.memref_slice %arg2[%dma_start3A_251, %dma_start3A_252] : memref<10000x128xf32, #tpu.memory_space<hbm>> -> memref<10000x128xf32, #tpu.memory_space<hbm>>
      tpu.enqueue_indirect_dma source(%dma_start3A_253 : memref<10000x128xf32, #tpu.memory_space<hbm>>) target(%arg10 : memref<128x128xf32, #tpu.memory_space<vmem>>) offsets(%dma_start3A_250 : memref<128xi32, #tpu.memory_space<vmem>>) semaphore(%arg12 : memref<!tpu.dma_semaphore, #tpu.memory_space<semaphore_mem>>)
      %dma_start3A_254 = arith.constant 6 : i32
      %dma_start3A_255 = arith.constant 0 : i32
      %dma_start3A_256 = tpu.memref_slice %arg8[%rem3A_56, %dma_start3A_254, %dma_start3A_255] : memref<2x8x128xi32, #tpu.memory_space<vmem>> -> memref<1x1x128xi32, #tpu.memory_space<vmem>>
      %dma_start3A_257 = tpu.memref_squeeze %dma_start3A_256 : memref<1x1x128xi32, #tpu.memory_space<vmem>> -> memref<128xi32, #tpu.memory_space<vmem>>
      %dma_start3A_258 = arith.constant 0 : i32
      %dma_start3A_259 = arith.constant 0 : i32
      %dma_start3A_260 = tpu.memref_slice %arg6[%dma_start3A_258, %dma_start3A_259] : memref<10112x128xf32, #tpu.memory_space<vmem_shared>> -> memref<10112x128xf32, #tpu.memory_space<vmem_shared>>
      tpu.enqueue_indirect_dma source(%arg9 : memref<128x128xf32, #tpu.memory_space<vmem>>) target(%dma_start3A_260 : memref<10112x128xf32, #tpu.memory_space<vmem_shared>>) offsets(%dma_start3A_257 : memref<128xi32, #tpu.memory_space<vmem>>) semaphore(%arg13 : memref<!tpu.dma_semaphore, #tpu.memory_space<semaphore_mem>>) {add = true}
      %dma_wait3A_261 = arith.constant 7 : i32
      %dma_wait3A_262 = arith.constant 0 : i32
      %dma_wait3A_263 = tpu.memref_slice %arg7[%rem3A_56, %dma_wait3A_261, %dma_wait3A_262] : memref<2x8x128xi32, #tpu.memory_space<vmem>> -> memref<1x1x128xi32, #tpu.memory_space<vmem>>
      %dma_wait3A_264 = tpu.memref_squeeze %dma_wait3A_263 : memref<1x1x128xi32, #tpu.memory_space<vmem>> -> memref<128xi32, #tpu.memory_space<vmem>>
      %dma_wait3A_265 = arith.constant 0 : i32
      %dma_wait3A_266 = arith.constant 0 : i32
      %dma_wait3A_267 = tpu.memref_slice %arg2[%dma_wait3A_265, %dma_wait3A_266] : memref<10000x128xf32, #tpu.memory_space<hbm>> -> memref<10000x128xf32, #tpu.memory_space<hbm>>
      tpu.wait_indirect_dma semaphore(%arg12 : memref<!tpu.dma_semaphore, #tpu.memory_space<semaphore_mem>>) src(%dma_wait3A_267 : memref<10000x128xf32, #tpu.memory_space<hbm>>) dst(%arg10 : memref<128x128xf32, #tpu.memory_space<vmem>>)
      %dma_wait3A_268 = arith.constant 0 : i32
      %dma_wait3A_269 = arith.constant 0 : i32
      %dma_wait3A_270 = arith.constant 0 : i32
      %dma_wait3A_271 = tpu.memref_slice %arg8[%dma_wait3A_268, %dma_wait3A_269, %dma_wait3A_270] : memref<2x8x128xi32, #tpu.memory_space<vmem>> -> memref<1x1x128xi32, #tpu.memory_space<vmem>>
      %dma_wait3A_272 = tpu.memref_squeeze %dma_wait3A_271 : memref<1x1x128xi32, #tpu.memory_space<vmem>> -> memref<128xi32, #tpu.memory_space<vmem>>
      %dma_wait3A_273 = arith.constant 0 : i32
      %dma_wait3A_274 = arith.constant 0 : i32
      %dma_wait3A_275 = tpu.memref_slice %arg6[%dma_wait3A_273, %dma_wait3A_274] : memref<10112x128xf32, #tpu.memory_space<vmem_shared>> -> memref<10112x128xf32, #tpu.memory_space<vmem_shared>>
      tpu.wait_indirect_dma semaphore(%arg13 : memref<!tpu.dma_semaphore, #tpu.memory_space<semaphore_mem>>) src(%arg9 : memref<128x128xf32, #tpu.memory_space<vmem>>) dst(%dma_wait3A_275 : memref<10112x128xf32, #tpu.memory_space<vmem_shared>>)
      %add3A_276 = arith.constant 1 : i32
      %add3A_277 = arith.addi %while3A_55, %add3A_276 : i32
      %lt3A_278 = arith.cmpi slt, %add3A_277, %select_n3A_4 : i32
      %convert_element_type3A_279 = arith.extui %lt3A_278 : i1 to i32
      %cond3A_280 = arith.constant 0 : i32
      %cond3A_281 = arith.cmpi ne, %convert_element_type3A_279, %cond3A_280 : i32
      scf.if %cond3A_281 {
        %dma_wait3A_289 = arith.constant 0 : i32
        %dma_wait3A_290 = arith.constant 0 : i32
        %dma_wait3A_291 = tpu.memref_slice %arg7[%sub3A_58, %dma_wait3A_289, %dma_wait3A_290] : memref<2x8x128xi32, #tpu.memory_space<vmem>> -> memref<1x8x128xi32, #tpu.memory_space<vmem>>
        %dma_wait3A_292 = tpu.memref_squeeze %dma_wait3A_291 : memref<1x8x128xi32, #tpu.memory_space<vmem>> -> memref<8x128xi32, #tpu.memory_space<vmem>>
        %dma_wait3A_293 = arith.constant 0 : i32
        %dma_wait3A_294 = tpu.memref_slice %arg3[%add3A, %dma_wait3A_293] : memref<2560x128xi32, #tpu.memory_space<hbm>> -> memref<8x128xi32, #tpu.memory_space<hbm>>
        %dma_wait3A_295 = arith.constant 0 : i32
        %dma_wait3A_296 = arith.constant 0 : i32
        %dma_wait3A_297 = tpu.memref_slice %arg7[%sub3A_58, %dma_wait3A_295, %dma_wait3A_296] : memref<2x8x128xi32, #tpu.memory_space<vmem>> -> memref<1x8x128xi32, #tpu.memory_space<vmem>>
        %dma_wait3A_298 = tpu.memref_squeeze %dma_wait3A_297 : memref<1x8x128xi32, #tpu.memory_space<vmem>> -> memref<8x128xi32, #tpu.memory_space<vmem>>
        %dma_wait3A_299 = arith.constant 0 : i32
        %dma_wait3A_300 = tpu.memref_slice %arg3[%add3A, %dma_wait3A_299] : memref<2560x128xi32, #tpu.memory_space<hbm>> -> memref<8x128xi32, #tpu.memory_space<hbm>>
        tpu.wait_dma2 semaphore(%arg15 : memref<!tpu.dma_semaphore, #tpu.memory_space<semaphore_mem>>) src(%dma_wait3A_300 : memref<8x128xi32, #tpu.memory_space<hbm>>) dst(%dma_wait3A_298 : memref<8x128xi32, #tpu.memory_space<vmem>>)
        %dma_wait3A_301 = arith.constant 0 : i32
        %dma_wait3A_302 = arith.constant 0 : i32
        %dma_wait3A_303 = tpu.memref_slice %arg8[%sub3A_58, %dma_wait3A_301, %dma_wait3A_302] : memref<2x8x128xi32, #tpu.memory_space<vmem>> -> memref<1x8x128xi32, #tpu.memory_space<vmem>>
        %dma_wait3A_304 = tpu.memref_squeeze %dma_wait3A_303 : memref<1x8x128xi32, #tpu.memory_space<vmem>> -> memref<8x128xi32, #tpu.memory_space<vmem>>
        %dma_wait3A_305 = arith.constant 0 : i32
        %dma_wait3A_306 = tpu.memref_slice %arg4[%add3A, %dma_wait3A_305] : memref<2560x128xi32, #tpu.memory_space<hbm>> -> memref<8x128xi32, #tpu.memory_space<hbm>>
        %dma_wait3A_307 = arith.constant 0 : i32
        %dma_wait3A_308 = arith.constant 0 : i32
        %dma_wait3A_309 = tpu.memref_slice %arg8[%sub3A_58, %dma_wait3A_307, %dma_wait3A_308] : memref<2x8x128xi32, #tpu.memory_space<vmem>> -> memref<1x8x128xi32, #tpu.memory_space<vmem>>
        %dma_wait3A_310 = tpu.memref_squeeze %dma_wait3A_309 : memref<1x8x128xi32, #tpu.memory_space<vmem>> -> memref<8x128xi32, #tpu.memory_space<vmem>>
        %dma_wait3A_311 = arith.constant 0 : i32
        %dma_wait3A_312 = tpu.memref_slice %arg4[%add3A, %dma_wait3A_311] : memref<2560x128xi32, #tpu.memory_space<hbm>> -> memref<8x128xi32, #tpu.memory_space<hbm>>
        tpu.wait_dma2 semaphore(%arg15 : memref<!tpu.dma_semaphore, #tpu.memory_space<semaphore_mem>>) src(%dma_wait3A_312 : memref<8x128xi32, #tpu.memory_space<hbm>>) dst(%dma_wait3A_310 : memref<8x128xi32, #tpu.memory_space<vmem>>)
        %dma_start3A_313 = arith.constant 0 : i32
        %dma_start3A_314 = arith.constant 0 : i32
        %dma_start3A_315 = tpu.memref_slice %arg7[%sub3A_58, %dma_start3A_313, %dma_start3A_314] : memref<2x8x128xi32, #tpu.memory_space<vmem>> -> memref<1x1x128xi32, #tpu.memory_space<vmem>>
        %dma_start3A_316 = tpu.memref_squeeze %dma_start3A_315 : memref<1x1x128xi32, #tpu.memory_space<vmem>> -> memref<128xi32, #tpu.memory_space<vmem>>
        %dma_start3A_317 = arith.constant 0 : i32
        %dma_start3A_318 = arith.constant 0 : i32
        %dma_start3A_319 = tpu.memref_slice %arg2[%dma_start3A_317, %dma_start3A_318] : memref<10000x128xf32, #tpu.memory_space<hbm>> -> memref<10000x128xf32, #tpu.memory_space<hbm>>
        tpu.enqueue_indirect_dma source(%dma_start3A_319 : memref<10000x128xf32, #tpu.memory_space<hbm>>) target(%arg9 : memref<128x128xf32, #tpu.memory_space<vmem>>) offsets(%dma_start3A_316 : memref<128xi32, #tpu.memory_space<vmem>>) semaphore(%arg11 : memref<!tpu.dma_semaphore, #tpu.memory_space<semaphore_mem>>)
      } else {
      }
      %dma_start3A_282 = arith.constant 7 : i32
      %dma_start3A_283 = arith.constant 0 : i32
      %dma_start3A_284 = tpu.memref_slice %arg8[%rem3A_56, %dma_start3A_282, %dma_start3A_283] : memref<2x8x128xi32, #tpu.memory_space<vmem>> -> memref<1x1x128xi32, #tpu.memory_space<vmem>>
      %dma_start3A_285 = tpu.memref_squeeze %dma_start3A_284 : memref<1x1x128xi32, #tpu.memory_space<vmem>> -> memref<128xi32, #tpu.memory_space<vmem>>
      %dma_start3A_286 = arith.constant 0 : i32
      %dma_start3A_287 = arith.constant 0 : i32
      %dma_start3A_288 = tpu.memref_slice %arg6[%dma_start3A_286, %dma_start3A_287] : memref<10112x128xf32, #tpu.memory_space<vmem_shared>> -> memref<10112x128xf32, #tpu.memory_space<vmem_shared>>
      tpu.enqueue_indirect_dma source(%arg10 : memref<128x128xf32, #tpu.memory_space<vmem>>) target(%dma_start3A_288 : memref<10112x128xf32, #tpu.memory_space<vmem_shared>>) offsets(%dma_start3A_285 : memref<128xi32, #tpu.memory_space<vmem>>) semaphore(%arg14 : memref<!tpu.dma_semaphore, #tpu.memory_space<semaphore_mem>>) {add = true}
    }
    %while3A_42 = arith.constant 1 : i32
    scf.for %while3A_55 = %while3A_40 to %while3A_36 step %while3A_42  : i32 {
      %rem3A = arith.constant 2 : i32
      %rem3A_56 = arith.remsi %while3A_55, %rem3A : i32
      %sub3A_57 = arith.constant 1 : i32
      %sub3A_58 = arith.subi %sub3A_57, %rem3A_56 : i32
      %dma_wait3A_59 = arith.constant 0 : i32
      %dma_wait3A_60 = arith.constant 0 : i32
      %dma_wait3A_61 = tpu.memref_slice %arg7[%rem3A_56, %dma_wait3A_59, %dma_wait3A_60] : memref<2x8x128xi32, #tpu.memory_space<vmem>> -> memref<1x1x128xi32, #tpu.memory_space<vmem>>
      %dma_wait3A_62 = tpu.memref_squeeze %dma_wait3A_61 : memref<1x1x128xi32, #tpu.memory_space<vmem>> -> memref<128xi32, #tpu.memory_space<vmem>>
      %dma_wait3A_63 = arith.constant 0 : i32
      %dma_wait3A_64 = arith.constant 0 : i32
      %dma_wait3A_65 = tpu.memref_slice %arg2[%dma_wait3A_63, %dma_wait3A_64] : memref<10000x128xf32, #tpu.memory_space<hbm>> -> memref<10000x128xf32, #tpu.memory_space<hbm>>
      tpu.wait_indirect_dma semaphore(%arg11 : memref<!tpu.dma_semaphore, #tpu.memory_space<semaphore_mem>>) src(%dma_wait3A_65 : memref<10000x128xf32, #tpu.memory_space<hbm>>) dst(%arg9 : memref<128x128xf32, #tpu.memory_space<vmem>>)
      %ge3A = arith.constant 1 : i32
      %ge3A_66 = arith.cmpi sge, %while3A_55, %ge3A : i32
      %convert_element_type3A = arith.extui %ge3A_66 : i1 to i32
      %cond3A = arith.constant 0 : i32
      %cond3A_67 = arith.cmpi ne, %convert_element_type3A, %cond3A : i32
      scf.if %cond3A_67 {
        %dma_wait3A_289 = arith.constant 0 : i32
        %dma_wait3A_290 = arith.constant 0 : i32
        %dma_wait3A_291 = arith.constant 0 : i32
        %dma_wait3A_292 = tpu.memref_slice %arg8[%dma_wait3A_289, %dma_wait3A_290, %dma_wait3A_291] : memref<2x8x128xi32, #tpu.memory_space<vmem>> -> memref<1x1x128xi32, #tpu.memory_space<vmem>>
        %dma_wait3A_293 = tpu.memref_squeeze %dma_wait3A_292 : memref<1x1x128xi32, #tpu.memory_space<vmem>> -> memref<128xi32, #tpu.memory_space<vmem>>
        %dma_wait3A_294 = arith.constant 0 : i32
        %dma_wait3A_295 = arith.constant 0 : i32
        %dma_wait3A_296 = tpu.memref_slice %arg6[%dma_wait3A_294, %dma_wait3A_295] : memref<10112x128xf32, #tpu.memory_space<vmem_shared>> -> memref<10112x128xf32, #tpu.memory_space<vmem_shared>>
        tpu.wait_indirect_dma semaphore(%arg14 : memref<!tpu.dma_semaphore, #tpu.memory_space<semaphore_mem>>) src(%arg10 : memref<128x128xf32, #tpu.memory_space<vmem>>) dst(%dma_wait3A_296 : memref<10112x128xf32, #tpu.memory_space<vmem_shared>>)
      } else {
      }
      %dma_start3A_68 = arith.constant 1 : i32
      %dma_start3A_69 = arith.constant 0 : i32
      %dma_start3A_70 = tpu.memref_slice %arg7[%rem3A_56, %dma_start3A_68, %dma_start3A_69] : memref<2x8x128xi32, #tpu.memory_space<vmem>> -> memref<1x1x128xi32, #tpu.memory_space<vmem>>
      %dma_start3A_71 = tpu.memref_squeeze %dma_start3A_70 : memref<1x1x128xi32, #tpu.memory_space<vmem>> -> memref<128xi32, #tpu.memory_space<vmem>>
      %dma_start3A_72 = arith.constant 0 : i32
      %dma_start3A_73 = arith.constant 0 : i32
      %dma_start3A_74 = tpu.memref_slice %arg2[%dma_start3A_72, %dma_start3A_73] : memref<10000x128xf32, #tpu.memory_space<hbm>> -> memref<10000x128xf32, #tpu.memory_space<hbm>>
      tpu.enqueue_indirect_dma source(%dma_start3A_74 : memref<10000x128xf32, #tpu.memory_space<hbm>>) target(%arg10 : memref<128x128xf32, #tpu.memory_space<vmem>>) offsets(%dma_start3A_71 : memref<128xi32, #tpu.memory_space<vmem>>) semaphore(%arg12 : memref<!tpu.dma_semaphore, #tpu.memory_space<semaphore_mem>>)
      %dma_start3A_75 = arith.constant 0 : i32
      %dma_start3A_76 = arith.constant 0 : i32
      %dma_start3A_77 = tpu.memref_slice %arg8[%rem3A_56, %dma_start3A_75, %dma_start3A_76] : memref<2x8x128xi32, #tpu.memory_space<vmem>> -> memref<1x1x128xi32, #tpu.memory_space<vmem>>
      %dma_start3A_78 = tpu.memref_squeeze %dma_start3A_77 : memref<1x1x128xi32, #tpu.memory_space<vmem>> -> memref<128xi32, #tpu.memory_space<vmem>>
      %dma_start3A_79 = arith.constant 0 : i32
      %dma_start3A_80 = arith.constant 0 : i32
      %dma_start3A_81 = tpu.memref_slice %arg6[%dma_start3A_79, %dma_start3A_80] : memref<10112x128xf32, #tpu.memory_space<vmem_shared>> -> memref<10112x128xf32, #tpu.memory_space<vmem_shared>>
      tpu.enqueue_indirect_dma source(%arg9 : memref<128x128xf32, #tpu.memory_space<vmem>>) target(%dma_start3A_81 : memref<10112x128xf32, #tpu.memory_space<vmem_shared>>) offsets(%dma_start3A_78 : memref<128xi32, #tpu.memory_space<vmem>>) semaphore(%arg13 : memref<!tpu.dma_semaphore, #tpu.memory_space<semaphore_mem>>) {add = true}
      %dma_wait3A_82 = arith.constant 1 : i32
      %dma_wait3A_83 = arith.constant 0 : i32
      %dma_wait3A_84 = tpu.memref_slice %arg7[%rem3A_56, %dma_wait3A_82, %dma_wait3A_83] : memref<2x8x128xi32, #tpu.memory_space<vmem>> -> memref<1x1x128xi32, #tpu.memory_space<vmem>>
      %dma_wait3A_85 = tpu.memref_squeeze %dma_wait3A_84 : memref<1x1x128xi32, #tpu.memory_space<vmem>> -> memref<128xi32, #tpu.memory_space<vmem>>
      %dma_wait3A_86 = arith.constant 0 : i32
      %dma_wait3A_87 = arith.constant 0 : i32
      %dma_wait3A_88 = tpu.memref_slice %arg2[%dma_wait3A_86, %dma_wait3A_87] : memref<10000x128xf32, #tpu.memory_space<hbm>> -> memref<10000x128xf32, #tpu.memory_space<hbm>>
      tpu.wait_indirect_dma semaphore(%arg12 : memref<!tpu.dma_semaphore, #tpu.memory_space<semaphore_mem>>) src(%dma_wait3A_88 : memref<10000x128xf32, #tpu.memory_space<hbm>>) dst(%arg10 : memref<128x128xf32, #tpu.memory_space<vmem>>)
      %dma_wait3A_89 = arith.constant 0 : i32
      %dma_wait3A_90 = arith.constant 0 : i32
      %dma_wait3A_91 = arith.constant 0 : i32
      %dma_wait3A_92 = tpu.memref_slice %arg8[%dma_wait3A_89, %dma_wait3A_90, %dma_wait3A_91] : memref<2x8x128xi32, #tpu.memory_space<vmem>> -> memref<1x1x128xi32, #tpu.memory_space<vmem>>
      %dma_wait3A_93 = tpu.memref_squeeze %dma_wait3A_92 : memref<1x1x128xi32, #tpu.memory_space<vmem>> -> memref<128xi32, #tpu.memory_space<vmem>>
      %dma_wait3A_94 = arith.constant 0 : i32
      %dma_wait3A_95 = arith.constant 0 : i32
      %dma_wait3A_96 = tpu.memref_slice %arg6[%dma_wait3A_94, %dma_wait3A_95] : memref<10112x128xf32, #tpu.memory_space<vmem_shared>> -> memref<10112x128xf32, #tpu.memory_space<vmem_shared>>
      tpu.wait_indirect_dma semaphore(%arg13 : memref<!tpu.dma_semaphore, #tpu.memory_space<semaphore_mem>>) src(%arg9 : memref<128x128xf32, #tpu.memory_space<vmem>>) dst(%dma_wait3A_96 : memref<10112x128xf32, #tpu.memory_space<vmem_shared>>)
      %dma_start3A_97 = arith.constant 2 : i32
      %dma_start3A_98 = arith.constant 0 : i32
      %dma_start3A_99 = tpu.memref_slice %arg7[%rem3A_56, %dma_start3A_97, %dma_start3A_98] : memref<2x8x128xi32, #tpu.memory_space<vmem>> -> memref<1x1x128xi32, #tpu.memory_space<vmem>>
      %dma_start3A_100 = tpu.memref_squeeze %dma_start3A_99 : memref<1x1x128xi32, #tpu.memory_space<vmem>> -> memref<128xi32, #tpu.memory_space<vmem>>
      %dma_start3A_101 = arith.constant 0 : i32
      %dma_start3A_102 = arith.constant 0 : i32
      %dma_start3A_103 = tpu.memref_slice %arg2[%dma_start3A_101, %dma_start3A_102] : memref<10000x128xf32, #tpu.memory_space<hbm>> -> memref<10000x128xf32, #tpu.memory_space<hbm>>
      tpu.enqueue_indirect_dma source(%dma_start3A_103 : memref<10000x128xf32, #tpu.memory_space<hbm>>) target(%arg9 : memref<128x128xf32, #tpu.memory_space<vmem>>) offsets(%dma_start3A_100 : memref<128xi32, #tpu.memory_space<vmem>>) semaphore(%arg11 : memref<!tpu.dma_semaphore, #tpu.memory_space<semaphore_mem>>)
      %dma_start3A_104 = arith.constant 1 : i32
      %dma_start3A_105 = arith.constant 0 : i32
      %dma_start3A_106 = tpu.memref_slice %arg8[%rem3A_56, %dma_start3A_104, %dma_start3A_105] : memref<2x8x128xi32, #tpu.memory_space<vmem>> -> memref<1x1x128xi32, #tpu.memory_space<vmem>>
      %dma_start3A_107 = tpu.memref_squeeze %dma_start3A_106 : memref<1x1x128xi32, #tpu.memory_space<vmem>> -> memref<128xi32, #tpu.memory_space<vmem>>
      %dma_start3A_108 = arith.constant 0 : i32
      %dma_start3A_109 = arith.constant 0 : i32
      %dma_start3A_110 = tpu.memref_slice %arg6[%dma_start3A_108, %dma_start3A_109] : memref<10112x128xf32, #tpu.memory_space<vmem_shared>> -> memref<10112x128xf32, #tpu.memory_space<vmem_shared>>
      tpu.enqueue_indirect_dma source(%arg10 : memref<128x128xf32, #tpu.memory_space<vmem>>) target(%dma_start3A_110 : memref<10112x128xf32, #tpu.memory_space<vmem_shared>>) offsets(%dma_start3A_107 : memref<128xi32, #tpu.memory_space<vmem>>) semaphore(%arg14 : memref<!tpu.dma_semaphore, #tpu.memory_space<semaphore_mem>>) {add = true}
      %dma_wait3A_111 = arith.constant 2 : i32
      %dma_wait3A_112 = arith.constant 0 : i32
      %dma_wait3A_113 = tpu.memref_slice %arg7[%rem3A_56, %dma_wait3A_111, %dma_wait3A_112] : memref<2x8x128xi32, #tpu.memory_space<vmem>> -> memref<1x1x128xi32, #tpu.memory_space<vmem>>
      %dma_wait3A_114 = tpu.memref_squeeze %dma_wait3A_113 : memref<1x1x128xi32, #tpu.memory_space<vmem>> -> memref<128xi32, #tpu.memory_space<vmem>>
      %dma_wait3A_115 = arith.constant 0 : i32
      %dma_wait3A_116 = arith.constant 0 : i32
      %dma_wait3A_117 = tpu.memref_slice %arg2[%dma_wait3A_115, %dma_wait3A_116] : memref<10000x128xf32, #tpu.memory_space<hbm>> -> memref<10000x128xf32, #tpu.memory_space<hbm>>
      tpu.wait_indirect_dma semaphore(%arg11 : memref<!tpu.dma_semaphore, #tpu.memory_space<semaphore_mem>>) src(%dma_wait3A_117 : memref<10000x128xf32, #tpu.memory_space<hbm>>) dst(%arg9 : memref<128x128xf32, #tpu.memory_space<vmem>>)
      %add3A_118 = arith.constant 1 : i32
      %add3A_119 = arith.addi %while3A_55, %add3A_118 : i32
      %lt3A = arith.cmpi slt, %add3A_119, %select_n3A_4 : i32
      %convert_element_type3A_120 = arith.extui %lt3A : i1 to i32
      %cond3A_121 = arith.constant 0 : i32
      %cond3A_122 = arith.cmpi ne, %convert_element_type3A_120, %cond3A_121 : i32
      scf.if %cond3A_122 {
        %add3A_289 = arith.constant 1 : i32
        %add3A_290 = arith.addi %while3A_55, %add3A_289 : i32
        %mul3A_291 = arith.constant 8 : i32
        %mul3A_292 = arith.muli %add3A_290, %mul3A_291 : i32
        %add3A_293 = arith.addi %add3A, %mul3A_292 : i32
        %dma_start3A_294 = arith.constant 0 : i32
        %dma_start3A_295 = arith.constant 0 : i32
        %dma_start3A_296 = tpu.memref_slice %arg7[%sub3A_58, %dma_start3A_294, %dma_start3A_295] : memref<2x8x128xi32, #tpu.memory_space<vmem>> -> memref<1x8x128xi32, #tpu.memory_space<vmem>>
        %dma_start3A_297 = tpu.memref_squeeze %dma_start3A_296 : memref<1x8x128xi32, #tpu.memory_space<vmem>> -> memref<8x128xi32, #tpu.memory_space<vmem>>
        %dma_start3A_298 = arith.constant 0 : i32
        %dma_start3A_299 = tpu.memref_slice %arg3[%add3A_293, %dma_start3A_298] : memref<2560x128xi32, #tpu.memory_space<hbm>> -> memref<8x128xi32, #tpu.memory_space<hbm>>
        %dma_start3A_300 = arith.constant 0 : i32
        %dma_start3A_301 = arith.constant 0 : i32
        %dma_start3A_302 = tpu.memref_slice %arg7[%sub3A_58, %dma_start3A_300, %dma_start3A_301] : memref<2x8x128xi32, #tpu.memory_space<vmem>> -> memref<1x8x128xi32, #tpu.memory_space<vmem>>
        %dma_start3A_303 = tpu.memref_squeeze %dma_start3A_302 : memref<1x8x128xi32, #tpu.memory_space<vmem>> -> memref<8x128xi32, #tpu.memory_space<vmem>>
        %dma_start3A_304 = arith.constant 0 : i32
        %dma_start3A_305 = tpu.memref_slice %arg3[%add3A_293, %dma_start3A_304] : memref<2560x128xi32, #tpu.memory_space<hbm>> -> memref<8x128xi32, #tpu.memory_space<hbm>>
        tpu.enqueue_dma source(%dma_start3A_305 : memref<8x128xi32, #tpu.memory_space<hbm>>) target(%dma_start3A_303 : memref<8x128xi32, #tpu.memory_space<vmem>>) target_semaphore(%arg15 : memref<!tpu.dma_semaphore, #tpu.memory_space<semaphore_mem>>)
        %dma_start3A_306 = arith.constant 0 : i32
        %dma_start3A_307 = arith.constant 0 : i32
        %dma_start3A_308 = tpu.memref_slice %arg8[%sub3A_58, %dma_start3A_306, %dma_start3A_307] : memref<2x8x128xi32, #tpu.memory_space<vmem>> -> memref<1x8x128xi32, #tpu.memory_space<vmem>>
        %dma_start3A_309 = tpu.memref_squeeze %dma_start3A_308 : memref<1x8x128xi32, #tpu.memory_space<vmem>> -> memref<8x128xi32, #tpu.memory_space<vmem>>
        %dma_start3A_310 = arith.constant 0 : i32
        %dma_start3A_311 = tpu.memref_slice %arg4[%add3A_293, %dma_start3A_310] : memref<2560x128xi32, #tpu.memory_space<hbm>> -> memref<8x128xi32, #tpu.memory_space<hbm>>
        %dma_start3A_312 = arith.constant 0 : i32
        %dma_start3A_313 = arith.constant 0 : i32
        %dma_start3A_314 = tpu.memref_slice %arg8[%sub3A_58, %dma_start3A_312, %dma_start3A_313] : memref<2x8x128xi32, #tpu.memory_space<vmem>> -> memref<1x8x128xi32, #tpu.memory_space<vmem>>
        %dma_start3A_315 = tpu.memref_squeeze %dma_start3A_314 : memref<1x8x128xi32, #tpu.memory_space<vmem>> -> memref<8x128xi32, #tpu.memory_space<vmem>>
        %dma_start3A_316 = arith.constant 0 : i32
        %dma_start3A_317 = tpu.memref_slice %arg4[%add3A_293, %dma_start3A_316] : memref<2560x128xi32, #tpu.memory_space<hbm>> -> memref<8x128xi32, #tpu.memory_space<hbm>>
        tpu.enqueue_dma source(%dma_start3A_317 : memref<8x128xi32, #tpu.memory_space<hbm>>) target(%dma_start3A_315 : memref<8x128xi32, #tpu.memory_space<vmem>>) target_semaphore(%arg15 : memref<!tpu.dma_semaphore, #tpu.memory_space<semaphore_mem>>)
      } else {
      }
      %dma_wait3A_123 = arith.constant 0 : i32
      %dma_wait3A_124 = arith.constant 0 : i32
      %dma_wait3A_125 = arith.constant 0 : i32
      %dma_wait3A_126 = tpu.memref_slice %arg8[%dma_wait3A_123, %dma_wait3A_124, %dma_wait3A_125] : memref<2x8x128xi32, #tpu.memory_space<vmem>> -> memref<1x1x128xi32, #tpu.memory_space<vmem>>
      %dma_wait3A_127 = tpu.memref_squeeze %dma_wait3A_126 : memref<1x1x128xi32, #tpu.memory_space<vmem>> -> memref<128xi32, #tpu.memory_space<vmem>>
      %dma_wait3A_128 = arith.constant 0 : i32
      %dma_wait3A_129 = arith.constant 0 : i32
      %dma_wait3A_130 = tpu.memref_slice %arg6[%dma_wait3A_128, %dma_wait3A_129] : memref<10112x128xf32, #tpu.memory_space<vmem_shared>> -> memref<10112x128xf32, #tpu.memory_space<vmem_shared>>
      tpu.wait_indirect_dma semaphore(%arg14 : memref<!tpu.dma_semaphore, #tpu.memory_space<semaphore_mem>>) src(%arg10 : memref<128x128xf32, #tpu.memory_space<vmem>>) dst(%dma_wait3A_130 : memref<10112x128xf32, #tpu.memory_space<vmem_shared>>)
      %dma_start3A_131 = arith.constant 3 : i32
      %dma_start3A_132 = arith.constant 0 : i32
      %dma_start3A_133 = tpu.memref_slice %arg7[%rem3A_56, %dma_start3A_131, %dma_start3A_132] : memref<2x8x128xi32, #tpu.memory_space<vmem>> -> memref<1x1x128xi32, #tpu.memory_space<vmem>>
      %dma_start3A_134 = tpu.memref_squeeze %dma_start3A_133 : memref<1x1x128xi32, #tpu.memory_space<vmem>> -> memref<128xi32, #tpu.memory_space<vmem>>
      %dma_start3A_135 = arith.constant 0 : i32
      %dma_start3A_136 = arith.constant 0 : i32
      %dma_start3A_137 = tpu.memref_slice %arg2[%dma_start3A_135, %dma_start3A_136] : memref<10000x128xf32, #tpu.memory_space<hbm>> -> memref<10000x128xf32, #tpu.memory_space<hbm>>
      tpu.enqueue_indirect_dma source(%dma_start3A_137 : memref<10000x128xf32, #tpu.memory_space<hbm>>) target(%arg10 : memref<128x128xf32, #tpu.memory_space<vmem>>) offsets(%dma_start3A_134 : memref<128xi32, #tpu.memory_space<vmem>>) semaphore(%arg12 : memref<!tpu.dma_semaphore, #tpu.memory_space<semaphore_mem>>)
      %dma_start3A_138 = arith.constant 2 : i32
      %dma_start3A_139 = arith.constant 0 : i32
      %dma_start3A_140 = tpu.memref_slice %arg8[%rem3A_56, %dma_start3A_138, %dma_start3A_139] : memref<2x8x128xi32, #tpu.memory_space<vmem>> -> memref<1x1x128xi32, #tpu.memory_space<vmem>>
      %dma_start3A_141 = tpu.memref_squeeze %dma_start3A_140 : memref<1x1x128xi32, #tpu.memory_space<vmem>> -> memref<128xi32, #tpu.memory_space<vmem>>
      %dma_start3A_142 = arith.constant 0 : i32
      %dma_start3A_143 = arith.constant 0 : i32
      %dma_start3A_144 = tpu.memref_slice %arg6[%dma_start3A_142, %dma_start3A_143] : memref<10112x128xf32, #tpu.memory_space<vmem_shared>> -> memref<10112x128xf32, #tpu.memory_space<vmem_shared>>
      tpu.enqueue_indirect_dma source(%arg9 : memref<128x128xf32, #tpu.memory_space<vmem>>) target(%dma_start3A_144 : memref<10112x128xf32, #tpu.memory_space<vmem_shared>>) offsets(%dma_start3A_141 : memref<128xi32, #tpu.memory_space<vmem>>) semaphore(%arg13 : memref<!tpu.dma_semaphore, #tpu.memory_space<semaphore_mem>>) {add = true}
      %dma_wait3A_145 = arith.constant 3 : i32
      %dma_wait3A_146 = arith.constant 0 : i32
      %dma_wait3A_147 = tpu.memref_slice %arg7[%rem3A_56, %dma_wait3A_145, %dma_wait3A_146] : memref<2x8x128xi32, #tpu.memory_space<vmem>> -> memref<1x1x128xi32, #tpu.memory_space<vmem>>
      %dma_wait3A_148 = tpu.memref_squeeze %dma_wait3A_147 : memref<1x1x128xi32, #tpu.memory_space<vmem>> -> memref<128xi32, #tpu.memory_space<vmem>>
      %dma_wait3A_149 = arith.constant 0 : i32
      %dma_wait3A_150 = arith.constant 0 : i32
      %dma_wait3A_151 = tpu.memref_slice %arg2[%dma_wait3A_149, %dma_wait3A_150] : memref<10000x128xf32, #tpu.memory_space<hbm>> -> memref<10000x128xf32, #tpu.memory_space<hbm>>
      tpu.wait_indirect_dma semaphore(%arg12 : memref<!tpu.dma_semaphore, #tpu.memory_space<semaphore_mem>>) src(%dma_wait3A_151 : memref<10000x128xf32, #tpu.memory_space<hbm>>) dst(%arg10 : memref<128x128xf32, #tpu.memory_space<vmem>>)
      %dma_wait3A_152 = arith.constant 0 : i32
      %dma_wait3A_153 = arith.constant 0 : i32
      %dma_wait3A_154 = arith.constant 0 : i32
      %dma_wait3A_155 = tpu.memref_slice %arg8[%dma_wait3A_152, %dma_wait3A_153, %dma_wait3A_154] : memref<2x8x128xi32, #tpu.memory_space<vmem>> -> memref<1x1x128xi32, #tpu.memory_space<vmem>>
      %dma_wait3A_156 = tpu.memref_squeeze %dma_wait3A_155 : memref<1x1x128xi32, #tpu.memory_space<vmem>> -> memref<128xi32, #tpu.memory_space<vmem>>
      %dma_wait3A_157 = arith.constant 0 : i32
      %dma_wait3A_158 = arith.constant 0 : i32
      %dma_wait3A_159 = tpu.memref_slice %arg6[%dma_wait3A_157, %dma_wait3A_158] : memref<10112x128xf32, #tpu.memory_space<vmem_shared>> -> memref<10112x128xf32, #tpu.memory_space<vmem_shared>>
      tpu.wait_indirect_dma semaphore(%arg13 : memref<!tpu.dma_semaphore, #tpu.memory_space<semaphore_mem>>) src(%arg9 : memref<128x128xf32, #tpu.memory_space<vmem>>) dst(%dma_wait3A_159 : memref<10112x128xf32, #tpu.memory_space<vmem_shared>>)
      %dma_start3A_160 = arith.constant 4 : i32
      %dma_start3A_161 = arith.constant 0 : i32
      %dma_start3A_162 = tpu.memref_slice %arg7[%rem3A_56, %dma_start3A_160, %dma_start3A_161] : memref<2x8x128xi32, #tpu.memory_space<vmem>> -> memref<1x1x128xi32, #tpu.memory_space<vmem>>
      %dma_start3A_163 = tpu.memref_squeeze %dma_start3A_162 : memref<1x1x128xi32, #tpu.memory_space<vmem>> -> memref<128xi32, #tpu.memory_space<vmem>>
      %dma_start3A_164 = arith.constant 0 : i32
      %dma_start3A_165 = arith.constant 0 : i32
      %dma_start3A_166 = tpu.memref_slice %arg2[%dma_start3A_164, %dma_start3A_165] : memref<10000x128xf32, #tpu.memory_space<hbm>> -> memref<10000x128xf32, #tpu.memory_space<hbm>>
      tpu.enqueue_indirect_dma source(%dma_start3A_166 : memref<10000x128xf32, #tpu.memory_space<hbm>>) target(%arg9 : memref<128x128xf32, #tpu.memory_space<vmem>>) offsets(%dma_start3A_163 : memref<128xi32, #tpu.memory_space<vmem>>) semaphore(%arg11 : memref<!tpu.dma_semaphore, #tpu.memory_space<semaphore_mem>>)
      %dma_start3A_167 = arith.constant 3 : i32
      %dma_start3A_168 = arith.constant 0 : i32
      %dma_start3A_169 = tpu.memref_slice %arg8[%rem3A_56, %dma_start3A_167, %dma_start3A_168] : memref<2x8x128xi32, #tpu.memory_space<vmem>> -> memref<1x1x128xi32, #tpu.memory_space<vmem>>
      %dma_start3A_170 = tpu.memref_squeeze %dma_start3A_169 : memref<1x1x128xi32, #tpu.memory_space<vmem>> -> memref<128xi32, #tpu.memory_space<vmem>>
      %dma_start3A_171 = arith.constant 0 : i32
      %dma_start3A_172 = arith.constant 0 : i32
      %dma_start3A_173 = tpu.memref_slice %arg6[%dma_start3A_171, %dma_start3A_172] : memref<10112x128xf32, #tpu.memory_space<vmem_shared>> -> memref<10112x128xf32, #tpu.memory_space<vmem_shared>>
      tpu.enqueue_indirect_dma source(%arg10 : memref<128x128xf32, #tpu.memory_space<vmem>>) target(%dma_start3A_173 : memref<10112x128xf32, #tpu.memory_space<vmem_shared>>) offsets(%dma_start3A_170 : memref<128xi32, #tpu.memory_space<vmem>>) semaphore(%arg14 : memref<!tpu.dma_semaphore, #tpu.memory_space<semaphore_mem>>) {add = true}
      %dma_wait3A_174 = arith.constant 4 : i32
      %dma_wait3A_175 = arith.constant 0 : i32
      %dma_wait3A_176 = tpu.memref_slice %arg7[%rem3A_56, %dma_wait3A_174, %dma_wait3A_175] : memref<2x8x128xi32, #tpu.memory_space<vmem>> -> memref<1x1x128xi32, #tpu.memory_space<vmem>>
      %dma_wait3A_177 = tpu.memref_squeeze %dma_wait3A_176 : memref<1x1x128xi32, #tpu.memory_space<vmem>> -> memref<128xi32, #tpu.memory_space<vmem>>
      %dma_wait3A_178 = arith.constant 0 : i32
      %dma_wait3A_179 = arith.constant 0 : i32
      %dma_wait3A_180 = tpu.memref_slice %arg2[%dma_wait3A_178, %dma_wait3A_179] : memref<10000x128xf32, #tpu.memory_space<hbm>> -> memref<10000x128xf32, #tpu.memory_space<hbm>>
      tpu.wait_indirect_dma semaphore(%arg11 : memref<!tpu.dma_semaphore, #tpu.memory_space<semaphore_mem>>) src(%dma_wait3A_180 : memref<10000x128xf32, #tpu.memory_space<hbm>>) dst(%arg9 : memref<128x128xf32, #tpu.memory_space<vmem>>)
      %dma_wait3A_181 = arith.constant 0 : i32
      %dma_wait3A_182 = arith.constant 0 : i32
      %dma_wait3A_183 = arith.constant 0 : i32
      %dma_wait3A_184 = tpu.memref_slice %arg8[%dma_wait3A_181, %dma_wait3A_182, %dma_wait3A_183] : memref<2x8x128xi32, #tpu.memory_space<vmem>> -> memref<1x1x128xi32, #tpu.memory_space<vmem>>
      %dma_wait3A_185 = tpu.memref_squeeze %dma_wait3A_184 : memref<1x1x128xi32, #tpu.memory_space<vmem>> -> memref<128xi32, #tpu.memory_space<vmem>>
      %dma_wait3A_186 = arith.constant 0 : i32
      %dma_wait3A_187 = arith.constant 0 : i32
      %dma_wait3A_188 = tpu.memref_slice %arg6[%dma_wait3A_186, %dma_wait3A_187] : memref<10112x128xf32, #tpu.memory_space<vmem_shared>> -> memref<10112x128xf32, #tpu.memory_space<vmem_shared>>
      tpu.wait_indirect_dma semaphore(%arg14 : memref<!tpu.dma_semaphore, #tpu.memory_space<semaphore_mem>>) src(%arg10 : memref<128x128xf32, #tpu.memory_space<vmem>>) dst(%dma_wait3A_188 : memref<10112x128xf32, #tpu.memory_space<vmem_shared>>)
      %dma_start3A_189 = arith.constant 5 : i32
      %dma_start3A_190 = arith.constant 0 : i32
      %dma_start3A_191 = tpu.memref_slice %arg7[%rem3A_56, %dma_start3A_189, %dma_start3A_190] : memref<2x8x128xi32, #tpu.memory_space<vmem>> -> memref<1x1x128xi32, #tpu.memory_space<vmem>>
      %dma_start3A_192 = tpu.memref_squeeze %dma_start3A_191 : memref<1x1x128xi32, #tpu.memory_space<vmem>> -> memref<128xi32, #tpu.memory_space<vmem>>
      %dma_start3A_193 = arith.constant 0 : i32
      %dma_start3A_194 = arith.constant 0 : i32
      %dma_start3A_195 = tpu.memref_slice %arg2[%dma_start3A_193, %dma_start3A_194] : memref<10000x128xf32, #tpu.memory_space<hbm>> -> memref<10000x128xf32, #tpu.memory_space<hbm>>
      tpu.enqueue_indirect_dma source(%dma_start3A_195 : memref<10000x128xf32, #tpu.memory_space<hbm>>) target(%arg10 : memref<128x128xf32, #tpu.memory_space<vmem>>) offsets(%dma_start3A_192 : memref<128xi32, #tpu.memory_space<vmem>>) semaphore(%arg12 : memref<!tpu.dma_semaphore, #tpu.memory_space<semaphore_mem>>)
      %dma_start3A_196 = arith.constant 4 : i32
      %dma_start3A_197 = arith.constant 0 : i32
      %dma_start3A_198 = tpu.memref_slice %arg8[%rem3A_56, %dma_start3A_196, %dma_start3A_197] : memref<2x8x128xi32, #tpu.memory_space<vmem>> -> memref<1x1x128xi32, #tpu.memory_space<vmem>>
      %dma_start3A_199 = tpu.memref_squeeze %dma_start3A_198 : memref<1x1x128xi32, #tpu.memory_space<vmem>> -> memref<128xi32, #tpu.memory_space<vmem>>
      %dma_start3A_200 = arith.constant 0 : i32
      %dma_start3A_201 = arith.constant 0 : i32
      %dma_start3A_202 = tpu.memref_slice %arg6[%dma_start3A_200, %dma_start3A_201] : memref<10112x128xf32, #tpu.memory_space<vmem_shared>> -> memref<10112x128xf32, #tpu.memory_space<vmem_shared>>
      tpu.enqueue_indirect_dma source(%arg9 : memref<128x128xf32, #tpu.memory_space<vmem>>) target(%dma_start3A_202 : memref<10112x128xf32, #tpu.memory_space<vmem_shared>>) offsets(%dma_start3A_199 : memref<128xi32, #tpu.memory_space<vmem>>) semaphore(%arg13 : memref<!tpu.dma_semaphore, #tpu.memory_space<semaphore_mem>>) {add = true}
      %dma_wait3A_203 = arith.constant 5 : i32
      %dma_wait3A_204 = arith.constant 0 : i32
      %dma_wait3A_205 = tpu.memref_slice %arg7[%rem3A_56, %dma_wait3A_203, %dma_wait3A_204] : memref<2x8x128xi32, #tpu.memory_space<vmem>> -> memref<1x1x128xi32, #tpu.memory_space<vmem>>
      %dma_wait3A_206 = tpu.memref_squeeze %dma_wait3A_205 : memref<1x1x128xi32, #tpu.memory_space<vmem>> -> memref<128xi32, #tpu.memory_space<vmem>>
      %dma_wait3A_207 = arith.constant 0 : i32
      %dma_wait3A_208 = arith.constant 0 : i32
      %dma_wait3A_209 = tpu.memref_slice %arg2[%dma_wait3A_207, %dma_wait3A_208] : memref<10000x128xf32, #tpu.memory_space<hbm>> -> memref<10000x128xf32, #tpu.memory_space<hbm>>
      tpu.wait_indirect_dma semaphore(%arg12 : memref<!tpu.dma_semaphore, #tpu.memory_space<semaphore_mem>>) src(%dma_wait3A_209 : memref<10000x128xf32, #tpu.memory_space<hbm>>) dst(%arg10 : memref<128x128xf32, #tpu.memory_space<vmem>>)
      %dma_wait3A_210 = arith.constant 0 : i32
      %dma_wait3A_211 = arith.constant 0 : i32
      %dma_wait3A_212 = arith.constant 0 : i32
      %dma_wait3A_213 = tpu.memref_slice %arg8[%dma_wait3A_210, %dma_wait3A_211, %dma_wait3A_212] : memref<2x8x128xi32, #tpu.memory_space<vmem>> -> memref<1x1x128xi32, #tpu.memory_space<vmem>>
      %dma_wait3A_214 = tpu.memref_squeeze %dma_wait3A_213 : memref<1x1x128xi32, #tpu.memory_space<vmem>> -> memref<128xi32, #tpu.memory_space<vmem>>
      %dma_wait3A_215 = arith.constant 0 : i32
      %dma_wait3A_216 = arith.constant 0 : i32
      %dma_wait3A_217 = tpu.memref_slice %arg6[%dma_wait3A_215, %dma_wait3A_216] : memref<10112x128xf32, #tpu.memory_space<vmem_shared>> -> memref<10112x128xf32, #tpu.memory_space<vmem_shared>>
      tpu.wait_indirect_dma semaphore(%arg13 : memref<!tpu.dma_semaphore, #tpu.memory_space<semaphore_mem>>) src(%arg9 : memref<128x128xf32, #tpu.memory_space<vmem>>) dst(%dma_wait3A_217 : memref<10112x128xf32, #tpu.memory_space<vmem_shared>>)
      %dma_start3A_218 = arith.constant 6 : i32
      %dma_start3A_219 = arith.constant 0 : i32
      %dma_start3A_220 = tpu.memref_slice %arg7[%rem3A_56, %dma_start3A_218, %dma_start3A_219] : memref<2x8x128xi32, #tpu.memory_space<vmem>> -> memref<1x1x128xi32, #tpu.memory_space<vmem>>
      %dma_start3A_221 = tpu.memref_squeeze %dma_start3A_220 : memref<1x1x128xi32, #tpu.memory_space<vmem>> -> memref<128xi32, #tpu.memory_space<vmem>>
      %dma_start3A_222 = arith.constant 0 : i32
      %dma_start3A_223 = arith.constant 0 : i32
      %dma_start3A_224 = tpu.memref_slice %arg2[%dma_start3A_222, %dma_start3A_223] : memref<10000x128xf32, #tpu.memory_space<hbm>> -> memref<10000x128xf32, #tpu.memory_space<hbm>>
      tpu.enqueue_indirect_dma source(%dma_start3A_224 : memref<10000x128xf32, #tpu.memory_space<hbm>>) target(%arg9 : memref<128x128xf32, #tpu.memory_space<vmem>>) offsets(%dma_start3A_221 : memref<128xi32, #tpu.memory_space<vmem>>) semaphore(%arg11 : memref<!tpu.dma_semaphore, #tpu.memory_space<semaphore_mem>>)
      %dma_start3A_225 = arith.constant 5 : i32
      %dma_start3A_226 = arith.constant 0 : i32
      %dma_start3A_227 = tpu.memref_slice %arg8[%rem3A_56, %dma_start3A_225, %dma_start3A_226] : memref<2x8x128xi32, #tpu.memory_space<vmem>> -> memref<1x1x128xi32, #tpu.memory_space<vmem>>
      %dma_start3A_228 = tpu.memref_squeeze %dma_start3A_227 : memref<1x1x128xi32, #tpu.memory_space<vmem>> -> memref<128xi32, #tpu.memory_space<vmem>>
      %dma_start3A_229 = arith.constant 0 : i32
      %dma_start3A_230 = arith.constant 0 : i32
      %dma_start3A_231 = tpu.memref_slice %arg6[%dma_start3A_229, %dma_start3A_230] : memref<10112x128xf32, #tpu.memory_space<vmem_shared>> -> memref<10112x128xf32, #tpu.memory_space<vmem_shared>>
      tpu.enqueue_indirect_dma source(%arg10 : memref<128x128xf32, #tpu.memory_space<vmem>>) target(%dma_start3A_231 : memref<10112x128xf32, #tpu.memory_space<vmem_shared>>) offsets(%dma_start3A_228 : memref<128xi32, #tpu.memory_space<vmem>>) semaphore(%arg14 : memref<!tpu.dma_semaphore, #tpu.memory_space<semaphore_mem>>) {add = true}
      %dma_wait3A_232 = arith.constant 6 : i32
      %dma_wait3A_233 = arith.constant 0 : i32
      %dma_wait3A_234 = tpu.memref_slice %arg7[%rem3A_56, %dma_wait3A_232, %dma_wait3A_233] : memref<2x8x128xi32, #tpu.memory_space<vmem>> -> memref<1x1x128xi32, #tpu.memory_space<vmem>>
      %dma_wait3A_235 = tpu.memref_squeeze %dma_wait3A_234 : memref<1x1x128xi32, #tpu.memory_space<vmem>> -> memref<128xi32, #tpu.memory_space<vmem>>
      %dma_wait3A_236 = arith.constant 0 : i32
      %dma_wait3A_237 = arith.constant 0 : i32
      %dma_wait3A_238 = tpu.memref_slice %arg2[%dma_wait3A_236, %dma_wait3A_237] : memref<10000x128xf32, #tpu.memory_space<hbm>> -> memref<10000x128xf32, #tpu.memory_space<hbm>>
      tpu.wait_indirect_dma semaphore(%arg11 : memref<!tpu.dma_semaphore, #tpu.memory_space<semaphore_mem>>) src(%dma_wait3A_238 : memref<10000x128xf32, #tpu.memory_space<hbm>>) dst(%arg9 : memref<128x128xf32, #tpu.memory_space<vmem>>)
      %dma_wait3A_239 = arith.constant 0 : i32
      %dma_wait3A_240 = arith.constant 0 : i32
      %dma_wait3A_241 = arith.constant 0 : i32
      %dma_wait3A_242 = tpu.memref_slice %arg8[%dma_wait3A_239, %dma_wait3A_240, %dma_wait3A_241] : memref<2x8x128xi32, #tpu.memory_space<vmem>> -> memref<1x1x128xi32, #tpu.memory_space<vmem>>
      %dma_wait3A_243 = tpu.memref_squeeze %dma_wait3A_242 : memref<1x1x128xi32, #tpu.memory_space<vmem>> -> memref<128xi32, #tpu.memory_space<vmem>>
      %dma_wait3A_244 = arith.constant 0 : i32
      %dma_wait3A_245 = arith.constant 0 : i32
      %dma_wait3A_246 = tpu.memref_slice %arg6[%dma_wait3A_244, %dma_wait3A_245] : memref<10112x128xf32, #tpu.memory_space<vmem_shared>> -> memref<10112x128xf32, #tpu.memory_space<vmem_shared>>
      tpu.wait_indirect_dma semaphore(%arg14 : memref<!tpu.dma_semaphore, #tpu.memory_space<semaphore_mem>>) src(%arg10 : memref<128x128xf32, #tpu.memory_space<vmem>>) dst(%dma_wait3A_246 : memref<10112x128xf32, #tpu.memory_space<vmem_shared>>)
      %dma_start3A_247 = arith.constant 7 : i32
      %dma_start3A_248 = arith.constant 0 : i32
      %dma_start3A_249 = tpu.memref_slice %arg7[%rem3A_56, %dma_start3A_247, %dma_start3A_248] : memref<2x8x128xi32, #tpu.memory_space<vmem>> -> memref<1x1x128xi32, #tpu.memory_space<vmem>>
      %dma_start3A_250 = tpu.memref_squeeze %dma_start3A_249 : memref<1x1x128xi32, #tpu.memory_space<vmem>> -> memref<128xi32, #tpu.memory_space<vmem>>
      %dma_start3A_251 = arith.constant 0 : i32
      %dma_start3A_252 = arith.constant 0 : i32
      %dma_start3A_253 = tpu.memref_slice %arg2[%dma_start3A_251, %dma_start3A_252] : memref<10000x128xf32, #tpu.memory_space<hbm>> -> memref<10000x128xf32, #tpu.memory_space<hbm>>
      tpu.enqueue_indirect_dma source(%dma_start3A_253 : memref<10000x128xf32, #tpu.memory_space<hbm>>) target(%arg10 : memref<128x128xf32, #tpu.memory_space<vmem>>) offsets(%dma_start3A_250 : memref<128xi32, #tpu.memory_space<vmem>>) semaphore(%arg12 : memref<!tpu.dma_semaphore, #tpu.memory_space<semaphore_mem>>)
      %dma_start3A_254 = arith.constant 6 : i32
      %dma_start3A_255 = arith.constant 0 : i32
      %dma_start3A_256 = tpu.memref_slice %arg8[%rem3A_56, %dma_start3A_254, %dma_start3A_255] : memref<2x8x128xi32, #tpu.memory_space<vmem>> -> memref<1x1x128xi32, #tpu.memory_space<vmem>>
      %dma_start3A_257 = tpu.memref_squeeze %dma_start3A_256 : memref<1x1x128xi32, #tpu.memory_space<vmem>> -> memref<128xi32, #tpu.memory_space<vmem>>
      %dma_start3A_258 = arith.constant 0 : i32
      %dma_start3A_259 = arith.constant 0 : i32
      %dma_start3A_260 = tpu.memref_slice %arg6[%dma_start3A_258, %dma_start3A_259] : memref<10112x128xf32, #tpu.memory_space<vmem_shared>> -> memref<10112x128xf32, #tpu.memory_space<vmem_shared>>
      tpu.enqueue_indirect_dma source(%arg9 : memref<128x128xf32, #tpu.memory_space<vmem>>) target(%dma_start3A_260 : memref<10112x128xf32, #tpu.memory_space<vmem_shared>>) offsets(%dma_start3A_257 : memref<128xi32, #tpu.memory_space<vmem>>) semaphore(%arg13 : memref<!tpu.dma_semaphore, #tpu.memory_space<semaphore_mem>>) {add = true}
      %dma_wait3A_261 = arith.constant 7 : i32
      %dma_wait3A_262 = arith.constant 0 : i32
      %dma_wait3A_263 = tpu.memref_slice %arg7[%rem3A_56, %dma_wait3A_261, %dma_wait3A_262] : memref<2x8x128xi32, #tpu.memory_space<vmem>> -> memref<1x1x128xi32, #tpu.memory_space<vmem>>
      %dma_wait3A_264 = tpu.memref_squeeze %dma_wait3A_263 : memref<1x1x128xi32, #tpu.memory_space<vmem>> -> memref<128xi32, #tpu.memory_space<vmem>>
      %dma_wait3A_265 = arith.constant 0 : i32
      %dma_wait3A_266 = arith.constant 0 : i32
      %dma_wait3A_267 = tpu.memref_slice %arg2[%dma_wait3A_265, %dma_wait3A_266] : memref<10000x128xf32, #tpu.memory_space<hbm>> -> memref<10000x128xf32, #tpu.memory_space<hbm>>
      tpu.wait_indirect_dma semaphore(%arg12 : memref<!tpu.dma_semaphore, #tpu.memory_space<semaphore_mem>>) src(%dma_wait3A_267 : memref<10000x128xf32, #tpu.memory_space<hbm>>) dst(%arg10 : memref<128x128xf32, #tpu.memory_space<vmem>>)
      %dma_wait3A_268 = arith.constant 0 : i32
      %dma_wait3A_269 = arith.constant 0 : i32
      %dma_wait3A_270 = arith.constant 0 : i32
      %dma_wait3A_271 = tpu.memref_slice %arg8[%dma_wait3A_268, %dma_wait3A_269, %dma_wait3A_270] : memref<2x8x128xi32, #tpu.memory_space<vmem>> -> memref<1x1x128xi32, #tpu.memory_space<vmem>>
      %dma_wait3A_272 = tpu.memref_squeeze %dma_wait3A_271 : memref<1x1x128xi32, #tpu.memory_space<vmem>> -> memref<128xi32, #tpu.memory_space<vmem>>
      %dma_wait3A_273 = arith.constant 0 : i32
      %dma_wait3A_274 = arith.constant 0 : i32
      %dma_wait3A_275 = tpu.memref_slice %arg6[%dma_wait3A_273, %dma_wait3A_274] : memref<10112x128xf32, #tpu.memory_space<vmem_shared>> -> memref<10112x128xf32, #tpu.memory_space<vmem_shared>>
      tpu.wait_indirect_dma semaphore(%arg13 : memref<!tpu.dma_semaphore, #tpu.memory_space<semaphore_mem>>) src(%arg9 : memref<128x128xf32, #tpu.memory_space<vmem>>) dst(%dma_wait3A_275 : memref<10112x128xf32, #tpu.memory_space<vmem_shared>>)
      %add3A_276 = arith.constant 1 : i32
      %add3A_277 = arith.addi %while3A_55, %add3A_276 : i32
      %lt3A_278 = arith.cmpi slt, %add3A_277, %select_n3A_4 : i32
      %convert_element_type3A_279 = arith.extui %lt3A_278 : i1 to i32
      %cond3A_280 = arith.constant 0 : i32
      %cond3A_281 = arith.cmpi ne, %convert_element_type3A_279, %cond3A_280 : i32
      scf.if %cond3A_281 {
        %dma_wait3A_289 = arith.constant 0 : i32
        %dma_wait3A_290 = arith.constant 0 : i32
        %dma_wait3A_291 = tpu.memref_slice %arg7[%sub3A_58, %dma_wait3A_289, %dma_wait3A_290] : memref<2x8x128xi32, #tpu.memory_space<vmem>> -> memref<1x8x128xi32, #tpu.memory_space<vmem>>
        %dma_wait3A_292 = tpu.memref_squeeze %dma_wait3A_291 : memref<1x8x128xi32, #tpu.memory_space<vmem>> -> memref<8x128xi32, #tpu.memory_space<vmem>>
        %dma_wait3A_293 = arith.constant 0 : i32
        %dma_wait3A_294 = tpu.memref_slice %arg3[%add3A, %dma_wait3A_293] : memref<2560x128xi32, #tpu.memory_space<hbm>> -> memref<8x128xi32, #tpu.memory_space<hbm>>
        %dma_wait3A_295 = arith.constant 0 : i32
        %dma_wait3A_296 = arith.constant 0 : i32
        %dma_wait3A_297 = tpu.memref_slice %arg7[%sub3A_58, %dma_wait3A_295, %dma_wait3A_296] : memref<2x8x128xi32, #tpu.memory_space<vmem>> -> memref<1x8x128xi32, #tpu.memory_space<vmem>>
        %dma_wait3A_298 = tpu.memref_squeeze %dma_wait3A_297 : memref<1x8x128xi32, #tpu.memory_space<vmem>> -> memref<8x128xi32, #tpu.memory_space<vmem>>
        %dma_wait3A_299 = arith.constant 0 : i32
        %dma_wait3A_300 = tpu.memref_slice %arg3[%add3A, %dma_wait3A_299] : memref<2560x128xi32, #tpu.memory_space<hbm>> -> memref<8x128xi32, #tpu.memory_space<hbm>>
        tpu.wait_dma2 semaphore(%arg15 : memref<!tpu.dma_semaphore, #tpu.memory_space<semaphore_mem>>) src(%dma_wait3A_300 : memref<8x128xi32, #tpu.memory_space<hbm>>) dst(%dma_wait3A_298 : memref<8x128xi32, #tpu.memory_space<vmem>>)
        %dma_wait3A_301 = arith.constant 0 : i32
        %dma_wait3A_302 = arith.constant 0 : i32
        %dma_wait3A_303 = tpu.memref_slice %arg8[%sub3A_58, %dma_wait3A_301, %dma_wait3A_302] : memref<2x8x128xi32, #tpu.memory_space<vmem>> -> memref<1x8x128xi32, #tpu.memory_space<vmem>>
        %dma_wait3A_304 = tpu.memref_squeeze %dma_wait3A_303 : memref<1x8x128xi32, #tpu.memory_space<vmem>> -> memref<8x128xi32, #tpu.memory_space<vmem>>
        %dma_wait3A_305 = arith.constant 0 : i32
        %dma_wait3A_306 = tpu.memref_slice %arg4[%add3A, %dma_wait3A_305] : memref<2560x128xi32, #tpu.memory_space<hbm>> -> memref<8x128xi32, #tpu.memory_space<hbm>>
        %dma_wait3A_307 = arith.constant 0 : i32
        %dma_wait3A_308 = arith.constant 0 : i32
        %dma_wait3A_309 = tpu.memref_slice %arg8[%sub3A_58, %dma_wait3A_307, %dma_wait3A_308] : memref<2x8x128xi32, #tpu.memory_space<vmem>> -> memref<1x8x128xi32, #tpu.memory_space<vmem>>
        %dma_wait3A_310 = tpu.memref_squeeze %dma_wait3A_309 : memref<1x8x128xi32, #tpu.memory_space<vmem>> -> memref<8x128xi32, #tpu.memory_space<vmem>>
        %dma_wait3A_311 = arith.constant 0 : i32
        %dma_wait3A_312 = tpu.memref_slice %arg4[%add3A, %dma_wait3A_311] : memref<2560x128xi32, #tpu.memory_space<hbm>> -> memref<8x128xi32, #tpu.memory_space<hbm>>
        tpu.wait_dma2 semaphore(%arg15 : memref<!tpu.dma_semaphore, #tpu.memory_space<semaphore_mem>>) src(%dma_wait3A_312 : memref<8x128xi32, #tpu.memory_space<hbm>>) dst(%dma_wait3A_310 : memref<8x128xi32, #tpu.memory_space<vmem>>)
        %dma_start3A_313 = arith.constant 0 : i32
        %dma_start3A_314 = arith.constant 0 : i32
        %dma_start3A_315 = tpu.memref_slice %arg7[%sub3A_58, %dma_start3A_313, %dma_start3A_314] : memref<2x8x128xi32, #tpu.memory_space<vmem>> -> memref<1x1x128xi32, #tpu.memory_space<vmem>>
        %dma_start3A_316 = tpu.memref_squeeze %dma_start3A_315 : memref<1x1x128xi32, #tpu.memory_space<vmem>> -> memref<128xi32, #tpu.memory_space<vmem>>
        %dma_start3A_317 = arith.constant 0 : i32
        %dma_start3A_318 = arith.constant 0 : i32
        %dma_start3A_319 = tpu.memref_slice %arg2[%dma_start3A_317, %dma_start3A_318] : memref<10000x128xf32, #tpu.memory_space<hbm>> -> memref<10000x128xf32, #tpu.memory_space<hbm>>
        tpu.enqueue_indirect_dma source(%dma_start3A_319 : memref<10000x128xf32, #tpu.memory_space<hbm>>) target(%arg9 : memref<128x128xf32, #tpu.memory_space<vmem>>) offsets(%dma_start3A_316 : memref<128xi32, #tpu.memory_space<vmem>>) semaphore(%arg11 : memref<!tpu.dma_semaphore, #tpu.memory_space<semaphore_mem>>)
      } else {
      }
      %dma_start3A_282 = arith.constant 7 : i32
      %dma_start3A_283 = arith.constant 0 : i32
      %dma_start3A_284 = tpu.memref_slice %arg8[%rem3A_56, %dma_start3A_282, %dma_start3A_283] : memref<2x8x128xi32, #tpu.memory_space<vmem>> -> memref<1x1x128xi32, #tpu.memory_space<vmem>>
      %dma_start3A_285 = tpu.memref_squeeze %dma_start3A_284 : memref<1x1x128xi32, #tpu.memory_space<vmem>> -> memref<128xi32, #tpu.memory_space<vmem>>
      %dma_start3A_286 = arith.constant 0 : i32
      %dma_start3A_287 = arith.constant 0 : i32
      %dma_start3A_288 = tpu.memref_slice %arg6[%dma_start3A_286, %dma_start3A_287] : memref<10112x128xf32, #tpu.memory_space<vmem_shared>> -> memref<10112x128xf32, #tpu.memory_space<vmem_shared>>
      tpu.enqueue_indirect_dma source(%arg10 : memref<128x128xf32, #tpu.memory_space<vmem>>) target(%dma_start3A_288 : memref<10112x128xf32, #tpu.memory_space<vmem_shared>>) offsets(%dma_start3A_285 : memref<128xi32, #tpu.memory_space<vmem>>) semaphore(%arg14 : memref<!tpu.dma_semaphore, #tpu.memory_space<semaphore_mem>>) {add = true}
    }
    %dma_wait3A = arith.constant 0 : i32
    %dma_wait3A_43 = arith.constant 0 : i32
    %dma_wait3A_44 = arith.constant 0 : i32
    %dma_wait3A_45 = tpu.memref_slice %arg8[%dma_wait3A, %dma_wait3A_43, %dma_wait3A_44] : memref<2x8x128xi32, #tpu.memory_space<vmem>> -> memref<1x1x128xi32, #tpu.memory_space<vmem>>
    %dma_wait3A_46 = tpu.memref_squeeze %dma_wait3A_45 : memref<1x1x128xi32, #tpu.memory_space<vmem>> -> memref<128xi32, #tpu.memory_space<vmem>>
    %dma_wait3A_47 = arith.constant 0 : i32
    %dma_wait3A_48 = arith.constant 0 : i32
    %dma_wait3A_49 = tpu.memref_slice %arg6[%dma_wait3A_47, %dma_wait3A_48] : memref<10112x128xf32, #tpu.memory_space<vmem_shared>> -> memref<10112x128xf32, #tpu.memory_space<vmem_shared>>
    tpu.wait_indirect_dma semaphore(%arg14 : memref<!tpu.dma_semaphore, #tpu.memory_space<semaphore_mem>>) src(%arg10 : memref<128x128xf32, #tpu.memory_space<vmem>>) dst(%dma_wait3A_49 : memref<10112x128xf32, #tpu.memory_space<vmem_shared>>)
    %barrier3A_50 = arith.constant 0 : index
    tpu.barrier barrier_id(%barrier3A_50)
    %mul3A_51 = arith.constant 632 : i32
    %mul3A_52 = arith.muli %arg1, %mul3A_51 : i32
    %mul3A_53 = arith.constant 632 : i32
    %mul3A_54 = arith.muli %arg1, %mul3A_53 : i32
    "tpu.region"() ({
      %run_scoped3A_55 = tpu.sem_alloc : memref<!tpu.dma_semaphore, #tpu.memory_space<semaphore_mem>>
      %dma_start3A_56 = arith.constant 0 : i32
      %dma_start3A_57 = tpu.memref_slice %arg5[%arg0, %mul3A_54, %dma_start3A_56] : memref<2x10112x128xf32, #tpu.memory_space<hbm>> -> memref<1x632x128xf32, #tpu.memory_space<hbm>>
      %dma_start3A_58 = tpu.memref_squeeze %dma_start3A_57 : memref<1x632x128xf32, #tpu.memory_space<hbm>> -> memref<632x128xf32, #tpu.memory_space<hbm>>
      %dma_start3A_59 = arith.constant 0 : i32
      %dma_start3A_60 = tpu.memref_slice %arg6[%mul3A_52, %dma_start3A_59] : memref<10112x128xf32, #tpu.memory_space<vmem_shared>> -> memref<632x128xf32, #tpu.memory_space<vmem_shared>>
      tpu.enqueue_dma source(%dma_start3A_60 : memref<632x128xf32, #tpu.memory_space<vmem_shared>>) target(%dma_start3A_58 : memref<632x128xf32, #tpu.memory_space<hbm>>) target_semaphore(%run_scoped3A_55 : memref<!tpu.dma_semaphore, #tpu.memory_space<semaphore_mem>>)
      %dma_wait3A_61 = arith.constant 0 : i32
      %dma_wait3A_62 = tpu.memref_slice %arg5[%arg0, %mul3A_54, %dma_wait3A_61] : memref<2x10112x128xf32, #tpu.memory_space<hbm>> -> memref<1x632x128xf32, #tpu.memory_space<hbm>>
      %dma_wait3A_63 = tpu.memref_squeeze %dma_wait3A_62 : memref<1x632x128xf32, #tpu.memory_space<hbm>> -> memref<632x128xf32, #tpu.memory_space<hbm>>
      %dma_wait3A_64 = arith.constant 0 : i32
      %dma_wait3A_65 = tpu.memref_slice %arg6[%mul3A_52, %dma_wait3A_64] : memref<10112x128xf32, #tpu.memory_space<vmem_shared>> -> memref<632x128xf32, #tpu.memory_space<vmem_shared>>
      tpu.wait_dma2 semaphore(%run_scoped3A_55 : memref<!tpu.dma_semaphore, #tpu.memory_space<semaphore_mem>>) src(%dma_wait3A_65 : memref<632x128xf32, #tpu.memory_space<vmem_shared>>) dst(%dma_wait3A_63 : memref<632x128xf32, #tpu.memory_space<hbm>>)
      tpu.yield
    }) : () -> ()
    return
  }
}

#map = affine_map<(d0, d1) -> (0, 0)>
#map1 = affine_map<(d0, d1) -> (0, 0, 0)>
module attributes {stable_mosaic.version = 14 : i64} {
  func.func @body(%arg0: i32, %arg1: i32, %arg2: memref<10000x128xf32, #tpu.memory_space<hbm>>, %arg3: memref<2560x128xi32, #tpu.memory_space<hbm>>, %arg4: memref<2560x128xi32, #tpu.memory_space<hbm>>, %arg5: memref<2x10112x128xf32, #tpu.memory_space<hbm>>, %arg6: memref<10112x128xf32, #tpu.memory_space<vmem_shared>>, %arg7: memref<2x8x128xi32, #tpu.memory_space<vmem>>, %arg8: memref<2x8x128xi32, #tpu.memory_space<vmem>>, %arg9: memref<128x128xf32, #tpu.memory_space<vmem>>, %arg10: memref<128x128xf32, #tpu.memory_space<vmem>>, %arg11: memref<!tpu.dma_semaphore, #tpu.memory_space<semaphore_mem>>, %arg12: memref<!tpu.dma_semaphore, #tpu.memory_space<semaphore_mem>>, %arg13: memref<!tpu.dma_semaphore, #tpu.memory_space<semaphore_mem>>, %arg14: memref<!tpu.dma_semaphore, #tpu.memory_space<semaphore_mem>>, %arg15: memref<!tpu.dma_semaphore, #tpu.memory_space<semaphore_mem>>) attributes {dimension_semantics = [#tpu.dimension_semantics<core_parallel>, #tpu.dimension_semantics<subcore_parallel>], iteration_bounds = array<i64: 2, 16>, scalar_prefetch = 0 : i64, scratch_operands = 10 : i64, tpu.core_type = #tpu.core_type<sc_vector_subcore>, window_params = [{transform_indices = #map}, {transform_indices = #map}, {transform_indices = #map}, {transform_indices = #map1}]} {
    %eq3A = arith.constant 0 : i32
    %eq3A_0 = arith.cmpi eq, %arg0, %eq3A : i32
    %jit3A = arith.constant 32 : i32
    %jit3A_1 = arith.constant 128 : i32
    %select_n3A = arith.select %eq3A_0, %jit3A, %jit3A_1 : i32
    %jit3A_2 = arith.constant 4 : i32
    %jit3A_3 = arith.constant 16 : i32
    %select_n3A_4 = arith.select %eq3A_0, %jit3A_2, %jit3A_3 : i32
    %mul3A = arith.constant 512 : i32
    %mul3A_5 = arith.muli %arg0, %mul3A : i32
    %mul3A_6 = arith.muli %arg1, %select_n3A : i32
    %add3A = arith.addi %mul3A_5, %mul3A_6 : i32
    %broadcast_in_dim3A = arith.constant 0.000000e+00 : f32
    %broadcast_in_dim3A_7 = vector.broadcast %broadcast_in_dim3A : f32 to vector<16xf32>
    %scan3A = arith.constant 0 : i32
    %scan3A_8 = arith.constant 0 : i32
    %scan3A_9 = arith.constant 128 : i32
    %scan3A_10 = arith.addi %scan3A_8, %scan3A_9 : i32
    %scan3A_11 = arith.constant 1 : i32
    scf.for %scan3A_55 = %scan3A_8 to %scan3A_10 step %scan3A_11  : i32 {
      %swap3A = arith.index_cast %scan3A_55 : i32 to index
      %swap3A_56 = arith.constant 0 : index
      %swap3A_57 = tpu.vector_load %arg9[%swap3A, %swap3A_56] {strides = array<i32>} : memref<128x128xf32, #tpu.memory_space<vmem>>, vector<1x16xf32>,
      %swap3A_58 = vector.shape_cast %swap3A_57 : vector<1x16xf32> to vector<16xf32>
      %swap3A_59 = vector.shape_cast %broadcast_in_dim3A_7 : vector<16xf32> to vector<1x16xf32>
      tpu.vector_store %arg9[%swap3A, %swap3A_56], %swap3A_59 {strides = array<i32>} : memref<128x128xf32, #tpu.memory_space<vmem>>, vector<1x16xf32>,
      %swap3A_60 = arith.index_cast %scan3A_55 : i32 to index
      %swap3A_61 = arith.constant 16 : index
      %swap3A_62 = tpu.vector_load %arg9[%swap3A_60, %swap3A_61] {strides = array<i32>} : memref<128x128xf32, #tpu.memory_space<vmem>>, vector<1x16xf32>,
      %swap3A_63 = vector.shape_cast %swap3A_62 : vector<1x16xf32> to vector<16xf32>
      %swap3A_64 = vector.shape_cast %broadcast_in_dim3A_7 : vector<16xf32> to vector<1x16xf32>
      tpu.vector_store %arg9[%swap3A_60, %swap3A_61], %swap3A_64 {strides = array<i32>} : memref<128x128xf32, #tpu.memory_space<vmem>>, vector<1x16xf32>,
      %swap3A_65 = arith.index_cast %scan3A_55 : i32 to index
      %swap3A_66 = arith.constant 32 : index
      %swap3A_67 = tpu.vector_load %arg9[%swap3A_65, %swap3A_66] {strides = array<i32>} : memref<128x128xf32, #tpu.memory_space<vmem>>, vector<1x16xf32>,
      %swap3A_68 = vector.shape_cast %swap3A_67 : vector<1x16xf32> to vector<16xf32>
      %swap3A_69 = vector.shape_cast %broadcast_in_dim3A_7 : vector<16xf32> to vector<1x16xf32>
      tpu.vector_store %arg9[%swap3A_65, %swap3A_66], %swap3A_69 {strides = array<i32>} : memref<128x128xf32, #tpu.memory_space<vmem>>, vector<1x16xf32>,
      %swap3A_70 = arith.index_cast %scan3A_55 : i32 to index
      %swap3A_71 = arith.constant 48 : index
      %swap3A_72 = tpu.vector_load %arg9[%swap3A_70, %swap3A_71] {strides = array<i32>} : memref<128x128xf32, #tpu.memory_space<vmem>>, vector<1x16xf32>,
      %swap3A_73 = vector.shape_cast %swap3A_72 : vector<1x16xf32> to vector<16xf32>
      %swap3A_74 = vector.shape_cast %broadcast_in_dim3A_7 : vector<16xf32> to vector<1x16xf32>
      tpu.vector_store %arg9[%swap3A_70, %swap3A_71], %swap3A_74 {strides = array<i32>} : memref<128x128xf32, #tpu.memory_space<vmem>>, vector<1x16xf32>,
      %swap3A_75 = arith.index_cast %scan3A_55 : i32 to index
      %swap3A_76 = arith.constant 64 : index
      %swap3A_77 = tpu.vector_load %arg9[%swap3A_75, %swap3A_76] {strides = array<i32>} : memref<128x128xf32, #tpu.memory_space<vmem>>, vector<1x16xf32>,
      %swap3A_78 = vector.shape_cast %swap3A_77 : vector<1x16xf32> to vector<16xf32>
      %swap3A_79 = vector.shape_cast %broadcast_in_dim3A_7 : vector<16xf32> to vector<1x16xf32>
      tpu.vector_store %arg9[%swap3A_75, %swap3A_76], %swap3A_79 {strides = array<i32>} : memref<128x128xf32, #tpu.memory_space<vmem>>, vector<1x16xf32>,
      %swap3A_80 = arith.index_cast %scan3A_55 : i32 to index
      %swap3A_81 = arith.constant 80 : index
      %swap3A_82 = tpu.vector_load %arg9[%swap3A_80, %swap3A_81] {strides = array<i32>} : memref<128x128xf32, #tpu.memory_space<vmem>>, vector<1x16xf32>,
      %swap3A_83 = vector.shape_cast %swap3A_82 : vector<1x16xf32> to vector<16xf32>
      %swap3A_84 = vector.shape_cast %broadcast_in_dim3A_7 : vector<16xf32> to vector<1x16xf32>
      tpu.vector_store %arg9[%swap3A_80, %swap3A_81], %swap3A_84 {strides = array<i32>} : memref<128x128xf32, #tpu.memory_space<vmem>>, vector<1x16xf32>,
      %swap3A_85 = arith.index_cast %scan3A_55 : i32 to index
      %swap3A_86 = arith.constant 96 : index
      %swap3A_87 = tpu.vector_load %arg9[%swap3A_85, %swap3A_86] {strides = array<i32>} : memref<128x128xf32, #tpu.memory_space<vmem>>, vector<1x16xf32>,
      %swap3A_88 = vector.shape_cast %swap3A_87 : vector<1x16xf32> to vector<16xf32>
      %swap3A_89 = vector.shape_cast %broadcast_in_dim3A_7 : vector<16xf32> to vector<1x16xf32>
      tpu.vector_store %arg9[%swap3A_85, %swap3A_86], %swap3A_89 {strides = array<i32>} : memref<128x128xf32, #tpu.memory_space<vmem>>, vector<1x16xf32>,
      %swap3A_90 = arith.index_cast %scan3A_55 : i32 to index
      %swap3A_91 = arith.constant 112 : index
      %swap3A_92 = tpu.vector_load %arg9[%swap3A_90, %swap3A_91] {strides = array<i32>} : memref<128x128xf32, #tpu.memory_space<vmem>>, vector<1x16xf32>,
      %swap3A_93 = vector.shape_cast %swap3A_92 : vector<1x16xf32> to vector<16xf32>
      %swap3A_94 = vector.shape_cast %broadcast_in_dim3A_7 : vector<16xf32> to vector<1x16xf32>
      tpu.vector_store %arg9[%swap3A_90, %swap3A_91], %swap3A_94 {strides = array<i32>} : memref<128x128xf32, #tpu.memory_space<vmem>>, vector<1x16xf32>,
    }
    %scan3A_12 = arith.constant 128 : i32
    %mul3A_13 = arith.constant 632 : i32
    %mul3A_14 = arith.muli %arg1, %mul3A_13 : i32
    %add3A_15 = arith.constant 0 : i32
    %add3A_16 = arith.addi %mul3A_14, %add3A_15 : i32
    "tpu.region"() ({
      %run_scoped3A_55 = tpu.sem_alloc : memref<!tpu.dma_semaphore, #tpu.memory_space<semaphore_mem>>
      %dma_start3A_56 = arith.constant 0 : i32
      %dma_start3A_57 = tpu.memref_slice %arg6[%add3A_16, %dma_start3A_56] : memref<10112x128xf32, #tpu.memory_space<vmem_shared>> -> memref<128x128xf32, #tpu.memory_space<vmem_shared>>
      %dma_start3A_58 = arith.constant 0 : i32
      %dma_start3A_59 = tpu.memref_slice %arg6[%add3A_16, %dma_start3A_58] : memref<10112x128xf32, #tpu.memory_space<vmem_shared>> -> memref<128x128xf32, #tpu.memory_space<vmem_shared>>
      tpu.enqueue_dma source(%arg9 : memref<128x128xf32, #tpu.memory_space<vmem>>) target(%dma_start3A_59 : memref<128x128xf32, #tpu.memory_space<vmem_shared>>) target_semaphore(%run_scoped3A_55 : memref<!tpu.dma_semaphore, #tpu.memory_space<semaphore_mem>>)
      %dma_wait3A_60 = arith.constant 0 : i32
      %dma_wait3A_61 = tpu.memref_slice %arg6[%add3A_16, %dma_wait3A_60] : memref<10112x128xf32, #tpu.memory_space<vmem_shared>> -> memref<128x128xf32, #tpu.memory_space<vmem_shared>>
      %dma_wait3A_62 = arith.constant 0 : i32
      %dma_wait3A_63 = tpu.memref_slice %arg6[%add3A_16, %dma_wait3A_62] : memref<10112x128xf32, #tpu.memory_space<vmem_shared>> -> memref<128x128xf32, #tpu.memory_space<vmem_shared>>
      tpu.wait_dma2 semaphore(%run_scoped3A_55 : memref<!tpu.dma_semaphore, #tpu.memory_space<semaphore_mem>>) src(%arg9 : memref<128x128xf32, #tpu.memory_space<vmem>>) dst(%dma_wait3A_63 : memref<128x128xf32, #tpu.memory_space<vmem_shared>>)
      tpu.yield
    }) : () -> ()
    %add3A_17 = arith.constant 128 : i32
    %add3A_18 = arith.addi %mul3A_14, %add3A_17 : i32
    "tpu.region"() ({
      %run_scoped3A_55 = tpu.sem_alloc : memref<!tpu.dma_semaphore, #tpu.memory_space<semaphore_mem>>
      %dma_start3A_56 = arith.constant 0 : i32
      %dma_start3A_57 = tpu.memref_slice %arg6[%add3A_18, %dma_start3A_56] : memref<10112x128xf32, #tpu.memory_space<vmem_shared>> -> memref<128x128xf32, #tpu.memory_space<vmem_shared>>
      %dma_start3A_58 = arith.constant 0 : i32
      %dma_start3A_59 = tpu.memref_slice %arg6[%add3A_18, %dma_start3A_58] : memref<10112x128xf32, #tpu.memory_space<vmem_shared>> -> memref<128x128xf32, #tpu.memory_space<vmem_shared>>
      tpu.enqueue_dma source(%arg9 : memref<128x128xf32, #tpu.memory_space<vmem>>) target(%dma_start3A_59 : memref<128x128xf32, #tpu.memory_space<vmem_shared>>) target_semaphore(%run_scoped3A_55 : memref<!tpu.dma_semaphore, #tpu.memory_space<semaphore_mem>>)
      %dma_wait3A_60 = arith.constant 0 : i32
      %dma_wait3A_61 = tpu.memref_slice %arg6[%add3A_18, %dma_wait3A_60] : memref<10112x128xf32, #tpu.memory_space<vmem_shared>> -> memref<128x128xf32, #tpu.memory_space<vmem_shared>>
      %dma_wait3A_62 = arith.constant 0 : i32
      %dma_wait3A_63 = tpu.memref_slice %arg6[%add3A_18, %dma_wait3A_62] : memref<10112x128xf32, #tpu.memory_space<vmem_shared>> -> memref<128x128xf32, #tpu.memory_space<vmem_shared>>
      tpu.wait_dma2 semaphore(%run_scoped3A_55 : memref<!tpu.dma_semaphore, #tpu.memory_space<semaphore_mem>>) src(%arg9 : memref<128x128xf32, #tpu.memory_space<vmem>>) dst(%dma_wait3A_63 : memref<128x128xf32, #tpu.memory_space<vmem_shared>>)
      tpu.yield
    }) : () -> ()
    %add3A_19 = arith.constant 256 : i32
    %add3A_20 = arith.addi %mul3A_14, %add3A_19 : i32
    "tpu.region"() ({
      %run_scoped3A_55 = tpu.sem_alloc : memref<!tpu.dma_semaphore, #tpu.memory_space<semaphore_mem>>
      %dma_start3A_56 = arith.constant 0 : i32
      %dma_start3A_57 = tpu.memref_slice %arg6[%add3A_20, %dma_start3A_56] : memref<10112x128xf32, #tpu.memory_space<vmem_shared>> -> memref<128x128xf32, #tpu.memory_space<vmem_shared>>
      %dma_start3A_58 = arith.constant 0 : i32
      %dma_start3A_59 = tpu.memref_slice %arg6[%add3A_20, %dma_start3A_58] : memref<10112x128xf32, #tpu.memory_space<vmem_shared>> -> memref<128x128xf32, #tpu.memory_space<vmem_shared>>
      tpu.enqueue_dma source(%arg9 : memref<128x128xf32, #tpu.memory_space<vmem>>) target(%dma_start3A_59 : memref<128x128xf32, #tpu.memory_space<vmem_shared>>) target_semaphore(%run_scoped3A_55 : memref<!tpu.dma_semaphore, #tpu.memory_space<semaphore_mem>>)
      %dma_wait3A_60 = arith.constant 0 : i32
      %dma_wait3A_61 = tpu.memref_slice %arg6[%add3A_20, %dma_wait3A_60] : memref<10112x128xf32, #tpu.memory_space<vmem_shared>> -> memref<128x128xf32, #tpu.memory_space<vmem_shared>>
      %dma_wait3A_62 = arith.constant 0 : i32
      %dma_wait3A_63 = tpu.memref_slice %arg6[%add3A_20, %dma_wait3A_62] : memref<10112x128xf32, #tpu.memory_space<vmem_shared>> -> memref<128x128xf32, #tpu.memory_space<vmem_shared>>
      tpu.wait_dma2 semaphore(%run_scoped3A_55 : memref<!tpu.dma_semaphore, #tpu.memory_space<semaphore_mem>>) src(%arg9 : memref<128x128xf32, #tpu.memory_space<vmem>>) dst(%dma_wait3A_63 : memref<128x128xf32, #tpu.memory_space<vmem_shared>>)
      tpu.yield
    }) : () -> ()
    %add3A_21 = arith.constant 384 : i32
    %add3A_22 = arith.addi %mul3A_14, %add3A_21 : i32
    "tpu.region"() ({
      %run_scoped3A_55 = tpu.sem_alloc : memref<!tpu.dma_semaphore, #tpu.memory_space<semaphore_mem>>
      %dma_start3A_56 = arith.constant 0 : i32
      %dma_start3A_57 = tpu.memref_slice %arg6[%add3A_22, %dma_start3A_56] : memref<10112x128xf32, #tpu.memory_space<vmem_shared>> -> memref<128x128xf32, #tpu.memory_space<vmem_shared>>
      %dma_start3A_58 = arith.constant 0 : i32
      %dma_start3A_59 = tpu.memref_slice %arg6[%add3A_22, %dma_start3A_58] : memref<10112x128xf32, #tpu.memory_space<vmem_shared>> -> memref<128x128xf32, #tpu.memory_space<vmem_shared>>
      tpu.enqueue_dma source(%arg9 : memref<128x128xf32, #tpu.memory_space<vmem>>) target(%dma_start3A_59 : memref<128x128xf32, #tpu.memory_space<vmem_shared>>) target_semaphore(%run_scoped3A_55 : memref<!tpu.dma_semaphore, #tpu.memory_space<semaphore_mem>>)
      %dma_wait3A_60 = arith.constant 0 : i32
      %dma_wait3A_61 = tpu.memref_slice %arg6[%add3A_22, %dma_wait3A_60] : memref<10112x128xf32, #tpu.memory_space<vmem_shared>> -> memref<128x128xf32, #tpu.memory_space<vmem_shared>>
      %dma_wait3A_62 = arith.constant 0 : i32
      %dma_wait3A_63 = tpu.memref_slice %arg6[%add3A_22, %dma_wait3A_62] : memref<10112x128xf32, #tpu.memory_space<vmem_shared>> -> memref<128x128xf32, #tpu.memory_space<vmem_shared>>
      tpu.wait_dma2 semaphore(%run_scoped3A_55 : memref<!tpu.dma_semaphore, #tpu.memory_space<semaphore_mem>>) src(%arg9 : memref<128x128xf32, #tpu.memory_space<vmem>>) dst(%dma_wait3A_63 : memref<128x128xf32, #tpu.memory_space<vmem_shared>>)
      tpu.yield
    }) : () -> ()
    %add3A_23 = arith.constant 632 : i32
    %add3A_24 = arith.addi %mul3A_14, %add3A_23 : i32
    %sub3A = arith.constant 120 : i32
    %sub3A_25 = arith.subi %add3A_24, %sub3A : i32
    "tpu.region"() ({
      %run_scoped3A_55 = tpu.sem_alloc : memref<!tpu.dma_semaphore, #tpu.memory_space<semaphore_mem>>
      %dma_start3A_56 = arith.constant 0 : i32
      %dma_start3A_57 = arith.constant 0 : i32
      %dma_start3A_58 = tpu.memref_slice %arg9[%dma_start3A_56, %dma_start3A_57] : memref<128x128xf32, #tpu.memory_space<vmem>> -> memref<120x128xf32, #tpu.memory_space<vmem>>
      %dma_start3A_59 = arith.constant 0 : i32
      %dma_start3A_60 = tpu.memref_slice %arg6[%sub3A_25, %dma_start3A_59] : memref<10112x128xf32, #tpu.memory_space<vmem_shared>> -> memref<120x128xf32, #tpu.memory_space<vmem_shared>>
      %dma_start3A_61 = arith.constant 0 : i32
      %dma_start3A_62 = tpu.memref_slice %arg6[%sub3A_25, %dma_start3A_61] : memref<10112x128xf32, #tpu.memory_space<vmem_shared>> -> memref<120x128xf32, #tpu.memory_space<vmem_shared>>
      %dma_start3A_63 = arith.constant 0 : i32
      %dma_start3A_64 = arith.constant 0 : i32
      %dma_start3A_65 = tpu.memref_slice %arg9[%dma_start3A_63, %dma_start3A_64] : memref<128x128xf32, #tpu.memory_space<vmem>> -> memref<120x128xf32, #tpu.memory_space<vmem>>
      tpu.enqueue_dma source(%dma_start3A_65 : memref<120x128xf32, #tpu.memory_space<vmem>>) target(%dma_start3A_62 : memref<120x128xf32, #tpu.memory_space<vmem_shared>>) target_semaphore(%run_scoped3A_55 : memref<!tpu.dma_semaphore, #tpu.memory_space<semaphore_mem>>)
      %dma_wait3A_66 = arith.constant 0 : i32
      %dma_wait3A_67 = arith.constant 0 : i32
      %dma_wait3A_68 = tpu.memref_slice %arg9[%dma_wait3A_66, %dma_wait3A_67] : memref<128x128xf32, #tpu.memory_space<vmem>> -> memref<120x128xf32, #tpu.memory_space<vmem>>
      %dma_wait3A_69 = arith.constant 0 : i32
      %dma_wait3A_70 = tpu.memref_slice %arg6[%sub3A_25, %dma_wait3A_69] : memref<10112x128xf32, #tpu.memory_space<vmem_shared>> -> memref<120x128xf32, #tpu.memory_space<vmem_shared>>
      %dma_wait3A_71 = arith.constant 0 : i32
      %dma_wait3A_72 = tpu.memref_slice %arg6[%sub3A_25, %dma_wait3A_71] : memref<10112x128xf32, #tpu.memory_space<vmem_shared>> -> memref<120x128xf32, #tpu.memory_space<vmem_shared>>
      %dma_wait3A_73 = arith.constant 0 : i32
      %dma_wait3A_74 = arith.constant 0 : i32
      %dma_wait3A_75 = tpu.memref_slice %arg9[%dma_wait3A_73, %dma_wait3A_74] : memref<128x128xf32, #tpu.memory_space<vmem>> -> memref<120x128xf32, #tpu.memory_space<vmem>>
      tpu.wait_dma2 semaphore(%run_scoped3A_55 : memref<!tpu.dma_semaphore, #tpu.memory_space<semaphore_mem>>) src(%dma_wait3A_75 : memref<120x128xf32, #tpu.memory_space<vmem>>) dst(%dma_wait3A_72 : memref<120x128xf32, #tpu.memory_space<vmem_shared>>)
      tpu.yield
    }) : () -> ()
    %barrier3A = arith.constant 0 : index
    tpu.barrier barrier_id(%barrier3A)
    %run_scoped3A = arith.constant 0 : i32
    "tpu.region"() ({
      %run_scoped3A_55 = tpu.sem_alloc : memref<!tpu.dma_semaphore, #tpu.memory_space<semaphore_mem>>
      %dma_start3A_56 = arith.constant 0 : i32
      %dma_start3A_57 = arith.constant 0 : i32
      %dma_start3A_58 = tpu.memref_slice %arg7[%run_scoped3A, %dma_start3A_56, %dma_start3A_57] : memref<2x8x128xi32, #tpu.memory_space<vmem>> -> memref<1x8x128xi32, #tpu.memory_space<vmem>>
      %dma_start3A_59 = tpu.memref_squeeze %dma_start3A_58 : memref<1x8x128xi32, #tpu.memory_space<vmem>> -> memref<8x128xi32, #tpu.memory_space<vmem>>
      %dma_start3A_60 = arith.constant 0 : i32
      %dma_start3A_61 = tpu.memref_slice %arg3[%add3A, %dma_start3A_60] : memref<2560x128xi32, #tpu.memory_space<hbm>> -> memref<8x128xi32, #tpu.memory_space<hbm>>
      %dma_start3A_62 = arith.constant 0 : i32
      %dma_start3A_63 = arith.constant 0 : i32
      %dma_start3A_64 = tpu.memref_slice %arg7[%run_scoped3A, %dma_start3A_62, %dma_start3A_63] : memref<2x8x128xi32, #tpu.memory_space<vmem>> -> memref<1x8x128xi32, #tpu.memory_space<vmem>>
      %dma_start3A_65 = tpu.memref_squeeze %dma_start3A_64 : memref<1x8x128xi32, #tpu.memory_space<vmem>> -> memref<8x128xi32, #tpu.memory_space<vmem>>
      %dma_start3A_66 = arith.constant 0 : i32
      %dma_start3A_67 = tpu.memref_slice %arg3[%add3A, %dma_start3A_66] : memref<2560x128xi32, #tpu.memory_space<hbm>> -> memref<8x128xi32, #tpu.memory_space<hbm>>
      tpu.enqueue_dma source(%dma_start3A_67 : memref<8x128xi32, #tpu.memory_space<hbm>>) target(%dma_start3A_65 : memref<8x128xi32, #tpu.memory_space<vmem>>) target_semaphore(%run_scoped3A_55 : memref<!tpu.dma_semaphore, #tpu.memory_space<semaphore_mem>>)
      %dma_wait3A_68 = arith.constant 0 : i32
      %dma_wait3A_69 = arith.constant 0 : i32
      %dma_wait3A_70 = tpu.memref_slice %arg7[%run_scoped3A, %dma_wait3A_68, %dma_wait3A_69] : memref<2x8x128xi32, #tpu.memory_space<vmem>> -> memref<1x8x128xi32, #tpu.memory_space<vmem>>
      %dma_wait3A_71 = tpu.memref_squeeze %dma_wait3A_70 : memref<1x8x128xi32, #tpu.memory_space<vmem>> -> memref<8x128xi32, #tpu.memory_space<vmem>>
      %dma_wait3A_72 = arith.constant 0 : i32
      %dma_wait3A_73 = tpu.memref_slice %arg3[%add3A, %dma_wait3A_72] : memref<2560x128xi32, #tpu.memory_space<hbm>> -> memref<8x128xi32, #tpu.memory_space<hbm>>
      %dma_wait3A_74 = arith.constant 0 : i32
      %dma_wait3A_75 = arith.constant 0 : i32
      %dma_wait3A_76 = tpu.memref_slice %arg7[%run_scoped3A, %dma_wait3A_74, %dma_wait3A_75] : memref<2x8x128xi32, #tpu.memory_space<vmem>> -> memref<1x8x128xi32, #tpu.memory_space<vmem>>
      %dma_wait3A_77 = tpu.memref_squeeze %dma_wait3A_76 : memref<1x8x128xi32, #tpu.memory_space<vmem>> -> memref<8x128xi32, #tpu.memory_space<vmem>>
      %dma_wait3A_78 = arith.constant 0 : i32
      %dma_wait3A_79 = tpu.memref_slice %arg3[%add3A, %dma_wait3A_78] : memref<2560x128xi32, #tpu.memory_space<hbm>> -> memref<8x128xi32, #tpu.memory_space<hbm>>
      tpu.wait_dma2 semaphore(%run_scoped3A_55 : memref<!tpu.dma_semaphore, #tpu.memory_space<semaphore_mem>>) src(%dma_wait3A_79 : memref<8x128xi32, #tpu.memory_space<hbm>>) dst(%dma_wait3A_77 : memref<8x128xi32, #tpu.memory_space<vmem>>)
      tpu.yield
    }) : () -> ()
    %run_scoped3A_26 = arith.constant 0 : i32
    "tpu.region"() ({
      %run_scoped3A_55 = tpu.sem_alloc : memref<!tpu.dma_semaphore, #tpu.memory_space<semaphore_mem>>
      %dma_start3A_56 = arith.constant 0 : i32
      %dma_start3A_57 = arith.constant 0 : i32
      %dma_start3A_58 = tpu.memref_slice %arg8[%run_scoped3A_26, %dma_start3A_56, %dma_start3A_57] : memref<2x8x128xi32, #tpu.memory_space<vmem>> -> memref<1x8x128xi32, #tpu.memory_space<vmem>>
      %dma_start3A_59 = tpu.memref_squeeze %dma_start3A_58 : memref<1x8x128xi32, #tpu.memory_space<vmem>> -> memref<8x128xi32, #tpu.memory_space<vmem>>
      %dma_start3A_60 = arith.constant 0 : i32
      %dma_start3A_61 = tpu.memref_slice %arg4[%add3A, %dma_start3A_60] : memref<2560x128xi32, #tpu.memory_space<hbm>> -> memref<8x128xi32, #tpu.memory_space<hbm>>
      %dma_start3A_62 = arith.constant 0 : i32
      %dma_start3A_63 = arith.constant 0 : i32
      %dma_start3A_64 = tpu.memref_slice %arg8[%run_scoped3A_26, %dma_start3A_62, %dma_start3A_63] : memref<2x8x128xi32, #tpu.memory_space<vmem>> -> memref<1x8x128xi32, #tpu.memory_space<vmem>>
      %dma_start3A_65 = tpu.memref_squeeze %dma_start3A_64 : memref<1x8x128xi32, #tpu.memory_space<vmem>> -> memref<8x128xi32, #tpu.memory_space<vmem>>
      %dma_start3A_66 = arith.constant 0 : i32
      %dma_start3A_67 = tpu.memref_slice %arg4[%add3A, %dma_start3A_66] : memref<2560x128xi32, #tpu.memory_space<hbm>> -> memref<8x128xi32, #tpu.memory_space<hbm>>
      tpu.enqueue_dma source(%dma_start3A_67 : memref<8x128xi32, #tpu.memory_space<hbm>>) target(%dma_start3A_65 : memref<8x128xi32, #tpu.memory_space<vmem>>) target_semaphore(%run_scoped3A_55 : memref<!tpu.dma_semaphore, #tpu.memory_space<semaphore_mem>>)
      %dma_wait3A_68 = arith.constant 0 : i32
      %dma_wait3A_69 = arith.constant 0 : i32
      %dma_wait3A_70 = tpu.memref_slice %arg8[%run_scoped3A_26, %dma_wait3A_68, %dma_wait3A_69] : memref<2x8x128xi32, #tpu.memory_space<vmem>> -> memref<1x8x128xi32, #tpu.memory_space<vmem>>
      %dma_wait3A_71 = tpu.memref_squeeze %dma_wait3A_70 : memref<1x8x128xi32, #tpu.memory_space<vmem>> -> memref<8x128xi32, #tpu.memory_space<vmem>>
      %dma_wait3A_72 = arith.constant 0 : i32
      %dma_wait3A_73 = tpu.memref_slice %arg4[%add3A, %dma_wait3A_72] : memref<2560x128xi32, #tpu.memory_space<hbm>> -> memref<8x128xi32, #tpu.memory_space<hbm>>
      %dma_wait3A_74 = arith.constant 0 : i32
      %dma_wait3A_75 = arith.constant 0 : i32
      %dma_wait3A_76 = tpu.memref_slice %arg8[%run_scoped3A_26, %dma_wait3A_74, %dma_wait3A_75] : memref<2x8x128xi32, #tpu.memory_space<vmem>> -> memref<1x8x128xi32, #tpu.memory_space<vmem>>
      %dma_wait3A_77 = tpu.memref_squeeze %dma_wait3A_76 : memref<1x8x128xi32, #tpu.memory_space<vmem>> -> memref<8x128xi32, #tpu.memory_space<vmem>>
      %dma_wait3A_78 = arith.constant 0 : i32
      %dma_wait3A_79 = tpu.memref_slice %arg4[%add3A, %dma_wait3A_78] : memref<2560x128xi32, #tpu.memory_space<hbm>> -> memref<8x128xi32, #tpu.memory_space<hbm>>
      tpu.wait_dma2 semaphore(%run_scoped3A_55 : memref<!tpu.dma_semaphore, #tpu.memory_space<semaphore_mem>>) src(%dma_wait3A_79 : memref<8x128xi32, #tpu.memory_space<hbm>>) dst(%dma_wait3A_77 : memref<8x128xi32, #tpu.memory_space<vmem>>)
      tpu.yield
    }) : () -> ()
    %dma_start3A = arith.constant 0 : i32
    %dma_start3A_27 = arith.constant 0 : i32
    %dma_start3A_28 = arith.constant 0 : i32
    %dma_start3A_29 = tpu.memref_slice %arg7[%dma_start3A, %dma_start3A_27, %dma_start3A_28] : memref<2x8x128xi32, #tpu.memory_space<vmem>> -> memref<1x1x128xi32, #tpu.memory_space<vmem>>
    %dma_start3A_30 = tpu.memref_squeeze %dma_start3A_29 : memref<1x1x128xi32, #tpu.memory_space<vmem>> -> memref<128xi32, #tpu.memory_space<vmem>>
    %dma_start3A_31 = arith.constant 0 : i32
    %dma_start3A_32 = arith.constant 0 : i32
    %dma_start3A_33 = tpu.memref_slice %arg2[%dma_start3A_31, %dma_start3A_32] : memref<10000x128xf32, #tpu.memory_space<hbm>> -> memref<10000x128xf32, #tpu.memory_space<hbm>>
    tpu.enqueue_indirect_dma source(%dma_start3A_33 : memref<10000x128xf32, #tpu.memory_space<hbm>>) target(%arg9 : memref<128x128xf32, #tpu.memory_space<vmem>>) offsets(%dma_start3A_30 : memref<128xi32, #tpu.memory_space<vmem>>) semaphore(%arg11 : memref<!tpu.dma_semaphore, #tpu.memory_space<semaphore_mem>>)
    %while3A = arith.constant 0 : i32
    %while3A_34 = arith.constant 0 : i32
    %while3A_35 = arith.subi %select_n3A_4, %while3A_34 : i32
    %while3A_36 = arith.addi %while3A_34, %while3A_35 : i32
    %while3A_37 = arith.constant 1 : i32
    %while3A_38 = arith.divsi %while3A_35, %while3A_37 : i32
    %while3A_39 = arith.muli %while3A_38, %while3A_37 : i32
    %while3A_40 = arith.addi %while3A_34, %while3A_39 : i32
    %while3A_41 = arith.constant 1 : i32
    scf.for %while3A_55 = %while3A_34 to %while3A_40 step %while3A_41  : i32 {
      %rem3A = arith.constant 2 : i32
      %rem3A_56 = arith.remsi %while3A_55, %rem3A : i32
      %sub3A_57 = arith.constant 1 : i32
      %sub3A_58 = arith.subi %sub3A_57, %rem3A_56 : i32
      %dma_wait3A_59 = arith.constant 0 : i32
      %dma_wait3A_60 = arith.constant 0 : i32
      %dma_wait3A_61 = tpu.memref_slice %arg7[%rem3A_56, %dma_wait3A_59, %dma_wait3A_60] : memref<2x8x128xi32, #tpu.memory_space<vmem>> -> memref<1x1x128xi32, #tpu.memory_space<vmem>>
      %dma_wait3A_62 = tpu.memref_squeeze %dma_wait3A_61 : memref<1x1x128xi32, #tpu.memory_space<vmem>> -> memref<128xi32, #tpu.memory_space<vmem>>
      %dma_wait3A_63 = arith.constant 0 : i32
      %dma_wait3A_64 = arith.constant 0 : i32
      %dma_wait3A_65 = tpu.memref_slice %arg2[%dma_wait3A_63, %dma_wait3A_64] : memref<10000x128xf32, #tpu.memory_space<hbm>> -> memref<10000x128xf32, #tpu.memory_space<hbm>>
      tpu.wait_indirect_dma semaphore(%arg11 : memref<!tpu.dma_semaphore, #tpu.memory_space<semaphore_mem>>) src(%dma_wait3A_65 : memref<10000x128xf32, #tpu.memory_space<hbm>>) dst(%arg9 : memref<128x128xf32, #tpu.memory_space<vmem>>)
      %ge3A = arith.constant 1 : i32
      %ge3A_66 = arith.cmpi sge, %while3A_55, %ge3A : i32
      %convert_element_type3A = arith.extui %ge3A_66 : i1 to i32
      %cond3A = arith.constant 0 : i32
      %cond3A_67 = arith.cmpi ne, %convert_element_type3A, %cond3A : i32
      scf.if %cond3A_67 {
        %dma_wait3A_289 = arith.constant 0 : i32
        %dma_wait3A_290 = arith.constant 0 : i32
        %dma_wait3A_291 = arith.constant 0 : i32
        %dma_wait3A_292 = tpu.memref_slice %arg8[%dma_wait3A_289, %dma_wait3A_290, %dma_wait3A_291] : memref<2x8x128xi32, #tpu.memory_space<vmem>> -> memref<1x1x128xi32, #tpu.memory_space<vmem>>
        %dma_wait3A_293 = tpu.memref_squeeze %dma_wait3A_292 : memref<1x1x128xi32, #tpu.memory_space<vmem>> -> memref<128xi32, #tpu.memory_space<vmem>>
        %dma_wait3A_294 = arith.constant 0 : i32
        %dma_wait3A_295 = arith.constant 0 : i32
        %dma_wait3A_296 = tpu.memref_slice %arg6[%dma_wait3A_294, %dma_wait3A_295] : memref<10112x128xf32, #tpu.memory_space<vmem_shared>> -> memref<10112x128xf32, #tpu.memory_space<vmem_shared>>
        tpu.wait_indirect_dma semaphore(%arg14 : memref<!tpu.dma_semaphore, #tpu.memory_space<semaphore_mem>>) src(%arg10 : memref<128x128xf32, #tpu.memory_space<vmem>>) dst(%dma_wait3A_296 : memref<10112x128xf32, #tpu.memory_space<vmem_shared>>)
      } else {
      }
      %dma_start3A_68 = arith.constant 1 : i32
      %dma_start3A_69 = arith.constant 0 : i32
      %dma_start3A_70 = tpu.memref_slice %arg7[%rem3A_56, %dma_start3A_68, %dma_start3A_69] : memref<2x8x128xi32, #tpu.memory_space<vmem>> -> memref<1x1x128xi32, #tpu.memory_space<vmem>>
      %dma_start3A_71 = tpu.memref_squeeze %dma_start3A_70 : memref<1x1x128xi32, #tpu.memory_space<vmem>> -> memref<128xi32, #tpu.memory_space<vmem>>
      %dma_start3A_72 = arith.constant 0 : i32
      %dma_start3A_73 = arith.constant 0 : i32
      %dma_start3A_74 = tpu.memref_slice %arg2[%dma_start3A_72, %dma_start3A_73] : memref<10000x128xf32, #tpu.memory_space<hbm>> -> memref<10000x128xf32, #tpu.memory_space<hbm>>
      tpu.enqueue_indirect_dma source(%dma_start3A_74 : memref<10000x128xf32, #tpu.memory_space<hbm>>) target(%arg10 : memref<128x128xf32, #tpu.memory_space<vmem>>) offsets(%dma_start3A_71 : memref<128xi32, #tpu.memory_space<vmem>>) semaphore(%arg12 : memref<!tpu.dma_semaphore, #tpu.memory_space<semaphore_mem>>)
      %dma_start3A_75 = arith.constant 0 : i32
      %dma_start3A_76 = arith.constant 0 : i32
      %dma_start3A_77 = tpu.memref_slice %arg8[%rem3A_56, %dma_start3A_75, %dma_start3A_76] : memref<2x8x128xi32, #tpu.memory_space<vmem>> -> memref<1x1x128xi32, #tpu.memory_space<vmem>>
      %dma_start3A_78 = tpu.memref_squeeze %dma_start3A_77 : memref<1x1x128xi32, #tpu.memory_space<vmem>> -> memref<128xi32, #tpu.memory_space<vmem>>
      %dma_start3A_79 = arith.constant 0 : i32
      %dma_start3A_80 = arith.constant 0 : i32
      %dma_start3A_81 = tpu.memref_slice %arg6[%dma_start3A_79, %dma_start3A_80] : memref<10112x128xf32, #tpu.memory_space<vmem_shared>> -> memref<10112x128xf32, #tpu.memory_space<vmem_shared>>
      tpu.enqueue_indirect_dma source(%arg9 : memref<128x128xf32, #tpu.memory_space<vmem>>) target(%dma_start3A_81 : memref<10112x128xf32, #tpu.memory_space<vmem_shared>>) offsets(%dma_start3A_78 : memref<128xi32, #tpu.memory_space<vmem>>) semaphore(%arg13 : memref<!tpu.dma_semaphore, #tpu.memory_space<semaphore_mem>>) {add = true}
      %dma_wait3A_82 = arith.constant 1 : i32
      %dma_wait3A_83 = arith.constant 0 : i32
      %dma_wait3A_84 = tpu.memref_slice %arg7[%rem3A_56, %dma_wait3A_82, %dma_wait3A_83] : memref<2x8x128xi32, #tpu.memory_space<vmem>> -> memref<1x1x128xi32, #tpu.memory_space<vmem>>
      %dma_wait3A_85 = tpu.memref_squeeze %dma_wait3A_84 : memref<1x1x128xi32, #tpu.memory_space<vmem>> -> memref<128xi32, #tpu.memory_space<vmem>>
      %dma_wait3A_86 = arith.constant 0 : i32
      %dma_wait3A_87 = arith.constant 0 : i32
      %dma_wait3A_88 = tpu.memref_slice %arg2[%dma_wait3A_86, %dma_wait3A_87] : memref<10000x128xf32, #tpu.memory_space<hbm>> -> memref<10000x128xf32, #tpu.memory_space<hbm>>
      tpu.wait_indirect_dma semaphore(%arg12 : memref<!tpu.dma_semaphore, #tpu.memory_space<semaphore_mem>>) src(%dma_wait3A_88 : memref<10000x128xf32, #tpu.memory_space<hbm>>) dst(%arg10 : memref<128x128xf32, #tpu.memory_space<vmem>>)
      %dma_wait3A_89 = arith.constant 0 : i32
      %dma_wait3A_90 = arith.constant 0 : i32
      %dma_wait3A_91 = arith.constant 0 : i32
      %dma_wait3A_92 = tpu.memref_slice %arg8[%dma_wait3A_89, %dma_wait3A_90, %dma_wait3A_91] : memref<2x8x128xi32, #tpu.memory_space<vmem>> -> memref<1x1x128xi32, #tpu.memory_space<vmem>>
      %dma_wait3A_93 = tpu.memref_squeeze %dma_wait3A_92 : memref<1x1x128xi32, #tpu.memory_space<vmem>> -> memref<128xi32, #tpu.memory_space<vmem>>
      %dma_wait3A_94 = arith.constant 0 : i32
      %dma_wait3A_95 = arith.constant 0 : i32
      %dma_wait3A_96 = tpu.memref_slice %arg6[%dma_wait3A_94, %dma_wait3A_95] : memref<10112x128xf32, #tpu.memory_space<vmem_shared>> -> memref<10112x128xf32, #tpu.memory_space<vmem_shared>>
      tpu.wait_indirect_dma semaphore(%arg13 : memref<!tpu.dma_semaphore, #tpu.memory_space<semaphore_mem>>) src(%arg9 : memref<128x128xf32, #tpu.memory_space<vmem>>) dst(%dma_wait3A_96 : memref<10112x128xf32, #tpu.memory_space<vmem_shared>>)
      %dma_start3A_97 = arith.constant 2 : i32
      %dma_start3A_98 = arith.constant 0 : i32
      %dma_start3A_99 = tpu.memref_slice %arg7[%rem3A_56, %dma_start3A_97, %dma_start3A_98] : memref<2x8x128xi32, #tpu.memory_space<vmem>> -> memref<1x1x128xi32, #tpu.memory_space<vmem>>
      %dma_start3A_100 = tpu.memref_squeeze %dma_start3A_99 : memref<1x1x128xi32, #tpu.memory_space<vmem>> -> memref<128xi32, #tpu.memory_space<vmem>>
      %dma_start3A_101 = arith.constant 0 : i32
      %dma_start3A_102 = arith.constant 0 : i32
      %dma_start3A_103 = tpu.memref_slice %arg2[%dma_start3A_101, %dma_start3A_102] : memref<10000x128xf32, #tpu.memory_space<hbm>> -> memref<10000x128xf32, #tpu.memory_space<hbm>>
      tpu.enqueue_indirect_dma source(%dma_start3A_103 : memref<10000x128xf32, #tpu.memory_space<hbm>>) target(%arg9 : memref<128x128xf32, #tpu.memory_space<vmem>>) offsets(%dma_start3A_100 : memref<128xi32, #tpu.memory_space<vmem>>) semaphore(%arg11 : memref<!tpu.dma_semaphore, #tpu.memory_space<semaphore_mem>>)
      %dma_start3A_104 = arith.constant 1 : i32
      %dma_start3A_105 = arith.constant 0 : i32
      %dma_start3A_106 = tpu.memref_slice %arg8[%rem3A_56, %dma_start3A_104, %dma_start3A_105] : memref<2x8x128xi32, #tpu.memory_space<vmem>> -> memref<1x1x128xi32, #tpu.memory_space<vmem>>
      %dma_start3A_107 = tpu.memref_squeeze %dma_start3A_106 : memref<1x1x128xi32, #tpu.memory_space<vmem>> -> memref<128xi32, #tpu.memory_space<vmem>>
      %dma_start3A_108 = arith.constant 0 : i32
      %dma_start3A_109 = arith.constant 0 : i32
      %dma_start3A_110 = tpu.memref_slice %arg6[%dma_start3A_108, %dma_start3A_109] : memref<10112x128xf32, #tpu.memory_space<vmem_shared>> -> memref<10112x128xf32, #tpu.memory_space<vmem_shared>>
      tpu.enqueue_indirect_dma source(%arg10 : memref<128x128xf32, #tpu.memory_space<vmem>>) target(%dma_start3A_110 : memref<10112x128xf32, #tpu.memory_space<vmem_shared>>) offsets(%dma_start3A_107 : memref<128xi32, #tpu.memory_space<vmem>>) semaphore(%arg14 : memref<!tpu.dma_semaphore, #tpu.memory_space<semaphore_mem>>) {add = true}
      %dma_wait3A_111 = arith.constant 2 : i32
      %dma_wait3A_112 = arith.constant 0 : i32
      %dma_wait3A_113 = tpu.memref_slice %arg7[%rem3A_56, %dma_wait3A_111, %dma_wait3A_112] : memref<2x8x128xi32, #tpu.memory_space<vmem>> -> memref<1x1x128xi32, #tpu.memory_space<vmem>>
      %dma_wait3A_114 = tpu.memref_squeeze %dma_wait3A_113 : memref<1x1x128xi32, #tpu.memory_space<vmem>> -> memref<128xi32, #tpu.memory_space<vmem>>
      %dma_wait3A_115 = arith.constant 0 : i32
      %dma_wait3A_116 = arith.constant 0 : i32
      %dma_wait3A_117 = tpu.memref_slice %arg2[%dma_wait3A_115, %dma_wait3A_116] : memref<10000x128xf32, #tpu.memory_space<hbm>> -> memref<10000x128xf32, #tpu.memory_space<hbm>>
      tpu.wait_indirect_dma semaphore(%arg11 : memref<!tpu.dma_semaphore, #tpu.memory_space<semaphore_mem>>) src(%dma_wait3A_117 : memref<10000x128xf32, #tpu.memory_space<hbm>>) dst(%arg9 : memref<128x128xf32, #tpu.memory_space<vmem>>)
      %add3A_118 = arith.constant 1 : i32
      %add3A_119 = arith.addi %while3A_55, %add3A_118 : i32
      %lt3A = arith.cmpi slt, %add3A_119, %select_n3A_4 : i32
      %convert_element_type3A_120 = arith.extui %lt3A : i1 to i32
      %cond3A_121 = arith.constant 0 : i32
      %cond3A_122 = arith.cmpi ne, %convert_element_type3A_120, %cond3A_121 : i32
      scf.if %cond3A_122 {
        %add3A_289 = arith.constant 1 : i32
        %add3A_290 = arith.addi %while3A_55, %add3A_289 : i32
        %mul3A_291 = arith.constant 8 : i32
        %mul3A_292 = arith.muli %add3A_290, %mul3A_291 : i32
        %add3A_293 = arith.addi %add3A, %mul3A_292 : i32
        %dma_start3A_294 = arith.constant 0 : i32
        %dma_start3A_295 = arith.constant 0 : i32
        %dma_start3A_296 = tpu.memref_slice %arg7[%sub3A_58, %dma_start3A_294, %dma_start3A_295] : memref<2x8x128xi32, #tpu.memory_space<vmem>> -> memref<1x8x128xi32, #tpu.memory_space<vmem>>
        %dma_start3A_297 = tpu.memref_squeeze %dma_start3A_296 : memref<1x8x128xi32, #tpu.memory_space<vmem>> -> memref<8x128xi32, #tpu.memory_space<vmem>>
        %dma_start3A_298 = arith.constant 0 : i32
        %dma_start3A_299 = tpu.memref_slice %arg3[%add3A_293, %dma_start3A_298] : memref<2560x128xi32, #tpu.memory_space<hbm>> -> memref<8x128xi32, #tpu.memory_space<hbm>>
        %dma_start3A_300 = arith.constant 0 : i32
        %dma_start3A_301 = arith.constant 0 : i32
        %dma_start3A_302 = tpu.memref_slice %arg7[%sub3A_58, %dma_start3A_300, %dma_start3A_301] : memref<2x8x128xi32, #tpu.memory_space<vmem>> -> memref<1x8x128xi32, #tpu.memory_space<vmem>>
        %dma_start3A_303 = tpu.memref_squeeze %dma_start3A_302 : memref<1x8x128xi32, #tpu.memory_space<vmem>> -> memref<8x128xi32, #tpu.memory_space<vmem>>
        %dma_start3A_304 = arith.constant 0 : i32
        %dma_start3A_305 = tpu.memref_slice %arg3[%add3A_293, %dma_start3A_304] : memref<2560x128xi32, #tpu.memory_space<hbm>> -> memref<8x128xi32, #tpu.memory_space<hbm>>
        tpu.enqueue_dma source(%dma_start3A_305 : memref<8x128xi32, #tpu.memory_space<hbm>>) target(%dma_start3A_303 : memref<8x128xi32, #tpu.memory_space<vmem>>) target_semaphore(%arg15 : memref<!tpu.dma_semaphore, #tpu.memory_space<semaphore_mem>>)
        %dma_start3A_306 = arith.constant 0 : i32
        %dma_start3A_307 = arith.constant 0 : i32
        %dma_start3A_308 = tpu.memref_slice %arg8[%sub3A_58, %dma_start3A_306, %dma_start3A_307] : memref<2x8x128xi32, #tpu.memory_space<vmem>> -> memref<1x8x128xi32, #tpu.memory_space<vmem>>
        %dma_start3A_309 = tpu.memref_squeeze %dma_start3A_308 : memref<1x8x128xi32, #tpu.memory_space<vmem>> -> memref<8x128xi32, #tpu.memory_space<vmem>>
        %dma_start3A_310 = arith.constant 0 : i32
        %dma_start3A_311 = tpu.memref_slice %arg4[%add3A_293, %dma_start3A_310] : memref<2560x128xi32, #tpu.memory_space<hbm>> -> memref<8x128xi32, #tpu.memory_space<hbm>>
        %dma_start3A_312 = arith.constant 0 : i32
        %dma_start3A_313 = arith.constant 0 : i32
        %dma_start3A_314 = tpu.memref_slice %arg8[%sub3A_58, %dma_start3A_312, %dma_start3A_313] : memref<2x8x128xi32, #tpu.memory_space<vmem>> -> memref<1x8x128xi32, #tpu.memory_space<vmem>>
        %dma_start3A_315 = tpu.memref_squeeze %dma_start3A_314 : memref<1x8x128xi32, #tpu.memory_space<vmem>> -> memref<8x128xi32, #tpu.memory_space<vmem>>
        %dma_start3A_316 = arith.constant 0 : i32
        %dma_start3A_317 = tpu.memref_slice %arg4[%add3A_293, %dma_start3A_316] : memref<2560x128xi32, #tpu.memory_space<hbm>> -> memref<8x128xi32, #tpu.memory_space<hbm>>
        tpu.enqueue_dma source(%dma_start3A_317 : memref<8x128xi32, #tpu.memory_space<hbm>>) target(%dma_start3A_315 : memref<8x128xi32, #tpu.memory_space<vmem>>) target_semaphore(%arg15 : memref<!tpu.dma_semaphore, #tpu.memory_space<semaphore_mem>>)
      } else {
      }
      %dma_wait3A_123 = arith.constant 0 : i32
      %dma_wait3A_124 = arith.constant 0 : i32
      %dma_wait3A_125 = arith.constant 0 : i32
      %dma_wait3A_126 = tpu.memref_slice %arg8[%dma_wait3A_123, %dma_wait3A_124, %dma_wait3A_125] : memref<2x8x128xi32, #tpu.memory_space<vmem>> -> memref<1x1x128xi32, #tpu.memory_space<vmem>>
      %dma_wait3A_127 = tpu.memref_squeeze %dma_wait3A_126 : memref<1x1x128xi32, #tpu.memory_space<vmem>> -> memref<128xi32, #tpu.memory_space<vmem>>
      %dma_wait3A_128 = arith.constant 0 : i32
      %dma_wait3A_129 = arith.constant 0 : i32
      %dma_wait3A_130 = tpu.memref_slice %arg6[%dma_wait3A_128, %dma_wait3A_129] : memref<10112x128xf32, #tpu.memory_space<vmem_shared>> -> memref<10112x128xf32, #tpu.memory_space<vmem_shared>>
      tpu.wait_indirect_dma semaphore(%arg14 : memref<!tpu.dma_semaphore, #tpu.memory_space<semaphore_mem>>) src(%arg10 : memref<128x128xf32, #tpu.memory_space<vmem>>) dst(%dma_wait3A_130 : memref<10112x128xf32, #tpu.memory_space<vmem_shared>>)
      %dma_start3A_131 = arith.constant 3 : i32
      %dma_start3A_132 = arith.constant 0 : i32
      %dma_start3A_133 = tpu.memref_slice %arg7[%rem3A_56, %dma_start3A_131, %dma_start3A_132] : memref<2x8x128xi32, #tpu.memory_space<vmem>> -> memref<1x1x128xi32, #tpu.memory_space<vmem>>
      %dma_start3A_134 = tpu.memref_squeeze %dma_start3A_133 : memref<1x1x128xi32, #tpu.memory_space<vmem>> -> memref<128xi32, #tpu.memory_space<vmem>>
      %dma_start3A_135 = arith.constant 0 : i32
      %dma_start3A_136 = arith.constant 0 : i32
      %dma_start3A_137 = tpu.memref_slice %arg2[%dma_start3A_135, %dma_start3A_136] : memref<10000x128xf32, #tpu.memory_space<hbm>> -> memref<10000x128xf32, #tpu.memory_space<hbm>>
      tpu.enqueue_indirect_dma source(%dma_start3A_137 : memref<10000x128xf32, #tpu.memory_space<hbm>>) target(%arg10 : memref<128x128xf32, #tpu.memory_space<vmem>>) offsets(%dma_start3A_134 : memref<128xi32, #tpu.memory_space<vmem>>) semaphore(%arg12 : memref<!tpu.dma_semaphore, #tpu.memory_space<semaphore_mem>>)
      %dma_start3A_138 = arith.constant 2 : i32
      %dma_start3A_139 = arith.constant 0 : i32
      %dma_start3A_140 = tpu.memref_slice %arg8[%rem3A_56, %dma_start3A_138, %dma_start3A_139] : memref<2x8x128xi32, #tpu.memory_space<vmem>> -> memref<1x1x128xi32, #tpu.memory_space<vmem>>
      %dma_start3A_141 = tpu.memref_squeeze %dma_start3A_140 : memref<1x1x128xi32, #tpu.memory_space<vmem>> -> memref<128xi32, #tpu.memory_space<vmem>>
      %dma_start3A_142 = arith.constant 0 : i32
      %dma_start3A_143 = arith.constant 0 : i32
      %dma_start3A_144 = tpu.memref_slice %arg6[%dma_start3A_142, %dma_start3A_143] : memref<10112x128xf32, #tpu.memory_space<vmem_shared>> -> memref<10112x128xf32, #tpu.memory_space<vmem_shared>>
      tpu.enqueue_indirect_dma source(%arg9 : memref<128x128xf32, #tpu.memory_space<vmem>>) target(%dma_start3A_144 : memref<10112x128xf32, #tpu.memory_space<vmem_shared>>) offsets(%dma_start3A_141 : memref<128xi32, #tpu.memory_space<vmem>>) semaphore(%arg13 : memref<!tpu.dma_semaphore, #tpu.memory_space<semaphore_mem>>) {add = true}
      %dma_wait3A_145 = arith.constant 3 : i32
      %dma_wait3A_146 = arith.constant 0 : i32
      %dma_wait3A_147 = tpu.memref_slice %arg7[%rem3A_56, %dma_wait3A_145, %dma_wait3A_146] : memref<2x8x128xi32, #tpu.memory_space<vmem>> -> memref<1x1x128xi32, #tpu.memory_space<vmem>>
      %dma_wait3A_148 = tpu.memref_squeeze %dma_wait3A_147 : memref<1x1x128xi32, #tpu.memory_space<vmem>> -> memref<128xi32, #tpu.memory_space<vmem>>
      %dma_wait3A_149 = arith.constant 0 : i32
      %dma_wait3A_150 = arith.constant 0 : i32
      %dma_wait3A_151 = tpu.memref_slice %arg2[%dma_wait3A_149, %dma_wait3A_150] : memref<10000x128xf32, #tpu.memory_space<hbm>> -> memref<10000x128xf32, #tpu.memory_space<hbm>>
      tpu.wait_indirect_dma semaphore(%arg12 : memref<!tpu.dma_semaphore, #tpu.memory_space<semaphore_mem>>) src(%dma_wait3A_151 : memref<10000x128xf32, #tpu.memory_space<hbm>>) dst(%arg10 : memref<128x128xf32, #tpu.memory_space<vmem>>)
      %dma_wait3A_152 = arith.constant 0 : i32
      %dma_wait3A_153 = arith.constant 0 : i32
      %dma_wait3A_154 = arith.constant 0 : i32
      %dma_wait3A_155 = tpu.memref_slice %arg8[%dma_wait3A_152, %dma_wait3A_153, %dma_wait3A_154] : memref<2x8x128xi32, #tpu.memory_space<vmem>> -> memref<1x1x128xi32, #tpu.memory_space<vmem>>
      %dma_wait3A_156 = tpu.memref_squeeze %dma_wait3A_155 : memref<1x1x128xi32, #tpu.memory_space<vmem>> -> memref<128xi32, #tpu.memory_space<vmem>>
      %dma_wait3A_157 = arith.constant 0 : i32
      %dma_wait3A_158 = arith.constant 0 : i32
      %dma_wait3A_159 = tpu.memref_slice %arg6[%dma_wait3A_157, %dma_wait3A_158] : memref<10112x128xf32, #tpu.memory_space<vmem_shared>> -> memref<10112x128xf32, #tpu.memory_space<vmem_shared>>
      tpu.wait_indirect_dma semaphore(%arg13 : memref<!tpu.dma_semaphore, #tpu.memory_space<semaphore_mem>>) src(%arg9 : memref<128x128xf32, #tpu.memory_space<vmem>>) dst(%dma_wait3A_159 : memref<10112x128xf32, #tpu.memory_space<vmem_shared>>)
      %dma_start3A_160 = arith.constant 4 : i32
      %dma_start3A_161 = arith.constant 0 : i32
      %dma_start3A_162 = tpu.memref_slice %arg7[%rem3A_56, %dma_start3A_160, %dma_start3A_161] : memref<2x8x128xi32, #tpu.memory_space<vmem>> -> memref<1x1x128xi32, #tpu.memory_space<vmem>>
      %dma_start3A_163 = tpu.memref_squeeze %dma_start3A_162 : memref<1x1x128xi32, #tpu.memory_space<vmem>> -> memref<128xi32, #tpu.memory_space<vmem>>
      %dma_start3A_164 = arith.constant 0 : i32
      %dma_start3A_165 = arith.constant 0 : i32
      %dma_start3A_166 = tpu.memref_slice %arg2[%dma_start3A_164, %dma_start3A_165] : memref<10000x128xf32, #tpu.memory_space<hbm>> -> memref<10000x128xf32, #tpu.memory_space<hbm>>
      tpu.enqueue_indirect_dma source(%dma_start3A_166 : memref<10000x128xf32, #tpu.memory_space<hbm>>) target(%arg9 : memref<128x128xf32, #tpu.memory_space<vmem>>) offsets(%dma_start3A_163 : memref<128xi32, #tpu.memory_space<vmem>>) semaphore(%arg11 : memref<!tpu.dma_semaphore, #tpu.memory_space<semaphore_mem>>)
      %dma_start3A_167 = arith.constant 3 : i32
      %dma_start3A_168 = arith.constant 0 : i32
      %dma_start3A_169 = tpu.memref_slice %arg8[%rem3A_56, %dma_start3A_167, %dma_start3A_168] : memref<2x8x128xi32, #tpu.memory_space<vmem>> -> memref<1x1x128xi32, #tpu.memory_space<vmem>>
      %dma_start3A_170 = tpu.memref_squeeze %dma_start3A_169 : memref<1x1x128xi32, #tpu.memory_space<vmem>> -> memref<128xi32, #tpu.memory_space<vmem>>
      %dma_start3A_171 = arith.constant 0 : i32
      %dma_start3A_172 = arith.constant 0 : i32
      %dma_start3A_173 = tpu.memref_slice %arg6[%dma_start3A_171, %dma_start3A_172] : memref<10112x128xf32, #tpu.memory_space<vmem_shared>> -> memref<10112x128xf32, #tpu.memory_space<vmem_shared>>
      tpu.enqueue_indirect_dma source(%arg10 : memref<128x128xf32, #tpu.memory_space<vmem>>) target(%dma_start3A_173 : memref<10112x128xf32, #tpu.memory_space<vmem_shared>>) offsets(%dma_start3A_170 : memref<128xi32, #tpu.memory_space<vmem>>) semaphore(%arg14 : memref<!tpu.dma_semaphore, #tpu.memory_space<semaphore_mem>>) {add = true}
      %dma_wait3A_174 = arith.constant 4 : i32
      %dma_wait3A_175 = arith.constant 0 : i32
      %dma_wait3A_176 = tpu.memref_slice %arg7[%rem3A_56, %dma_wait3A_174, %dma_wait3A_175] : memref<2x8x128xi32, #tpu.memory_space<vmem>> -> memref<1x1x128xi32, #tpu.memory_space<vmem>>
      %dma_wait3A_177 = tpu.memref_squeeze %dma_wait3A_176 : memref<1x1x128xi32, #tpu.memory_space<vmem>> -> memref<128xi32, #tpu.memory_space<vmem>>
      %dma_wait3A_178 = arith.constant 0 : i32
      %dma_wait3A_179 = arith.constant 0 : i32
      %dma_wait3A_180 = tpu.memref_slice %arg2[%dma_wait3A_178, %dma_wait3A_179] : memref<10000x128xf32, #tpu.memory_space<hbm>> -> memref<10000x128xf32, #tpu.memory_space<hbm>>
      tpu.wait_indirect_dma semaphore(%arg11 : memref<!tpu.dma_semaphore, #tpu.memory_space<semaphore_mem>>) src(%dma_wait3A_180 : memref<10000x128xf32, #tpu.memory_space<hbm>>) dst(%arg9 : memref<128x128xf32, #tpu.memory_space<vmem>>)
      %dma_wait3A_181 = arith.constant 0 : i32
      %dma_wait3A_182 = arith.constant 0 : i32
      %dma_wait3A_183 = arith.constant 0 : i32
      %dma_wait3A_184 = tpu.memref_slice %arg8[%dma_wait3A_181, %dma_wait3A_182, %dma_wait3A_183] : memref<2x8x128xi32, #tpu.memory_space<vmem>> -> memref<1x1x128xi32, #tpu.memory_space<vmem>>
      %dma_wait3A_185 = tpu.memref_squeeze %dma_wait3A_184 : memref<1x1x128xi32, #tpu.memory_space<vmem>> -> memref<128xi32, #tpu.memory_space<vmem>>
      %dma_wait3A_186 = arith.constant 0 : i32
      %dma_wait3A_187 = arith.constant 0 : i32
      %dma_wait3A_188 = tpu.memref_slice %arg6[%dma_wait3A_186, %dma_wait3A_187] : memref<10112x128xf32, #tpu.memory_space<vmem_shared>> -> memref<10112x128xf32, #tpu.memory_space<vmem_shared>>
      tpu.wait_indirect_dma semaphore(%arg14 : memref<!tpu.dma_semaphore, #tpu.memory_space<semaphore_mem>>) src(%arg10 : memref<128x128xf32, #tpu.memory_space<vmem>>) dst(%dma_wait3A_188 : memref<10112x128xf32, #tpu.memory_space<vmem_shared>>)
      %dma_start3A_189 = arith.constant 5 : i32
      %dma_start3A_190 = arith.constant 0 : i32
      %dma_start3A_191 = tpu.memref_slice %arg7[%rem3A_56, %dma_start3A_189, %dma_start3A_190] : memref<2x8x128xi32, #tpu.memory_space<vmem>> -> memref<1x1x128xi32, #tpu.memory_space<vmem>>
      %dma_start3A_192 = tpu.memref_squeeze %dma_start3A_191 : memref<1x1x128xi32, #tpu.memory_space<vmem>> -> memref<128xi32, #tpu.memory_space<vmem>>
      %dma_start3A_193 = arith.constant 0 : i32
      %dma_start3A_194 = arith.constant 0 : i32
      %dma_start3A_195 = tpu.memref_slice %arg2[%dma_start3A_193, %dma_start3A_194] : memref<10000x128xf32, #tpu.memory_space<hbm>> -> memref<10000x128xf32, #tpu.memory_space<hbm>>
      tpu.enqueue_indirect_dma source(%dma_start3A_195 : memref<10000x128xf32, #tpu.memory_space<hbm>>) target(%arg10 : memref<128x128xf32, #tpu.memory_space<vmem>>) offsets(%dma_start3A_192 : memref<128xi32, #tpu.memory_space<vmem>>) semaphore(%arg12 : memref<!tpu.dma_semaphore, #tpu.memory_space<semaphore_mem>>)
      %dma_start3A_196 = arith.constant 4 : i32
      %dma_start3A_197 = arith.constant 0 : i32
      %dma_start3A_198 = tpu.memref_slice %arg8[%rem3A_56, %dma_start3A_196, %dma_start3A_197] : memref<2x8x128xi32, #tpu.memory_space<vmem>> -> memref<1x1x128xi32, #tpu.memory_space<vmem>>
      %dma_start3A_199 = tpu.memref_squeeze %dma_start3A_198 : memref<1x1x128xi32, #tpu.memory_space<vmem>> -> memref<128xi32, #tpu.memory_space<vmem>>
      %dma_start3A_200 = arith.constant 0 : i32
      %dma_start3A_201 = arith.constant 0 : i32
      %dma_start3A_202 = tpu.memref_slice %arg6[%dma_start3A_200, %dma_start3A_201] : memref<10112x128xf32, #tpu.memory_space<vmem_shared>> -> memref<10112x128xf32, #tpu.memory_space<vmem_shared>>
      tpu.enqueue_indirect_dma source(%arg9 : memref<128x128xf32, #tpu.memory_space<vmem>>) target(%dma_start3A_202 : memref<10112x128xf32, #tpu.memory_space<vmem_shared>>) offsets(%dma_start3A_199 : memref<128xi32, #tpu.memory_space<vmem>>) semaphore(%arg13 : memref<!tpu.dma_semaphore, #tpu.memory_space<semaphore_mem>>) {add = true}
      %dma_wait3A_203 = arith.constant 5 : i32
      %dma_wait3A_204 = arith.constant 0 : i32
      %dma_wait3A_205 = tpu.memref_slice %arg7[%rem3A_56, %dma_wait3A_203, %dma_wait3A_204] : memref<2x8x128xi32, #tpu.memory_space<vmem>> -> memref<1x1x128xi32, #tpu.memory_space<vmem>>
      %dma_wait3A_206 = tpu.memref_squeeze %dma_wait3A_205 : memref<1x1x128xi32, #tpu.memory_space<vmem>> -> memref<128xi32, #tpu.memory_space<vmem>>
      %dma_wait3A_207 = arith.constant 0 : i32
      %dma_wait3A_208 = arith.constant 0 : i32
      %dma_wait3A_209 = tpu.memref_slice %arg2[%dma_wait3A_207, %dma_wait3A_208] : memref<10000x128xf32, #tpu.memory_space<hbm>> -> memref<10000x128xf32, #tpu.memory_space<hbm>>
      tpu.wait_indirect_dma semaphore(%arg12 : memref<!tpu.dma_semaphore, #tpu.memory_space<semaphore_mem>>) src(%dma_wait3A_209 : memref<10000x128xf32, #tpu.memory_space<hbm>>) dst(%arg10 : memref<128x128xf32, #tpu.memory_space<vmem>>)
      %dma_wait3A_210 = arith.constant 0 : i32
      %dma_wait3A_211 = arith.constant 0 : i32
      %dma_wait3A_212 = arith.constant 0 : i32
      %dma_wait3A_213 = tpu.memref_slice %arg8[%dma_wait3A_210, %dma_wait3A_211, %dma_wait3A_212] : memref<2x8x128xi32, #tpu.memory_space<vmem>> -> memref<1x1x128xi32, #tpu.memory_space<vmem>>
      %dma_wait3A_214 = tpu.memref_squeeze %dma_wait3A_213 : memref<1x1x128xi32, #tpu.memory_space<vmem>> -> memref<128xi32, #tpu.memory_space<vmem>>
      %dma_wait3A_215 = arith.constant 0 : i32
      %dma_wait3A_216 = arith.constant 0 : i32
      %dma_wait3A_217 = tpu.memref_slice %arg6[%dma_wait3A_215, %dma_wait3A_216] : memref<10112x128xf32, #tpu.memory_space<vmem_shared>> -> memref<10112x128xf32, #tpu.memory_space<vmem_shared>>
      tpu.wait_indirect_dma semaphore(%arg13 : memref<!tpu.dma_semaphore, #tpu.memory_space<semaphore_mem>>) src(%arg9 : memref<128x128xf32, #tpu.memory_space<vmem>>) dst(%dma_wait3A_217 : memref<10112x128xf32, #tpu.memory_space<vmem_shared>>)
      %dma_start3A_218 = arith.constant 6 : i32
      %dma_start3A_219 = arith.constant 0 : i32
      %dma_start3A_220 = tpu.memref_slice %arg7[%rem3A_56, %dma_start3A_218, %dma_start3A_219] : memref<2x8x128xi32, #tpu.memory_space<vmem>> -> memref<1x1x128xi32, #tpu.memory_space<vmem>>
      %dma_start3A_221 = tpu.memref_squeeze %dma_start3A_220 : memref<1x1x128xi32, #tpu.memory_space<vmem>> -> memref<128xi32, #tpu.memory_space<vmem>>
      %dma_start3A_222 = arith.constant 0 : i32
      %dma_start3A_223 = arith.constant 0 : i32
      %dma_start3A_224 = tpu.memref_slice %arg2[%dma_start3A_222, %dma_start3A_223] : memref<10000x128xf32, #tpu.memory_space<hbm>> -> memref<10000x128xf32, #tpu.memory_space<hbm>>
      tpu.enqueue_indirect_dma source(%dma_start3A_224 : memref<10000x128xf32, #tpu.memory_space<hbm>>) target(%arg9 : memref<128x128xf32, #tpu.memory_space<vmem>>) offsets(%dma_start3A_221 : memref<128xi32, #tpu.memory_space<vmem>>) semaphore(%arg11 : memref<!tpu.dma_semaphore, #tpu.memory_space<semaphore_mem>>)
      %dma_start3A_225 = arith.constant 5 : i32
      %dma_start3A_226 = arith.constant 0 : i32
      %dma_start3A_227 = tpu.memref_slice %arg8[%rem3A_56, %dma_start3A_225, %dma_start3A_226] : memref<2x8x128xi32, #tpu.memory_space<vmem>> -> memref<1x1x128xi32, #tpu.memory_space<vmem>>
      %dma_start3A_228 = tpu.memref_squeeze %dma_start3A_227 : memref<1x1x128xi32, #tpu.memory_space<vmem>> -> memref<128xi32, #tpu.memory_space<vmem>>
      %dma_start3A_229 = arith.constant 0 : i32
      %dma_start3A_230 = arith.constant 0 : i32
      %dma_start3A_231 = tpu.memref_slice %arg6[%dma_start3A_229, %dma_start3A_230] : memref<10112x128xf32, #tpu.memory_space<vmem_shared>> -> memref<10112x128xf32, #tpu.memory_space<vmem_shared>>
      tpu.enqueue_indirect_dma source(%arg10 : memref<128x128xf32, #tpu.memory_space<vmem>>) target(%dma_start3A_231 : memref<10112x128xf32, #tpu.memory_space<vmem_shared>>) offsets(%dma_start3A_228 : memref<128xi32, #tpu.memory_space<vmem>>) semaphore(%arg14 : memref<!tpu.dma_semaphore, #tpu.memory_space<semaphore_mem>>) {add = true}
      %dma_wait3A_232 = arith.constant 6 : i32
      %dma_wait3A_233 = arith.constant 0 : i32
      %dma_wait3A_234 = tpu.memref_slice %arg7[%rem3A_56, %dma_wait3A_232, %dma_wait3A_233] : memref<2x8x128xi32, #tpu.memory_space<vmem>> -> memref<1x1x128xi32, #tpu.memory_space<vmem>>
      %dma_wait3A_235 = tpu.memref_squeeze %dma_wait3A_234 : memref<1x1x128xi32, #tpu.memory_space<vmem>> -> memref<128xi32, #tpu.memory_space<vmem>>
      %dma_wait3A_236 = arith.constant 0 : i32
      %dma_wait3A_237 = arith.constant 0 : i32
      %dma_wait3A_238 = tpu.memref_slice %arg2[%dma_wait3A_236, %dma_wait3A_237] : memref<10000x128xf32, #tpu.memory_space<hbm>> -> memref<10000x128xf32, #tpu.memory_space<hbm>>
      tpu.wait_indirect_dma semaphore(%arg11 : memref<!tpu.dma_semaphore, #tpu.memory_space<semaphore_mem>>) src(%dma_wait3A_238 : memref<10000x128xf32, #tpu.memory_space<hbm>>) dst(%arg9 : memref<128x128xf32, #tpu.memory_space<vmem>>)
      %dma_wait3A_239 = arith.constant 0 : i32
      %dma_wait3A_240 = arith.constant 0 : i32
      %dma_wait3A_241 = arith.constant 0 : i32
      %dma_wait3A_242 = tpu.memref_slice %arg8[%dma_wait3A_239, %dma_wait3A_240, %dma_wait3A_241] : memref<2x8x128xi32, #tpu.memory_space<vmem>> -> memref<1x1x128xi32, #tpu.memory_space<vmem>>
      %dma_wait3A_243 = tpu.memref_squeeze %dma_wait3A_242 : memref<1x1x128xi32, #tpu.memory_space<vmem>> -> memref<128xi32, #tpu.memory_space<vmem>>
      %dma_wait3A_244 = arith.constant 0 : i32
      %dma_wait3A_245 = arith.constant 0 : i32
      %dma_wait3A_246 = tpu.memref_slice %arg6[%dma_wait3A_244, %dma_wait3A_245] : memref<10112x128xf32, #tpu.memory_space<vmem_shared>> -> memref<10112x128xf32, #tpu.memory_space<vmem_shared>>
      tpu.wait_indirect_dma semaphore(%arg14 : memref<!tpu.dma_semaphore, #tpu.memory_space<semaphore_mem>>) src(%arg10 : memref<128x128xf32, #tpu.memory_space<vmem>>) dst(%dma_wait3A_246 : memref<10112x128xf32, #tpu.memory_space<vmem_shared>>)
      %dma_start3A_247 = arith.constant 7 : i32
      %dma_start3A_248 = arith.constant 0 : i32
      %dma_start3A_249 = tpu.memref_slice %arg7[%rem3A_56, %dma_start3A_247, %dma_start3A_248] : memref<2x8x128xi32, #tpu.memory_space<vmem>> -> memref<1x1x128xi32, #tpu.memory_space<vmem>>
      %dma_start3A_250 = tpu.memref_squeeze %dma_start3A_249 : memref<1x1x128xi32, #tpu.memory_space<vmem>> -> memref<128xi32, #tpu.memory_space<vmem>>
      %dma_start3A_251 = arith.constant 0 : i32
      %dma_start3A_252 = arith.constant 0 : i32
      %dma_start3A_253 = tpu.memref_slice %arg2[%dma_start3A_251, %dma_start3A_252] : memref<10000x128xf32, #tpu.memory_space<hbm>> -> memref<10000x128xf32, #tpu.memory_space<hbm>>
      tpu.enqueue_indirect_dma source(%dma_start3A_253 : memref<10000x128xf32, #tpu.memory_space<hbm>>) target(%arg10 : memref<128x128xf32, #tpu.memory_space<vmem>>) offsets(%dma_start3A_250 : memref<128xi32, #tpu.memory_space<vmem>>) semaphore(%arg12 : memref<!tpu.dma_semaphore, #tpu.memory_space<semaphore_mem>>)
      %dma_start3A_254 = arith.constant 6 : i32
      %dma_start3A_255 = arith.constant 0 : i32
      %dma_start3A_256 = tpu.memref_slice %arg8[%rem3A_56, %dma_start3A_254, %dma_start3A_255] : memref<2x8x128xi32, #tpu.memory_space<vmem>> -> memref<1x1x128xi32, #tpu.memory_space<vmem>>
      %dma_start3A_257 = tpu.memref_squeeze %dma_start3A_256 : memref<1x1x128xi32, #tpu.memory_space<vmem>> -> memref<128xi32, #tpu.memory_space<vmem>>
      %dma_start3A_258 = arith.constant 0 : i32
      %dma_start3A_259 = arith.constant 0 : i32
      %dma_start3A_260 = tpu.memref_slice %arg6[%dma_start3A_258, %dma_start3A_259] : memref<10112x128xf32, #tpu.memory_space<vmem_shared>> -> memref<10112x128xf32, #tpu.memory_space<vmem_shared>>
      tpu.enqueue_indirect_dma source(%arg9 : memref<128x128xf32, #tpu.memory_space<vmem>>) target(%dma_start3A_260 : memref<10112x128xf32, #tpu.memory_space<vmem_shared>>) offsets(%dma_start3A_257 : memref<128xi32, #tpu.memory_space<vmem>>) semaphore(%arg13 : memref<!tpu.dma_semaphore, #tpu.memory_space<semaphore_mem>>) {add = true}
      %dma_wait3A_261 = arith.constant 7 : i32
      %dma_wait3A_262 = arith.constant 0 : i32
      %dma_wait3A_263 = tpu.memref_slice %arg7[%rem3A_56, %dma_wait3A_261, %dma_wait3A_262] : memref<2x8x128xi32, #tpu.memory_space<vmem>> -> memref<1x1x128xi32, #tpu.memory_space<vmem>>
      %dma_wait3A_264 = tpu.memref_squeeze %dma_wait3A_263 : memref<1x1x128xi32, #tpu.memory_space<vmem>> -> memref<128xi32, #tpu.memory_space<vmem>>
      %dma_wait3A_265 = arith.constant 0 : i32
      %dma_wait3A_266 = arith.constant 0 : i32
      %dma_wait3A_267 = tpu.memref_slice %arg2[%dma_wait3A_265, %dma_wait3A_266] : memref<10000x128xf32, #tpu.memory_space<hbm>> -> memref<10000x128xf32, #tpu.memory_space<hbm>>
      tpu.wait_indirect_dma semaphore(%arg12 : memref<!tpu.dma_semaphore, #tpu.memory_space<semaphore_mem>>) src(%dma_wait3A_267 : memref<10000x128xf32, #tpu.memory_space<hbm>>) dst(%arg10 : memref<128x128xf32, #tpu.memory_space<vmem>>)
      %dma_wait3A_268 = arith.constant 0 : i32
      %dma_wait3A_269 = arith.constant 0 : i32
      %dma_wait3A_270 = arith.constant 0 : i32
      %dma_wait3A_271 = tpu.memref_slice %arg8[%dma_wait3A_268, %dma_wait3A_269, %dma_wait3A_270] : memref<2x8x128xi32, #tpu.memory_space<vmem>> -> memref<1x1x128xi32, #tpu.memory_space<vmem>>
      %dma_wait3A_272 = tpu.memref_squeeze %dma_wait3A_271 : memref<1x1x128xi32, #tpu.memory_space<vmem>> -> memref<128xi32, #tpu.memory_space<vmem>>
      %dma_wait3A_273 = arith.constant 0 : i32
      %dma_wait3A_274 = arith.constant 0 : i32
      %dma_wait3A_275 = tpu.memref_slice %arg6[%dma_wait3A_273, %dma_wait3A_274] : memref<10112x128xf32, #tpu.memory_space<vmem_shared>> -> memref<10112x128xf32, #tpu.memory_space<vmem_shared>>
      tpu.wait_indirect_dma semaphore(%arg13 : memref<!tpu.dma_semaphore, #tpu.memory_space<semaphore_mem>>) src(%arg9 : memref<128x128xf32, #tpu.memory_space<vmem>>) dst(%dma_wait3A_275 : memref<10112x128xf32, #tpu.memory_space<vmem_shared>>)
      %add3A_276 = arith.constant 1 : i32
      %add3A_277 = arith.addi %while3A_55, %add3A_276 : i32
      %lt3A_278 = arith.cmpi slt, %add3A_277, %select_n3A_4 : i32
      %convert_element_type3A_279 = arith.extui %lt3A_278 : i1 to i32
      %cond3A_280 = arith.constant 0 : i32
      %cond3A_281 = arith.cmpi ne, %convert_element_type3A_279, %cond3A_280 : i32
      scf.if %cond3A_281 {
        %dma_wait3A_289 = arith.constant 0 : i32
        %dma_wait3A_290 = arith.constant 0 : i32
        %dma_wait3A_291 = tpu.memref_slice %arg7[%sub3A_58, %dma_wait3A_289, %dma_wait3A_290] : memref<2x8x128xi32, #tpu.memory_space<vmem>> -> memref<1x8x128xi32, #tpu.memory_space<vmem>>
        %dma_wait3A_292 = tpu.memref_squeeze %dma_wait3A_291 : memref<1x8x128xi32, #tpu.memory_space<vmem>> -> memref<8x128xi32, #tpu.memory_space<vmem>>
        %dma_wait3A_293 = arith.constant 0 : i32
        %dma_wait3A_294 = tpu.memref_slice %arg3[%add3A, %dma_wait3A_293] : memref<2560x128xi32, #tpu.memory_space<hbm>> -> memref<8x128xi32, #tpu.memory_space<hbm>>
        %dma_wait3A_295 = arith.constant 0 : i32
        %dma_wait3A_296 = arith.constant 0 : i32
        %dma_wait3A_297 = tpu.memref_slice %arg7[%sub3A_58, %dma_wait3A_295, %dma_wait3A_296] : memref<2x8x128xi32, #tpu.memory_space<vmem>> -> memref<1x8x128xi32, #tpu.memory_space<vmem>>
        %dma_wait3A_298 = tpu.memref_squeeze %dma_wait3A_297 : memref<1x8x128xi32, #tpu.memory_space<vmem>> -> memref<8x128xi32, #tpu.memory_space<vmem>>
        %dma_wait3A_299 = arith.constant 0 : i32
        %dma_wait3A_300 = tpu.memref_slice %arg3[%add3A, %dma_wait3A_299] : memref<2560x128xi32, #tpu.memory_space<hbm>> -> memref<8x128xi32, #tpu.memory_space<hbm>>
        tpu.wait_dma2 semaphore(%arg15 : memref<!tpu.dma_semaphore, #tpu.memory_space<semaphore_mem>>) src(%dma_wait3A_300 : memref<8x128xi32, #tpu.memory_space<hbm>>) dst(%dma_wait3A_298 : memref<8x128xi32, #tpu.memory_space<vmem>>)
        %dma_wait3A_301 = arith.constant 0 : i32
        %dma_wait3A_302 = arith.constant 0 : i32
        %dma_wait3A_303 = tpu.memref_slice %arg8[%sub3A_58, %dma_wait3A_301, %dma_wait3A_302] : memref<2x8x128xi32, #tpu.memory_space<vmem>> -> memref<1x8x128xi32, #tpu.memory_space<vmem>>
        %dma_wait3A_304 = tpu.memref_squeeze %dma_wait3A_303 : memref<1x8x128xi32, #tpu.memory_space<vmem>> -> memref<8x128xi32, #tpu.memory_space<vmem>>
        %dma_wait3A_305 = arith.constant 0 : i32
        %dma_wait3A_306 = tpu.memref_slice %arg4[%add3A, %dma_wait3A_305] : memref<2560x128xi32, #tpu.memory_space<hbm>> -> memref<8x128xi32, #tpu.memory_space<hbm>>
        %dma_wait3A_307 = arith.constant 0 : i32
        %dma_wait3A_308 = arith.constant 0 : i32
        %dma_wait3A_309 = tpu.memref_slice %arg8[%sub3A_58, %dma_wait3A_307, %dma_wait3A_308] : memref<2x8x128xi32, #tpu.memory_space<vmem>> -> memref<1x8x128xi32, #tpu.memory_space<vmem>>
        %dma_wait3A_310 = tpu.memref_squeeze %dma_wait3A_309 : memref<1x8x128xi32, #tpu.memory_space<vmem>> -> memref<8x128xi32, #tpu.memory_space<vmem>>
        %dma_wait3A_311 = arith.constant 0 : i32
        %dma_wait3A_312 = tpu.memref_slice %arg4[%add3A, %dma_wait3A_311] : memref<2560x128xi32, #tpu.memory_space<hbm>> -> memref<8x128xi32, #tpu.memory_space<hbm>>
        tpu.wait_dma2 semaphore(%arg15 : memref<!tpu.dma_semaphore, #tpu.memory_space<semaphore_mem>>) src(%dma_wait3A_312 : memref<8x128xi32, #tpu.memory_space<hbm>>) dst(%dma_wait3A_310 : memref<8x128xi32, #tpu.memory_space<vmem>>)
        %dma_start3A_313 = arith.constant 0 : i32
        %dma_start3A_314 = arith.constant 0 : i32
        %dma_start3A_315 = tpu.memref_slice %arg7[%sub3A_58, %dma_start3A_313, %dma_start3A_314] : memref<2x8x128xi32, #tpu.memory_space<vmem>> -> memref<1x1x128xi32, #tpu.memory_space<vmem>>
        %dma_start3A_316 = tpu.memref_squeeze %dma_start3A_315 : memref<1x1x128xi32, #tpu.memory_space<vmem>> -> memref<128xi32, #tpu.memory_space<vmem>>
        %dma_start3A_317 = arith.constant 0 : i32
        %dma_start3A_318 = arith.constant 0 : i32
        %dma_start3A_319 = tpu.memref_slice %arg2[%dma_start3A_317, %dma_start3A_318] : memref<10000x128xf32, #tpu.memory_space<hbm>> -> memref<10000x128xf32, #tpu.memory_space<hbm>>
        tpu.enqueue_indirect_dma source(%dma_start3A_319 : memref<10000x128xf32, #tpu.memory_space<hbm>>) target(%arg9 : memref<128x128xf32, #tpu.memory_space<vmem>>) offsets(%dma_start3A_316 : memref<128xi32, #tpu.memory_space<vmem>>) semaphore(%arg11 : memref<!tpu.dma_semaphore, #tpu.memory_space<semaphore_mem>>)
      } else {
      }
      %dma_start3A_282 = arith.constant 7 : i32
      %dma_start3A_283 = arith.constant 0 : i32
      %dma_start3A_284 = tpu.memref_slice %arg8[%rem3A_56, %dma_start3A_282, %dma_start3A_283] : memref<2x8x128xi32, #tpu.memory_space<vmem>> -> memref<1x1x128xi32, #tpu.memory_space<vmem>>
      %dma_start3A_285 = tpu.memref_squeeze %dma_start3A_284 : memref<1x1x128xi32, #tpu.memory_space<vmem>> -> memref<128xi32, #tpu.memory_space<vmem>>
      %dma_start3A_286 = arith.constant 0 : i32
      %dma_start3A_287 = arith.constant 0 : i32
      %dma_start3A_288 = tpu.memref_slice %arg6[%dma_start3A_286, %dma_start3A_287] : memref<10112x128xf32, #tpu.memory_space<vmem_shared>> -> memref<10112x128xf32, #tpu.memory_space<vmem_shared>>
      tpu.enqueue_indirect_dma source(%arg10 : memref<128x128xf32, #tpu.memory_space<vmem>>) target(%dma_start3A_288 : memref<10112x128xf32, #tpu.memory_space<vmem_shared>>) offsets(%dma_start3A_285 : memref<128xi32, #tpu.memory_space<vmem>>) semaphore(%arg14 : memref<!tpu.dma_semaphore, #tpu.memory_space<semaphore_mem>>) {add = true}
    }
    %while3A_42 = arith.constant 1 : i32
    scf.for %while3A_55 = %while3A_40 to %while3A_36 step %while3A_42  : i32 {
      %rem3A = arith.constant 2 : i32
      %rem3A_56 = arith.remsi %while3A_55, %rem3A : i32
      %sub3A_57 = arith.constant 1 : i32
      %sub3A_58 = arith.subi %sub3A_57, %rem3A_56 : i32
      %dma_wait3A_59 = arith.constant 0 : i32
      %dma_wait3A_60 = arith.constant 0 : i32
      %dma_wait3A_61 = tpu.memref_slice %arg7[%rem3A_56, %dma_wait3A_59, %dma_wait3A_60] : memref<2x8x128xi32, #tpu.memory_space<vmem>> -> memref<1x1x128xi32, #tpu.memory_space<vmem>>
      %dma_wait3A_62 = tpu.memref_squeeze %dma_wait3A_61 : memref<1x1x128xi32, #tpu.memory_space<vmem>> -> memref<128xi32, #tpu.memory_space<vmem>>
      %dma_wait3A_63 = arith.constant 0 : i32
      %dma_wait3A_64 = arith.constant 0 : i32
      %dma_wait3A_65 = tpu.memref_slice %arg2[%dma_wait3A_63, %dma_wait3A_64] : memref<10000x128xf32, #tpu.memory_space<hbm>> -> memref<10000x128xf32, #tpu.memory_space<hbm>>
      tpu.wait_indirect_dma semaphore(%arg11 : memref<!tpu.dma_semaphore, #tpu.memory_space<semaphore_mem>>) src(%dma_wait3A_65 : memref<10000x128xf32, #tpu.memory_space<hbm>>) dst(%arg9 : memref<128x128xf32, #tpu.memory_space<vmem>>)
      %ge3A = arith.constant 1 : i32
      %ge3A_66 = arith.cmpi sge, %while3A_55, %ge3A : i32
      %convert_element_type3A = arith.extui %ge3A_66 : i1 to i32
      %cond3A = arith.constant 0 : i32
      %cond3A_67 = arith.cmpi ne, %convert_element_type3A, %cond3A : i32
      scf.if %cond3A_67 {
        %dma_wait3A_289 = arith.constant 0 : i32
        %dma_wait3A_290 = arith.constant 0 : i32
        %dma_wait3A_291 = arith.constant 0 : i32
        %dma_wait3A_292 = tpu.memref_slice %arg8[%dma_wait3A_289, %dma_wait3A_290, %dma_wait3A_291] : memref<2x8x128xi32, #tpu.memory_space<vmem>> -> memref<1x1x128xi32, #tpu.memory_space<vmem>>
        %dma_wait3A_293 = tpu.memref_squeeze %dma_wait3A_292 : memref<1x1x128xi32, #tpu.memory_space<vmem>> -> memref<128xi32, #tpu.memory_space<vmem>>
        %dma_wait3A_294 = arith.constant 0 : i32
        %dma_wait3A_295 = arith.constant 0 : i32
        %dma_wait3A_296 = tpu.memref_slice %arg6[%dma_wait3A_294, %dma_wait3A_295] : memref<10112x128xf32, #tpu.memory_space<vmem_shared>> -> memref<10112x128xf32, #tpu.memory_space<vmem_shared>>
        tpu.wait_indirect_dma semaphore(%arg14 : memref<!tpu.dma_semaphore, #tpu.memory_space<semaphore_mem>>) src(%arg10 : memref<128x128xf32, #tpu.memory_space<vmem>>) dst(%dma_wait3A_296 : memref<10112x128xf32, #tpu.memory_space<vmem_shared>>)
      } else {
      }
      %dma_start3A_68 = arith.constant 1 : i32
      %dma_start3A_69 = arith.constant 0 : i32
      %dma_start3A_70 = tpu.memref_slice %arg7[%rem3A_56, %dma_start3A_68, %dma_start3A_69] : memref<2x8x128xi32, #tpu.memory_space<vmem>> -> memref<1x1x128xi32, #tpu.memory_space<vmem>>
      %dma_start3A_71 = tpu.memref_squeeze %dma_start3A_70 : memref<1x1x128xi32, #tpu.memory_space<vmem>> -> memref<128xi32, #tpu.memory_space<vmem>>
      %dma_start3A_72 = arith.constant 0 : i32
      %dma_start3A_73 = arith.constant 0 : i32
      %dma_start3A_74 = tpu.memref_slice %arg2[%dma_start3A_72, %dma_start3A_73] : memref<10000x128xf32, #tpu.memory_space<hbm>> -> memref<10000x128xf32, #tpu.memory_space<hbm>>
      tpu.enqueue_indirect_dma source(%dma_start3A_74 : memref<10000x128xf32, #tpu.memory_space<hbm>>) target(%arg10 : memref<128x128xf32, #tpu.memory_space<vmem>>) offsets(%dma_start3A_71 : memref<128xi32, #tpu.memory_space<vmem>>) semaphore(%arg12 : memref<!tpu.dma_semaphore, #tpu.memory_space<semaphore_mem>>)
      %dma_start3A_75 = arith.constant 0 : i32
      %dma_start3A_76 = arith.constant 0 : i32
      %dma_start3A_77 = tpu.memref_slice %arg8[%rem3A_56, %dma_start3A_75, %dma_start3A_76] : memref<2x8x128xi32, #tpu.memory_space<vmem>> -> memref<1x1x128xi32, #tpu.memory_space<vmem>>
      %dma_start3A_78 = tpu.memref_squeeze %dma_start3A_77 : memref<1x1x128xi32, #tpu.memory_space<vmem>> -> memref<128xi32, #tpu.memory_space<vmem>>
      %dma_start3A_79 = arith.constant 0 : i32
      %dma_start3A_80 = arith.constant 0 : i32
      %dma_start3A_81 = tpu.memref_slice %arg6[%dma_start3A_79, %dma_start3A_80] : memref<10112x128xf32, #tpu.memory_space<vmem_shared>> -> memref<10112x128xf32, #tpu.memory_space<vmem_shared>>
      tpu.enqueue_indirect_dma source(%arg9 : memref<128x128xf32, #tpu.memory_space<vmem>>) target(%dma_start3A_81 : memref<10112x128xf32, #tpu.memory_space<vmem_shared>>) offsets(%dma_start3A_78 : memref<128xi32, #tpu.memory_space<vmem>>) semaphore(%arg13 : memref<!tpu.dma_semaphore, #tpu.memory_space<semaphore_mem>>) {add = true}
      %dma_wait3A_82 = arith.constant 1 : i32
      %dma_wait3A_83 = arith.constant 0 : i32
      %dma_wait3A_84 = tpu.memref_slice %arg7[%rem3A_56, %dma_wait3A_82, %dma_wait3A_83] : memref<2x8x128xi32, #tpu.memory_space<vmem>> -> memref<1x1x128xi32, #tpu.memory_space<vmem>>
      %dma_wait3A_85 = tpu.memref_squeeze %dma_wait3A_84 : memref<1x1x128xi32, #tpu.memory_space<vmem>> -> memref<128xi32, #tpu.memory_space<vmem>>
      %dma_wait3A_86 = arith.constant 0 : i32
      %dma_wait3A_87 = arith.constant 0 : i32
      %dma_wait3A_88 = tpu.memref_slice %arg2[%dma_wait3A_86, %dma_wait3A_87] : memref<10000x128xf32, #tpu.memory_space<hbm>> -> memref<10000x128xf32, #tpu.memory_space<hbm>>
      tpu.wait_indirect_dma semaphore(%arg12 : memref<!tpu.dma_semaphore, #tpu.memory_space<semaphore_mem>>) src(%dma_wait3A_88 : memref<10000x128xf32, #tpu.memory_space<hbm>>) dst(%arg10 : memref<128x128xf32, #tpu.memory_space<vmem>>)
      %dma_wait3A_89 = arith.constant 0 : i32
      %dma_wait3A_90 = arith.constant 0 : i32
      %dma_wait3A_91 = arith.constant 0 : i32
      %dma_wait3A_92 = tpu.memref_slice %arg8[%dma_wait3A_89, %dma_wait3A_90, %dma_wait3A_91] : memref<2x8x128xi32, #tpu.memory_space<vmem>> -> memref<1x1x128xi32, #tpu.memory_space<vmem>>
      %dma_wait3A_93 = tpu.memref_squeeze %dma_wait3A_92 : memref<1x1x128xi32, #tpu.memory_space<vmem>> -> memref<128xi32, #tpu.memory_space<vmem>>
      %dma_wait3A_94 = arith.constant 0 : i32
      %dma_wait3A_95 = arith.constant 0 : i32
      %dma_wait3A_96 = tpu.memref_slice %arg6[%dma_wait3A_94, %dma_wait3A_95] : memref<10112x128xf32, #tpu.memory_space<vmem_shared>> -> memref<10112x128xf32, #tpu.memory_space<vmem_shared>>
      tpu.wait_indirect_dma semaphore(%arg13 : memref<!tpu.dma_semaphore, #tpu.memory_space<semaphore_mem>>) src(%arg9 : memref<128x128xf32, #tpu.memory_space<vmem>>) dst(%dma_wait3A_96 : memref<10112x128xf32, #tpu.memory_space<vmem_shared>>)
      %dma_start3A_97 = arith.constant 2 : i32
      %dma_start3A_98 = arith.constant 0 : i32
      %dma_start3A_99 = tpu.memref_slice %arg7[%rem3A_56, %dma_start3A_97, %dma_start3A_98] : memref<2x8x128xi32, #tpu.memory_space<vmem>> -> memref<1x1x128xi32, #tpu.memory_space<vmem>>
      %dma_start3A_100 = tpu.memref_squeeze %dma_start3A_99 : memref<1x1x128xi32, #tpu.memory_space<vmem>> -> memref<128xi32, #tpu.memory_space<vmem>>
      %dma_start3A_101 = arith.constant 0 : i32
      %dma_start3A_102 = arith.constant 0 : i32
      %dma_start3A_103 = tpu.memref_slice %arg2[%dma_start3A_101, %dma_start3A_102] : memref<10000x128xf32, #tpu.memory_space<hbm>> -> memref<10000x128xf32, #tpu.memory_space<hbm>>
      tpu.enqueue_indirect_dma source(%dma_start3A_103 : memref<10000x128xf32, #tpu.memory_space<hbm>>) target(%arg9 : memref<128x128xf32, #tpu.memory_space<vmem>>) offsets(%dma_start3A_100 : memref<128xi32, #tpu.memory_space<vmem>>) semaphore(%arg11 : memref<!tpu.dma_semaphore, #tpu.memory_space<semaphore_mem>>)
      %dma_start3A_104 = arith.constant 1 : i32
      %dma_start3A_105 = arith.constant 0 : i32
      %dma_start3A_106 = tpu.memref_slice %arg8[%rem3A_56, %dma_start3A_104, %dma_start3A_105] : memref<2x8x128xi32, #tpu.memory_space<vmem>> -> memref<1x1x128xi32, #tpu.memory_space<vmem>>
      %dma_start3A_107 = tpu.memref_squeeze %dma_start3A_106 : memref<1x1x128xi32, #tpu.memory_space<vmem>> -> memref<128xi32, #tpu.memory_space<vmem>>
      %dma_start3A_108 = arith.constant 0 : i32
      %dma_start3A_109 = arith.constant 0 : i32
      %dma_start3A_110 = tpu.memref_slice %arg6[%dma_start3A_108, %dma_start3A_109] : memref<10112x128xf32, #tpu.memory_space<vmem_shared>> -> memref<10112x128xf32, #tpu.memory_space<vmem_shared>>
      tpu.enqueue_indirect_dma source(%arg10 : memref<128x128xf32, #tpu.memory_space<vmem>>) target(%dma_start3A_110 : memref<10112x128xf32, #tpu.memory_space<vmem_shared>>) offsets(%dma_start3A_107 : memref<128xi32, #tpu.memory_space<vmem>>) semaphore(%arg14 : memref<!tpu.dma_semaphore, #tpu.memory_space<semaphore_mem>>) {add = true}
      %dma_wait3A_111 = arith.constant 2 : i32
      %dma_wait3A_112 = arith.constant 0 : i32
      %dma_wait3A_113 = tpu.memref_slice %arg7[%rem3A_56, %dma_wait3A_111, %dma_wait3A_112] : memref<2x8x128xi32, #tpu.memory_space<vmem>> -> memref<1x1x128xi32, #tpu.memory_space<vmem>>
      %dma_wait3A_114 = tpu.memref_squeeze %dma_wait3A_113 : memref<1x1x128xi32, #tpu.memory_space<vmem>> -> memref<128xi32, #tpu.memory_space<vmem>>
      %dma_wait3A_115 = arith.constant 0 : i32
      %dma_wait3A_116 = arith.constant 0 : i32
      %dma_wait3A_117 = tpu.memref_slice %arg2[%dma_wait3A_115, %dma_wait3A_116] : memref<10000x128xf32, #tpu.memory_space<hbm>> -> memref<10000x128xf32, #tpu.memory_space<hbm>>
      tpu.wait_indirect_dma semaphore(%arg11 : memref<!tpu.dma_semaphore, #tpu.memory_space<semaphore_mem>>) src(%dma_wait3A_117 : memref<10000x128xf32, #tpu.memory_space<hbm>>) dst(%arg9 : memref<128x128xf32, #tpu.memory_space<vmem>>)
      %add3A_118 = arith.constant 1 : i32
      %add3A_119 = arith.addi %while3A_55, %add3A_118 : i32
      %lt3A = arith.cmpi slt, %add3A_119, %select_n3A_4 : i32
      %convert_element_type3A_120 = arith.extui %lt3A : i1 to i32
      %cond3A_121 = arith.constant 0 : i32
      %cond3A_122 = arith.cmpi ne, %convert_element_type3A_120, %cond3A_121 : i32
      scf.if %cond3A_122 {
        %add3A_289 = arith.constant 1 : i32
        %add3A_290 = arith.addi %while3A_55, %add3A_289 : i32
        %mul3A_291 = arith.constant 8 : i32
        %mul3A_292 = arith.muli %add3A_290, %mul3A_291 : i32
        %add3A_293 = arith.addi %add3A, %mul3A_292 : i32
        %dma_start3A_294 = arith.constant 0 : i32
        %dma_start3A_295 = arith.constant 0 : i32
        %dma_start3A_296 = tpu.memref_slice %arg7[%sub3A_58, %dma_start3A_294, %dma_start3A_295] : memref<2x8x128xi32, #tpu.memory_space<vmem>> -> memref<1x8x128xi32, #tpu.memory_space<vmem>>
        %dma_start3A_297 = tpu.memref_squeeze %dma_start3A_296 : memref<1x8x128xi32, #tpu.memory_space<vmem>> -> memref<8x128xi32, #tpu.memory_space<vmem>>
        %dma_start3A_298 = arith.constant 0 : i32
        %dma_start3A_299 = tpu.memref_slice %arg3[%add3A_293, %dma_start3A_298] : memref<2560x128xi32, #tpu.memory_space<hbm>> -> memref<8x128xi32, #tpu.memory_space<hbm>>
        %dma_start3A_300 = arith.constant 0 : i32
        %dma_start3A_301 = arith.constant 0 : i32
        %dma_start3A_302 = tpu.memref_slice %arg7[%sub3A_58, %dma_start3A_300, %dma_start3A_301] : memref<2x8x128xi32, #tpu.memory_space<vmem>> -> memref<1x8x128xi32, #tpu.memory_space<vmem>>
        %dma_start3A_303 = tpu.memref_squeeze %dma_start3A_302 : memref<1x8x128xi32, #tpu.memory_space<vmem>> -> memref<8x128xi32, #tpu.memory_space<vmem>>
        %dma_start3A_304 = arith.constant 0 : i32
        %dma_start3A_305 = tpu.memref_slice %arg3[%add3A_293, %dma_start3A_304] : memref<2560x128xi32, #tpu.memory_space<hbm>> -> memref<8x128xi32, #tpu.memory_space<hbm>>
        tpu.enqueue_dma source(%dma_start3A_305 : memref<8x128xi32, #tpu.memory_space<hbm>>) target(%dma_start3A_303 : memref<8x128xi32, #tpu.memory_space<vmem>>) target_semaphore(%arg15 : memref<!tpu.dma_semaphore, #tpu.memory_space<semaphore_mem>>)
        %dma_start3A_306 = arith.constant 0 : i32
        %dma_start3A_307 = arith.constant 0 : i32
        %dma_start3A_308 = tpu.memref_slice %arg8[%sub3A_58, %dma_start3A_306, %dma_start3A_307] : memref<2x8x128xi32, #tpu.memory_space<vmem>> -> memref<1x8x128xi32, #tpu.memory_space<vmem>>
        %dma_start3A_309 = tpu.memref_squeeze %dma_start3A_308 : memref<1x8x128xi32, #tpu.memory_space<vmem>> -> memref<8x128xi32, #tpu.memory_space<vmem>>
        %dma_start3A_310 = arith.constant 0 : i32
        %dma_start3A_311 = tpu.memref_slice %arg4[%add3A_293, %dma_start3A_310] : memref<2560x128xi32, #tpu.memory_space<hbm>> -> memref<8x128xi32, #tpu.memory_space<hbm>>
        %dma_start3A_312 = arith.constant 0 : i32
        %dma_start3A_313 = arith.constant 0 : i32
        %dma_start3A_314 = tpu.memref_slice %arg8[%sub3A_58, %dma_start3A_312, %dma_start3A_313] : memref<2x8x128xi32, #tpu.memory_space<vmem>> -> memref<1x8x128xi32, #tpu.memory_space<vmem>>
        %dma_start3A_315 = tpu.memref_squeeze %dma_start3A_314 : memref<1x8x128xi32, #tpu.memory_space<vmem>> -> memref<8x128xi32, #tpu.memory_space<vmem>>
        %dma_start3A_316 = arith.constant 0 : i32
        %dma_start3A_317 = tpu.memref_slice %arg4[%add3A_293, %dma_start3A_316] : memref<2560x128xi32, #tpu.memory_space<hbm>> -> memref<8x128xi32, #tpu.memory_space<hbm>>
        tpu.enqueue_dma source(%dma_start3A_317 : memref<8x128xi32, #tpu.memory_space<hbm>>) target(%dma_start3A_315 : memref<8x128xi32, #tpu.memory_space<vmem>>) target_semaphore(%arg15 : memref<!tpu.dma_semaphore, #tpu.memory_space<semaphore_mem>>)
      } else {
      }
      %dma_wait3A_123 = arith.constant 0 : i32
      %dma_wait3A_124 = arith.constant 0 : i32
      %dma_wait3A_125 = arith.constant 0 : i32
      %dma_wait3A_126 = tpu.memref_slice %arg8[%dma_wait3A_123, %dma_wait3A_124, %dma_wait3A_125] : memref<2x8x128xi32, #tpu.memory_space<vmem>> -> memref<1x1x128xi32, #tpu.memory_space<vmem>>
      %dma_wait3A_127 = tpu.memref_squeeze %dma_wait3A_126 : memref<1x1x128xi32, #tpu.memory_space<vmem>> -> memref<128xi32, #tpu.memory_space<vmem>>
      %dma_wait3A_128 = arith.constant 0 : i32
      %dma_wait3A_129 = arith.constant 0 : i32
      %dma_wait3A_130 = tpu.memref_slice %arg6[%dma_wait3A_128, %dma_wait3A_129] : memref<10112x128xf32, #tpu.memory_space<vmem_shared>> -> memref<10112x128xf32, #tpu.memory_space<vmem_shared>>
      tpu.wait_indirect_dma semaphore(%arg14 : memref<!tpu.dma_semaphore, #tpu.memory_space<semaphore_mem>>) src(%arg10 : memref<128x128xf32, #tpu.memory_space<vmem>>) dst(%dma_wait3A_130 : memref<10112x128xf32, #tpu.memory_space<vmem_shared>>)
      %dma_start3A_131 = arith.constant 3 : i32
      %dma_start3A_132 = arith.constant 0 : i32
      %dma_start3A_133 = tpu.memref_slice %arg7[%rem3A_56, %dma_start3A_131, %dma_start3A_132] : memref<2x8x128xi32, #tpu.memory_space<vmem>> -> memref<1x1x128xi32, #tpu.memory_space<vmem>>
      %dma_start3A_134 = tpu.memref_squeeze %dma_start3A_133 : memref<1x1x128xi32, #tpu.memory_space<vmem>> -> memref<128xi32, #tpu.memory_space<vmem>>
      %dma_start3A_135 = arith.constant 0 : i32
      %dma_start3A_136 = arith.constant 0 : i32
      %dma_start3A_137 = tpu.memref_slice %arg2[%dma_start3A_135, %dma_start3A_136] : memref<10000x128xf32, #tpu.memory_space<hbm>> -> memref<10000x128xf32, #tpu.memory_space<hbm>>
      tpu.enqueue_indirect_dma source(%dma_start3A_137 : memref<10000x128xf32, #tpu.memory_space<hbm>>) target(%arg10 : memref<128x128xf32, #tpu.memory_space<vmem>>) offsets(%dma_start3A_134 : memref<128xi32, #tpu.memory_space<vmem>>) semaphore(%arg12 : memref<!tpu.dma_semaphore, #tpu.memory_space<semaphore_mem>>)
      %dma_start3A_138 = arith.constant 2 : i32
      %dma_start3A_139 = arith.constant 0 : i32
      %dma_start3A_140 = tpu.memref_slice %arg8[%rem3A_56, %dma_start3A_138, %dma_start3A_139] : memref<2x8x128xi32, #tpu.memory_space<vmem>> -> memref<1x1x128xi32, #tpu.memory_space<vmem>>
      %dma_start3A_141 = tpu.memref_squeeze %dma_start3A_140 : memref<1x1x128xi32, #tpu.memory_space<vmem>> -> memref<128xi32, #tpu.memory_space<vmem>>
      %dma_start3A_142 = arith.constant 0 : i32
      %dma_start3A_143 = arith.constant 0 : i32
      %dma_start3A_144 = tpu.memref_slice %arg6[%dma_start3A_142, %dma_start3A_143] : memref<10112x128xf32, #tpu.memory_space<vmem_shared>> -> memref<10112x128xf32, #tpu.memory_space<vmem_shared>>
      tpu.enqueue_indirect_dma source(%arg9 : memref<128x128xf32, #tpu.memory_space<vmem>>) target(%dma_start3A_144 : memref<10112x128xf32, #tpu.memory_space<vmem_shared>>) offsets(%dma_start3A_141 : memref<128xi32, #tpu.memory_space<vmem>>) semaphore(%arg13 : memref<!tpu.dma_semaphore, #tpu.memory_space<semaphore_mem>>) {add = true}
      %dma_wait3A_145 = arith.constant 3 : i32
      %dma_wait3A_146 = arith.constant 0 : i32
      %dma_wait3A_147 = tpu.memref_slice %arg7[%rem3A_56, %dma_wait3A_145, %dma_wait3A_146] : memref<2x8x128xi32, #tpu.memory_space<vmem>> -> memref<1x1x128xi32, #tpu.memory_space<vmem>>
      %dma_wait3A_148 = tpu.memref_squeeze %dma_wait3A_147 : memref<1x1x128xi32, #tpu.memory_space<vmem>> -> memref<128xi32, #tpu.memory_space<vmem>>
      %dma_wait3A_149 = arith.constant 0 : i32
      %dma_wait3A_150 = arith.constant 0 : i32
      %dma_wait3A_151 = tpu.memref_slice %arg2[%dma_wait3A_149, %dma_wait3A_150] : memref<10000x128xf32, #tpu.memory_space<hbm>> -> memref<10000x128xf32, #tpu.memory_space<hbm>>
      tpu.wait_indirect_dma semaphore(%arg12 : memref<!tpu.dma_semaphore, #tpu.memory_space<semaphore_mem>>) src(%dma_wait3A_151 : memref<10000x128xf32, #tpu.memory_space<hbm>>) dst(%arg10 : memref<128x128xf32, #tpu.memory_space<vmem>>)
      %dma_wait3A_152 = arith.constant 0 : i32
      %dma_wait3A_153 = arith.constant 0 : i32
      %dma_wait3A_154 = arith.constant 0 : i32
      %dma_wait3A_155 = tpu.memref_slice %arg8[%dma_wait3A_152, %dma_wait3A_153, %dma_wait3A_154] : memref<2x8x128xi32, #tpu.memory_space<vmem>> -> memref<1x1x128xi32, #tpu.memory_space<vmem>>
      %dma_wait3A_156 = tpu.memref_squeeze %dma_wait3A_155 : memref<1x1x128xi32, #tpu.memory_space<vmem>> -> memref<128xi32, #tpu.memory_space<vmem>>
      %dma_wait3A_157 = arith.constant 0 : i32
      %dma_wait3A_158 = arith.constant 0 : i32
      %dma_wait3A_159 = tpu.memref_slice %arg6[%dma_wait3A_157, %dma_wait3A_158] : memref<10112x128xf32, #tpu.memory_space<vmem_shared>> -> memref<10112x128xf32, #tpu.memory_space<vmem_shared>>
      tpu.wait_indirect_dma semaphore(%arg13 : memref<!tpu.dma_semaphore, #tpu.memory_space<semaphore_mem>>) src(%arg9 : memref<128x128xf32, #tpu.memory_space<vmem>>) dst(%dma_wait3A_159 : memref<10112x128xf32, #tpu.memory_space<vmem_shared>>)
      %dma_start3A_160 = arith.constant 4 : i32
      %dma_start3A_161 = arith.constant 0 : i32
      %dma_start3A_162 = tpu.memref_slice %arg7[%rem3A_56, %dma_start3A_160, %dma_start3A_161] : memref<2x8x128xi32, #tpu.memory_space<vmem>> -> memref<1x1x128xi32, #tpu.memory_space<vmem>>
      %dma_start3A_163 = tpu.memref_squeeze %dma_start3A_162 : memref<1x1x128xi32, #tpu.memory_space<vmem>> -> memref<128xi32, #tpu.memory_space<vmem>>
      %dma_start3A_164 = arith.constant 0 : i32
      %dma_start3A_165 = arith.constant 0 : i32
      %dma_start3A_166 = tpu.memref_slice %arg2[%dma_start3A_164, %dma_start3A_165] : memref<10000x128xf32, #tpu.memory_space<hbm>> -> memref<10000x128xf32, #tpu.memory_space<hbm>>
      tpu.enqueue_indirect_dma source(%dma_start3A_166 : memref<10000x128xf32, #tpu.memory_space<hbm>>) target(%arg9 : memref<128x128xf32, #tpu.memory_space<vmem>>) offsets(%dma_start3A_163 : memref<128xi32, #tpu.memory_space<vmem>>) semaphore(%arg11 : memref<!tpu.dma_semaphore, #tpu.memory_space<semaphore_mem>>)
      %dma_start3A_167 = arith.constant 3 : i32
      %dma_start3A_168 = arith.constant 0 : i32
      %dma_start3A_169 = tpu.memref_slice %arg8[%rem3A_56, %dma_start3A_167, %dma_start3A_168] : memref<2x8x128xi32, #tpu.memory_space<vmem>> -> memref<1x1x128xi32, #tpu.memory_space<vmem>>
      %dma_start3A_170 = tpu.memref_squeeze %dma_start3A_169 : memref<1x1x128xi32, #tpu.memory_space<vmem>> -> memref<128xi32, #tpu.memory_space<vmem>>
      %dma_start3A_171 = arith.constant 0 : i32
      %dma_start3A_172 = arith.constant 0 : i32
      %dma_start3A_173 = tpu.memref_slice %arg6[%dma_start3A_171, %dma_start3A_172] : memref<10112x128xf32, #tpu.memory_space<vmem_shared>> -> memref<10112x128xf32, #tpu.memory_space<vmem_shared>>
      tpu.enqueue_indirect_dma source(%arg10 : memref<128x128xf32, #tpu.memory_space<vmem>>) target(%dma_start3A_173 : memref<10112x128xf32, #tpu.memory_space<vmem_shared>>) offsets(%dma_start3A_170 : memref<128xi32, #tpu.memory_space<vmem>>) semaphore(%arg14 : memref<!tpu.dma_semaphore, #tpu.memory_space<semaphore_mem>>) {add = true}
      %dma_wait3A_174 = arith.constant 4 : i32
      %dma_wait3A_175 = arith.constant 0 : i32
      %dma_wait3A_176 = tpu.memref_slice %arg7[%rem3A_56, %dma_wait3A_174, %dma_wait3A_175] : memref<2x8x128xi32, #tpu.memory_space<vmem>> -> memref<1x1x128xi32, #tpu.memory_space<vmem>>
      %dma_wait3A_177 = tpu.memref_squeeze %dma_wait3A_176 : memref<1x1x128xi32, #tpu.memory_space<vmem>> -> memref<128xi32, #tpu.memory_space<vmem>>
      %dma_wait3A_178 = arith.constant 0 : i32
      %dma_wait3A_179 = arith.constant 0 : i32
      %dma_wait3A_180 = tpu.memref_slice %arg2[%dma_wait3A_178, %dma_wait3A_179] : memref<10000x128xf32, #tpu.memory_space<hbm>> -> memref<10000x128xf32, #tpu.memory_space<hbm>>
      tpu.wait_indirect_dma semaphore(%arg11 : memref<!tpu.dma_semaphore, #tpu.memory_space<semaphore_mem>>) src(%dma_wait3A_180 : memref<10000x128xf32, #tpu.memory_space<hbm>>) dst(%arg9 : memref<128x128xf32, #tpu.memory_space<vmem>>)
      %dma_wait3A_181 = arith.constant 0 : i32
      %dma_wait3A_182 = arith.constant 0 : i32
      %dma_wait3A_183 = arith.constant 0 : i32
      %dma_wait3A_184 = tpu.memref_slice %arg8[%dma_wait3A_181, %dma_wait3A_182, %dma_wait3A_183] : memref<2x8x128xi32, #tpu.memory_space<vmem>> -> memref<1x1x128xi32, #tpu.memory_space<vmem>>
      %dma_wait3A_185 = tpu.memref_squeeze %dma_wait3A_184 : memref<1x1x128xi32, #tpu.memory_space<vmem>> -> memref<128xi32, #tpu.memory_space<vmem>>
      %dma_wait3A_186 = arith.constant 0 : i32
      %dma_wait3A_187 = arith.constant 0 : i32
      %dma_wait3A_188 = tpu.memref_slice %arg6[%dma_wait3A_186, %dma_wait3A_187] : memref<10112x128xf32, #tpu.memory_space<vmem_shared>> -> memref<10112x128xf32, #tpu.memory_space<vmem_shared>>
      tpu.wait_indirect_dma semaphore(%arg14 : memref<!tpu.dma_semaphore, #tpu.memory_space<semaphore_mem>>) src(%arg10 : memref<128x128xf32, #tpu.memory_space<vmem>>) dst(%dma_wait3A_188 : memref<10112x128xf32, #tpu.memory_space<vmem_shared>>)
      %dma_start3A_189 = arith.constant 5 : i32
      %dma_start3A_190 = arith.constant 0 : i32
      %dma_start3A_191 = tpu.memref_slice %arg7[%rem3A_56, %dma_start3A_189, %dma_start3A_190] : memref<2x8x128xi32, #tpu.memory_space<vmem>> -> memref<1x1x128xi32, #tpu.memory_space<vmem>>
      %dma_start3A_192 = tpu.memref_squeeze %dma_start3A_191 : memref<1x1x128xi32, #tpu.memory_space<vmem>> -> memref<128xi32, #tpu.memory_space<vmem>>
      %dma_start3A_193 = arith.constant 0 : i32
      %dma_start3A_194 = arith.constant 0 : i32
      %dma_start3A_195 = tpu.memref_slice %arg2[%dma_start3A_193, %dma_start3A_194] : memref<10000x128xf32, #tpu.memory_space<hbm>> -> memref<10000x128xf32, #tpu.memory_space<hbm>>
      tpu.enqueue_indirect_dma source(%dma_start3A_195 : memref<10000x128xf32, #tpu.memory_space<hbm>>) target(%arg10 : memref<128x128xf32, #tpu.memory_space<vmem>>) offsets(%dma_start3A_192 : memref<128xi32, #tpu.memory_space<vmem>>) semaphore(%arg12 : memref<!tpu.dma_semaphore, #tpu.memory_space<semaphore_mem>>)
      %dma_start3A_196 = arith.constant 4 : i32
      %dma_start3A_197 = arith.constant 0 : i32
      %dma_start3A_198 = tpu.memref_slice %arg8[%rem3A_56, %dma_start3A_196, %dma_start3A_197] : memref<2x8x128xi32, #tpu.memory_space<vmem>> -> memref<1x1x128xi32, #tpu.memory_space<vmem>>
      %dma_start3A_199 = tpu.memref_squeeze %dma_start3A_198 : memref<1x1x128xi32, #tpu.memory_space<vmem>> -> memref<128xi32, #tpu.memory_space<vmem>>
      %dma_start3A_200 = arith.constant 0 : i32
      %dma_start3A_201 = arith.constant 0 : i32
      %dma_start3A_202 = tpu.memref_slice %arg6[%dma_start3A_200, %dma_start3A_201] : memref<10112x128xf32, #tpu.memory_space<vmem_shared>> -> memref<10112x128xf32, #tpu.memory_space<vmem_shared>>
      tpu.enqueue_indirect_dma source(%arg9 : memref<128x128xf32, #tpu.memory_space<vmem>>) target(%dma_start3A_202 : memref<10112x128xf32, #tpu.memory_space<vmem_shared>>) offsets(%dma_start3A_199 : memref<128xi32, #tpu.memory_space<vmem>>) semaphore(%arg13 : memref<!tpu.dma_semaphore, #tpu.memory_space<semaphore_mem>>) {add = true}
      %dma_wait3A_203 = arith.constant 5 : i32
      %dma_wait3A_204 = arith.constant 0 : i32
      %dma_wait3A_205 = tpu.memref_slice %arg7[%rem3A_56, %dma_wait3A_203, %dma_wait3A_204] : memref<2x8x128xi32, #tpu.memory_space<vmem>> -> memref<1x1x128xi32, #tpu.memory_space<vmem>>
      %dma_wait3A_206 = tpu.memref_squeeze %dma_wait3A_205 : memref<1x1x128xi32, #tpu.memory_space<vmem>> -> memref<128xi32, #tpu.memory_space<vmem>>
      %dma_wait3A_207 = arith.constant 0 : i32
      %dma_wait3A_208 = arith.constant 0 : i32
      %dma_wait3A_209 = tpu.memref_slice %arg2[%dma_wait3A_207, %dma_wait3A_208] : memref<10000x128xf32, #tpu.memory_space<hbm>> -> memref<10000x128xf32, #tpu.memory_space<hbm>>
      tpu.wait_indirect_dma semaphore(%arg12 : memref<!tpu.dma_semaphore, #tpu.memory_space<semaphore_mem>>) src(%dma_wait3A_209 : memref<10000x128xf32, #tpu.memory_space<hbm>>) dst(%arg10 : memref<128x128xf32, #tpu.memory_space<vmem>>)
      %dma_wait3A_210 = arith.constant 0 : i32
      %dma_wait3A_211 = arith.constant 0 : i32
      %dma_wait3A_212 = arith.constant 0 : i32
      %dma_wait3A_213 = tpu.memref_slice %arg8[%dma_wait3A_210, %dma_wait3A_211, %dma_wait3A_212] : memref<2x8x128xi32, #tpu.memory_space<vmem>> -> memref<1x1x128xi32, #tpu.memory_space<vmem>>
      %dma_wait3A_214 = tpu.memref_squeeze %dma_wait3A_213 : memref<1x1x128xi32, #tpu.memory_space<vmem>> -> memref<128xi32, #tpu.memory_space<vmem>>
      %dma_wait3A_215 = arith.constant 0 : i32
      %dma_wait3A_216 = arith.constant 0 : i32
      %dma_wait3A_217 = tpu.memref_slice %arg6[%dma_wait3A_215, %dma_wait3A_216] : memref<10112x128xf32, #tpu.memory_space<vmem_shared>> -> memref<10112x128xf32, #tpu.memory_space<vmem_shared>>
      tpu.wait_indirect_dma semaphore(%arg13 : memref<!tpu.dma_semaphore, #tpu.memory_space<semaphore_mem>>) src(%arg9 : memref<128x128xf32, #tpu.memory_space<vmem>>) dst(%dma_wait3A_217 : memref<10112x128xf32, #tpu.memory_space<vmem_shared>>)
      %dma_start3A_218 = arith.constant 6 : i32
      %dma_start3A_219 = arith.constant 0 : i32
      %dma_start3A_220 = tpu.memref_slice %arg7[%rem3A_56, %dma_start3A_218, %dma_start3A_219] : memref<2x8x128xi32, #tpu.memory_space<vmem>> -> memref<1x1x128xi32, #tpu.memory_space<vmem>>
      %dma_start3A_221 = tpu.memref_squeeze %dma_start3A_220 : memref<1x1x128xi32, #tpu.memory_space<vmem>> -> memref<128xi32, #tpu.memory_space<vmem>>
      %dma_start3A_222 = arith.constant 0 : i32
      %dma_start3A_223 = arith.constant 0 : i32
      %dma_start3A_224 = tpu.memref_slice %arg2[%dma_start3A_222, %dma_start3A_223] : memref<10000x128xf32, #tpu.memory_space<hbm>> -> memref<10000x128xf32, #tpu.memory_space<hbm>>
      tpu.enqueue_indirect_dma source(%dma_start3A_224 : memref<10000x128xf32, #tpu.memory_space<hbm>>) target(%arg9 : memref<128x128xf32, #tpu.memory_space<vmem>>) offsets(%dma_start3A_221 : memref<128xi32, #tpu.memory_space<vmem>>) semaphore(%arg11 : memref<!tpu.dma_semaphore, #tpu.memory_space<semaphore_mem>>)
      %dma_start3A_225 = arith.constant 5 : i32
      %dma_start3A_226 = arith.constant 0 : i32
      %dma_start3A_227 = tpu.memref_slice %arg8[%rem3A_56, %dma_start3A_225, %dma_start3A_226] : memref<2x8x128xi32, #tpu.memory_space<vmem>> -> memref<1x1x128xi32, #tpu.memory_space<vmem>>
      %dma_start3A_228 = tpu.memref_squeeze %dma_start3A_227 : memref<1x1x128xi32, #tpu.memory_space<vmem>> -> memref<128xi32, #tpu.memory_space<vmem>>
      %dma_start3A_229 = arith.constant 0 : i32
      %dma_start3A_230 = arith.constant 0 : i32
      %dma_start3A_231 = tpu.memref_slice %arg6[%dma_start3A_229, %dma_start3A_230] : memref<10112x128xf32, #tpu.memory_space<vmem_shared>> -> memref<10112x128xf32, #tpu.memory_space<vmem_shared>>
      tpu.enqueue_indirect_dma source(%arg10 : memref<128x128xf32, #tpu.memory_space<vmem>>) target(%dma_start3A_231 : memref<10112x128xf32, #tpu.memory_space<vmem_shared>>) offsets(%dma_start3A_228 : memref<128xi32, #tpu.memory_space<vmem>>) semaphore(%arg14 : memref<!tpu.dma_semaphore, #tpu.memory_space<semaphore_mem>>) {add = true}
      %dma_wait3A_232 = arith.constant 6 : i32
      %dma_wait3A_233 = arith.constant 0 : i32
      %dma_wait3A_234 = tpu.memref_slice %arg7[%rem3A_56, %dma_wait3A_232, %dma_wait3A_233] : memref<2x8x128xi32, #tpu.memory_space<vmem>> -> memref<1x1x128xi32, #tpu.memory_space<vmem>>
      %dma_wait3A_235 = tpu.memref_squeeze %dma_wait3A_234 : memref<1x1x128xi32, #tpu.memory_space<vmem>> -> memref<128xi32, #tpu.memory_space<vmem>>
      %dma_wait3A_236 = arith.constant 0 : i32
      %dma_wait3A_237 = arith.constant 0 : i32
      %dma_wait3A_238 = tpu.memref_slice %arg2[%dma_wait3A_236, %dma_wait3A_237] : memref<10000x128xf32, #tpu.memory_space<hbm>> -> memref<10000x128xf32, #tpu.memory_space<hbm>>
      tpu.wait_indirect_dma semaphore(%arg11 : memref<!tpu.dma_semaphore, #tpu.memory_space<semaphore_mem>>) src(%dma_wait3A_238 : memref<10000x128xf32, #tpu.memory_space<hbm>>) dst(%arg9 : memref<128x128xf32, #tpu.memory_space<vmem>>)
      %dma_wait3A_239 = arith.constant 0 : i32
      %dma_wait3A_240 = arith.constant 0 : i32
      %dma_wait3A_241 = arith.constant 0 : i32
      %dma_wait3A_242 = tpu.memref_slice %arg8[%dma_wait3A_239, %dma_wait3A_240, %dma_wait3A_241] : memref<2x8x128xi32, #tpu.memory_space<vmem>> -> memref<1x1x128xi32, #tpu.memory_space<vmem>>
      %dma_wait3A_243 = tpu.memref_squeeze %dma_wait3A_242 : memref<1x1x128xi32, #tpu.memory_space<vmem>> -> memref<128xi32, #tpu.memory_space<vmem>>
      %dma_wait3A_244 = arith.constant 0 : i32
      %dma_wait3A_245 = arith.constant 0 : i32
      %dma_wait3A_246 = tpu.memref_slice %arg6[%dma_wait3A_244, %dma_wait3A_245] : memref<10112x128xf32, #tpu.memory_space<vmem_shared>> -> memref<10112x128xf32, #tpu.memory_space<vmem_shared>>
      tpu.wait_indirect_dma semaphore(%arg14 : memref<!tpu.dma_semaphore, #tpu.memory_space<semaphore_mem>>) src(%arg10 : memref<128x128xf32, #tpu.memory_space<vmem>>) dst(%dma_wait3A_246 : memref<10112x128xf32, #tpu.memory_space<vmem_shared>>)
      %dma_start3A_247 = arith.constant 7 : i32
      %dma_start3A_248 = arith.constant 0 : i32
      %dma_start3A_249 = tpu.memref_slice %arg7[%rem3A_56, %dma_start3A_247, %dma_start3A_248] : memref<2x8x128xi32, #tpu.memory_space<vmem>> -> memref<1x1x128xi32, #tpu.memory_space<vmem>>
      %dma_start3A_250 = tpu.memref_squeeze %dma_start3A_249 : memref<1x1x128xi32, #tpu.memory_space<vmem>> -> memref<128xi32, #tpu.memory_space<vmem>>
      %dma_start3A_251 = arith.constant 0 : i32
      %dma_start3A_252 = arith.constant 0 : i32
      %dma_start3A_253 = tpu.memref_slice %arg2[%dma_start3A_251, %dma_start3A_252] : memref<10000x128xf32, #tpu.memory_space<hbm>> -> memref<10000x128xf32, #tpu.memory_space<hbm>>
      tpu.enqueue_indirect_dma source(%dma_start3A_253 : memref<10000x128xf32, #tpu.memory_space<hbm>>) target(%arg10 : memref<128x128xf32, #tpu.memory_space<vmem>>) offsets(%dma_start3A_250 : memref<128xi32, #tpu.memory_space<vmem>>) semaphore(%arg12 : memref<!tpu.dma_semaphore, #tpu.memory_space<semaphore_mem>>)
      %dma_start3A_254 = arith.constant 6 : i32
      %dma_start3A_255 = arith.constant 0 : i32
      %dma_start3A_256 = tpu.memref_slice %arg8[%rem3A_56, %dma_start3A_254, %dma_start3A_255] : memref<2x8x128xi32, #tpu.memory_space<vmem>> -> memref<1x1x128xi32, #tpu.memory_space<vmem>>
      %dma_start3A_257 = tpu.memref_squeeze %dma_start3A_256 : memref<1x1x128xi32, #tpu.memory_space<vmem>> -> memref<128xi32, #tpu.memory_space<vmem>>
      %dma_start3A_258 = arith.constant 0 : i32
      %dma_start3A_259 = arith.constant 0 : i32
      %dma_start3A_260 = tpu.memref_slice %arg6[%dma_start3A_258, %dma_start3A_259] : memref<10112x128xf32, #tpu.memory_space<vmem_shared>> -> memref<10112x128xf32, #tpu.memory_space<vmem_shared>>
      tpu.enqueue_indirect_dma source(%arg9 : memref<128x128xf32, #tpu.memory_space<vmem>>) target(%dma_start3A_260 : memref<10112x128xf32, #tpu.memory_space<vmem_shared>>) offsets(%dma_start3A_257 : memref<128xi32, #tpu.memory_space<vmem>>) semaphore(%arg13 : memref<!tpu.dma_semaphore, #tpu.memory_space<semaphore_mem>>) {add = true}
      %dma_wait3A_261 = arith.constant 7 : i32
      %dma_wait3A_262 = arith.constant 0 : i32
      %dma_wait3A_263 = tpu.memref_slice %arg7[%rem3A_56, %dma_wait3A_261, %dma_wait3A_262] : memref<2x8x128xi32, #tpu.memory_space<vmem>> -> memref<1x1x128xi32, #tpu.memory_space<vmem>>
      %dma_wait3A_264 = tpu.memref_squeeze %dma_wait3A_263 : memref<1x1x128xi32, #tpu.memory_space<vmem>> -> memref<128xi32, #tpu.memory_space<vmem>>
      %dma_wait3A_265 = arith.constant 0 : i32
      %dma_wait3A_266 = arith.constant 0 : i32
      %dma_wait3A_267 = tpu.memref_slice %arg2[%dma_wait3A_265, %dma_wait3A_266] : memref<10000x128xf32, #tpu.memory_space<hbm>> -> memref<10000x128xf32, #tpu.memory_space<hbm>>
      tpu.wait_indirect_dma semaphore(%arg12 : memref<!tpu.dma_semaphore, #tpu.memory_space<semaphore_mem>>) src(%dma_wait3A_267 : memref<10000x128xf32, #tpu.memory_space<hbm>>) dst(%arg10 : memref<128x128xf32, #tpu.memory_space<vmem>>)
      %dma_wait3A_268 = arith.constant 0 : i32
      %dma_wait3A_269 = arith.constant 0 : i32
      %dma_wait3A_270 = arith.constant 0 : i32
      %dma_wait3A_271 = tpu.memref_slice %arg8[%dma_wait3A_268, %dma_wait3A_269, %dma_wait3A_270] : memref<2x8x128xi32, #tpu.memory_space<vmem>> -> memref<1x1x128xi32, #tpu.memory_space<vmem>>
      %dma_wait3A_272 = tpu.memref_squeeze %dma_wait3A_271 : memref<1x1x128xi32, #tpu.memory_space<vmem>> -> memref<128xi32, #tpu.memory_space<vmem>>
      %dma_wait3A_273 = arith.constant 0 : i32
      %dma_wait3A_274 = arith.constant 0 : i32
      %dma_wait3A_275 = tpu.memref_slice %arg6[%dma_wait3A_273, %dma_wait3A_274] : memref<10112x128xf32, #tpu.memory_space<vmem_shared>> -> memref<10112x128xf32, #tpu.memory_space<vmem_shared>>
      tpu.wait_indirect_dma semaphore(%arg13 : memref<!tpu.dma_semaphore, #tpu.memory_space<semaphore_mem>>) src(%arg9 : memref<128x128xf32, #tpu.memory_space<vmem>>) dst(%dma_wait3A_275 : memref<10112x128xf32, #tpu.memory_space<vmem_shared>>)
      %add3A_276 = arith.constant 1 : i32
      %add3A_277 = arith.addi %while3A_55, %add3A_276 : i32
      %lt3A_278 = arith.cmpi slt, %add3A_277, %select_n3A_4 : i32
      %convert_element_type3A_279 = arith.extui %lt3A_278 : i1 to i32
      %cond3A_280 = arith.constant 0 : i32
      %cond3A_281 = arith.cmpi ne, %convert_element_type3A_279, %cond3A_280 : i32
      scf.if %cond3A_281 {
        %dma_wait3A_289 = arith.constant 0 : i32
        %dma_wait3A_290 = arith.constant 0 : i32
        %dma_wait3A_291 = tpu.memref_slice %arg7[%sub3A_58, %dma_wait3A_289, %dma_wait3A_290] : memref<2x8x128xi32, #tpu.memory_space<vmem>> -> memref<1x8x128xi32, #tpu.memory_space<vmem>>
        %dma_wait3A_292 = tpu.memref_squeeze %dma_wait3A_291 : memref<1x8x128xi32, #tpu.memory_space<vmem>> -> memref<8x128xi32, #tpu.memory_space<vmem>>
        %dma_wait3A_293 = arith.constant 0 : i32
        %dma_wait3A_294 = tpu.memref_slice %arg3[%add3A, %dma_wait3A_293] : memref<2560x128xi32, #tpu.memory_space<hbm>> -> memref<8x128xi32, #tpu.memory_space<hbm>>
        %dma_wait3A_295 = arith.constant 0 : i32
        %dma_wait3A_296 = arith.constant 0 : i32
        %dma_wait3A_297 = tpu.memref_slice %arg7[%sub3A_58, %dma_wait3A_295, %dma_wait3A_296] : memref<2x8x128xi32, #tpu.memory_space<vmem>> -> memref<1x8x128xi32, #tpu.memory_space<vmem>>
        %dma_wait3A_298 = tpu.memref_squeeze %dma_wait3A_297 : memref<1x8x128xi32, #tpu.memory_space<vmem>> -> memref<8x128xi32, #tpu.memory_space<vmem>>
        %dma_wait3A_299 = arith.constant 0 : i32
        %dma_wait3A_300 = tpu.memref_slice %arg3[%add3A, %dma_wait3A_299] : memref<2560x128xi32, #tpu.memory_space<hbm>> -> memref<8x128xi32, #tpu.memory_space<hbm>>
        tpu.wait_dma2 semaphore(%arg15 : memref<!tpu.dma_semaphore, #tpu.memory_space<semaphore_mem>>) src(%dma_wait3A_300 : memref<8x128xi32, #tpu.memory_space<hbm>>) dst(%dma_wait3A_298 : memref<8x128xi32, #tpu.memory_space<vmem>>)
        %dma_wait3A_301 = arith.constant 0 : i32
        %dma_wait3A_302 = arith.constant 0 : i32
        %dma_wait3A_303 = tpu.memref_slice %arg8[%sub3A_58, %dma_wait3A_301, %dma_wait3A_302] : memref<2x8x128xi32, #tpu.memory_space<vmem>> -> memref<1x8x128xi32, #tpu.memory_space<vmem>>
        %dma_wait3A_304 = tpu.memref_squeeze %dma_wait3A_303 : memref<1x8x128xi32, #tpu.memory_space<vmem>> -> memref<8x128xi32, #tpu.memory_space<vmem>>
        %dma_wait3A_305 = arith.constant 0 : i32
        %dma_wait3A_306 = tpu.memref_slice %arg4[%add3A, %dma_wait3A_305] : memref<2560x128xi32, #tpu.memory_space<hbm>> -> memref<8x128xi32, #tpu.memory_space<hbm>>
        %dma_wait3A_307 = arith.constant 0 : i32
        %dma_wait3A_308 = arith.constant 0 : i32
        %dma_wait3A_309 = tpu.memref_slice %arg8[%sub3A_58, %dma_wait3A_307, %dma_wait3A_308] : memref<2x8x128xi32, #tpu.memory_space<vmem>> -> memref<1x8x128xi32, #tpu.memory_space<vmem>>
        %dma_wait3A_310 = tpu.memref_squeeze %dma_wait3A_309 : memref<1x8x128xi32, #tpu.memory_space<vmem>> -> memref<8x128xi32, #tpu.memory_space<vmem>>
        %dma_wait3A_311 = arith.constant 0 : i32
        %dma_wait3A_312 = tpu.memref_slice %arg4[%add3A, %dma_wait3A_311] : memref<2560x128xi32, #tpu.memory_space<hbm>> -> memref<8x128xi32, #tpu.memory_space<hbm>>
        tpu.wait_dma2 semaphore(%arg15 : memref<!tpu.dma_semaphore, #tpu.memory_space<semaphore_mem>>) src(%dma_wait3A_312 : memref<8x128xi32, #tpu.memory_space<hbm>>) dst(%dma_wait3A_310 : memref<8x128xi32, #tpu.memory_space<vmem>>)
        %dma_start3A_313 = arith.constant 0 : i32
        %dma_start3A_314 = arith.constant 0 : i32
        %dma_start3A_315 = tpu.memref_slice %arg7[%sub3A_58, %dma_start3A_313, %dma_start3A_314] : memref<2x8x128xi32, #tpu.memory_space<vmem>> -> memref<1x1x128xi32, #tpu.memory_space<vmem>>
        %dma_start3A_316 = tpu.memref_squeeze %dma_start3A_315 : memref<1x1x128xi32, #tpu.memory_space<vmem>> -> memref<128xi32, #tpu.memory_space<vmem>>
        %dma_start3A_317 = arith.constant 0 : i32
        %dma_start3A_318 = arith.constant 0 : i32
        %dma_start3A_319 = tpu.memref_slice %arg2[%dma_start3A_317, %dma_start3A_318] : memref<10000x128xf32, #tpu.memory_space<hbm>> -> memref<10000x128xf32, #tpu.memory_space<hbm>>
        tpu.enqueue_indirect_dma source(%dma_start3A_319 : memref<10000x128xf32, #tpu.memory_space<hbm>>) target(%arg9 : memref<128x128xf32, #tpu.memory_space<vmem>>) offsets(%dma_start3A_316 : memref<128xi32, #tpu.memory_space<vmem>>) semaphore(%arg11 : memref<!tpu.dma_semaphore, #tpu.memory_space<semaphore_mem>>)
      } else {
      }
      %dma_start3A_282 = arith.constant 7 : i32
      %dma_start3A_283 = arith.constant 0 : i32
      %dma_start3A_284 = tpu.memref_slice %arg8[%rem3A_56, %dma_start3A_282, %dma_start3A_283] : memref<2x8x128xi32, #tpu.memory_space<vmem>> -> memref<1x1x128xi32, #tpu.memory_space<vmem>>
      %dma_start3A_285 = tpu.memref_squeeze %dma_start3A_284 : memref<1x1x128xi32, #tpu.memory_space<vmem>> -> memref<128xi32, #tpu.memory_space<vmem>>
      %dma_start3A_286 = arith.constant 0 : i32
      %dma_start3A_287 = arith.constant 0 : i32
      %dma_start3A_288 = tpu.memref_slice %arg6[%dma_start3A_286, %dma_start3A_287] : memref<10112x128xf32, #tpu.memory_space<vmem_shared>> -> memref<10112x128xf32, #tpu.memory_space<vmem_shared>>
      tpu.enqueue_indirect_dma source(%arg10 : memref<128x128xf32, #tpu.memory_space<vmem>>) target(%dma_start3A_288 : memref<10112x128xf32, #tpu.memory_space<vmem_shared>>) offsets(%dma_start3A_285 : memref<128xi32, #tpu.memory_space<vmem>>) semaphore(%arg14 : memref<!tpu.dma_semaphore, #tpu.memory_space<semaphore_mem>>) {add = true}
    }
    %dma_wait3A = arith.constant 0 : i32
    %dma_wait3A_43 = arith.constant 0 : i32
    %dma_wait3A_44 = arith.constant 0 : i32
    %dma_wait3A_45 = tpu.memref_slice %arg8[%dma_wait3A, %dma_wait3A_43, %dma_wait3A_44] : memref<2x8x128xi32, #tpu.memory_space<vmem>> -> memref<1x1x128xi32, #tpu.memory_space<vmem>>
    %dma_wait3A_46 = tpu.memref_squeeze %dma_wait3A_45 : memref<1x1x128xi32, #tpu.memory_space<vmem>> -> memref<128xi32, #tpu.memory_space<vmem>>
    %dma_wait3A_47 = arith.constant 0 : i32
    %dma_wait3A_48 = arith.constant 0 : i32
    %dma_wait3A_49 = tpu.memref_slice %arg6[%dma_wait3A_47, %dma_wait3A_48] : memref<10112x128xf32, #tpu.memory_space<vmem_shared>> -> memref<10112x128xf32, #tpu.memory_space<vmem_shared>>
    tpu.wait_indirect_dma semaphore(%arg14 : memref<!tpu.dma_semaphore, #tpu.memory_space<semaphore_mem>>) src(%arg10 : memref<128x128xf32, #tpu.memory_space<vmem>>) dst(%dma_wait3A_49 : memref<10112x128xf32, #tpu.memory_space<vmem_shared>>)
    %barrier3A_50 = arith.constant 0 : index
    tpu.barrier barrier_id(%barrier3A_50)
    %mul3A_51 = arith.constant 632 : i32
    %mul3A_52 = arith.muli %arg1, %mul3A_51 : i32
    %mul3A_53 = arith.constant 632 : i32
    %mul3A_54 = arith.muli %arg1, %mul3A_53 : i32
    "tpu.region"() ({
      %run_scoped3A_55 = tpu.sem_alloc : memref<!tpu.dma_semaphore, #tpu.memory_space<semaphore_mem>>
      %dma_start3A_56 = arith.constant 0 : i32
      %dma_start3A_57 = tpu.memref_slice %arg5[%arg0, %mul3A_54, %dma_start3A_56] : memref<2x10112x128xf32, #tpu.memory_space<hbm>> -> memref<1x632x128xf32, #tpu.memory_space<hbm>>
      %dma_start3A_58 = tpu.memref_squeeze %dma_start3A_57 : memref<1x632x128xf32, #tpu.memory_space<hbm>> -> memref<632x128xf32, #tpu.memory_space<hbm>>
      %dma_start3A_59 = arith.constant 0 : i32
      %dma_start3A_60 = tpu.memref_slice %arg6[%mul3A_52, %dma_start3A_59] : memref<10112x128xf32, #tpu.memory_space<vmem_shared>> -> memref<632x128xf32, #tpu.memory_space<vmem_shared>>
      tpu.enqueue_dma source(%dma_start3A_60 : memref<632x128xf32, #tpu.memory_space<vmem_shared>>) target(%dma_start3A_58 : memref<632x128xf32, #tpu.memory_space<hbm>>) target_semaphore(%run_scoped3A_55 : memref<!tpu.dma_semaphore, #tpu.memory_space<semaphore_mem>>)
      %dma_wait3A_61 = arith.constant 0 : i32
      %dma_wait3A_62 = tpu.memref_slice %arg5[%arg0, %mul3A_54, %dma_wait3A_61] : memref<2x10112x128xf32, #tpu.memory_space<hbm>> -> memref<1x632x128xf32, #tpu.memory_space<hbm>>
      %dma_wait3A_63 = tpu.memref_squeeze %dma_wait3A_62 : memref<1x632x128xf32, #tpu.memory_space<hbm>> -> memref<632x128xf32, #tpu.memory_space<hbm>>
      %dma_wait3A_64 = arith.constant 0 : i32
      %dma_wait3A_65 = tpu.memref_slice %arg6[%mul3A_52, %dma_wait3A_64] : memref<10112x128xf32, #tpu.memory_space<vmem_shared>> -> memref<632x128xf32, #tpu.memory_space<vmem_shared>>
      tpu.wait_dma2 semaphore(%run_scoped3A_55 : memref<!tpu.dma_semaphore, #tpu.memory_space<semaphore_mem>>) src(%dma_wait3A_65 : memref<632x128xf32, #tpu.memory_space<vmem_shared>>) dst(%dma_wait3A_63 : memref<632x128xf32, #tpu.memory_space<hbm>>)
      tpu.yield
    }) : () -> ()
    return
  }
}

#map = affine_map<(d0, d1) -> (0, 0)>
#map1 = affine_map<(d0, d1) -> (0, 0, 0)>
module attributes {stable_mosaic.version = 14 : i64} {
  func.func @body(%arg0: i32, %arg1: i32, %arg2: memref<10000x128xf32, #tpu.memory_space<hbm>>, %arg3: memref<2560x128xi32, #tpu.memory_space<hbm>>, %arg4: memref<2560x128xi32, #tpu.memory_space<hbm>>, %arg5: memref<2x10112x128xf32, #tpu.memory_space<hbm>>, %arg6: memref<2x10112x16xf32, #tpu.memory_space<hbm>>, %arg7: memref<10112x128xf32, #tpu.memory_space<vmem_shared>>, %arg8: memref<2x8x128xi32, #tpu.memory_space<vmem>>, %arg9: memref<2x8x128xi32, #tpu.memory_space<vmem>>, %arg10: memref<128x128xf32, #tpu.memory_space<vmem>>, %arg11: memref<128x128xf32, #tpu.memory_space<vmem>>, %arg12: memref<!tpu.dma_semaphore, #tpu.memory_space<semaphore_mem>>, %arg13: memref<!tpu.dma_semaphore, #tpu.memory_space<semaphore_mem>>, %arg14: memref<!tpu.dma_semaphore, #tpu.memory_space<semaphore_mem>>, %arg15: memref<!tpu.dma_semaphore, #tpu.memory_space<semaphore_mem>>, %arg16: memref<!tpu.dma_semaphore, #tpu.memory_space<semaphore_mem>>, %arg17: memref<10112x16xf32, #tpu.memory_space<vmem_shared>>, %arg18: memref<128x16xf32, #tpu.memory_space<vmem>>, %arg19: memref<!tpu.dma_semaphore, #tpu.memory_space<semaphore_mem>>) attributes {dimension_semantics = [#tpu.dimension_semantics<core_parallel>, #tpu.dimension_semantics<subcore_parallel>], iteration_bounds = array<i64: 2, 16>, scalar_prefetch = 0 : i64, scratch_operands = 13 : i64, tpu.core_type = #tpu.core_type<sc_vector_subcore>, window_params = [{transform_indices = #map}, {transform_indices = #map}, {transform_indices = #map}, {transform_indices = #map1}, {transform_indices = #map1}]} {
    %eq3A = arith.constant 0 : i32
    %eq3A_0 = arith.cmpi eq, %arg0, %eq3A : i32
    %jit3A = arith.constant 32 : i32
    %jit3A_1 = arith.constant 128 : i32
    %select_n3A = arith.select %eq3A_0, %jit3A, %jit3A_1 : i32
    %jit3A_2 = arith.constant 4 : i32
    %jit3A_3 = arith.constant 16 : i32
    %select_n3A_4 = arith.select %eq3A_0, %jit3A_2, %jit3A_3 : i32
    %mul3A = arith.constant 512 : i32
    %mul3A_5 = arith.muli %arg0, %mul3A : i32
    %mul3A_6 = arith.muli %arg1, %select_n3A : i32
    %add3A = arith.addi %mul3A_5, %mul3A_6 : i32
    %broadcast_in_dim3A = arith.constant 0.000000e+00 : f32
    %broadcast_in_dim3A_7 = vector.broadcast %broadcast_in_dim3A : f32 to vector<16xf32>
    %scan3A = arith.constant 0 : i32
    %scan3A_8 = arith.constant 0 : i32
    %scan3A_9 = arith.constant 128 : i32
    %scan3A_10 = arith.addi %scan3A_8, %scan3A_9 : i32
    %scan3A_11 = arith.constant 1 : i32
    scf.for %scan3A_89 = %scan3A_8 to %scan3A_10 step %scan3A_11  : i32 {
      %swap3A = arith.index_cast %scan3A_89 : i32 to index
      %swap3A_90 = arith.constant 0 : index
      %swap3A_91 = tpu.vector_load %arg10[%swap3A, %swap3A_90] {strides = array<i32>} : memref<128x128xf32, #tpu.memory_space<vmem>>, vector<1x16xf32>,
      %swap3A_92 = vector.shape_cast %swap3A_91 : vector<1x16xf32> to vector<16xf32>
      %swap3A_93 = vector.shape_cast %broadcast_in_dim3A_7 : vector<16xf32> to vector<1x16xf32>
      tpu.vector_store %arg10[%swap3A, %swap3A_90], %swap3A_93 {strides = array<i32>} : memref<128x128xf32, #tpu.memory_space<vmem>>, vector<1x16xf32>,
      %swap3A_94 = arith.index_cast %scan3A_89 : i32 to index
      %swap3A_95 = arith.constant 16 : index
      %swap3A_96 = tpu.vector_load %arg10[%swap3A_94, %swap3A_95] {strides = array<i32>} : memref<128x128xf32, #tpu.memory_space<vmem>>, vector<1x16xf32>,
      %swap3A_97 = vector.shape_cast %swap3A_96 : vector<1x16xf32> to vector<16xf32>
      %swap3A_98 = vector.shape_cast %broadcast_in_dim3A_7 : vector<16xf32> to vector<1x16xf32>
      tpu.vector_store %arg10[%swap3A_94, %swap3A_95], %swap3A_98 {strides = array<i32>} : memref<128x128xf32, #tpu.memory_space<vmem>>, vector<1x16xf32>,
      %swap3A_99 = arith.index_cast %scan3A_89 : i32 to index
      %swap3A_100 = arith.constant 32 : index
      %swap3A_101 = tpu.vector_load %arg10[%swap3A_99, %swap3A_100] {strides = array<i32>} : memref<128x128xf32, #tpu.memory_space<vmem>>, vector<1x16xf32>,
      %swap3A_102 = vector.shape_cast %swap3A_101 : vector<1x16xf32> to vector<16xf32>
      %swap3A_103 = vector.shape_cast %broadcast_in_dim3A_7 : vector<16xf32> to vector<1x16xf32>
      tpu.vector_store %arg10[%swap3A_99, %swap3A_100], %swap3A_103 {strides = array<i32>} : memref<128x128xf32, #tpu.memory_space<vmem>>, vector<1x16xf32>,
      %swap3A_104 = arith.index_cast %scan3A_89 : i32 to index
      %swap3A_105 = arith.constant 48 : index
      %swap3A_106 = tpu.vector_load %arg10[%swap3A_104, %swap3A_105] {strides = array<i32>} : memref<128x128xf32, #tpu.memory_space<vmem>>, vector<1x16xf32>,
      %swap3A_107 = vector.shape_cast %swap3A_106 : vector<1x16xf32> to vector<16xf32>
      %swap3A_108 = vector.shape_cast %broadcast_in_dim3A_7 : vector<16xf32> to vector<1x16xf32>
      tpu.vector_store %arg10[%swap3A_104, %swap3A_105], %swap3A_108 {strides = array<i32>} : memref<128x128xf32, #tpu.memory_space<vmem>>, vector<1x16xf32>,
      %swap3A_109 = arith.index_cast %scan3A_89 : i32 to index
      %swap3A_110 = arith.constant 64 : index
      %swap3A_111 = tpu.vector_load %arg10[%swap3A_109, %swap3A_110] {strides = array<i32>} : memref<128x128xf32, #tpu.memory_space<vmem>>, vector<1x16xf32>,
      %swap3A_112 = vector.shape_cast %swap3A_111 : vector<1x16xf32> to vector<16xf32>
      %swap3A_113 = vector.shape_cast %broadcast_in_dim3A_7 : vector<16xf32> to vector<1x16xf32>
      tpu.vector_store %arg10[%swap3A_109, %swap3A_110], %swap3A_113 {strides = array<i32>} : memref<128x128xf32, #tpu.memory_space<vmem>>, vector<1x16xf32>,
      %swap3A_114 = arith.index_cast %scan3A_89 : i32 to index
      %swap3A_115 = arith.constant 80 : index
      %swap3A_116 = tpu.vector_load %arg10[%swap3A_114, %swap3A_115] {strides = array<i32>} : memref<128x128xf32, #tpu.memory_space<vmem>>, vector<1x16xf32>,
      %swap3A_117 = vector.shape_cast %swap3A_116 : vector<1x16xf32> to vector<16xf32>
      %swap3A_118 = vector.shape_cast %broadcast_in_dim3A_7 : vector<16xf32> to vector<1x16xf32>
      tpu.vector_store %arg10[%swap3A_114, %swap3A_115], %swap3A_118 {strides = array<i32>} : memref<128x128xf32, #tpu.memory_space<vmem>>, vector<1x16xf32>,
      %swap3A_119 = arith.index_cast %scan3A_89 : i32 to index
      %swap3A_120 = arith.constant 96 : index
      %swap3A_121 = tpu.vector_load %arg10[%swap3A_119, %swap3A_120] {strides = array<i32>} : memref<128x128xf32, #tpu.memory_space<vmem>>, vector<1x16xf32>,
      %swap3A_122 = vector.shape_cast %swap3A_121 : vector<1x16xf32> to vector<16xf32>
      %swap3A_123 = vector.shape_cast %broadcast_in_dim3A_7 : vector<16xf32> to vector<1x16xf32>
      tpu.vector_store %arg10[%swap3A_119, %swap3A_120], %swap3A_123 {strides = array<i32>} : memref<128x128xf32, #tpu.memory_space<vmem>>, vector<1x16xf32>,
      %swap3A_124 = arith.index_cast %scan3A_89 : i32 to index
      %swap3A_125 = arith.constant 112 : index
      %swap3A_126 = tpu.vector_load %arg10[%swap3A_124, %swap3A_125] {strides = array<i32>} : memref<128x128xf32, #tpu.memory_space<vmem>>, vector<1x16xf32>,
      %swap3A_127 = vector.shape_cast %swap3A_126 : vector<1x16xf32> to vector<16xf32>
      %swap3A_128 = vector.shape_cast %broadcast_in_dim3A_7 : vector<16xf32> to vector<1x16xf32>
      tpu.vector_store %arg10[%swap3A_124, %swap3A_125], %swap3A_128 {strides = array<i32>} : memref<128x128xf32, #tpu.memory_space<vmem>>, vector<1x16xf32>,
      %swap3A_129 = arith.index_cast %scan3A_89 : i32 to index
      %swap3A_130 = arith.constant 0 : index
      %swap3A_131 = tpu.vector_load %arg18[%swap3A_129, %swap3A_130] {strides = array<i32>} : memref<128x16xf32, #tpu.memory_space<vmem>>, vector<1x16xf32>,
      %swap3A_132 = vector.shape_cast %swap3A_131 : vector<1x16xf32> to vector<16xf32>
      %swap3A_133 = vector.shape_cast %broadcast_in_dim3A_7 : vector<16xf32> to vector<1x16xf32>
      tpu.vector_store %arg18[%swap3A_129, %swap3A_130], %swap3A_133 {strides = array<i32>} : memref<128x16xf32, #tpu.memory_space<vmem>>, vector<1x16xf32>,
    }
    %scan3A_12 = arith.constant 128 : i32
    %mul3A_13 = arith.constant 632 : i32
    %mul3A_14 = arith.muli %arg1, %mul3A_13 : i32
    %add3A_15 = arith.constant 0 : i32
    %add3A_16 = arith.addi %mul3A_14, %add3A_15 : i32
    "tpu.region"() ({
      %run_scoped3A_89 = tpu.sem_alloc : memref<!tpu.dma_semaphore, #tpu.memory_space<semaphore_mem>>
      %dma_start3A_90 = arith.constant 0 : i32
      %dma_start3A_91 = tpu.memref_slice %arg7[%add3A_16, %dma_start3A_90] : memref<10112x128xf32, #tpu.memory_space<vmem_shared>> -> memref<128x128xf32, #tpu.memory_space<vmem_shared>>
      %dma_start3A_92 = arith.constant 0 : i32
      %dma_start3A_93 = tpu.memref_slice %arg7[%add3A_16, %dma_start3A_92] : memref<10112x128xf32, #tpu.memory_space<vmem_shared>> -> memref<128x128xf32, #tpu.memory_space<vmem_shared>>
      tpu.enqueue_dma source(%arg10 : memref<128x128xf32, #tpu.memory_space<vmem>>) target(%dma_start3A_93 : memref<128x128xf32, #tpu.memory_space<vmem_shared>>) target_semaphore(%run_scoped3A_89 : memref<!tpu.dma_semaphore, #tpu.memory_space<semaphore_mem>>)
      %dma_wait3A_94 = arith.constant 0 : i32
      %dma_wait3A_95 = tpu.memref_slice %arg7[%add3A_16, %dma_wait3A_94] : memref<10112x128xf32, #tpu.memory_space<vmem_shared>> -> memref<128x128xf32, #tpu.memory_space<vmem_shared>>
      %dma_wait3A_96 = arith.constant 0 : i32
      %dma_wait3A_97 = tpu.memref_slice %arg7[%add3A_16, %dma_wait3A_96] : memref<10112x128xf32, #tpu.memory_space<vmem_shared>> -> memref<128x128xf32, #tpu.memory_space<vmem_shared>>
      tpu.wait_dma2 semaphore(%run_scoped3A_89 : memref<!tpu.dma_semaphore, #tpu.memory_space<semaphore_mem>>) src(%arg10 : memref<128x128xf32, #tpu.memory_space<vmem>>) dst(%dma_wait3A_97 : memref<128x128xf32, #tpu.memory_space<vmem_shared>>)
      tpu.yield
    }) : () -> ()
    %add3A_17 = arith.constant 128 : i32
    %add3A_18 = arith.addi %mul3A_14, %add3A_17 : i32
    "tpu.region"() ({
      %run_scoped3A_89 = tpu.sem_alloc : memref<!tpu.dma_semaphore, #tpu.memory_space<semaphore_mem>>
      %dma_start3A_90 = arith.constant 0 : i32
      %dma_start3A_91 = tpu.memref_slice %arg7[%add3A_18, %dma_start3A_90] : memref<10112x128xf32, #tpu.memory_space<vmem_shared>> -> memref<128x128xf32, #tpu.memory_space<vmem_shared>>
      %dma_start3A_92 = arith.constant 0 : i32
      %dma_start3A_93 = tpu.memref_slice %arg7[%add3A_18, %dma_start3A_92] : memref<10112x128xf32, #tpu.memory_space<vmem_shared>> -> memref<128x128xf32, #tpu.memory_space<vmem_shared>>
      tpu.enqueue_dma source(%arg10 : memref<128x128xf32, #tpu.memory_space<vmem>>) target(%dma_start3A_93 : memref<128x128xf32, #tpu.memory_space<vmem_shared>>) target_semaphore(%run_scoped3A_89 : memref<!tpu.dma_semaphore, #tpu.memory_space<semaphore_mem>>)
      %dma_wait3A_94 = arith.constant 0 : i32
      %dma_wait3A_95 = tpu.memref_slice %arg7[%add3A_18, %dma_wait3A_94] : memref<10112x128xf32, #tpu.memory_space<vmem_shared>> -> memref<128x128xf32, #tpu.memory_space<vmem_shared>>
      %dma_wait3A_96 = arith.constant 0 : i32
      %dma_wait3A_97 = tpu.memref_slice %arg7[%add3A_18, %dma_wait3A_96] : memref<10112x128xf32, #tpu.memory_space<vmem_shared>> -> memref<128x128xf32, #tpu.memory_space<vmem_shared>>
      tpu.wait_dma2 semaphore(%run_scoped3A_89 : memref<!tpu.dma_semaphore, #tpu.memory_space<semaphore_mem>>) src(%arg10 : memref<128x128xf32, #tpu.memory_space<vmem>>) dst(%dma_wait3A_97 : memref<128x128xf32, #tpu.memory_space<vmem_shared>>)
      tpu.yield
    }) : () -> ()
    %add3A_19 = arith.constant 256 : i32
    %add3A_20 = arith.addi %mul3A_14, %add3A_19 : i32
    "tpu.region"() ({
      %run_scoped3A_89 = tpu.sem_alloc : memref<!tpu.dma_semaphore, #tpu.memory_space<semaphore_mem>>
      %dma_start3A_90 = arith.constant 0 : i32
      %dma_start3A_91 = tpu.memref_slice %arg7[%add3A_20, %dma_start3A_90] : memref<10112x128xf32, #tpu.memory_space<vmem_shared>> -> memref<128x128xf32, #tpu.memory_space<vmem_shared>>
      %dma_start3A_92 = arith.constant 0 : i32
      %dma_start3A_93 = tpu.memref_slice %arg7[%add3A_20, %dma_start3A_92] : memref<10112x128xf32, #tpu.memory_space<vmem_shared>> -> memref<128x128xf32, #tpu.memory_space<vmem_shared>>
      tpu.enqueue_dma source(%arg10 : memref<128x128xf32, #tpu.memory_space<vmem>>) target(%dma_start3A_93 : memref<128x128xf32, #tpu.memory_space<vmem_shared>>) target_semaphore(%run_scoped3A_89 : memref<!tpu.dma_semaphore, #tpu.memory_space<semaphore_mem>>)
      %dma_wait3A_94 = arith.constant 0 : i32
      %dma_wait3A_95 = tpu.memref_slice %arg7[%add3A_20, %dma_wait3A_94] : memref<10112x128xf32, #tpu.memory_space<vmem_shared>> -> memref<128x128xf32, #tpu.memory_space<vmem_shared>>
      %dma_wait3A_96 = arith.constant 0 : i32
      %dma_wait3A_97 = tpu.memref_slice %arg7[%add3A_20, %dma_wait3A_96] : memref<10112x128xf32, #tpu.memory_space<vmem_shared>> -> memref<128x128xf32, #tpu.memory_space<vmem_shared>>
      tpu.wait_dma2 semaphore(%run_scoped3A_89 : memref<!tpu.dma_semaphore, #tpu.memory_space<semaphore_mem>>) src(%arg10 : memref<128x128xf32, #tpu.memory_space<vmem>>) dst(%dma_wait3A_97 : memref<128x128xf32, #tpu.memory_space<vmem_shared>>)
      tpu.yield
    }) : () -> ()
    %add3A_21 = arith.constant 384 : i32
    %add3A_22 = arith.addi %mul3A_14, %add3A_21 : i32
    "tpu.region"() ({
      %run_scoped3A_89 = tpu.sem_alloc : memref<!tpu.dma_semaphore, #tpu.memory_space<semaphore_mem>>
      %dma_start3A_90 = arith.constant 0 : i32
      %dma_start3A_91 = tpu.memref_slice %arg7[%add3A_22, %dma_start3A_90] : memref<10112x128xf32, #tpu.memory_space<vmem_shared>> -> memref<128x128xf32, #tpu.memory_space<vmem_shared>>
      %dma_start3A_92 = arith.constant 0 : i32
      %dma_start3A_93 = tpu.memref_slice %arg7[%add3A_22, %dma_start3A_92] : memref<10112x128xf32, #tpu.memory_space<vmem_shared>> -> memref<128x128xf32, #tpu.memory_space<vmem_shared>>
      tpu.enqueue_dma source(%arg10 : memref<128x128xf32, #tpu.memory_space<vmem>>) target(%dma_start3A_93 : memref<128x128xf32, #tpu.memory_space<vmem_shared>>) target_semaphore(%run_scoped3A_89 : memref<!tpu.dma_semaphore, #tpu.memory_space<semaphore_mem>>)
      %dma_wait3A_94 = arith.constant 0 : i32
      %dma_wait3A_95 = tpu.memref_slice %arg7[%add3A_22, %dma_wait3A_94] : memref<10112x128xf32, #tpu.memory_space<vmem_shared>> -> memref<128x128xf32, #tpu.memory_space<vmem_shared>>
      %dma_wait3A_96 = arith.constant 0 : i32
      %dma_wait3A_97 = tpu.memref_slice %arg7[%add3A_22, %dma_wait3A_96] : memref<10112x128xf32, #tpu.memory_space<vmem_shared>> -> memref<128x128xf32, #tpu.memory_space<vmem_shared>>
      tpu.wait_dma2 semaphore(%run_scoped3A_89 : memref<!tpu.dma_semaphore, #tpu.memory_space<semaphore_mem>>) src(%arg10 : memref<128x128xf32, #tpu.memory_space<vmem>>) dst(%dma_wait3A_97 : memref<128x128xf32, #tpu.memory_space<vmem_shared>>)
      tpu.yield
    }) : () -> ()
    %add3A_23 = arith.constant 632 : i32
    %add3A_24 = arith.addi %mul3A_14, %add3A_23 : i32
    %sub3A = arith.constant 120 : i32
    %sub3A_25 = arith.subi %add3A_24, %sub3A : i32
    "tpu.region"() ({
      %run_scoped3A_89 = tpu.sem_alloc : memref<!tpu.dma_semaphore, #tpu.memory_space<semaphore_mem>>
      %dma_start3A_90 = arith.constant 0 : i32
      %dma_start3A_91 = arith.constant 0 : i32
      %dma_start3A_92 = tpu.memref_slice %arg10[%dma_start3A_90, %dma_start3A_91] : memref<128x128xf32, #tpu.memory_space<vmem>> -> memref<120x128xf32, #tpu.memory_space<vmem>>
      %dma_start3A_93 = arith.constant 0 : i32
      %dma_start3A_94 = tpu.memref_slice %arg7[%sub3A_25, %dma_start3A_93] : memref<10112x128xf32, #tpu.memory_space<vmem_shared>> -> memref<120x128xf32, #tpu.memory_space<vmem_shared>>
      %dma_start3A_95 = arith.constant 0 : i32
      %dma_start3A_96 = tpu.memref_slice %arg7[%sub3A_25, %dma_start3A_95] : memref<10112x128xf32, #tpu.memory_space<vmem_shared>> -> memref<120x128xf32, #tpu.memory_space<vmem_shared>>
      %dma_start3A_97 = arith.constant 0 : i32
      %dma_start3A_98 = arith.constant 0 : i32
      %dma_start3A_99 = tpu.memref_slice %arg10[%dma_start3A_97, %dma_start3A_98] : memref<128x128xf32, #tpu.memory_space<vmem>> -> memref<120x128xf32, #tpu.memory_space<vmem>>
      tpu.enqueue_dma source(%dma_start3A_99 : memref<120x128xf32, #tpu.memory_space<vmem>>) target(%dma_start3A_96 : memref<120x128xf32, #tpu.memory_space<vmem_shared>>) target_semaphore(%run_scoped3A_89 : memref<!tpu.dma_semaphore, #tpu.memory_space<semaphore_mem>>)
      %dma_wait3A_100 = arith.constant 0 : i32
      %dma_wait3A_101 = arith.constant 0 : i32
      %dma_wait3A_102 = tpu.memref_slice %arg10[%dma_wait3A_100, %dma_wait3A_101] : memref<128x128xf32, #tpu.memory_space<vmem>> -> memref<120x128xf32, #tpu.memory_space<vmem>>
      %dma_wait3A_103 = arith.constant 0 : i32
      %dma_wait3A_104 = tpu.memref_slice %arg7[%sub3A_25, %dma_wait3A_103] : memref<10112x128xf32, #tpu.memory_space<vmem_shared>> -> memref<120x128xf32, #tpu.memory_space<vmem_shared>>
      %dma_wait3A_105 = arith.constant 0 : i32
      %dma_wait3A_106 = tpu.memref_slice %arg7[%sub3A_25, %dma_wait3A_105] : memref<10112x128xf32, #tpu.memory_space<vmem_shared>> -> memref<120x128xf32, #tpu.memory_space<vmem_shared>>
      %dma_wait3A_107 = arith.constant 0 : i32
      %dma_wait3A_108 = arith.constant 0 : i32
      %dma_wait3A_109 = tpu.memref_slice %arg10[%dma_wait3A_107, %dma_wait3A_108] : memref<128x128xf32, #tpu.memory_space<vmem>> -> memref<120x128xf32, #tpu.memory_space<vmem>>
      tpu.wait_dma2 semaphore(%run_scoped3A_89 : memref<!tpu.dma_semaphore, #tpu.memory_space<semaphore_mem>>) src(%dma_wait3A_109 : memref<120x128xf32, #tpu.memory_space<vmem>>) dst(%dma_wait3A_106 : memref<120x128xf32, #tpu.memory_space<vmem_shared>>)
      tpu.yield
    }) : () -> ()
    %mul3A_26 = arith.constant 632 : i32
    %mul3A_27 = arith.muli %arg1, %mul3A_26 : i32
    %add3A_28 = arith.constant 0 : i32
    %add3A_29 = arith.addi %mul3A_27, %add3A_28 : i32
    "tpu.region"() ({
      %run_scoped3A_89 = tpu.sem_alloc : memref<!tpu.dma_semaphore, #tpu.memory_space<semaphore_mem>>
      %dma_start3A_90 = arith.constant 0 : i32
      %dma_start3A_91 = tpu.memref_slice %arg17[%add3A_29, %dma_start3A_90] : memref<10112x16xf32, #tpu.memory_space<vmem_shared>> -> memref<128x16xf32, #tpu.memory_space<vmem_shared>>
      %dma_start3A_92 = arith.constant 0 : i32
      %dma_start3A_93 = tpu.memref_slice %arg17[%add3A_29, %dma_start3A_92] : memref<10112x16xf32, #tpu.memory_space<vmem_shared>> -> memref<128x16xf32, #tpu.memory_space<vmem_shared>>
      tpu.enqueue_dma source(%arg18 : memref<128x16xf32, #tpu.memory_space<vmem>>) target(%dma_start3A_93 : memref<128x16xf32, #tpu.memory_space<vmem_shared>>) target_semaphore(%run_scoped3A_89 : memref<!tpu.dma_semaphore, #tpu.memory_space<semaphore_mem>>)
      %dma_wait3A_94 = arith.constant 0 : i32
      %dma_wait3A_95 = tpu.memref_slice %arg17[%add3A_29, %dma_wait3A_94] : memref<10112x16xf32, #tpu.memory_space<vmem_shared>> -> memref<128x16xf32, #tpu.memory_space<vmem_shared>>
      %dma_wait3A_96 = arith.constant 0 : i32
      %dma_wait3A_97 = tpu.memref_slice %arg17[%add3A_29, %dma_wait3A_96] : memref<10112x16xf32, #tpu.memory_space<vmem_shared>> -> memref<128x16xf32, #tpu.memory_space<vmem_shared>>
      tpu.wait_dma2 semaphore(%run_scoped3A_89 : memref<!tpu.dma_semaphore, #tpu.memory_space<semaphore_mem>>) src(%arg18 : memref<128x16xf32, #tpu.memory_space<vmem>>) dst(%dma_wait3A_97 : memref<128x16xf32, #tpu.memory_space<vmem_shared>>)
      tpu.yield
    }) : () -> ()
    %add3A_30 = arith.constant 128 : i32
    %add3A_31 = arith.addi %mul3A_27, %add3A_30 : i32
    "tpu.region"() ({
      %run_scoped3A_89 = tpu.sem_alloc : memref<!tpu.dma_semaphore, #tpu.memory_space<semaphore_mem>>
      %dma_start3A_90 = arith.constant 0 : i32
      %dma_start3A_91 = tpu.memref_slice %arg17[%add3A_31, %dma_start3A_90] : memref<10112x16xf32, #tpu.memory_space<vmem_shared>> -> memref<128x16xf32, #tpu.memory_space<vmem_shared>>
      %dma_start3A_92 = arith.constant 0 : i32
      %dma_start3A_93 = tpu.memref_slice %arg17[%add3A_31, %dma_start3A_92] : memref<10112x16xf32, #tpu.memory_space<vmem_shared>> -> memref<128x16xf32, #tpu.memory_space<vmem_shared>>
      tpu.enqueue_dma source(%arg18 : memref<128x16xf32, #tpu.memory_space<vmem>>) target(%dma_start3A_93 : memref<128x16xf32, #tpu.memory_space<vmem_shared>>) target_semaphore(%run_scoped3A_89 : memref<!tpu.dma_semaphore, #tpu.memory_space<semaphore_mem>>)
      %dma_wait3A_94 = arith.constant 0 : i32
      %dma_wait3A_95 = tpu.memref_slice %arg17[%add3A_31, %dma_wait3A_94] : memref<10112x16xf32, #tpu.memory_space<vmem_shared>> -> memref<128x16xf32, #tpu.memory_space<vmem_shared>>
      %dma_wait3A_96 = arith.constant 0 : i32
      %dma_wait3A_97 = tpu.memref_slice %arg17[%add3A_31, %dma_wait3A_96] : memref<10112x16xf32, #tpu.memory_space<vmem_shared>> -> memref<128x16xf32, #tpu.memory_space<vmem_shared>>
      tpu.wait_dma2 semaphore(%run_scoped3A_89 : memref<!tpu.dma_semaphore, #tpu.memory_space<semaphore_mem>>) src(%arg18 : memref<128x16xf32, #tpu.memory_space<vmem>>) dst(%dma_wait3A_97 : memref<128x16xf32, #tpu.memory_space<vmem_shared>>)
      tpu.yield
    }) : () -> ()
    %add3A_32 = arith.constant 256 : i32
    %add3A_33 = arith.addi %mul3A_27, %add3A_32 : i32
    "tpu.region"() ({
      %run_scoped3A_89 = tpu.sem_alloc : memref<!tpu.dma_semaphore, #tpu.memory_space<semaphore_mem>>
      %dma_start3A_90 = arith.constant 0 : i32
      %dma_start3A_91 = tpu.memref_slice %arg17[%add3A_33, %dma_start3A_90] : memref<10112x16xf32, #tpu.memory_space<vmem_shared>> -> memref<128x16xf32, #tpu.memory_space<vmem_shared>>
      %dma_start3A_92 = arith.constant 0 : i32
      %dma_start3A_93 = tpu.memref_slice %arg17[%add3A_33, %dma_start3A_92] : memref<10112x16xf32, #tpu.memory_space<vmem_shared>> -> memref<128x16xf32, #tpu.memory_space<vmem_shared>>
      tpu.enqueue_dma source(%arg18 : memref<128x16xf32, #tpu.memory_space<vmem>>) target(%dma_start3A_93 : memref<128x16xf32, #tpu.memory_space<vmem_shared>>) target_semaphore(%run_scoped3A_89 : memref<!tpu.dma_semaphore, #tpu.memory_space<semaphore_mem>>)
      %dma_wait3A_94 = arith.constant 0 : i32
      %dma_wait3A_95 = tpu.memref_slice %arg17[%add3A_33, %dma_wait3A_94] : memref<10112x16xf32, #tpu.memory_space<vmem_shared>> -> memref<128x16xf32, #tpu.memory_space<vmem_shared>>
      %dma_wait3A_96 = arith.constant 0 : i32
      %dma_wait3A_97 = tpu.memref_slice %arg17[%add3A_33, %dma_wait3A_96] : memref<10112x16xf32, #tpu.memory_space<vmem_shared>> -> memref<128x16xf32, #tpu.memory_space<vmem_shared>>
      tpu.wait_dma2 semaphore(%run_scoped3A_89 : memref<!tpu.dma_semaphore, #tpu.memory_space<semaphore_mem>>) src(%arg18 : memref<128x16xf32, #tpu.memory_space<vmem>>) dst(%dma_wait3A_97 : memref<128x16xf32, #tpu.memory_space<vmem_shared>>)
      tpu.yield
    }) : () -> ()
    %add3A_34 = arith.constant 384 : i32
    %add3A_35 = arith.addi %mul3A_27, %add3A_34 : i32
    "tpu.region"() ({
      %run_scoped3A_89 = tpu.sem_alloc : memref<!tpu.dma_semaphore, #tpu.memory_space<semaphore_mem>>
      %dma_start3A_90 = arith.constant 0 : i32
      %dma_start3A_91 = tpu.memref_slice %arg17[%add3A_35, %dma_start3A_90] : memref<10112x16xf32, #tpu.memory_space<vmem_shared>> -> memref<128x16xf32, #tpu.memory_space<vmem_shared>>
      %dma_start3A_92 = arith.constant 0 : i32
      %dma_start3A_93 = tpu.memref_slice %arg17[%add3A_35, %dma_start3A_92] : memref<10112x16xf32, #tpu.memory_space<vmem_shared>> -> memref<128x16xf32, #tpu.memory_space<vmem_shared>>
      tpu.enqueue_dma source(%arg18 : memref<128x16xf32, #tpu.memory_space<vmem>>) target(%dma_start3A_93 : memref<128x16xf32, #tpu.memory_space<vmem_shared>>) target_semaphore(%run_scoped3A_89 : memref<!tpu.dma_semaphore, #tpu.memory_space<semaphore_mem>>)
      %dma_wait3A_94 = arith.constant 0 : i32
      %dma_wait3A_95 = tpu.memref_slice %arg17[%add3A_35, %dma_wait3A_94] : memref<10112x16xf32, #tpu.memory_space<vmem_shared>> -> memref<128x16xf32, #tpu.memory_space<vmem_shared>>
      %dma_wait3A_96 = arith.constant 0 : i32
      %dma_wait3A_97 = tpu.memref_slice %arg17[%add3A_35, %dma_wait3A_96] : memref<10112x16xf32, #tpu.memory_space<vmem_shared>> -> memref<128x16xf32, #tpu.memory_space<vmem_shared>>
      tpu.wait_dma2 semaphore(%run_scoped3A_89 : memref<!tpu.dma_semaphore, #tpu.memory_space<semaphore_mem>>) src(%arg18 : memref<128x16xf32, #tpu.memory_space<vmem>>) dst(%dma_wait3A_97 : memref<128x16xf32, #tpu.memory_space<vmem_shared>>)
      tpu.yield
    }) : () -> ()
    %add3A_36 = arith.constant 632 : i32
    %add3A_37 = arith.addi %mul3A_27, %add3A_36 : i32
    %sub3A_38 = arith.constant 120 : i32
    %sub3A_39 = arith.subi %add3A_37, %sub3A_38 : i32
    "tpu.region"() ({
      %run_scoped3A_89 = tpu.sem_alloc : memref<!tpu.dma_semaphore, #tpu.memory_space<semaphore_mem>>
      %dma_start3A_90 = arith.constant 0 : i32
      %dma_start3A_91 = arith.constant 0 : i32
      %dma_start3A_92 = tpu.memref_slice %arg18[%dma_start3A_90, %dma_start3A_91] : memref<128x16xf32, #tpu.memory_space<vmem>> -> memref<120x16xf32, #tpu.memory_space<vmem>>
      %dma_start3A_93 = arith.constant 0 : i32
      %dma_start3A_94 = tpu.memref_slice %arg17[%sub3A_39, %dma_start3A_93] : memref<10112x16xf32, #tpu.memory_space<vmem_shared>> -> memref<120x16xf32, #tpu.memory_space<vmem_shared>>
      %dma_start3A_95 = arith.constant 0 : i32
      %dma_start3A_96 = tpu.memref_slice %arg17[%sub3A_39, %dma_start3A_95] : memref<10112x16xf32, #tpu.memory_space<vmem_shared>> -> memref<120x16xf32, #tpu.memory_space<vmem_shared>>
      %dma_start3A_97 = arith.constant 0 : i32
      %dma_start3A_98 = arith.constant 0 : i32
      %dma_start3A_99 = tpu.memref_slice %arg18[%dma_start3A_97, %dma_start3A_98] : memref<128x16xf32, #tpu.memory_space<vmem>> -> memref<120x16xf32, #tpu.memory_space<vmem>>
      tpu.enqueue_dma source(%dma_start3A_99 : memref<120x16xf32, #tpu.memory_space<vmem>>) target(%dma_start3A_96 : memref<120x16xf32, #tpu.memory_space<vmem_shared>>) target_semaphore(%run_scoped3A_89 : memref<!tpu.dma_semaphore, #tpu.memory_space<semaphore_mem>>)
      %dma_wait3A_100 = arith.constant 0 : i32
      %dma_wait3A_101 = arith.constant 0 : i32
      %dma_wait3A_102 = tpu.memref_slice %arg18[%dma_wait3A_100, %dma_wait3A_101] : memref<128x16xf32, #tpu.memory_space<vmem>> -> memref<120x16xf32, #tpu.memory_space<vmem>>
      %dma_wait3A_103 = arith.constant 0 : i32
      %dma_wait3A_104 = tpu.memref_slice %arg17[%sub3A_39, %dma_wait3A_103] : memref<10112x16xf32, #tpu.memory_space<vmem_shared>> -> memref<120x16xf32, #tpu.memory_space<vmem_shared>>
      %dma_wait3A_105 = arith.constant 0 : i32
      %dma_wait3A_106 = tpu.memref_slice %arg17[%sub3A_39, %dma_wait3A_105] : memref<10112x16xf32, #tpu.memory_space<vmem_shared>> -> memref<120x16xf32, #tpu.memory_space<vmem_shared>>
      %dma_wait3A_107 = arith.constant 0 : i32
      %dma_wait3A_108 = arith.constant 0 : i32
      %dma_wait3A_109 = tpu.memref_slice %arg18[%dma_wait3A_107, %dma_wait3A_108] : memref<128x16xf32, #tpu.memory_space<vmem>> -> memref<120x16xf32, #tpu.memory_space<vmem>>
      tpu.wait_dma2 semaphore(%run_scoped3A_89 : memref<!tpu.dma_semaphore, #tpu.memory_space<semaphore_mem>>) src(%dma_wait3A_109 : memref<120x16xf32, #tpu.memory_space<vmem>>) dst(%dma_wait3A_106 : memref<120x16xf32, #tpu.memory_space<vmem_shared>>)
      tpu.yield
    }) : () -> ()
    %broadcast_in_dim3A_40 = arith.constant 1.000000e+00 : f32
    %broadcast_in_dim3A_41 = vector.broadcast %broadcast_in_dim3A_40 : f32 to vector<16xf32>
    %scan3A_42 = arith.constant 0 : i32
    %scan3A_43 = arith.constant 0 : i32
    %scan3A_44 = arith.constant 128 : i32
    %scan3A_45 = arith.addi %scan3A_43, %scan3A_44 : i32
    %scan3A_46 = arith.constant 1 : i32
    scf.for %scan3A_89 = %scan3A_43 to %scan3A_45 step %scan3A_46  : i32 {
      %swap3A = arith.index_cast %scan3A_89 : i32 to index
      %swap3A_90 = arith.constant 0 : index
      %swap3A_91 = tpu.vector_load %arg18[%swap3A, %swap3A_90] {strides = array<i32>} : memref<128x16xf32, #tpu.memory_space<vmem>>, vector<1x16xf32>,
      %swap3A_92 = vector.shape_cast %swap3A_91 : vector<1x16xf32> to vector<16xf32>
      %swap3A_93 = vector.shape_cast %broadcast_in_dim3A_41 : vector<16xf32> to vector<1x16xf32>
      tpu.vector_store %arg18[%swap3A, %swap3A_90], %swap3A_93 {strides = array<i32>} : memref<128x16xf32, #tpu.memory_space<vmem>>, vector<1x16xf32>,
    }
    %scan3A_47 = arith.constant 128 : i32
    %barrier3A = arith.constant 0 : index
    tpu.barrier barrier_id(%barrier3A)
    %run_scoped3A = arith.constant 0 : i32
    "tpu.region"() ({
      %run_scoped3A_89 = tpu.sem_alloc : memref<!tpu.dma_semaphore, #tpu.memory_space<semaphore_mem>>
      %dma_start3A_90 = arith.constant 0 : i32
      %dma_start3A_91 = arith.constant 0 : i32
      %dma_start3A_92 = tpu.memref_slice %arg8[%run_scoped3A, %dma_start3A_90, %dma_start3A_91] : memref<2x8x128xi32, #tpu.memory_space<vmem>> -> memref<1x8x128xi32, #tpu.memory_space<vmem>>
      %dma_start3A_93 = tpu.memref_squeeze %dma_start3A_92 : memref<1x8x128xi32, #tpu.memory_space<vmem>> -> memref<8x128xi32, #tpu.memory_space<vmem>>
      %dma_start3A_94 = arith.constant 0 : i32
      %dma_start3A_95 = tpu.memref_slice %arg3[%add3A, %dma_start3A_94] : memref<2560x128xi32, #tpu.memory_space<hbm>> -> memref<8x128xi32, #tpu.memory_space<hbm>>
      %dma_start3A_96 = arith.constant 0 : i32
      %dma_start3A_97 = arith.constant 0 : i32
      %dma_start3A_98 = tpu.memref_slice %arg8[%run_scoped3A, %dma_start3A_96, %dma_start3A_97] : memref<2x8x128xi32, #tpu.memory_space<vmem>> -> memref<1x8x128xi32, #tpu.memory_space<vmem>>
      %dma_start3A_99 = tpu.memref_squeeze %dma_start3A_98 : memref<1x8x128xi32, #tpu.memory_space<vmem>> -> memref<8x128xi32, #tpu.memory_space<vmem>>
      %dma_start3A_100 = arith.constant 0 : i32
      %dma_start3A_101 = tpu.memref_slice %arg3[%add3A, %dma_start3A_100] : memref<2560x128xi32, #tpu.memory_space<hbm>> -> memref<8x128xi32, #tpu.memory_space<hbm>>
      tpu.enqueue_dma source(%dma_start3A_101 : memref<8x128xi32, #tpu.memory_space<hbm>>) target(%dma_start3A_99 : memref<8x128xi32, #tpu.memory_space<vmem>>) target_semaphore(%run_scoped3A_89 : memref<!tpu.dma_semaphore, #tpu.memory_space<semaphore_mem>>)
      %dma_wait3A_102 = arith.constant 0 : i32
      %dma_wait3A_103 = arith.constant 0 : i32
      %dma_wait3A_104 = tpu.memref_slice %arg8[%run_scoped3A, %dma_wait3A_102, %dma_wait3A_103] : memref<2x8x128xi32, #tpu.memory_space<vmem>> -> memref<1x8x128xi32, #tpu.memory_space<vmem>>
      %dma_wait3A_105 = tpu.memref_squeeze %dma_wait3A_104 : memref<1x8x128xi32, #tpu.memory_space<vmem>> -> memref<8x128xi32, #tpu.memory_space<vmem>>
      %dma_wait3A_106 = arith.constant 0 : i32
      %dma_wait3A_107 = tpu.memref_slice %arg3[%add3A, %dma_wait3A_106] : memref<2560x128xi32, #tpu.memory_space<hbm>> -> memref<8x128xi32, #tpu.memory_space<hbm>>
      %dma_wait3A_108 = arith.constant 0 : i32
      %dma_wait3A_109 = arith.constant 0 : i32
      %dma_wait3A_110 = tpu.memref_slice %arg8[%run_scoped3A, %dma_wait3A_108, %dma_wait3A_109] : memref<2x8x128xi32, #tpu.memory_space<vmem>> -> memref<1x8x128xi32, #tpu.memory_space<vmem>>
      %dma_wait3A_111 = tpu.memref_squeeze %dma_wait3A_110 : memref<1x8x128xi32, #tpu.memory_space<vmem>> -> memref<8x128xi32, #tpu.memory_space<vmem>>
      %dma_wait3A_112 = arith.constant 0 : i32
      %dma_wait3A_113 = tpu.memref_slice %arg3[%add3A, %dma_wait3A_112] : memref<2560x128xi32, #tpu.memory_space<hbm>> -> memref<8x128xi32, #tpu.memory_space<hbm>>
      tpu.wait_dma2 semaphore(%run_scoped3A_89 : memref<!tpu.dma_semaphore, #tpu.memory_space<semaphore_mem>>) src(%dma_wait3A_113 : memref<8x128xi32, #tpu.memory_space<hbm>>) dst(%dma_wait3A_111 : memref<8x128xi32, #tpu.memory_space<vmem>>)
      tpu.yield
    }) : () -> ()
    %run_scoped3A_48 = arith.constant 0 : i32
    "tpu.region"() ({
      %run_scoped3A_89 = tpu.sem_alloc : memref<!tpu.dma_semaphore, #tpu.memory_space<semaphore_mem>>
      %dma_start3A_90 = arith.constant 0 : i32
      %dma_start3A_91 = arith.constant 0 : i32
      %dma_start3A_92 = tpu.memref_slice %arg9[%run_scoped3A_48, %dma_start3A_90, %dma_start3A_91] : memref<2x8x128xi32, #tpu.memory_space<vmem>> -> memref<1x8x128xi32, #tpu.memory_space<vmem>>
      %dma_start3A_93 = tpu.memref_squeeze %dma_start3A_92 : memref<1x8x128xi32, #tpu.memory_space<vmem>> -> memref<8x128xi32, #tpu.memory_space<vmem>>
      %dma_start3A_94 = arith.constant 0 : i32
      %dma_start3A_95 = tpu.memref_slice %arg4[%add3A, %dma_start3A_94] : memref<2560x128xi32, #tpu.memory_space<hbm>> -> memref<8x128xi32, #tpu.memory_space<hbm>>
      %dma_start3A_96 = arith.constant 0 : i32
      %dma_start3A_97 = arith.constant 0 : i32
      %dma_start3A_98 = tpu.memref_slice %arg9[%run_scoped3A_48, %dma_start3A_96, %dma_start3A_97] : memref<2x8x128xi32, #tpu.memory_space<vmem>> -> memref<1x8x128xi32, #tpu.memory_space<vmem>>
      %dma_start3A_99 = tpu.memref_squeeze %dma_start3A_98 : memref<1x8x128xi32, #tpu.memory_space<vmem>> -> memref<8x128xi32, #tpu.memory_space<vmem>>
      %dma_start3A_100 = arith.constant 0 : i32
      %dma_start3A_101 = tpu.memref_slice %arg4[%add3A, %dma_start3A_100] : memref<2560x128xi32, #tpu.memory_space<hbm>> -> memref<8x128xi32, #tpu.memory_space<hbm>>
      tpu.enqueue_dma source(%dma_start3A_101 : memref<8x128xi32, #tpu.memory_space<hbm>>) target(%dma_start3A_99 : memref<8x128xi32, #tpu.memory_space<vmem>>) target_semaphore(%run_scoped3A_89 : memref<!tpu.dma_semaphore, #tpu.memory_space<semaphore_mem>>)
      %dma_wait3A_102 = arith.constant 0 : i32
      %dma_wait3A_103 = arith.constant 0 : i32
      %dma_wait3A_104 = tpu.memref_slice %arg9[%run_scoped3A_48, %dma_wait3A_102, %dma_wait3A_103] : memref<2x8x128xi32, #tpu.memory_space<vmem>> -> memref<1x8x128xi32, #tpu.memory_space<vmem>>
      %dma_wait3A_105 = tpu.memref_squeeze %dma_wait3A_104 : memref<1x8x128xi32, #tpu.memory_space<vmem>> -> memref<8x128xi32, #tpu.memory_space<vmem>>
      %dma_wait3A_106 = arith.constant 0 : i32
      %dma_wait3A_107 = tpu.memref_slice %arg4[%add3A, %dma_wait3A_106] : memref<2560x128xi32, #tpu.memory_space<hbm>> -> memref<8x128xi32, #tpu.memory_space<hbm>>
      %dma_wait3A_108 = arith.constant 0 : i32
      %dma_wait3A_109 = arith.constant 0 : i32
      %dma_wait3A_110 = tpu.memref_slice %arg9[%run_scoped3A_48, %dma_wait3A_108, %dma_wait3A_109] : memref<2x8x128xi32, #tpu.memory_space<vmem>> -> memref<1x8x128xi32, #tpu.memory_space<vmem>>
      %dma_wait3A_111 = tpu.memref_squeeze %dma_wait3A_110 : memref<1x8x128xi32, #tpu.memory_space<vmem>> -> memref<8x128xi32, #tpu.memory_space<vmem>>
      %dma_wait3A_112 = arith.constant 0 : i32
      %dma_wait3A_113 = tpu.memref_slice %arg4[%add3A, %dma_wait3A_112] : memref<2560x128xi32, #tpu.memory_space<hbm>> -> memref<8x128xi32, #tpu.memory_space<hbm>>
      tpu.wait_dma2 semaphore(%run_scoped3A_89 : memref<!tpu.dma_semaphore, #tpu.memory_space<semaphore_mem>>) src(%dma_wait3A_113 : memref<8x128xi32, #tpu.memory_space<hbm>>) dst(%dma_wait3A_111 : memref<8x128xi32, #tpu.memory_space<vmem>>)
      tpu.yield
    }) : () -> ()
    %dma_start3A = arith.constant 0 : i32
    %dma_start3A_49 = arith.constant 0 : i32
    %dma_start3A_50 = arith.constant 0 : i32
    %dma_start3A_51 = tpu.memref_slice %arg8[%dma_start3A, %dma_start3A_49, %dma_start3A_50] : memref<2x8x128xi32, #tpu.memory_space<vmem>> -> memref<1x1x128xi32, #tpu.memory_space<vmem>>
    %dma_start3A_52 = tpu.memref_squeeze %dma_start3A_51 : memref<1x1x128xi32, #tpu.memory_space<vmem>> -> memref<128xi32, #tpu.memory_space<vmem>>
    %dma_start3A_53 = arith.constant 0 : i32
    %dma_start3A_54 = arith.constant 0 : i32
    %dma_start3A_55 = tpu.memref_slice %arg2[%dma_start3A_53, %dma_start3A_54] : memref<10000x128xf32, #tpu.memory_space<hbm>> -> memref<10000x128xf32, #tpu.memory_space<hbm>>
    tpu.enqueue_indirect_dma source(%dma_start3A_55 : memref<10000x128xf32, #tpu.memory_space<hbm>>) target(%arg10 : memref<128x128xf32, #tpu.memory_space<vmem>>) offsets(%dma_start3A_52 : memref<128xi32, #tpu.memory_space<vmem>>) semaphore(%arg12 : memref<!tpu.dma_semaphore, #tpu.memory_space<semaphore_mem>>)
    %while3A = arith.constant 0 : i32
    %while3A_56 = arith.constant 0 : i32
    %while3A_57 = arith.subi %select_n3A_4, %while3A_56 : i32
    %while3A_58 = arith.addi %while3A_56, %while3A_57 : i32
    %while3A_59 = arith.constant 1 : i32
    %while3A_60 = arith.divsi %while3A_57, %while3A_59 : i32
    %while3A_61 = arith.muli %while3A_60, %while3A_59 : i32
    %while3A_62 = arith.addi %while3A_56, %while3A_61 : i32
    %while3A_63 = arith.constant 1 : i32
    scf.for %while3A_89 = %while3A_56 to %while3A_62 step %while3A_63  : i32 {
      %rem3A = arith.constant 2 : i32
      %rem3A_90 = arith.remsi %while3A_89, %rem3A : i32
      %sub3A_91 = arith.constant 1 : i32
      %sub3A_92 = arith.subi %sub3A_91, %rem3A_90 : i32
      %dma_wait3A_93 = arith.constant 0 : i32
      %dma_wait3A_94 = arith.constant 0 : i32
      %dma_wait3A_95 = tpu.memref_slice %arg8[%rem3A_90, %dma_wait3A_93, %dma_wait3A_94] : memref<2x8x128xi32, #tpu.memory_space<vmem>> -> memref<1x1x128xi32, #tpu.memory_space<vmem>>
      %dma_wait3A_96 = tpu.memref_squeeze %dma_wait3A_95 : memref<1x1x128xi32, #tpu.memory_space<vmem>> -> memref<128xi32, #tpu.memory_space<vmem>>
      %dma_wait3A_97 = arith.constant 0 : i32
      %dma_wait3A_98 = arith.constant 0 : i32
      %dma_wait3A_99 = tpu.memref_slice %arg2[%dma_wait3A_97, %dma_wait3A_98] : memref<10000x128xf32, #tpu.memory_space<hbm>> -> memref<10000x128xf32, #tpu.memory_space<hbm>>
      tpu.wait_indirect_dma semaphore(%arg12 : memref<!tpu.dma_semaphore, #tpu.memory_space<semaphore_mem>>) src(%dma_wait3A_99 : memref<10000x128xf32, #tpu.memory_space<hbm>>) dst(%arg10 : memref<128x128xf32, #tpu.memory_space<vmem>>)
      %ge3A = arith.constant 1 : i32
      %ge3A_100 = arith.cmpi sge, %while3A_89, %ge3A : i32
      %convert_element_type3A = arith.extui %ge3A_100 : i1 to i32
      %cond3A = arith.constant 0 : i32
      %cond3A_101 = arith.cmpi ne, %convert_element_type3A, %cond3A : i32
      scf.if %cond3A_101 {
        %dma_wait3A_440 = arith.constant 0 : i32
        %dma_wait3A_441 = arith.constant 0 : i32
        %dma_wait3A_442 = arith.constant 0 : i32
        %dma_wait3A_443 = tpu.memref_slice %arg9[%dma_wait3A_440, %dma_wait3A_441, %dma_wait3A_442] : memref<2x8x128xi32, #tpu.memory_space<vmem>> -> memref<1x1x128xi32, #tpu.memory_space<vmem>>
        %dma_wait3A_444 = tpu.memref_squeeze %dma_wait3A_443 : memref<1x1x128xi32, #tpu.memory_space<vmem>> -> memref<128xi32, #tpu.memory_space<vmem>>
        %dma_wait3A_445 = arith.constant 0 : i32
        %dma_wait3A_446 = arith.constant 0 : i32
        %dma_wait3A_447 = tpu.memref_slice %arg7[%dma_wait3A_445, %dma_wait3A_446] : memref<10112x128xf32, #tpu.memory_space<vmem_shared>> -> memref<10112x128xf32, #tpu.memory_space<vmem_shared>>
        tpu.wait_indirect_dma semaphore(%arg15 : memref<!tpu.dma_semaphore, #tpu.memory_space<semaphore_mem>>) src(%arg11 : memref<128x128xf32, #tpu.memory_space<vmem>>) dst(%dma_wait3A_447 : memref<10112x128xf32, #tpu.memory_space<vmem_shared>>)
      } else {
      }
      %dma_start3A_102 = arith.constant 1 : i32
      %dma_start3A_103 = arith.constant 0 : i32
      %dma_start3A_104 = tpu.memref_slice %arg8[%rem3A_90, %dma_start3A_102, %dma_start3A_103] : memref<2x8x128xi32, #tpu.memory_space<vmem>> -> memref<1x1x128xi32, #tpu.memory_space<vmem>>
      %dma_start3A_105 = tpu.memref_squeeze %dma_start3A_104 : memref<1x1x128xi32, #tpu.memory_space<vmem>> -> memref<128xi32, #tpu.memory_space<vmem>>
      %dma_start3A_106 = arith.constant 0 : i32
      %dma_start3A_107 = arith.constant 0 : i32
      %dma_start3A_108 = tpu.memref_slice %arg2[%dma_start3A_106, %dma_start3A_107] : memref<10000x128xf32, #tpu.memory_space<hbm>> -> memref<10000x128xf32, #tpu.memory_space<hbm>>
      tpu.enqueue_indirect_dma source(%dma_start3A_108 : memref<10000x128xf32, #tpu.memory_space<hbm>>) target(%arg11 : memref<128x128xf32, #tpu.memory_space<vmem>>) offsets(%dma_start3A_105 : memref<128xi32, #tpu.memory_space<vmem>>) semaphore(%arg13 : memref<!tpu.dma_semaphore, #tpu.memory_space<semaphore_mem>>)
      %dma_start3A_109 = arith.constant 0 : i32
      %dma_start3A_110 = arith.constant 0 : i32
      %dma_start3A_111 = tpu.memref_slice %arg9[%rem3A_90, %dma_start3A_109, %dma_start3A_110] : memref<2x8x128xi32, #tpu.memory_space<vmem>> -> memref<1x1x128xi32, #tpu.memory_space<vmem>>
      %dma_start3A_112 = tpu.memref_squeeze %dma_start3A_111 : memref<1x1x128xi32, #tpu.memory_space<vmem>> -> memref<128xi32, #tpu.memory_space<vmem>>
      %dma_start3A_113 = arith.constant 0 : i32
      %dma_start3A_114 = arith.constant 0 : i32
      %dma_start3A_115 = tpu.memref_slice %arg7[%dma_start3A_113, %dma_start3A_114] : memref<10112x128xf32, #tpu.memory_space<vmem_shared>> -> memref<10112x128xf32, #tpu.memory_space<vmem_shared>>
      tpu.enqueue_indirect_dma source(%arg10 : memref<128x128xf32, #tpu.memory_space<vmem>>) target(%dma_start3A_115 : memref<10112x128xf32, #tpu.memory_space<vmem_shared>>) offsets(%dma_start3A_112 : memref<128xi32, #tpu.memory_space<vmem>>) semaphore(%arg14 : memref<!tpu.dma_semaphore, #tpu.memory_space<semaphore_mem>>) {add = true}
      %ge3A_116 = arith.constant 1 : i32
      %ge3A_117 = arith.cmpi sge, %while3A_89, %ge3A_116 : i32
      %convert_element_type3A_118 = arith.extui %ge3A_117 : i1 to i32
      %cond3A_119 = arith.constant 0 : i32
      %cond3A_120 = arith.cmpi ne, %convert_element_type3A_118, %cond3A_119 : i32
      scf.if %cond3A_120 {
        %dma_wait3A_440 = arith.constant 0 : i32
        %dma_wait3A_441 = arith.constant 0 : i32
        %dma_wait3A_442 = arith.constant 0 : i32
        %dma_wait3A_443 = tpu.memref_slice %arg9[%dma_wait3A_440, %dma_wait3A_441, %dma_wait3A_442] : memref<2x8x128xi32, #tpu.memory_space<vmem>> -> memref<1x1x128xi32, #tpu.memory_space<vmem>>
        %dma_wait3A_444 = tpu.memref_squeeze %dma_wait3A_443 : memref<1x1x128xi32, #tpu.memory_space<vmem>> -> memref<128xi32, #tpu.memory_space<vmem>>
        %dma_wait3A_445 = arith.constant 0 : i32
        %dma_wait3A_446 = arith.constant 0 : i32
        %dma_wait3A_447 = tpu.memref_slice %arg17[%dma_wait3A_445, %dma_wait3A_446] : memref<10112x16xf32, #tpu.memory_space<vmem_shared>> -> memref<10112x16xf32, #tpu.memory_space<vmem_shared>>
        tpu.wait_indirect_dma semaphore(%arg19 : memref<!tpu.dma_semaphore, #tpu.memory_space<semaphore_mem>>) src(%arg18 : memref<128x16xf32, #tpu.memory_space<vmem>>) dst(%dma_wait3A_447 : memref<10112x16xf32, #tpu.memory_space<vmem_shared>>)
      } else {
      }
      %dma_start3A_121 = arith.constant 0 : i32
      %dma_start3A_122 = arith.constant 0 : i32
      %dma_start3A_123 = tpu.memref_slice %arg9[%rem3A_90, %dma_start3A_121, %dma_start3A_122] : memref<2x8x128xi32, #tpu.memory_space<vmem>> -> memref<1x1x128xi32, #tpu.memory_space<vmem>>
      %dma_start3A_124 = tpu.memref_squeeze %dma_start3A_123 : memref<1x1x128xi32, #tpu.memory_space<vmem>> -> memref<128xi32, #tpu.memory_space<vmem>>
      %dma_start3A_125 = arith.constant 0 : i32
      %dma_start3A_126 = arith.constant 0 : i32
      %dma_start3A_127 = tpu.memref_slice %arg17[%dma_start3A_125, %dma_start3A_126] : memref<10112x16xf32, #tpu.memory_space<vmem_shared>> -> memref<10112x16xf32, #tpu.memory_space<vmem_shared>>
      tpu.enqueue_indirect_dma source(%arg18 : memref<128x16xf32, #tpu.memory_space<vmem>>) target(%dma_start3A_127 : memref<10112x16xf32, #tpu.memory_space<vmem_shared>>) offsets(%dma_start3A_124 : memref<128xi32, #tpu.memory_space<vmem>>) semaphore(%arg19 : memref<!tpu.dma_semaphore, #tpu.memory_space<semaphore_mem>>) {add = true}
      %dma_wait3A_128 = arith.constant 1 : i32
      %dma_wait3A_129 = arith.constant 0 : i32
      %dma_wait3A_130 = tpu.memref_slice %arg8[%rem3A_90, %dma_wait3A_128, %dma_wait3A_129] : memref<2x8x128xi32, #tpu.memory_space<vmem>> -> memref<1x1x128xi32, #tpu.memory_space<vmem>>
      %dma_wait3A_131 = tpu.memref_squeeze %dma_wait3A_130 : memref<1x1x128xi32, #tpu.memory_space<vmem>> -> memref<128xi32, #tpu.memory_space<vmem>>
      %dma_wait3A_132 = arith.constant 0 : i32
      %dma_wait3A_133 = arith.constant 0 : i32
      %dma_wait3A_134 = tpu.memref_slice %arg2[%dma_wait3A_132, %dma_wait3A_133] : memref<10000x128xf32, #tpu.memory_space<hbm>> -> memref<10000x128xf32, #tpu.memory_space<hbm>>
      tpu.wait_indirect_dma semaphore(%arg13 : memref<!tpu.dma_semaphore, #tpu.memory_space<semaphore_mem>>) src(%dma_wait3A_134 : memref<10000x128xf32, #tpu.memory_space<hbm>>) dst(%arg11 : memref<128x128xf32, #tpu.memory_space<vmem>>)
      %dma_wait3A_135 = arith.constant 0 : i32
      %dma_wait3A_136 = arith.constant 0 : i32
      %dma_wait3A_137 = arith.constant 0 : i32
      %dma_wait3A_138 = tpu.memref_slice %arg9[%dma_wait3A_135, %dma_wait3A_136, %dma_wait3A_137] : memref<2x8x128xi32, #tpu.memory_space<vmem>> -> memref<1x1x128xi32, #tpu.memory_space<vmem>>
      %dma_wait3A_139 = tpu.memref_squeeze %dma_wait3A_138 : memref<1x1x128xi32, #tpu.memory_space<vmem>> -> memref<128xi32, #tpu.memory_space<vmem>>
      %dma_wait3A_140 = arith.constant 0 : i32
      %dma_wait3A_141 = arith.constant 0 : i32
      %dma_wait3A_142 = tpu.memref_slice %arg7[%dma_wait3A_140, %dma_wait3A_141] : memref<10112x128xf32, #tpu.memory_space<vmem_shared>> -> memref<10112x128xf32, #tpu.memory_space<vmem_shared>>
      tpu.wait_indirect_dma semaphore(%arg14 : memref<!tpu.dma_semaphore, #tpu.memory_space<semaphore_mem>>) src(%arg10 : memref<128x128xf32, #tpu.memory_space<vmem>>) dst(%dma_wait3A_142 : memref<10112x128xf32, #tpu.memory_space<vmem_shared>>)
      %dma_start3A_143 = arith.constant 2 : i32
      %dma_start3A_144 = arith.constant 0 : i32
      %dma_start3A_145 = tpu.memref_slice %arg8[%rem3A_90, %dma_start3A_143, %dma_start3A_144] : memref<2x8x128xi32, #tpu.memory_space<vmem>> -> memref<1x1x128xi32, #tpu.memory_space<vmem>>
      %dma_start3A_146 = tpu.memref_squeeze %dma_start3A_145 : memref<1x1x128xi32, #tpu.memory_space<vmem>> -> memref<128xi32, #tpu.memory_space<vmem>>
      %dma_start3A_147 = arith.constant 0 : i32
      %dma_start3A_148 = arith.constant 0 : i32
      %dma_start3A_149 = tpu.memref_slice %arg2[%dma_start3A_147, %dma_start3A_148] : memref<10000x128xf32, #tpu.memory_space<hbm>> -> memref<10000x128xf32, #tpu.memory_space<hbm>>
      tpu.enqueue_indirect_dma source(%dma_start3A_149 : memref<10000x128xf32, #tpu.memory_space<hbm>>) target(%arg10 : memref<128x128xf32, #tpu.memory_space<vmem>>) offsets(%dma_start3A_146 : memref<128xi32, #tpu.memory_space<vmem>>) semaphore(%arg12 : memref<!tpu.dma_semaphore, #tpu.memory_space<semaphore_mem>>)
      %dma_start3A_150 = arith.constant 1 : i32
      %dma_start3A_151 = arith.constant 0 : i32
      %dma_start3A_152 = tpu.memref_slice %arg9[%rem3A_90, %dma_start3A_150, %dma_start3A_151] : memref<2x8x128xi32, #tpu.memory_space<vmem>> -> memref<1x1x128xi32, #tpu.memory_space<vmem>>
      %dma_start3A_153 = tpu.memref_squeeze %dma_start3A_152 : memref<1x1x128xi32, #tpu.memory_space<vmem>> -> memref<128xi32, #tpu.memory_space<vmem>>
      %dma_start3A_154 = arith.constant 0 : i32
      %dma_start3A_155 = arith.constant 0 : i32
      %dma_start3A_156 = tpu.memref_slice %arg7[%dma_start3A_154, %dma_start3A_155] : memref<10112x128xf32, #tpu.memory_space<vmem_shared>> -> memref<10112x128xf32, #tpu.memory_space<vmem_shared>>
      tpu.enqueue_indirect_dma source(%arg11 : memref<128x128xf32, #tpu.memory_space<vmem>>) target(%dma_start3A_156 : memref<10112x128xf32, #tpu.memory_space<vmem_shared>>) offsets(%dma_start3A_153 : memref<128xi32, #tpu.memory_space<vmem>>) semaphore(%arg15 : memref<!tpu.dma_semaphore, #tpu.memory_space<semaphore_mem>>) {add = true}
      %dma_wait3A_157 = arith.constant 0 : i32
      %dma_wait3A_158 = arith.constant 0 : i32
      %dma_wait3A_159 = arith.constant 0 : i32
      %dma_wait3A_160 = tpu.memref_slice %arg9[%dma_wait3A_157, %dma_wait3A_158, %dma_wait3A_159] : memref<2x8x128xi32, #tpu.memory_space<vmem>> -> memref<1x1x128xi32, #tpu.memory_space<vmem>>
      %dma_wait3A_161 = tpu.memref_squeeze %dma_wait3A_160 : memref<1x1x128xi32, #tpu.memory_space<vmem>> -> memref<128xi32, #tpu.memory_space<vmem>>
      %dma_wait3A_162 = arith.constant 0 : i32
      %dma_wait3A_163 = arith.constant 0 : i32
      %dma_wait3A_164 = tpu.memref_slice %arg17[%dma_wait3A_162, %dma_wait3A_163] : memref<10112x16xf32, #tpu.memory_space<vmem_shared>> -> memref<10112x16xf32, #tpu.memory_space<vmem_shared>>
      tpu.wait_indirect_dma semaphore(%arg19 : memref<!tpu.dma_semaphore, #tpu.memory_space<semaphore_mem>>) src(%arg18 : memref<128x16xf32, #tpu.memory_space<vmem>>) dst(%dma_wait3A_164 : memref<10112x16xf32, #tpu.memory_space<vmem_shared>>)
      %dma_start3A_165 = arith.constant 1 : i32
      %dma_start3A_166 = arith.constant 0 : i32
      %dma_start3A_167 = tpu.memref_slice %arg9[%rem3A_90, %dma_start3A_165, %dma_start3A_166] : memref<2x8x128xi32, #tpu.memory_space<vmem>> -> memref<1x1x128xi32, #tpu.memory_space<vmem>>
      %dma_start3A_168 = tpu.memref_squeeze %dma_start3A_167 : memref<1x1x128xi32, #tpu.memory_space<vmem>> -> memref<128xi32, #tpu.memory_space<vmem>>
      %dma_start3A_169 = arith.constant 0 : i32
      %dma_start3A_170 = arith.constant 0 : i32
      %dma_start3A_171 = tpu.memref_slice %arg17[%dma_start3A_169, %dma_start3A_170] : memref<10112x16xf32, #tpu.memory_space<vmem_shared>> -> memref<10112x16xf32, #tpu.memory_space<vmem_shared>>
      tpu.enqueue_indirect_dma source(%arg18 : memref<128x16xf32, #tpu.memory_space<vmem>>) target(%dma_start3A_171 : memref<10112x16xf32, #tpu.memory_space<vmem_shared>>) offsets(%dma_start3A_168 : memref<128xi32, #tpu.memory_space<vmem>>) semaphore(%arg19 : memref<!tpu.dma_semaphore, #tpu.memory_space<semaphore_mem>>) {add = true}
      %dma_wait3A_172 = arith.constant 2 : i32
      %dma_wait3A_173 = arith.constant 0 : i32
      %dma_wait3A_174 = tpu.memref_slice %arg8[%rem3A_90, %dma_wait3A_172, %dma_wait3A_173] : memref<2x8x128xi32, #tpu.memory_space<vmem>> -> memref<1x1x128xi32, #tpu.memory_space<vmem>>
      %dma_wait3A_175 = tpu.memref_squeeze %dma_wait3A_174 : memref<1x1x128xi32, #tpu.memory_space<vmem>> -> memref<128xi32, #tpu.memory_space<vmem>>
      %dma_wait3A_176 = arith.constant 0 : i32
      %dma_wait3A_177 = arith.constant 0 : i32
      %dma_wait3A_178 = tpu.memref_slice %arg2[%dma_wait3A_176, %dma_wait3A_177] : memref<10000x128xf32, #tpu.memory_space<hbm>> -> memref<10000x128xf32, #tpu.memory_space<hbm>>
      tpu.wait_indirect_dma semaphore(%arg12 : memref<!tpu.dma_semaphore, #tpu.memory_space<semaphore_mem>>) src(%dma_wait3A_178 : memref<10000x128xf32, #tpu.memory_space<hbm>>) dst(%arg10 : memref<128x128xf32, #tpu.memory_space<vmem>>)
      %add3A_179 = arith.constant 1 : i32
      %add3A_180 = arith.addi %while3A_89, %add3A_179 : i32
      %lt3A = arith.cmpi slt, %add3A_180, %select_n3A_4 : i32
      %convert_element_type3A_181 = arith.extui %lt3A : i1 to i32
      %cond3A_182 = arith.constant 0 : i32
      %cond3A_183 = arith.cmpi ne, %convert_element_type3A_181, %cond3A_182 : i32
      scf.if %cond3A_183 {
        %add3A_440 = arith.constant 1 : i32
        %add3A_441 = arith.addi %while3A_89, %add3A_440 : i32
        %mul3A_442 = arith.constant 8 : i32
        %mul3A_443 = arith.muli %add3A_441, %mul3A_442 : i32
        %add3A_444 = arith.addi %add3A, %mul3A_443 : i32
        %dma_start3A_445 = arith.constant 0 : i32
        %dma_start3A_446 = arith.constant 0 : i32
        %dma_start3A_447 = tpu.memref_slice %arg8[%sub3A_92, %dma_start3A_445, %dma_start3A_446] : memref<2x8x128xi32, #tpu.memory_space<vmem>> -> memref<1x8x128xi32, #tpu.memory_space<vmem>>
        %dma_start3A_448 = tpu.memref_squeeze %dma_start3A_447 : memref<1x8x128xi32, #tpu.memory_space<vmem>> -> memref<8x128xi32, #tpu.memory_space<vmem>>
        %dma_start3A_449 = arith.constant 0 : i32
        %dma_start3A_450 = tpu.memref_slice %arg3[%add3A_444, %dma_start3A_449] : memref<2560x128xi32, #tpu.memory_space<hbm>> -> memref<8x128xi32, #tpu.memory_space<hbm>>
        %dma_start3A_451 = arith.constant 0 : i32
        %dma_start3A_452 = arith.constant 0 : i32
        %dma_start3A_453 = tpu.memref_slice %arg8[%sub3A_92, %dma_start3A_451, %dma_start3A_452] : memref<2x8x128xi32, #tpu.memory_space<vmem>> -> memref<1x8x128xi32, #tpu.memory_space<vmem>>
        %dma_start3A_454 = tpu.memref_squeeze %dma_start3A_453 : memref<1x8x128xi32, #tpu.memory_space<vmem>> -> memref<8x128xi32, #tpu.memory_space<vmem>>
        %dma_start3A_455 = arith.constant 0 : i32
        %dma_start3A_456 = tpu.memref_slice %arg3[%add3A_444, %dma_start3A_455] : memref<2560x128xi32, #tpu.memory_space<hbm>> -> memref<8x128xi32, #tpu.memory_space<hbm>>
        tpu.enqueue_dma source(%dma_start3A_456 : memref<8x128xi32, #tpu.memory_space<hbm>>) target(%dma_start3A_454 : memref<8x128xi32, #tpu.memory_space<vmem>>) target_semaphore(%arg16 : memref<!tpu.dma_semaphore, #tpu.memory_space<semaphore_mem>>)
        %dma_start3A_457 = arith.constant 0 : i32
        %dma_start3A_458 = arith.constant 0 : i32
        %dma_start3A_459 = tpu.memref_slice %arg9[%sub3A_92, %dma_start3A_457, %dma_start3A_458] : memref<2x8x128xi32, #tpu.memory_space<vmem>> -> memref<1x8x128xi32, #tpu.memory_space<vmem>>
        %dma_start3A_460 = tpu.memref_squeeze %dma_start3A_459 : memref<1x8x128xi32, #tpu.memory_space<vmem>> -> memref<8x128xi32, #tpu.memory_space<vmem>>
        %dma_start3A_461 = arith.constant 0 : i32
        %dma_start3A_462 = tpu.memref_slice %arg4[%add3A_444, %dma_start3A_461] : memref<2560x128xi32, #tpu.memory_space<hbm>> -> memref<8x128xi32, #tpu.memory_space<hbm>>
        %dma_start3A_463 = arith.constant 0 : i32
        %dma_start3A_464 = arith.constant 0 : i32
        %dma_start3A_465 = tpu.memref_slice %arg9[%sub3A_92, %dma_start3A_463, %dma_start3A_464] : memref<2x8x128xi32, #tpu.memory_space<vmem>> -> memref<1x8x128xi32, #tpu.memory_space<vmem>>
        %dma_start3A_466 = tpu.memref_squeeze %dma_start3A_465 : memref<1x8x128xi32, #tpu.memory_space<vmem>> -> memref<8x128xi32, #tpu.memory_space<vmem>>
        %dma_start3A_467 = arith.constant 0 : i32
        %dma_start3A_468 = tpu.memref_slice %arg4[%add3A_444, %dma_start3A_467] : memref<2560x128xi32, #tpu.memory_space<hbm>> -> memref<8x128xi32, #tpu.memory_space<hbm>>
        tpu.enqueue_dma source(%dma_start3A_468 : memref<8x128xi32, #tpu.memory_space<hbm>>) target(%dma_start3A_466 : memref<8x128xi32, #tpu.memory_space<vmem>>) target_semaphore(%arg16 : memref<!tpu.dma_semaphore, #tpu.memory_space<semaphore_mem>>)
      } else {
      }
      %dma_wait3A_184 = arith.constant 0 : i32
      %dma_wait3A_185 = arith.constant 0 : i32
      %dma_wait3A_186 = arith.constant 0 : i32
      %dma_wait3A_187 = tpu.memref_slice %arg9[%dma_wait3A_184, %dma_wait3A_185, %dma_wait3A_186] : memref<2x8x128xi32, #tpu.memory_space<vmem>> -> memref<1x1x128xi32, #tpu.memory_space<vmem>>
      %dma_wait3A_188 = tpu.memref_squeeze %dma_wait3A_187 : memref<1x1x128xi32, #tpu.memory_space<vmem>> -> memref<128xi32, #tpu.memory_space<vmem>>
      %dma_wait3A_189 = arith.constant 0 : i32
      %dma_wait3A_190 = arith.constant 0 : i32
      %dma_wait3A_191 = tpu.memref_slice %arg7[%dma_wait3A_189, %dma_wait3A_190] : memref<10112x128xf32, #tpu.memory_space<vmem_shared>> -> memref<10112x128xf32, #tpu.memory_space<vmem_shared>>
      tpu.wait_indirect_dma semaphore(%arg15 : memref<!tpu.dma_semaphore, #tpu.memory_space<semaphore_mem>>) src(%arg11 : memref<128x128xf32, #tpu.memory_space<vmem>>) dst(%dma_wait3A_191 : memref<10112x128xf32, #tpu.memory_space<vmem_shared>>)
      %dma_start3A_192 = arith.constant 3 : i32
      %dma_start3A_193 = arith.constant 0 : i32
      %dma_start3A_194 = tpu.memref_slice %arg8[%rem3A_90, %dma_start3A_192, %dma_start3A_193] : memref<2x8x128xi32, #tpu.memory_space<vmem>> -> memref<1x1x128xi32, #tpu.memory_space<vmem>>
      %dma_start3A_195 = tpu.memref_squeeze %dma_start3A_194 : memref<1x1x128xi32, #tpu.memory_space<vmem>> -> memref<128xi32, #tpu.memory_space<vmem>>
      %dma_start3A_196 = arith.constant 0 : i32
      %dma_start3A_197 = arith.constant 0 : i32
      %dma_start3A_198 = tpu.memref_slice %arg2[%dma_start3A_196, %dma_start3A_197] : memref<10000x128xf32, #tpu.memory_space<hbm>> -> memref<10000x128xf32, #tpu.memory_space<hbm>>
      tpu.enqueue_indirect_dma source(%dma_start3A_198 : memref<10000x128xf32, #tpu.memory_space<hbm>>) target(%arg11 : memref<128x128xf32, #tpu.memory_space<vmem>>) offsets(%dma_start3A_195 : memref<128xi32, #tpu.memory_space<vmem>>) semaphore(%arg13 : memref<!tpu.dma_semaphore, #tpu.memory_space<semaphore_mem>>)
      %dma_start3A_199 = arith.constant 2 : i32
      %dma_start3A_200 = arith.constant 0 : i32
      %dma_start3A_201 = tpu.memref_slice %arg9[%rem3A_90, %dma_start3A_199, %dma_start3A_200] : memref<2x8x128xi32, #tpu.memory_space<vmem>> -> memref<1x1x128xi32, #tpu.memory_space<vmem>>
      %dma_start3A_202 = tpu.memref_squeeze %dma_start3A_201 : memref<1x1x128xi32, #tpu.memory_space<vmem>> -> memref<128xi32, #tpu.memory_space<vmem>>
      %dma_start3A_203 = arith.constant 0 : i32
      %dma_start3A_204 = arith.constant 0 : i32
      %dma_start3A_205 = tpu.memref_slice %arg7[%dma_start3A_203, %dma_start3A_204] : memref<10112x128xf32, #tpu.memory_space<vmem_shared>> -> memref<10112x128xf32, #tpu.memory_space<vmem_shared>>
      tpu.enqueue_indirect_dma source(%arg10 : memref<128x128xf32, #tpu.memory_space<vmem>>) target(%dma_start3A_205 : memref<10112x128xf32, #tpu.memory_space<vmem_shared>>) offsets(%dma_start3A_202 : memref<128xi32, #tpu.memory_space<vmem>>) semaphore(%arg14 : memref<!tpu.dma_semaphore, #tpu.memory_space<semaphore_mem>>) {add = true}
      %dma_wait3A_206 = arith.constant 0 : i32
      %dma_wait3A_207 = arith.constant 0 : i32
      %dma_wait3A_208 = arith.constant 0 : i32
      %dma_wait3A_209 = tpu.memref_slice %arg9[%dma_wait3A_206, %dma_wait3A_207, %dma_wait3A_208] : memref<2x8x128xi32, #tpu.memory_space<vmem>> -> memref<1x1x128xi32, #tpu.memory_space<vmem>>
      %dma_wait3A_210 = tpu.memref_squeeze %dma_wait3A_209 : memref<1x1x128xi32, #tpu.memory_space<vmem>> -> memref<128xi32, #tpu.memory_space<vmem>>
      %dma_wait3A_211 = arith.constant 0 : i32
      %dma_wait3A_212 = arith.constant 0 : i32
      %dma_wait3A_213 = tpu.memref_slice %arg17[%dma_wait3A_211, %dma_wait3A_212] : memref<10112x16xf32, #tpu.memory_space<vmem_shared>> -> memref<10112x16xf32, #tpu.memory_space<vmem_shared>>
      tpu.wait_indirect_dma semaphore(%arg19 : memref<!tpu.dma_semaphore, #tpu.memory_space<semaphore_mem>>) src(%arg18 : memref<128x16xf32, #tpu.memory_space<vmem>>) dst(%dma_wait3A_213 : memref<10112x16xf32, #tpu.memory_space<vmem_shared>>)
      %dma_start3A_214 = arith.constant 2 : i32
      %dma_start3A_215 = arith.constant 0 : i32
      %dma_start3A_216 = tpu.memref_slice %arg9[%rem3A_90, %dma_start3A_214, %dma_start3A_215] : memref<2x8x128xi32, #tpu.memory_space<vmem>> -> memref<1x1x128xi32, #tpu.memory_space<vmem>>
      %dma_start3A_217 = tpu.memref_squeeze %dma_start3A_216 : memref<1x1x128xi32, #tpu.memory_space<vmem>> -> memref<128xi32, #tpu.memory_space<vmem>>
      %dma_start3A_218 = arith.constant 0 : i32
      %dma_start3A_219 = arith.constant 0 : i32
      %dma_start3A_220 = tpu.memref_slice %arg17[%dma_start3A_218, %dma_start3A_219] : memref<10112x16xf32, #tpu.memory_space<vmem_shared>> -> memref<10112x16xf32, #tpu.memory_space<vmem_shared>>
      tpu.enqueue_indirect_dma source(%arg18 : memref<128x16xf32, #tpu.memory_space<vmem>>) target(%dma_start3A_220 : memref<10112x16xf32, #tpu.memory_space<vmem_shared>>) offsets(%dma_start3A_217 : memref<128xi32, #tpu.memory_space<vmem>>) semaphore(%arg19 : memref<!tpu.dma_semaphore, #tpu.memory_space<semaphore_mem>>) {add = true}
      %dma_wait3A_221 = arith.constant 3 : i32
      %dma_wait3A_222 = arith.constant 0 : i32
      %dma_wait3A_223 = tpu.memref_slice %arg8[%rem3A_90, %dma_wait3A_221, %dma_wait3A_222] : memref<2x8x128xi32, #tpu.memory_space<vmem>> -> memref<1x1x128xi32, #tpu.memory_space<vmem>>
      %dma_wait3A_224 = tpu.memref_squeeze %dma_wait3A_223 : memref<1x1x128xi32, #tpu.memory_space<vmem>> -> memref<128xi32, #tpu.memory_space<vmem>>
      %dma_wait3A_225 = arith.constant 0 : i32
      %dma_wait3A_226 = arith.constant 0 : i32
      %dma_wait3A_227 = tpu.memref_slice %arg2[%dma_wait3A_225, %dma_wait3A_226] : memref<10000x128xf32, #tpu.memory_space<hbm>> -> memref<10000x128xf32, #tpu.memory_space<hbm>>
      tpu.wait_indirect_dma semaphore(%arg13 : memref<!tpu.dma_semaphore, #tpu.memory_space<semaphore_mem>>) src(%dma_wait3A_227 : memref<10000x128xf32, #tpu.memory_space<hbm>>) dst(%arg11 : memref<128x128xf32, #tpu.memory_space<vmem>>)
      %dma_wait3A_228 = arith.constant 0 : i32
      %dma_wait3A_229 = arith.constant 0 : i32
      %dma_wait3A_230 = arith.constant 0 : i32
      %dma_wait3A_231 = tpu.memref_slice %arg9[%dma_wait3A_228, %dma_wait3A_229, %dma_wait3A_230] : memref<2x8x128xi32, #tpu.memory_space<vmem>> -> memref<1x1x128xi32, #tpu.memory_space<vmem>>
      %dma_wait3A_232 = tpu.memref_squeeze %dma_wait3A_231 : memref<1x1x128xi32, #tpu.memory_space<vmem>> -> memref<128xi32, #tpu.memory_space<vmem>>
      %dma_wait3A_233 = arith.constant 0 : i32
      %dma_wait3A_234 = arith.constant 0 : i32
      %dma_wait3A_235 = tpu.memref_slice %arg7[%dma_wait3A_233, %dma_wait3A_234] : memref<10112x128xf32, #tpu.memory_space<vmem_shared>> -> memref<10112x128xf32, #tpu.memory_space<vmem_shared>>
      tpu.wait_indirect_dma semaphore(%arg14 : memref<!tpu.dma_semaphore, #tpu.memory_space<semaphore_mem>>) src(%arg10 : memref<128x128xf32, #tpu.memory_space<vmem>>) dst(%dma_wait3A_235 : memref<10112x128xf32, #tpu.memory_space<vmem_shared>>)
      %dma_start3A_236 = arith.constant 4 : i32
      %dma_start3A_237 = arith.constant 0 : i32
      %dma_start3A_238 = tpu.memref_slice %arg8[%rem3A_90, %dma_start3A_236, %dma_start3A_237] : memref<2x8x128xi32, #tpu.memory_space<vmem>> -> memref<1x1x128xi32, #tpu.memory_space<vmem>>
      %dma_start3A_239 = tpu.memref_squeeze %dma_start3A_238 : memref<1x1x128xi32, #tpu.memory_space<vmem>> -> memref<128xi32, #tpu.memory_space<vmem>>
      %dma_start3A_240 = arith.constant 0 : i32
      %dma_start3A_241 = arith.constant 0 : i32
      %dma_start3A_242 = tpu.memref_slice %arg2[%dma_start3A_240, %dma_start3A_241] : memref<10000x128xf32, #tpu.memory_space<hbm>> -> memref<10000x128xf32, #tpu.memory_space<hbm>>
      tpu.enqueue_indirect_dma source(%dma_start3A_242 : memref<10000x128xf32, #tpu.memory_space<hbm>>) target(%arg10 : memref<128x128xf32, #tpu.memory_space<vmem>>) offsets(%dma_start3A_239 : memref<128xi32, #tpu.memory_space<vmem>>) semaphore(%arg12 : memref<!tpu.dma_semaphore, #tpu.memory_space<semaphore_mem>>)
      %dma_start3A_243 = arith.constant 3 : i32
      %dma_start3A_244 = arith.constant 0 : i32
      %dma_start3A_245 = tpu.memref_slice %arg9[%rem3A_90, %dma_start3A_243, %dma_start3A_244] : memref<2x8x128xi32, #tpu.memory_space<vmem>> -> memref<1x1x128xi32, #tpu.memory_space<vmem>>
      %dma_start3A_246 = tpu.memref_squeeze %dma_start3A_245 : memref<1x1x128xi32, #tpu.memory_space<vmem>> -> memref<128xi32, #tpu.memory_space<vmem>>
      %dma_start3A_247 = arith.constant 0 : i32
      %dma_start3A_248 = arith.constant 0 : i32
      %dma_start3A_249 = tpu.memref_slice %arg7[%dma_start3A_247, %dma_start3A_248] : memref<10112x128xf32, #tpu.memory_space<vmem_shared>> -> memref<10112x128xf32, #tpu.memory_space<vmem_shared>>
      tpu.enqueue_indirect_dma source(%arg11 : memref<128x128xf32, #tpu.memory_space<vmem>>) target(%dma_start3A_249 : memref<10112x128xf32, #tpu.memory_space<vmem_shared>>) offsets(%dma_start3A_246 : memref<128xi32, #tpu.memory_space<vmem>>) semaphore(%arg15 : memref<!tpu.dma_semaphore, #tpu.memory_space<semaphore_mem>>) {add = true}
      %dma_wait3A_250 = arith.constant 0 : i32
      %dma_wait3A_251 = arith.constant 0 : i32
      %dma_wait3A_252 = arith.constant 0 : i32
      %dma_wait3A_253 = tpu.memref_slice %arg9[%dma_wait3A_250, %dma_wait3A_251, %dma_wait3A_252] : memref<2x8x128xi32, #tpu.memory_space<vmem>> -> memref<1x1x128xi32, #tpu.memory_space<vmem>>
      %dma_wait3A_254 = tpu.memref_squeeze %dma_wait3A_253 : memref<1x1x128xi32, #tpu.memory_space<vmem>> -> memref<128xi32, #tpu.memory_space<vmem>>
      %dma_wait3A_255 = arith.constant 0 : i32
      %dma_wait3A_256 = arith.constant 0 : i32
      %dma_wait3A_257 = tpu.memref_slice %arg17[%dma_wait3A_255, %dma_wait3A_256] : memref<10112x16xf32, #tpu.memory_space<vmem_shared>> -> memref<10112x16xf32, #tpu.memory_space<vmem_shared>>
      tpu.wait_indirect_dma semaphore(%arg19 : memref<!tpu.dma_semaphore, #tpu.memory_space<semaphore_mem>>) src(%arg18 : memref<128x16xf32, #tpu.memory_space<vmem>>) dst(%dma_wait3A_257 : memref<10112x16xf32, #tpu.memory_space<vmem_shared>>)
      %dma_start3A_258 = arith.constant 3 : i32
      %dma_start3A_259 = arith.constant 0 : i32
      %dma_start3A_260 = tpu.memref_slice %arg9[%rem3A_90, %dma_start3A_258, %dma_start3A_259] : memref<2x8x128xi32, #tpu.memory_space<vmem>> -> memref<1x1x128xi32, #tpu.memory_space<vmem>>
      %dma_start3A_261 = tpu.memref_squeeze %dma_start3A_260 : memref<1x1x128xi32, #tpu.memory_space<vmem>> -> memref<128xi32, #tpu.memory_space<vmem>>
      %dma_start3A_262 = arith.constant 0 : i32
      %dma_start3A_263 = arith.constant 0 : i32
      %dma_start3A_264 = tpu.memref_slice %arg17[%dma_start3A_262, %dma_start3A_263] : memref<10112x16xf32, #tpu.memory_space<vmem_shared>> -> memref<10112x16xf32, #tpu.memory_space<vmem_shared>>
      tpu.enqueue_indirect_dma source(%arg18 : memref<128x16xf32, #tpu.memory_space<vmem>>) target(%dma_start3A_264 : memref<10112x16xf32, #tpu.memory_space<vmem_shared>>) offsets(%dma_start3A_261 : memref<128xi32, #tpu.memory_space<vmem>>) semaphore(%arg19 : memref<!tpu.dma_semaphore, #tpu.memory_space<semaphore_mem>>) {add = true}
      %dma_wait3A_265 = arith.constant 4 : i32
      %dma_wait3A_266 = arith.constant 0 : i32
      %dma_wait3A_267 = tpu.memref_slice %arg8[%rem3A_90, %dma_wait3A_265, %dma_wait3A_266] : memref<2x8x128xi32, #tpu.memory_space<vmem>> -> memref<1x1x128xi32, #tpu.memory_space<vmem>>
      %dma_wait3A_268 = tpu.memref_squeeze %dma_wait3A_267 : memref<1x1x128xi32, #tpu.memory_space<vmem>> -> memref<128xi32, #tpu.memory_space<vmem>>
      %dma_wait3A_269 = arith.constant 0 : i32
      %dma_wait3A_270 = arith.constant 0 : i32
      %dma_wait3A_271 = tpu.memref_slice %arg2[%dma_wait3A_269, %dma_wait3A_270] : memref<10000x128xf32, #tpu.memory_space<hbm>> -> memref<10000x128xf32, #tpu.memory_space<hbm>>
      tpu.wait_indirect_dma semaphore(%arg12 : memref<!tpu.dma_semaphore, #tpu.memory_space<semaphore_mem>>) src(%dma_wait3A_271 : memref<10000x128xf32, #tpu.memory_space<hbm>>) dst(%arg10 : memref<128x128xf32, #tpu.memory_space<vmem>>)
      %dma_wait3A_272 = arith.constant 0 : i32
      %dma_wait3A_273 = arith.constant 0 : i32
      %dma_wait3A_274 = arith.constant 0 : i32
      %dma_wait3A_275 = tpu.memref_slice %arg9[%dma_wait3A_272, %dma_wait3A_273, %dma_wait3A_274] : memref<2x8x128xi32, #tpu.memory_space<vmem>> -> memref<1x1x128xi32, #tpu.memory_space<vmem>>
      %dma_wait3A_276 = tpu.memref_squeeze %dma_wait3A_275 : memref<1x1x128xi32, #tpu.memory_space<vmem>> -> memref<128xi32, #tpu.memory_space<vmem>>
      %dma_wait3A_277 = arith.constant 0 : i32
      %dma_wait3A_278 = arith.constant 0 : i32
      %dma_wait3A_279 = tpu.memref_slice %arg7[%dma_wait3A_277, %dma_wait3A_278] : memref<10112x128xf32, #tpu.memory_space<vmem_shared>> -> memref<10112x128xf32, #tpu.memory_space<vmem_shared>>
      tpu.wait_indirect_dma semaphore(%arg15 : memref<!tpu.dma_semaphore, #tpu.memory_space<semaphore_mem>>) src(%arg11 : memref<128x128xf32, #tpu.memory_space<vmem>>) dst(%dma_wait3A_279 : memref<10112x128xf32, #tpu.memory_space<vmem_shared>>)
      %dma_start3A_280 = arith.constant 5 : i32
      %dma_start3A_281 = arith.constant 0 : i32
      %dma_start3A_282 = tpu.memref_slice %arg8[%rem3A_90, %dma_start3A_280, %dma_start3A_281] : memref<2x8x128xi32, #tpu.memory_space<vmem>> -> memref<1x1x128xi32, #tpu.memory_space<vmem>>
      %dma_start3A_283 = tpu.memref_squeeze %dma_start3A_282 : memref<1x1x128xi32, #tpu.memory_space<vmem>> -> memref<128xi32, #tpu.memory_space<vmem>>
      %dma_start3A_284 = arith.constant 0 : i32
      %dma_start3A_285 = arith.constant 0 : i32
      %dma_start3A_286 = tpu.memref_slice %arg2[%dma_start3A_284, %dma_start3A_285] : memref<10000x128xf32, #tpu.memory_space<hbm>> -> memref<10000x128xf32, #tpu.memory_space<hbm>>
      tpu.enqueue_indirect_dma source(%dma_start3A_286 : memref<10000x128xf32, #tpu.memory_space<hbm>>) target(%arg11 : memref<128x128xf32, #tpu.memory_space<vmem>>) offsets(%dma_start3A_283 : memref<128xi32, #tpu.memory_space<vmem>>) semaphore(%arg13 : memref<!tpu.dma_semaphore, #tpu.memory_space<semaphore_mem>>)
      %dma_start3A_287 = arith.constant 4 : i32
      %dma_start3A_288 = arith.constant 0 : i32
      %dma_start3A_289 = tpu.memref_slice %arg9[%rem3A_90, %dma_start3A_287, %dma_start3A_288] : memref<2x8x128xi32, #tpu.memory_space<vmem>> -> memref<1x1x128xi32, #tpu.memory_space<vmem>>
      %dma_start3A_290 = tpu.memref_squeeze %dma_start3A_289 : memref<1x1x128xi32, #tpu.memory_space<vmem>> -> memref<128xi32, #tpu.memory_space<vmem>>
      %dma_start3A_291 = arith.constant 0 : i32
      %dma_start3A_292 = arith.constant 0 : i32
      %dma_start3A_293 = tpu.memref_slice %arg7[%dma_start3A_291, %dma_start3A_292] : memref<10112x128xf32, #tpu.memory_space<vmem_shared>> -> memref<10112x128xf32, #tpu.memory_space<vmem_shared>>
      tpu.enqueue_indirect_dma source(%arg10 : memref<128x128xf32, #tpu.memory_space<vmem>>) target(%dma_start3A_293 : memref<10112x128xf32, #tpu.memory_space<vmem_shared>>) offsets(%dma_start3A_290 : memref<128xi32, #tpu.memory_space<vmem>>) semaphore(%arg14 : memref<!tpu.dma_semaphore, #tpu.memory_space<semaphore_mem>>) {add = true}
      %dma_wait3A_294 = arith.constant 0 : i32
      %dma_wait3A_295 = arith.constant 0 : i32
      %dma_wait3A_296 = arith.constant 0 : i32
      %dma_wait3A_297 = tpu.memref_slice %arg9[%dma_wait3A_294, %dma_wait3A_295, %dma_wait3A_296] : memref<2x8x128xi32, #tpu.memory_space<vmem>> -> memref<1x1x128xi32, #tpu.memory_space<vmem>>
      %dma_wait3A_298 = tpu.memref_squeeze %dma_wait3A_297 : memref<1x1x128xi32, #tpu.memory_space<vmem>> -> memref<128xi32, #tpu.memory_space<vmem>>
      %dma_wait3A_299 = arith.constant 0 : i32
      %dma_wait3A_300 = arith.constant 0 : i32
      %dma_wait3A_301 = tpu.memref_slice %arg17[%dma_wait3A_299, %dma_wait3A_300] : memref<10112x16xf32, #tpu.memory_space<vmem_shared>> -> memref<10112x16xf32, #tpu.memory_space<vmem_shared>>
      tpu.wait_indirect_dma semaphore(%arg19 : memref<!tpu.dma_semaphore, #tpu.memory_space<semaphore_mem>>) src(%arg18 : memref<128x16xf32, #tpu.memory_space<vmem>>) dst(%dma_wait3A_301 : memref<10112x16xf32, #tpu.memory_space<vmem_shared>>)
      %dma_start3A_302 = arith.constant 4 : i32
      %dma_start3A_303 = arith.constant 0 : i32
      %dma_start3A_304 = tpu.memref_slice %arg9[%rem3A_90, %dma_start3A_302, %dma_start3A_303] : memref<2x8x128xi32, #tpu.memory_space<vmem>> -> memref<1x1x128xi32, #tpu.memory_space<vmem>>
      %dma_start3A_305 = tpu.memref_squeeze %dma_start3A_304 : memref<1x1x128xi32, #tpu.memory_space<vmem>> -> memref<128xi32, #tpu.memory_space<vmem>>
      %dma_start3A_306 = arith.constant 0 : i32
      %dma_start3A_307 = arith.constant 0 : i32
      %dma_start3A_308 = tpu.memref_slice %arg17[%dma_start3A_306, %dma_start3A_307] : memref<10112x16xf32, #tpu.memory_space<vmem_shared>> -> memref<10112x16xf32, #tpu.memory_space<vmem_shared>>
      tpu.enqueue_indirect_dma source(%arg18 : memref<128x16xf32, #tpu.memory_space<vmem>>) target(%dma_start3A_308 : memref<10112x16xf32, #tpu.memory_space<vmem_shared>>) offsets(%dma_start3A_305 : memref<128xi32, #tpu.memory_space<vmem>>) semaphore(%arg19 : memref<!tpu.dma_semaphore, #tpu.memory_space<semaphore_mem>>) {add = true}
      %dma_wait3A_309 = arith.constant 5 : i32
      %dma_wait3A_310 = arith.constant 0 : i32
      %dma_wait3A_311 = tpu.memref_slice %arg8[%rem3A_90, %dma_wait3A_309, %dma_wait3A_310] : memref<2x8x128xi32, #tpu.memory_space<vmem>> -> memref<1x1x128xi32, #tpu.memory_space<vmem>>
      %dma_wait3A_312 = tpu.memref_squeeze %dma_wait3A_311 : memref<1x1x128xi32, #tpu.memory_space<vmem>> -> memref<128xi32, #tpu.memory_space<vmem>>
      %dma_wait3A_313 = arith.constant 0 : i32
      %dma_wait3A_314 = arith.constant 0 : i32
      %dma_wait3A_315 = tpu.memref_slice %arg2[%dma_wait3A_313, %dma_wait3A_314] : memref<10000x128xf32, #tpu.memory_space<hbm>> -> memref<10000x128xf32, #tpu.memory_space<hbm>>
      tpu.wait_indirect_dma semaphore(%arg13 : memref<!tpu.dma_semaphore, #tpu.memory_space<semaphore_mem>>) src(%dma_wait3A_315 : memref<10000x128xf32, #tpu.memory_space<hbm>>) dst(%arg11 : memref<128x128xf32, #tpu.memory_space<vmem>>)
      %dma_wait3A_316 = arith.constant 0 : i32
      %dma_wait3A_317 = arith.constant 0 : i32
      %dma_wait3A_318 = arith.constant 0 : i32
      %dma_wait3A_319 = tpu.memref_slice %arg9[%dma_wait3A_316, %dma_wait3A_317, %dma_wait3A_318] : memref<2x8x128xi32, #tpu.memory_space<vmem>> -> memref<1x1x128xi32, #tpu.memory_space<vmem>>
      %dma_wait3A_320 = tpu.memref_squeeze %dma_wait3A_319 : memref<1x1x128xi32, #tpu.memory_space<vmem>> -> memref<128xi32, #tpu.memory_space<vmem>>
      %dma_wait3A_321 = arith.constant 0 : i32
      %dma_wait3A_322 = arith.constant 0 : i32
      %dma_wait3A_323 = tpu.memref_slice %arg7[%dma_wait3A_321, %dma_wait3A_322] : memref<10112x128xf32, #tpu.memory_space<vmem_shared>> -> memref<10112x128xf32, #tpu.memory_space<vmem_shared>>
      tpu.wait_indirect_dma semaphore(%arg14 : memref<!tpu.dma_semaphore, #tpu.memory_space<semaphore_mem>>) src(%arg10 : memref<128x128xf32, #tpu.memory_space<vmem>>) dst(%dma_wait3A_323 : memref<10112x128xf32, #tpu.memory_space<vmem_shared>>)
      %dma_start3A_324 = arith.constant 6 : i32
      %dma_start3A_325 = arith.constant 0 : i32
      %dma_start3A_326 = tpu.memref_slice %arg8[%rem3A_90, %dma_start3A_324, %dma_start3A_325] : memref<2x8x128xi32, #tpu.memory_space<vmem>> -> memref<1x1x128xi32, #tpu.memory_space<vmem>>
      %dma_start3A_327 = tpu.memref_squeeze %dma_start3A_326 : memref<1x1x128xi32, #tpu.memory_space<vmem>> -> memref<128xi32, #tpu.memory_space<vmem>>
      %dma_start3A_328 = arith.constant 0 : i32
      %dma_start3A_329 = arith.constant 0 : i32
      %dma_start3A_330 = tpu.memref_slice %arg2[%dma_start3A_328, %dma_start3A_329] : memref<10000x128xf32, #tpu.memory_space<hbm>> -> memref<10000x128xf32, #tpu.memory_space<hbm>>
      tpu.enqueue_indirect_dma source(%dma_start3A_330 : memref<10000x128xf32, #tpu.memory_space<hbm>>) target(%arg10 : memref<128x128xf32, #tpu.memory_space<vmem>>) offsets(%dma_start3A_327 : memref<128xi32, #tpu.memory_space<vmem>>) semaphore(%arg12 : memref<!tpu.dma_semaphore, #tpu.memory_space<semaphore_mem>>)
      %dma_start3A_331 = arith.constant 5 : i32
      %dma_start3A_332 = arith.constant 0 : i32
      %dma_start3A_333 = tpu.memref_slice %arg9[%rem3A_90, %dma_start3A_331, %dma_start3A_332] : memref<2x8x128xi32, #tpu.memory_space<vmem>> -> memref<1x1x128xi32, #tpu.memory_space<vmem>>
      %dma_start3A_334 = tpu.memref_squeeze %dma_start3A_333 : memref<1x1x128xi32, #tpu.memory_space<vmem>> -> memref<128xi32, #tpu.memory_space<vmem>>
      %dma_start3A_335 = arith.constant 0 : i32
      %dma_start3A_336 = arith.constant 0 : i32
      %dma_start3A_337 = tpu.memref_slice %arg7[%dma_start3A_335, %dma_start3A_336] : memref<10112x128xf32, #tpu.memory_space<vmem_shared>> -> memref<10112x128xf32, #tpu.memory_space<vmem_shared>>
      tpu.enqueue_indirect_dma source(%arg11 : memref<128x128xf32, #tpu.memory_space<vmem>>) target(%dma_start3A_337 : memref<10112x128xf32, #tpu.memory_space<vmem_shared>>) offsets(%dma_start3A_334 : memref<128xi32, #tpu.memory_space<vmem>>) semaphore(%arg15 : memref<!tpu.dma_semaphore, #tpu.memory_space<semaphore_mem>>) {add = true}
      %dma_wait3A_338 = arith.constant 0 : i32
      %dma_wait3A_339 = arith.constant 0 : i32
      %dma_wait3A_340 = arith.constant 0 : i32
      %dma_wait3A_341 = tpu.memref_slice %arg9[%dma_wait3A_338, %dma_wait3A_339, %dma_wait3A_340] : memref<2x8x128xi32, #tpu.memory_space<vmem>> -> memref<1x1x128xi32, #tpu.memory_space<vmem>>
      %dma_wait3A_342 = tpu.memref_squeeze %dma_wait3A_341 : memref<1x1x128xi32, #tpu.memory_space<vmem>> -> memref<128xi32, #tpu.memory_space<vmem>>
      %dma_wait3A_343 = arith.constant 0 : i32
      %dma_wait3A_344 = arith.constant 0 : i32
      %dma_wait3A_345 = tpu.memref_slice %arg17[%dma_wait3A_343, %dma_wait3A_344] : memref<10112x16xf32, #tpu.memory_space<vmem_shared>> -> memref<10112x16xf32, #tpu.memory_space<vmem_shared>>
      tpu.wait_indirect_dma semaphore(%arg19 : memref<!tpu.dma_semaphore, #tpu.memory_space<semaphore_mem>>) src(%arg18 : memref<128x16xf32, #tpu.memory_space<vmem>>) dst(%dma_wait3A_345 : memref<10112x16xf32, #tpu.memory_space<vmem_shared>>)
      %dma_start3A_346 = arith.constant 5 : i32
      %dma_start3A_347 = arith.constant 0 : i32
      %dma_start3A_348 = tpu.memref_slice %arg9[%rem3A_90, %dma_start3A_346, %dma_start3A_347] : memref<2x8x128xi32, #tpu.memory_space<vmem>> -> memref<1x1x128xi32, #tpu.memory_space<vmem>>
      %dma_start3A_349 = tpu.memref_squeeze %dma_start3A_348 : memref<1x1x128xi32, #tpu.memory_space<vmem>> -> memref<128xi32, #tpu.memory_space<vmem>>
      %dma_start3A_350 = arith.constant 0 : i32
      %dma_start3A_351 = arith.constant 0 : i32
      %dma_start3A_352 = tpu.memref_slice %arg17[%dma_start3A_350, %dma_start3A_351] : memref<10112x16xf32, #tpu.memory_space<vmem_shared>> -> memref<10112x16xf32, #tpu.memory_space<vmem_shared>>
      tpu.enqueue_indirect_dma source(%arg18 : memref<128x16xf32, #tpu.memory_space<vmem>>) target(%dma_start3A_352 : memref<10112x16xf32, #tpu.memory_space<vmem_shared>>) offsets(%dma_start3A_349 : memref<128xi32, #tpu.memory_space<vmem>>) semaphore(%arg19 : memref<!tpu.dma_semaphore, #tpu.memory_space<semaphore_mem>>) {add = true}
      %dma_wait3A_353 = arith.constant 6 : i32
      %dma_wait3A_354 = arith.constant 0 : i32
      %dma_wait3A_355 = tpu.memref_slice %arg8[%rem3A_90, %dma_wait3A_353, %dma_wait3A_354] : memref<2x8x128xi32, #tpu.memory_space<vmem>> -> memref<1x1x128xi32, #tpu.memory_space<vmem>>
      %dma_wait3A_356 = tpu.memref_squeeze %dma_wait3A_355 : memref<1x1x128xi32, #tpu.memory_space<vmem>> -> memref<128xi32, #tpu.memory_space<vmem>>
      %dma_wait3A_357 = arith.constant 0 : i32
      %dma_wait3A_358 = arith.constant 0 : i32
      %dma_wait3A_359 = tpu.memref_slice %arg2[%dma_wait3A_357, %dma_wait3A_358] : memref<10000x128xf32, #tpu.memory_space<hbm>> -> memref<10000x128xf32, #tpu.memory_space<hbm>>
      tpu.wait_indirect_dma semaphore(%arg12 : memref<!tpu.dma_semaphore, #tpu.memory_space<semaphore_mem>>) src(%dma_wait3A_359 : memref<10000x128xf32, #tpu.memory_space<hbm>>) dst(%arg10 : memref<128x128xf32, #tpu.memory_space<vmem>>)
      %dma_wait3A_360 = arith.constant 0 : i32
      %dma_wait3A_361 = arith.constant 0 : i32
      %dma_wait3A_362 = arith.constant 0 : i32
      %dma_wait3A_363 = tpu.memref_slice %arg9[%dma_wait3A_360, %dma_wait3A_361, %dma_wait3A_362] : memref<2x8x128xi32, #tpu.memory_space<vmem>> -> memref<1x1x128xi32, #tpu.memory_space<vmem>>
      %dma_wait3A_364 = tpu.memref_squeeze %dma_wait3A_363 : memref<1x1x128xi32, #tpu.memory_space<vmem>> -> memref<128xi32, #tpu.memory_space<vmem>>
      %dma_wait3A_365 = arith.constant 0 : i32
      %dma_wait3A_366 = arith.constant 0 : i32
      %dma_wait3A_367 = tpu.memref_slice %arg7[%dma_wait3A_365, %dma_wait3A_366] : memref<10112x128xf32, #tpu.memory_space<vmem_shared>> -> memref<10112x128xf32, #tpu.memory_space<vmem_shared>>
      tpu.wait_indirect_dma semaphore(%arg15 : memref<!tpu.dma_semaphore, #tpu.memory_space<semaphore_mem>>) src(%arg11 : memref<128x128xf32, #tpu.memory_space<vmem>>) dst(%dma_wait3A_367 : memref<10112x128xf32, #tpu.memory_space<vmem_shared>>)
      %dma_start3A_368 = arith.constant 7 : i32
      %dma_start3A_369 = arith.constant 0 : i32
      %dma_start3A_370 = tpu.memref_slice %arg8[%rem3A_90, %dma_start3A_368, %dma_start3A_369] : memref<2x8x128xi32, #tpu.memory_space<vmem>> -> memref<1x1x128xi32, #tpu.memory_space<vmem>>
      %dma_start3A_371 = tpu.memref_squeeze %dma_start3A_370 : memref<1x1x128xi32, #tpu.memory_space<vmem>> -> memref<128xi32, #tpu.memory_space<vmem>>
      %dma_start3A_372 = arith.constant 0 : i32
      %dma_start3A_373 = arith.constant 0 : i32
      %dma_start3A_374 = tpu.memref_slice %arg2[%dma_start3A_372, %dma_start3A_373] : memref<10000x128xf32, #tpu.memory_space<hbm>> -> memref<10000x128xf32, #tpu.memory_space<hbm>>
      tpu.enqueue_indirect_dma source(%dma_start3A_374 : memref<10000x128xf32, #tpu.memory_space<hbm>>) target(%arg11 : memref<128x128xf32, #tpu.memory_space<vmem>>) offsets(%dma_start3A_371 : memref<128xi32, #tpu.memory_space<vmem>>) semaphore(%arg13 : memref<!tpu.dma_semaphore, #tpu.memory_space<semaphore_mem>>)
      %dma_start3A_375 = arith.constant 6 : i32
      %dma_start3A_376 = arith.constant 0 : i32
      %dma_start3A_377 = tpu.memref_slice %arg9[%rem3A_90, %dma_start3A_375, %dma_start3A_376] : memref<2x8x128xi32, #tpu.memory_space<vmem>> -> memref<1x1x128xi32, #tpu.memory_space<vmem>>
      %dma_start3A_378 = tpu.memref_squeeze %dma_start3A_377 : memref<1x1x128xi32, #tpu.memory_space<vmem>> -> memref<128xi32, #tpu.memory_space<vmem>>
      %dma_start3A_379 = arith.constant 0 : i32
      %dma_start3A_380 = arith.constant 0 : i32
      %dma_start3A_381 = tpu.memref_slice %arg7[%dma_start3A_379, %dma_start3A_380] : memref<10112x128xf32, #tpu.memory_space<vmem_shared>> -> memref<10112x128xf32, #tpu.memory_space<vmem_shared>>
      tpu.enqueue_indirect_dma source(%arg10 : memref<128x128xf32, #tpu.memory_space<vmem>>) target(%dma_start3A_381 : memref<10112x128xf32, #tpu.memory_space<vmem_shared>>) offsets(%dma_start3A_378 : memref<128xi32, #tpu.memory_space<vmem>>) semaphore(%arg14 : memref<!tpu.dma_semaphore, #tpu.memory_space<semaphore_mem>>) {add = true}
      %dma_wait3A_382 = arith.constant 0 : i32
      %dma_wait3A_383 = arith.constant 0 : i32
      %dma_wait3A_384 = arith.constant 0 : i32
      %dma_wait3A_385 = tpu.memref_slice %arg9[%dma_wait3A_382, %dma_wait3A_383, %dma_wait3A_384] : memref<2x8x128xi32, #tpu.memory_space<vmem>> -> memref<1x1x128xi32, #tpu.memory_space<vmem>>
      %dma_wait3A_386 = tpu.memref_squeeze %dma_wait3A_385 : memref<1x1x128xi32, #tpu.memory_space<vmem>> -> memref<128xi32, #tpu.memory_space<vmem>>
      %dma_wait3A_387 = arith.constant 0 : i32
      %dma_wait3A_388 = arith.constant 0 : i32
      %dma_wait3A_389 = tpu.memref_slice %arg17[%dma_wait3A_387, %dma_wait3A_388] : memref<10112x16xf32, #tpu.memory_space<vmem_shared>> -> memref<10112x16xf32, #tpu.memory_space<vmem_shared>>
      tpu.wait_indirect_dma semaphore(%arg19 : memref<!tpu.dma_semaphore, #tpu.memory_space<semaphore_mem>>) src(%arg18 : memref<128x16xf32, #tpu.memory_space<vmem>>) dst(%dma_wait3A_389 : memref<10112x16xf32, #tpu.memory_space<vmem_shared>>)
      %dma_start3A_390 = arith.constant 6 : i32
      %dma_start3A_391 = arith.constant 0 : i32
      %dma_start3A_392 = tpu.memref_slice %arg9[%rem3A_90, %dma_start3A_390, %dma_start3A_391] : memref<2x8x128xi32, #tpu.memory_space<vmem>> -> memref<1x1x128xi32, #tpu.memory_space<vmem>>
      %dma_start3A_393 = tpu.memref_squeeze %dma_start3A_392 : memref<1x1x128xi32, #tpu.memory_space<vmem>> -> memref<128xi32, #tpu.memory_space<vmem>>
      %dma_start3A_394 = arith.constant 0 : i32
      %dma_start3A_395 = arith.constant 0 : i32
      %dma_start3A_396 = tpu.memref_slice %arg17[%dma_start3A_394, %dma_start3A_395] : memref<10112x16xf32, #tpu.memory_space<vmem_shared>> -> memref<10112x16xf32, #tpu.memory_space<vmem_shared>>
      tpu.enqueue_indirect_dma source(%arg18 : memref<128x16xf32, #tpu.memory_space<vmem>>) target(%dma_start3A_396 : memref<10112x16xf32, #tpu.memory_space<vmem_shared>>) offsets(%dma_start3A_393 : memref<128xi32, #tpu.memory_space<vmem>>) semaphore(%arg19 : memref<!tpu.dma_semaphore, #tpu.memory_space<semaphore_mem>>) {add = true}
      %dma_wait3A_397 = arith.constant 7 : i32
      %dma_wait3A_398 = arith.constant 0 : i32
      %dma_wait3A_399 = tpu.memref_slice %arg8[%rem3A_90, %dma_wait3A_397, %dma_wait3A_398] : memref<2x8x128xi32, #tpu.memory_space<vmem>> -> memref<1x1x128xi32, #tpu.memory_space<vmem>>
      %dma_wait3A_400 = tpu.memref_squeeze %dma_wait3A_399 : memref<1x1x128xi32, #tpu.memory_space<vmem>> -> memref<128xi32, #tpu.memory_space<vmem>>
      %dma_wait3A_401 = arith.constant 0 : i32
      %dma_wait3A_402 = arith.constant 0 : i32
      %dma_wait3A_403 = tpu.memref_slice %arg2[%dma_wait3A_401, %dma_wait3A_402] : memref<10000x128xf32, #tpu.memory_space<hbm>> -> memref<10000x128xf32, #tpu.memory_space<hbm>>
      tpu.wait_indirect_dma semaphore(%arg13 : memref<!tpu.dma_semaphore, #tpu.memory_space<semaphore_mem>>) src(%dma_wait3A_403 : memref<10000x128xf32, #tpu.memory_space<hbm>>) dst(%arg11 : memref<128x128xf32, #tpu.memory_space<vmem>>)
      %dma_wait3A_404 = arith.constant 0 : i32
      %dma_wait3A_405 = arith.constant 0 : i32
      %dma_wait3A_406 = arith.constant 0 : i32
      %dma_wait3A_407 = tpu.memref_slice %arg9[%dma_wait3A_404, %dma_wait3A_405, %dma_wait3A_406] : memref<2x8x128xi32, #tpu.memory_space<vmem>> -> memref<1x1x128xi32, #tpu.memory_space<vmem>>
      %dma_wait3A_408 = tpu.memref_squeeze %dma_wait3A_407 : memref<1x1x128xi32, #tpu.memory_space<vmem>> -> memref<128xi32, #tpu.memory_space<vmem>>
      %dma_wait3A_409 = arith.constant 0 : i32
      %dma_wait3A_410 = arith.constant 0 : i32
      %dma_wait3A_411 = tpu.memref_slice %arg7[%dma_wait3A_409, %dma_wait3A_410] : memref<10112x128xf32, #tpu.memory_space<vmem_shared>> -> memref<10112x128xf32, #tpu.memory_space<vmem_shared>>
      tpu.wait_indirect_dma semaphore(%arg14 : memref<!tpu.dma_semaphore, #tpu.memory_space<semaphore_mem>>) src(%arg10 : memref<128x128xf32, #tpu.memory_space<vmem>>) dst(%dma_wait3A_411 : memref<10112x128xf32, #tpu.memory_space<vmem_shared>>)
      %add3A_412 = arith.constant 1 : i32
      %add3A_413 = arith.addi %while3A_89, %add3A_412 : i32
      %lt3A_414 = arith.cmpi slt, %add3A_413, %select_n3A_4 : i32
      %convert_element_type3A_415 = arith.extui %lt3A_414 : i1 to i32
      %cond3A_416 = arith.constant 0 : i32
      %cond3A_417 = arith.cmpi ne, %convert_element_type3A_415, %cond3A_416 : i32
      scf.if %cond3A_417 {
        %dma_wait3A_440 = arith.constant 0 : i32
        %dma_wait3A_441 = arith.constant 0 : i32
        %dma_wait3A_442 = tpu.memref_slice %arg8[%sub3A_92, %dma_wait3A_440, %dma_wait3A_441] : memref<2x8x128xi32, #tpu.memory_space<vmem>> -> memref<1x8x128xi32, #tpu.memory_space<vmem>>
        %dma_wait3A_443 = tpu.memref_squeeze %dma_wait3A_442 : memref<1x8x128xi32, #tpu.memory_space<vmem>> -> memref<8x128xi32, #tpu.memory_space<vmem>>
        %dma_wait3A_444 = arith.constant 0 : i32
        %dma_wait3A_445 = tpu.memref_slice %arg3[%add3A, %dma_wait3A_444] : memref<2560x128xi32, #tpu.memory_space<hbm>> -> memref<8x128xi32, #tpu.memory_space<hbm>>
        %dma_wait3A_446 = arith.constant 0 : i32
        %dma_wait3A_447 = arith.constant 0 : i32
        %dma_wait3A_448 = tpu.memref_slice %arg8[%sub3A_92, %dma_wait3A_446, %dma_wait3A_447] : memref<2x8x128xi32, #tpu.memory_space<vmem>> -> memref<1x8x128xi32, #tpu.memory_space<vmem>>
        %dma_wait3A_449 = tpu.memref_squeeze %dma_wait3A_448 : memref<1x8x128xi32, #tpu.memory_space<vmem>> -> memref<8x128xi32, #tpu.memory_space<vmem>>
        %dma_wait3A_450 = arith.constant 0 : i32
        %dma_wait3A_451 = tpu.memref_slice %arg3[%add3A, %dma_wait3A_450] : memref<2560x128xi32, #tpu.memory_space<hbm>> -> memref<8x128xi32, #tpu.memory_space<hbm>>
        tpu.wait_dma2 semaphore(%arg16 : memref<!tpu.dma_semaphore, #tpu.memory_space<semaphore_mem>>) src(%dma_wait3A_451 : memref<8x128xi32, #tpu.memory_space<hbm>>) dst(%dma_wait3A_449 : memref<8x128xi32, #tpu.memory_space<vmem>>)
        %dma_wait3A_452 = arith.constant 0 : i32
        %dma_wait3A_453 = arith.constant 0 : i32
        %dma_wait3A_454 = tpu.memref_slice %arg9[%sub3A_92, %dma_wait3A_452, %dma_wait3A_453] : memref<2x8x128xi32, #tpu.memory_space<vmem>> -> memref<1x8x128xi32, #tpu.memory_space<vmem>>
        %dma_wait3A_455 = tpu.memref_squeeze %dma_wait3A_454 : memref<1x8x128xi32, #tpu.memory_space<vmem>> -> memref<8x128xi32, #tpu.memory_space<vmem>>
        %dma_wait3A_456 = arith.constant 0 : i32
        %dma_wait3A_457 = tpu.memref_slice %arg4[%add3A, %dma_wait3A_456] : memref<2560x128xi32, #tpu.memory_space<hbm>> -> memref<8x128xi32, #tpu.memory_space<hbm>>
        %dma_wait3A_458 = arith.constant 0 : i32
        %dma_wait3A_459 = arith.constant 0 : i32
        %dma_wait3A_460 = tpu.memref_slice %arg9[%sub3A_92, %dma_wait3A_458, %dma_wait3A_459] : memref<2x8x128xi32, #tpu.memory_space<vmem>> -> memref<1x8x128xi32, #tpu.memory_space<vmem>>
        %dma_wait3A_461 = tpu.memref_squeeze %dma_wait3A_460 : memref<1x8x128xi32, #tpu.memory_space<vmem>> -> memref<8x128xi32, #tpu.memory_space<vmem>>
        %dma_wait3A_462 = arith.constant 0 : i32
        %dma_wait3A_463 = tpu.memref_slice %arg4[%add3A, %dma_wait3A_462] : memref<2560x128xi32, #tpu.memory_space<hbm>> -> memref<8x128xi32, #tpu.memory_space<hbm>>
        tpu.wait_dma2 semaphore(%arg16 : memref<!tpu.dma_semaphore, #tpu.memory_space<semaphore_mem>>) src(%dma_wait3A_463 : memref<8x128xi32, #tpu.memory_space<hbm>>) dst(%dma_wait3A_461 : memref<8x128xi32, #tpu.memory_space<vmem>>)
        %dma_start3A_464 = arith.constant 0 : i32
        %dma_start3A_465 = arith.constant 0 : i32
        %dma_start3A_466 = tpu.memref_slice %arg8[%sub3A_92, %dma_start3A_464, %dma_start3A_465] : memref<2x8x128xi32, #tpu.memory_space<vmem>> -> memref<1x1x128xi32, #tpu.memory_space<vmem>>
        %dma_start3A_467 = tpu.memref_squeeze %dma_start3A_466 : memref<1x1x128xi32, #tpu.memory_space<vmem>> -> memref<128xi32, #tpu.memory_space<vmem>>
        %dma_start3A_468 = arith.constant 0 : i32
        %dma_start3A_469 = arith.constant 0 : i32
        %dma_start3A_470 = tpu.memref_slice %arg2[%dma_start3A_468, %dma_start3A_469] : memref<10000x128xf32, #tpu.memory_space<hbm>> -> memref<10000x128xf32, #tpu.memory_space<hbm>>
        tpu.enqueue_indirect_dma source(%dma_start3A_470 : memref<10000x128xf32, #tpu.memory_space<hbm>>) target(%arg10 : memref<128x128xf32, #tpu.memory_space<vmem>>) offsets(%dma_start3A_467 : memref<128xi32, #tpu.memory_space<vmem>>) semaphore(%arg12 : memref<!tpu.dma_semaphore, #tpu.memory_space<semaphore_mem>>)
      } else {
      }
      %dma_start3A_418 = arith.constant 7 : i32
      %dma_start3A_419 = arith.constant 0 : i32
      %dma_start3A_420 = tpu.memref_slice %arg9[%rem3A_90, %dma_start3A_418, %dma_start3A_419] : memref<2x8x128xi32, #tpu.memory_space<vmem>> -> memref<1x1x128xi32, #tpu.memory_space<vmem>>
      %dma_start3A_421 = tpu.memref_squeeze %dma_start3A_420 : memref<1x1x128xi32, #tpu.memory_space<vmem>> -> memref<128xi32, #tpu.memory_space<vmem>>
      %dma_start3A_422 = arith.constant 0 : i32
      %dma_start3A_423 = arith.constant 0 : i32
      %dma_start3A_424 = tpu.memref_slice %arg7[%dma_start3A_422, %dma_start3A_423] : memref<10112x128xf32, #tpu.memory_space<vmem_shared>> -> memref<10112x128xf32, #tpu.memory_space<vmem_shared>>
      tpu.enqueue_indirect_dma source(%arg11 : memref<128x128xf32, #tpu.memory_space<vmem>>) target(%dma_start3A_424 : memref<10112x128xf32, #tpu.memory_space<vmem_shared>>) offsets(%dma_start3A_421 : memref<128xi32, #tpu.memory_space<vmem>>) semaphore(%arg15 : memref<!tpu.dma_semaphore, #tpu.memory_space<semaphore_mem>>) {add = true}
      %dma_wait3A_425 = arith.constant 0 : i32
      %dma_wait3A_426 = arith.constant 0 : i32
      %dma_wait3A_427 = arith.constant 0 : i32
      %dma_wait3A_428 = tpu.memref_slice %arg9[%dma_wait3A_425, %dma_wait3A_426, %dma_wait3A_427] : memref<2x8x128xi32, #tpu.memory_space<vmem>> -> memref<1x1x128xi32, #tpu.memory_space<vmem>>
      %dma_wait3A_429 = tpu.memref_squeeze %dma_wait3A_428 : memref<1x1x128xi32, #tpu.memory_space<vmem>> -> memref<128xi32, #tpu.memory_space<vmem>>
      %dma_wait3A_430 = arith.constant 0 : i32
      %dma_wait3A_431 = arith.constant 0 : i32
      %dma_wait3A_432 = tpu.memref_slice %arg17[%dma_wait3A_430, %dma_wait3A_431] : memref<10112x16xf32, #tpu.memory_space<vmem_shared>> -> memref<10112x16xf32, #tpu.memory_space<vmem_shared>>
      tpu.wait_indirect_dma semaphore(%arg19 : memref<!tpu.dma_semaphore, #tpu.memory_space<semaphore_mem>>) src(%arg18 : memref<128x16xf32, #tpu.memory_space<vmem>>) dst(%dma_wait3A_432 : memref<10112x16xf32, #tpu.memory_space<vmem_shared>>)
      %dma_start3A_433 = arith.constant 7 : i32
      %dma_start3A_434 = arith.constant 0 : i32
      %dma_start3A_435 = tpu.memref_slice %arg9[%rem3A_90, %dma_start3A_433, %dma_start3A_434] : memref<2x8x128xi32, #tpu.memory_space<vmem>> -> memref<1x1x128xi32, #tpu.memory_space<vmem>>
      %dma_start3A_436 = tpu.memref_squeeze %dma_start3A_435 : memref<1x1x128xi32, #tpu.memory_space<vmem>> -> memref<128xi32, #tpu.memory_space<vmem>>
      %dma_start3A_437 = arith.constant 0 : i32
      %dma_start3A_438 = arith.constant 0 : i32
      %dma_start3A_439 = tpu.memref_slice %arg17[%dma_start3A_437, %dma_start3A_438] : memref<10112x16xf32, #tpu.memory_space<vmem_shared>> -> memref<10112x16xf32, #tpu.memory_space<vmem_shared>>
      tpu.enqueue_indirect_dma source(%arg18 : memref<128x16xf32, #tpu.memory_space<vmem>>) target(%dma_start3A_439 : memref<10112x16xf32, #tpu.memory_space<vmem_shared>>) offsets(%dma_start3A_436 : memref<128xi32, #tpu.memory_space<vmem>>) semaphore(%arg19 : memref<!tpu.dma_semaphore, #tpu.memory_space<semaphore_mem>>) {add = true}
    }
    %while3A_64 = arith.constant 1 : i32
    scf.for %while3A_89 = %while3A_62 to %while3A_58 step %while3A_64  : i32 {
      %rem3A = arith.constant 2 : i32
      %rem3A_90 = arith.remsi %while3A_89, %rem3A : i32
      %sub3A_91 = arith.constant 1 : i32
      %sub3A_92 = arith.subi %sub3A_91, %rem3A_90 : i32
      %dma_wait3A_93 = arith.constant 0 : i32
      %dma_wait3A_94 = arith.constant 0 : i32
      %dma_wait3A_95 = tpu.memref_slice %arg8[%rem3A_90, %dma_wait3A_93, %dma_wait3A_94] : memref<2x8x128xi32, #tpu.memory_space<vmem>> -> memref<1x1x128xi32, #tpu.memory_space<vmem>>
      %dma_wait3A_96 = tpu.memref_squeeze %dma_wait3A_95 : memref<1x1x128xi32, #tpu.memory_space<vmem>> -> memref<128xi32, #tpu.memory_space<vmem>>
      %dma_wait3A_97 = arith.constant 0 : i32
      %dma_wait3A_98 = arith.constant 0 : i32
      %dma_wait3A_99 = tpu.memref_slice %arg2[%dma_wait3A_97, %dma_wait3A_98] : memref<10000x128xf32, #tpu.memory_space<hbm>> -> memref<10000x128xf32, #tpu.memory_space<hbm>>
      tpu.wait_indirect_dma semaphore(%arg12 : memref<!tpu.dma_semaphore, #tpu.memory_space<semaphore_mem>>) src(%dma_wait3A_99 : memref<10000x128xf32, #tpu.memory_space<hbm>>) dst(%arg10 : memref<128x128xf32, #tpu.memory_space<vmem>>)
      %ge3A = arith.constant 1 : i32
      %ge3A_100 = arith.cmpi sge, %while3A_89, %ge3A : i32
      %convert_element_type3A = arith.extui %ge3A_100 : i1 to i32
      %cond3A = arith.constant 0 : i32
      %cond3A_101 = arith.cmpi ne, %convert_element_type3A, %cond3A : i32
      scf.if %cond3A_101 {
        %dma_wait3A_440 = arith.constant 0 : i32
        %dma_wait3A_441 = arith.constant 0 : i32
        %dma_wait3A_442 = arith.constant 0 : i32
        %dma_wait3A_443 = tpu.memref_slice %arg9[%dma_wait3A_440, %dma_wait3A_441, %dma_wait3A_442] : memref<2x8x128xi32, #tpu.memory_space<vmem>> -> memref<1x1x128xi32, #tpu.memory_space<vmem>>
        %dma_wait3A_444 = tpu.memref_squeeze %dma_wait3A_443 : memref<1x1x128xi32, #tpu.memory_space<vmem>> -> memref<128xi32, #tpu.memory_space<vmem>>
        %dma_wait3A_445 = arith.constant 0 : i32
        %dma_wait3A_446 = arith.constant 0 : i32
        %dma_wait3A_447 = tpu.memref_slice %arg7[%dma_wait3A_445, %dma_wait3A_446] : memref<10112x128xf32, #tpu.memory_space<vmem_shared>> -> memref<10112x128xf32, #tpu.memory_space<vmem_shared>>
        tpu.wait_indirect_dma semaphore(%arg15 : memref<!tpu.dma_semaphore, #tpu.memory_space<semaphore_mem>>) src(%arg11 : memref<128x128xf32, #tpu.memory_space<vmem>>) dst(%dma_wait3A_447 : memref<10112x128xf32, #tpu.memory_space<vmem_shared>>)
      } else {
      }
      %dma_start3A_102 = arith.constant 1 : i32
      %dma_start3A_103 = arith.constant 0 : i32
      %dma_start3A_104 = tpu.memref_slice %arg8[%rem3A_90, %dma_start3A_102, %dma_start3A_103] : memref<2x8x128xi32, #tpu.memory_space<vmem>> -> memref<1x1x128xi32, #tpu.memory_space<vmem>>
      %dma_start3A_105 = tpu.memref_squeeze %dma_start3A_104 : memref<1x1x128xi32, #tpu.memory_space<vmem>> -> memref<128xi32, #tpu.memory_space<vmem>>
      %dma_start3A_106 = arith.constant 0 : i32
      %dma_start3A_107 = arith.constant 0 : i32
      %dma_start3A_108 = tpu.memref_slice %arg2[%dma_start3A_106, %dma_start3A_107] : memref<10000x128xf32, #tpu.memory_space<hbm>> -> memref<10000x128xf32, #tpu.memory_space<hbm>>
      tpu.enqueue_indirect_dma source(%dma_start3A_108 : memref<10000x128xf32, #tpu.memory_space<hbm>>) target(%arg11 : memref<128x128xf32, #tpu.memory_space<vmem>>) offsets(%dma_start3A_105 : memref<128xi32, #tpu.memory_space<vmem>>) semaphore(%arg13 : memref<!tpu.dma_semaphore, #tpu.memory_space<semaphore_mem>>)
      %dma_start3A_109 = arith.constant 0 : i32
      %dma_start3A_110 = arith.constant 0 : i32
      %dma_start3A_111 = tpu.memref_slice %arg9[%rem3A_90, %dma_start3A_109, %dma_start3A_110] : memref<2x8x128xi32, #tpu.memory_space<vmem>> -> memref<1x1x128xi32, #tpu.memory_space<vmem>>
      %dma_start3A_112 = tpu.memref_squeeze %dma_start3A_111 : memref<1x1x128xi32, #tpu.memory_space<vmem>> -> memref<128xi32, #tpu.memory_space<vmem>>
      %dma_start3A_113 = arith.constant 0 : i32
      %dma_start3A_114 = arith.constant 0 : i32
      %dma_start3A_115 = tpu.memref_slice %arg7[%dma_start3A_113, %dma_start3A_114] : memref<10112x128xf32, #tpu.memory_space<vmem_shared>> -> memref<10112x128xf32, #tpu.memory_space<vmem_shared>>
      tpu.enqueue_indirect_dma source(%arg10 : memref<128x128xf32, #tpu.memory_space<vmem>>) target(%dma_start3A_115 : memref<10112x128xf32, #tpu.memory_space<vmem_shared>>) offsets(%dma_start3A_112 : memref<128xi32, #tpu.memory_space<vmem>>) semaphore(%arg14 : memref<!tpu.dma_semaphore, #tpu.memory_space<semaphore_mem>>) {add = true}
      %ge3A_116 = arith.constant 1 : i32
      %ge3A_117 = arith.cmpi sge, %while3A_89, %ge3A_116 : i32
      %convert_element_type3A_118 = arith.extui %ge3A_117 : i1 to i32
      %cond3A_119 = arith.constant 0 : i32
      %cond3A_120 = arith.cmpi ne, %convert_element_type3A_118, %cond3A_119 : i32
      scf.if %cond3A_120 {
        %dma_wait3A_440 = arith.constant 0 : i32
        %dma_wait3A_441 = arith.constant 0 : i32
        %dma_wait3A_442 = arith.constant 0 : i32
        %dma_wait3A_443 = tpu.memref_slice %arg9[%dma_wait3A_440, %dma_wait3A_441, %dma_wait3A_442] : memref<2x8x128xi32, #tpu.memory_space<vmem>> -> memref<1x1x128xi32, #tpu.memory_space<vmem>>
        %dma_wait3A_444 = tpu.memref_squeeze %dma_wait3A_443 : memref<1x1x128xi32, #tpu.memory_space<vmem>> -> memref<128xi32, #tpu.memory_space<vmem>>
        %dma_wait3A_445 = arith.constant 0 : i32
        %dma_wait3A_446 = arith.constant 0 : i32
        %dma_wait3A_447 = tpu.memref_slice %arg17[%dma_wait3A_445, %dma_wait3A_446] : memref<10112x16xf32, #tpu.memory_space<vmem_shared>> -> memref<10112x16xf32, #tpu.memory_space<vmem_shared>>
        tpu.wait_indirect_dma semaphore(%arg19 : memref<!tpu.dma_semaphore, #tpu.memory_space<semaphore_mem>>) src(%arg18 : memref<128x16xf32, #tpu.memory_space<vmem>>) dst(%dma_wait3A_447 : memref<10112x16xf32, #tpu.memory_space<vmem_shared>>)
      } else {
      }
      %dma_start3A_121 = arith.constant 0 : i32
      %dma_start3A_122 = arith.constant 0 : i32
      %dma_start3A_123 = tpu.memref_slice %arg9[%rem3A_90, %dma_start3A_121, %dma_start3A_122] : memref<2x8x128xi32, #tpu.memory_space<vmem>> -> memref<1x1x128xi32, #tpu.memory_space<vmem>>
      %dma_start3A_124 = tpu.memref_squeeze %dma_start3A_123 : memref<1x1x128xi32, #tpu.memory_space<vmem>> -> memref<128xi32, #tpu.memory_space<vmem>>
      %dma_start3A_125 = arith.constant 0 : i32
      %dma_start3A_126 = arith.constant 0 : i32
      %dma_start3A_127 = tpu.memref_slice %arg17[%dma_start3A_125, %dma_start3A_126] : memref<10112x16xf32, #tpu.memory_space<vmem_shared>> -> memref<10112x16xf32, #tpu.memory_space<vmem_shared>>
      tpu.enqueue_indirect_dma source(%arg18 : memref<128x16xf32, #tpu.memory_space<vmem>>) target(%dma_start3A_127 : memref<10112x16xf32, #tpu.memory_space<vmem_shared>>) offsets(%dma_start3A_124 : memref<128xi32, #tpu.memory_space<vmem>>) semaphore(%arg19 : memref<!tpu.dma_semaphore, #tpu.memory_space<semaphore_mem>>) {add = true}
      %dma_wait3A_128 = arith.constant 1 : i32
      %dma_wait3A_129 = arith.constant 0 : i32
      %dma_wait3A_130 = tpu.memref_slice %arg8[%rem3A_90, %dma_wait3A_128, %dma_wait3A_129] : memref<2x8x128xi32, #tpu.memory_space<vmem>> -> memref<1x1x128xi32, #tpu.memory_space<vmem>>
      %dma_wait3A_131 = tpu.memref_squeeze %dma_wait3A_130 : memref<1x1x128xi32, #tpu.memory_space<vmem>> -> memref<128xi32, #tpu.memory_space<vmem>>
      %dma_wait3A_132 = arith.constant 0 : i32
      %dma_wait3A_133 = arith.constant 0 : i32
      %dma_wait3A_134 = tpu.memref_slice %arg2[%dma_wait3A_132, %dma_wait3A_133] : memref<10000x128xf32, #tpu.memory_space<hbm>> -> memref<10000x128xf32, #tpu.memory_space<hbm>>
      tpu.wait_indirect_dma semaphore(%arg13 : memref<!tpu.dma_semaphore, #tpu.memory_space<semaphore_mem>>) src(%dma_wait3A_134 : memref<10000x128xf32, #tpu.memory_space<hbm>>) dst(%arg11 : memref<128x128xf32, #tpu.memory_space<vmem>>)
      %dma_wait3A_135 = arith.constant 0 : i32
      %dma_wait3A_136 = arith.constant 0 : i32
      %dma_wait3A_137 = arith.constant 0 : i32
      %dma_wait3A_138 = tpu.memref_slice %arg9[%dma_wait3A_135, %dma_wait3A_136, %dma_wait3A_137] : memref<2x8x128xi32, #tpu.memory_space<vmem>> -> memref<1x1x128xi32, #tpu.memory_space<vmem>>
      %dma_wait3A_139 = tpu.memref_squeeze %dma_wait3A_138 : memref<1x1x128xi32, #tpu.memory_space<vmem>> -> memref<128xi32, #tpu.memory_space<vmem>>
      %dma_wait3A_140 = arith.constant 0 : i32
      %dma_wait3A_141 = arith.constant 0 : i32
      %dma_wait3A_142 = tpu.memref_slice %arg7[%dma_wait3A_140, %dma_wait3A_141] : memref<10112x128xf32, #tpu.memory_space<vmem_shared>> -> memref<10112x128xf32, #tpu.memory_space<vmem_shared>>
      tpu.wait_indirect_dma semaphore(%arg14 : memref<!tpu.dma_semaphore, #tpu.memory_space<semaphore_mem>>) src(%arg10 : memref<128x128xf32, #tpu.memory_space<vmem>>) dst(%dma_wait3A_142 : memref<10112x128xf32, #tpu.memory_space<vmem_shared>>)
      %dma_start3A_143 = arith.constant 2 : i32
      %dma_start3A_144 = arith.constant 0 : i32
      %dma_start3A_145 = tpu.memref_slice %arg8[%rem3A_90, %dma_start3A_143, %dma_start3A_144] : memref<2x8x128xi32, #tpu.memory_space<vmem>> -> memref<1x1x128xi32, #tpu.memory_space<vmem>>
      %dma_start3A_146 = tpu.memref_squeeze %dma_start3A_145 : memref<1x1x128xi32, #tpu.memory_space<vmem>> -> memref<128xi32, #tpu.memory_space<vmem>>
      %dma_start3A_147 = arith.constant 0 : i32
      %dma_start3A_148 = arith.constant 0 : i32
      %dma_start3A_149 = tpu.memref_slice %arg2[%dma_start3A_147, %dma_start3A_148] : memref<10000x128xf32, #tpu.memory_space<hbm>> -> memref<10000x128xf32, #tpu.memory_space<hbm>>
      tpu.enqueue_indirect_dma source(%dma_start3A_149 : memref<10000x128xf32, #tpu.memory_space<hbm>>) target(%arg10 : memref<128x128xf32, #tpu.memory_space<vmem>>) offsets(%dma_start3A_146 : memref<128xi32, #tpu.memory_space<vmem>>) semaphore(%arg12 : memref<!tpu.dma_semaphore, #tpu.memory_space<semaphore_mem>>)
      %dma_start3A_150 = arith.constant 1 : i32
      %dma_start3A_151 = arith.constant 0 : i32
      %dma_start3A_152 = tpu.memref_slice %arg9[%rem3A_90, %dma_start3A_150, %dma_start3A_151] : memref<2x8x128xi32, #tpu.memory_space<vmem>> -> memref<1x1x128xi32, #tpu.memory_space<vmem>>
      %dma_start3A_153 = tpu.memref_squeeze %dma_start3A_152 : memref<1x1x128xi32, #tpu.memory_space<vmem>> -> memref<128xi32, #tpu.memory_space<vmem>>
      %dma_start3A_154 = arith.constant 0 : i32
      %dma_start3A_155 = arith.constant 0 : i32
      %dma_start3A_156 = tpu.memref_slice %arg7[%dma_start3A_154, %dma_start3A_155] : memref<10112x128xf32, #tpu.memory_space<vmem_shared>> -> memref<10112x128xf32, #tpu.memory_space<vmem_shared>>
      tpu.enqueue_indirect_dma source(%arg11 : memref<128x128xf32, #tpu.memory_space<vmem>>) target(%dma_start3A_156 : memref<10112x128xf32, #tpu.memory_space<vmem_shared>>) offsets(%dma_start3A_153 : memref<128xi32, #tpu.memory_space<vmem>>) semaphore(%arg15 : memref<!tpu.dma_semaphore, #tpu.memory_space<semaphore_mem>>) {add = true}
      %dma_wait3A_157 = arith.constant 0 : i32
      %dma_wait3A_158 = arith.constant 0 : i32
      %dma_wait3A_159 = arith.constant 0 : i32
      %dma_wait3A_160 = tpu.memref_slice %arg9[%dma_wait3A_157, %dma_wait3A_158, %dma_wait3A_159] : memref<2x8x128xi32, #tpu.memory_space<vmem>> -> memref<1x1x128xi32, #tpu.memory_space<vmem>>
      %dma_wait3A_161 = tpu.memref_squeeze %dma_wait3A_160 : memref<1x1x128xi32, #tpu.memory_space<vmem>> -> memref<128xi32, #tpu.memory_space<vmem>>
      %dma_wait3A_162 = arith.constant 0 : i32
      %dma_wait3A_163 = arith.constant 0 : i32
      %dma_wait3A_164 = tpu.memref_slice %arg17[%dma_wait3A_162, %dma_wait3A_163] : memref<10112x16xf32, #tpu.memory_space<vmem_shared>> -> memref<10112x16xf32, #tpu.memory_space<vmem_shared>>
      tpu.wait_indirect_dma semaphore(%arg19 : memref<!tpu.dma_semaphore, #tpu.memory_space<semaphore_mem>>) src(%arg18 : memref<128x16xf32, #tpu.memory_space<vmem>>) dst(%dma_wait3A_164 : memref<10112x16xf32, #tpu.memory_space<vmem_shared>>)
      %dma_start3A_165 = arith.constant 1 : i32
      %dma_start3A_166 = arith.constant 0 : i32
      %dma_start3A_167 = tpu.memref_slice %arg9[%rem3A_90, %dma_start3A_165, %dma_start3A_166] : memref<2x8x128xi32, #tpu.memory_space<vmem>> -> memref<1x1x128xi32, #tpu.memory_space<vmem>>
      %dma_start3A_168 = tpu.memref_squeeze %dma_start3A_167 : memref<1x1x128xi32, #tpu.memory_space<vmem>> -> memref<128xi32, #tpu.memory_space<vmem>>
      %dma_start3A_169 = arith.constant 0 : i32
      %dma_start3A_170 = arith.constant 0 : i32
      %dma_start3A_171 = tpu.memref_slice %arg17[%dma_start3A_169, %dma_start3A_170] : memref<10112x16xf32, #tpu.memory_space<vmem_shared>> -> memref<10112x16xf32, #tpu.memory_space<vmem_shared>>
      tpu.enqueue_indirect_dma source(%arg18 : memref<128x16xf32, #tpu.memory_space<vmem>>) target(%dma_start3A_171 : memref<10112x16xf32, #tpu.memory_space<vmem_shared>>) offsets(%dma_start3A_168 : memref<128xi32, #tpu.memory_space<vmem>>) semaphore(%arg19 : memref<!tpu.dma_semaphore, #tpu.memory_space<semaphore_mem>>) {add = true}
      %dma_wait3A_172 = arith.constant 2 : i32
      %dma_wait3A_173 = arith.constant 0 : i32
      %dma_wait3A_174 = tpu.memref_slice %arg8[%rem3A_90, %dma_wait3A_172, %dma_wait3A_173] : memref<2x8x128xi32, #tpu.memory_space<vmem>> -> memref<1x1x128xi32, #tpu.memory_space<vmem>>
      %dma_wait3A_175 = tpu.memref_squeeze %dma_wait3A_174 : memref<1x1x128xi32, #tpu.memory_space<vmem>> -> memref<128xi32, #tpu.memory_space<vmem>>
      %dma_wait3A_176 = arith.constant 0 : i32
      %dma_wait3A_177 = arith.constant 0 : i32
      %dma_wait3A_178 = tpu.memref_slice %arg2[%dma_wait3A_176, %dma_wait3A_177] : memref<10000x128xf32, #tpu.memory_space<hbm>> -> memref<10000x128xf32, #tpu.memory_space<hbm>>
      tpu.wait_indirect_dma semaphore(%arg12 : memref<!tpu.dma_semaphore, #tpu.memory_space<semaphore_mem>>) src(%dma_wait3A_178 : memref<10000x128xf32, #tpu.memory_space<hbm>>) dst(%arg10 : memref<128x128xf32, #tpu.memory_space<vmem>>)
      %add3A_179 = arith.constant 1 : i32
      %add3A_180 = arith.addi %while3A_89, %add3A_179 : i32
      %lt3A = arith.cmpi slt, %add3A_180, %select_n3A_4 : i32
      %convert_element_type3A_181 = arith.extui %lt3A : i1 to i32
      %cond3A_182 = arith.constant 0 : i32
      %cond3A_183 = arith.cmpi ne, %convert_element_type3A_181, %cond3A_182 : i32
      scf.if %cond3A_183 {
        %add3A_440 = arith.constant 1 : i32
        %add3A_441 = arith.addi %while3A_89, %add3A_440 : i32
        %mul3A_442 = arith.constant 8 : i32
        %mul3A_443 = arith.muli %add3A_441, %mul3A_442 : i32
        %add3A_444 = arith.addi %add3A, %mul3A_443 : i32
        %dma_start3A_445 = arith.constant 0 : i32
        %dma_start3A_446 = arith.constant 0 : i32
        %dma_start3A_447 = tpu.memref_slice %arg8[%sub3A_92, %dma_start3A_445, %dma_start3A_446] : memref<2x8x128xi32, #tpu.memory_space<vmem>> -> memref<1x8x128xi32, #tpu.memory_space<vmem>>
        %dma_start3A_448 = tpu.memref_squeeze %dma_start3A_447 : memref<1x8x128xi32, #tpu.memory_space<vmem>> -> memref<8x128xi32, #tpu.memory_space<vmem>>
        %dma_start3A_449 = arith.constant 0 : i32
        %dma_start3A_450 = tpu.memref_slice %arg3[%add3A_444, %dma_start3A_449] : memref<2560x128xi32, #tpu.memory_space<hbm>> -> memref<8x128xi32, #tpu.memory_space<hbm>>
        %dma_start3A_451 = arith.constant 0 : i32
        %dma_start3A_452 = arith.constant 0 : i32
        %dma_start3A_453 = tpu.memref_slice %arg8[%sub3A_92, %dma_start3A_451, %dma_start3A_452] : memref<2x8x128xi32, #tpu.memory_space<vmem>> -> memref<1x8x128xi32, #tpu.memory_space<vmem>>
        %dma_start3A_454 = tpu.memref_squeeze %dma_start3A_453 : memref<1x8x128xi32, #tpu.memory_space<vmem>> -> memref<8x128xi32, #tpu.memory_space<vmem>>
        %dma_start3A_455 = arith.constant 0 : i32
        %dma_start3A_456 = tpu.memref_slice %arg3[%add3A_444, %dma_start3A_455] : memref<2560x128xi32, #tpu.memory_space<hbm>> -> memref<8x128xi32, #tpu.memory_space<hbm>>
        tpu.enqueue_dma source(%dma_start3A_456 : memref<8x128xi32, #tpu.memory_space<hbm>>) target(%dma_start3A_454 : memref<8x128xi32, #tpu.memory_space<vmem>>) target_semaphore(%arg16 : memref<!tpu.dma_semaphore, #tpu.memory_space<semaphore_mem>>)
        %dma_start3A_457 = arith.constant 0 : i32
        %dma_start3A_458 = arith.constant 0 : i32
        %dma_start3A_459 = tpu.memref_slice %arg9[%sub3A_92, %dma_start3A_457, %dma_start3A_458] : memref<2x8x128xi32, #tpu.memory_space<vmem>> -> memref<1x8x128xi32, #tpu.memory_space<vmem>>
        %dma_start3A_460 = tpu.memref_squeeze %dma_start3A_459 : memref<1x8x128xi32, #tpu.memory_space<vmem>> -> memref<8x128xi32, #tpu.memory_space<vmem>>
        %dma_start3A_461 = arith.constant 0 : i32
        %dma_start3A_462 = tpu.memref_slice %arg4[%add3A_444, %dma_start3A_461] : memref<2560x128xi32, #tpu.memory_space<hbm>> -> memref<8x128xi32, #tpu.memory_space<hbm>>
        %dma_start3A_463 = arith.constant 0 : i32
        %dma_start3A_464 = arith.constant 0 : i32
        %dma_start3A_465 = tpu.memref_slice %arg9[%sub3A_92, %dma_start3A_463, %dma_start3A_464] : memref<2x8x128xi32, #tpu.memory_space<vmem>> -> memref<1x8x128xi32, #tpu.memory_space<vmem>>
        %dma_start3A_466 = tpu.memref_squeeze %dma_start3A_465 : memref<1x8x128xi32, #tpu.memory_space<vmem>> -> memref<8x128xi32, #tpu.memory_space<vmem>>
        %dma_start3A_467 = arith.constant 0 : i32
        %dma_start3A_468 = tpu.memref_slice %arg4[%add3A_444, %dma_start3A_467] : memref<2560x128xi32, #tpu.memory_space<hbm>> -> memref<8x128xi32, #tpu.memory_space<hbm>>
        tpu.enqueue_dma source(%dma_start3A_468 : memref<8x128xi32, #tpu.memory_space<hbm>>) target(%dma_start3A_466 : memref<8x128xi32, #tpu.memory_space<vmem>>) target_semaphore(%arg16 : memref<!tpu.dma_semaphore, #tpu.memory_space<semaphore_mem>>)
      } else {
      }
      %dma_wait3A_184 = arith.constant 0 : i32
      %dma_wait3A_185 = arith.constant 0 : i32
      %dma_wait3A_186 = arith.constant 0 : i32
      %dma_wait3A_187 = tpu.memref_slice %arg9[%dma_wait3A_184, %dma_wait3A_185, %dma_wait3A_186] : memref<2x8x128xi32, #tpu.memory_space<vmem>> -> memref<1x1x128xi32, #tpu.memory_space<vmem>>
      %dma_wait3A_188 = tpu.memref_squeeze %dma_wait3A_187 : memref<1x1x128xi32, #tpu.memory_space<vmem>> -> memref<128xi32, #tpu.memory_space<vmem>>
      %dma_wait3A_189 = arith.constant 0 : i32
      %dma_wait3A_190 = arith.constant 0 : i32
      %dma_wait3A_191 = tpu.memref_slice %arg7[%dma_wait3A_189, %dma_wait3A_190] : memref<10112x128xf32, #tpu.memory_space<vmem_shared>> -> memref<10112x128xf32, #tpu.memory_space<vmem_shared>>
      tpu.wait_indirect_dma semaphore(%arg15 : memref<!tpu.dma_semaphore, #tpu.memory_space<semaphore_mem>>) src(%arg11 : memref<128x128xf32, #tpu.memory_space<vmem>>) dst(%dma_wait3A_191 : memref<10112x128xf32, #tpu.memory_space<vmem_shared>>)
      %dma_start3A_192 = arith.constant 3 : i32
      %dma_start3A_193 = arith.constant 0 : i32
      %dma_start3A_194 = tpu.memref_slice %arg8[%rem3A_90, %dma_start3A_192, %dma_start3A_193] : memref<2x8x128xi32, #tpu.memory_space<vmem>> -> memref<1x1x128xi32, #tpu.memory_space<vmem>>
      %dma_start3A_195 = tpu.memref_squeeze %dma_start3A_194 : memref<1x1x128xi32, #tpu.memory_space<vmem>> -> memref<128xi32, #tpu.memory_space<vmem>>
      %dma_start3A_196 = arith.constant 0 : i32
      %dma_start3A_197 = arith.constant 0 : i32
      %dma_start3A_198 = tpu.memref_slice %arg2[%dma_start3A_196, %dma_start3A_197] : memref<10000x128xf32, #tpu.memory_space<hbm>> -> memref<10000x128xf32, #tpu.memory_space<hbm>>
      tpu.enqueue_indirect_dma source(%dma_start3A_198 : memref<10000x128xf32, #tpu.memory_space<hbm>>) target(%arg11 : memref<128x128xf32, #tpu.memory_space<vmem>>) offsets(%dma_start3A_195 : memref<128xi32, #tpu.memory_space<vmem>>) semaphore(%arg13 : memref<!tpu.dma_semaphore, #tpu.memory_space<semaphore_mem>>)
      %dma_start3A_199 = arith.constant 2 : i32
      %dma_start3A_200 = arith.constant 0 : i32
      %dma_start3A_201 = tpu.memref_slice %arg9[%rem3A_90, %dma_start3A_199, %dma_start3A_200] : memref<2x8x128xi32, #tpu.memory_space<vmem>> -> memref<1x1x128xi32, #tpu.memory_space<vmem>>
      %dma_start3A_202 = tpu.memref_squeeze %dma_start3A_201 : memref<1x1x128xi32, #tpu.memory_space<vmem>> -> memref<128xi32, #tpu.memory_space<vmem>>
      %dma_start3A_203 = arith.constant 0 : i32
      %dma_start3A_204 = arith.constant 0 : i32
      %dma_start3A_205 = tpu.memref_slice %arg7[%dma_start3A_203, %dma_start3A_204] : memref<10112x128xf32, #tpu.memory_space<vmem_shared>> -> memref<10112x128xf32, #tpu.memory_space<vmem_shared>>
      tpu.enqueue_indirect_dma source(%arg10 : memref<128x128xf32, #tpu.memory_space<vmem>>) target(%dma_start3A_205 : memref<10112x128xf32, #tpu.memory_space<vmem_shared>>) offsets(%dma_start3A_202 : memref<128xi32, #tpu.memory_space<vmem>>) semaphore(%arg14 : memref<!tpu.dma_semaphore, #tpu.memory_space<semaphore_mem>>) {add = true}
      %dma_wait3A_206 = arith.constant 0 : i32
      %dma_wait3A_207 = arith.constant 0 : i32
      %dma_wait3A_208 = arith.constant 0 : i32
      %dma_wait3A_209 = tpu.memref_slice %arg9[%dma_wait3A_206, %dma_wait3A_207, %dma_wait3A_208] : memref<2x8x128xi32, #tpu.memory_space<vmem>> -> memref<1x1x128xi32, #tpu.memory_space<vmem>>
      %dma_wait3A_210 = tpu.memref_squeeze %dma_wait3A_209 : memref<1x1x128xi32, #tpu.memory_space<vmem>> -> memref<128xi32, #tpu.memory_space<vmem>>
      %dma_wait3A_211 = arith.constant 0 : i32
      %dma_wait3A_212 = arith.constant 0 : i32
      %dma_wait3A_213 = tpu.memref_slice %arg17[%dma_wait3A_211, %dma_wait3A_212] : memref<10112x16xf32, #tpu.memory_space<vmem_shared>> -> memref<10112x16xf32, #tpu.memory_space<vmem_shared>>
      tpu.wait_indirect_dma semaphore(%arg19 : memref<!tpu.dma_semaphore, #tpu.memory_space<semaphore_mem>>) src(%arg18 : memref<128x16xf32, #tpu.memory_space<vmem>>) dst(%dma_wait3A_213 : memref<10112x16xf32, #tpu.memory_space<vmem_shared>>)
      %dma_start3A_214 = arith.constant 2 : i32
      %dma_start3A_215 = arith.constant 0 : i32
      %dma_start3A_216 = tpu.memref_slice %arg9[%rem3A_90, %dma_start3A_214, %dma_start3A_215] : memref<2x8x128xi32, #tpu.memory_space<vmem>> -> memref<1x1x128xi32, #tpu.memory_space<vmem>>
      %dma_start3A_217 = tpu.memref_squeeze %dma_start3A_216 : memref<1x1x128xi32, #tpu.memory_space<vmem>> -> memref<128xi32, #tpu.memory_space<vmem>>
      %dma_start3A_218 = arith.constant 0 : i32
      %dma_start3A_219 = arith.constant 0 : i32
      %dma_start3A_220 = tpu.memref_slice %arg17[%dma_start3A_218, %dma_start3A_219] : memref<10112x16xf32, #tpu.memory_space<vmem_shared>> -> memref<10112x16xf32, #tpu.memory_space<vmem_shared>>
      tpu.enqueue_indirect_dma source(%arg18 : memref<128x16xf32, #tpu.memory_space<vmem>>) target(%dma_start3A_220 : memref<10112x16xf32, #tpu.memory_space<vmem_shared>>) offsets(%dma_start3A_217 : memref<128xi32, #tpu.memory_space<vmem>>) semaphore(%arg19 : memref<!tpu.dma_semaphore, #tpu.memory_space<semaphore_mem>>) {add = true}
      %dma_wait3A_221 = arith.constant 3 : i32
      %dma_wait3A_222 = arith.constant 0 : i32
      %dma_wait3A_223 = tpu.memref_slice %arg8[%rem3A_90, %dma_wait3A_221, %dma_wait3A_222] : memref<2x8x128xi32, #tpu.memory_space<vmem>> -> memref<1x1x128xi32, #tpu.memory_space<vmem>>
      %dma_wait3A_224 = tpu.memref_squeeze %dma_wait3A_223 : memref<1x1x128xi32, #tpu.memory_space<vmem>> -> memref<128xi32, #tpu.memory_space<vmem>>
      %dma_wait3A_225 = arith.constant 0 : i32
      %dma_wait3A_226 = arith.constant 0 : i32
      %dma_wait3A_227 = tpu.memref_slice %arg2[%dma_wait3A_225, %dma_wait3A_226] : memref<10000x128xf32, #tpu.memory_space<hbm>> -> memref<10000x128xf32, #tpu.memory_space<hbm>>
      tpu.wait_indirect_dma semaphore(%arg13 : memref<!tpu.dma_semaphore, #tpu.memory_space<semaphore_mem>>) src(%dma_wait3A_227 : memref<10000x128xf32, #tpu.memory_space<hbm>>) dst(%arg11 : memref<128x128xf32, #tpu.memory_space<vmem>>)
      %dma_wait3A_228 = arith.constant 0 : i32
      %dma_wait3A_229 = arith.constant 0 : i32
      %dma_wait3A_230 = arith.constant 0 : i32
      %dma_wait3A_231 = tpu.memref_slice %arg9[%dma_wait3A_228, %dma_wait3A_229, %dma_wait3A_230] : memref<2x8x128xi32, #tpu.memory_space<vmem>> -> memref<1x1x128xi32, #tpu.memory_space<vmem>>
      %dma_wait3A_232 = tpu.memref_squeeze %dma_wait3A_231 : memref<1x1x128xi32, #tpu.memory_space<vmem>> -> memref<128xi32, #tpu.memory_space<vmem>>
      %dma_wait3A_233 = arith.constant 0 : i32
      %dma_wait3A_234 = arith.constant 0 : i32
      %dma_wait3A_235 = tpu.memref_slice %arg7[%dma_wait3A_233, %dma_wait3A_234] : memref<10112x128xf32, #tpu.memory_space<vmem_shared>> -> memref<10112x128xf32, #tpu.memory_space<vmem_shared>>
      tpu.wait_indirect_dma semaphore(%arg14 : memref<!tpu.dma_semaphore, #tpu.memory_space<semaphore_mem>>) src(%arg10 : memref<128x128xf32, #tpu.memory_space<vmem>>) dst(%dma_wait3A_235 : memref<10112x128xf32, #tpu.memory_space<vmem_shared>>)
      %dma_start3A_236 = arith.constant 4 : i32
      %dma_start3A_237 = arith.constant 0 : i32
      %dma_start3A_238 = tpu.memref_slice %arg8[%rem3A_90, %dma_start3A_236, %dma_start3A_237] : memref<2x8x128xi32, #tpu.memory_space<vmem>> -> memref<1x1x128xi32, #tpu.memory_space<vmem>>
      %dma_start3A_239 = tpu.memref_squeeze %dma_start3A_238 : memref<1x1x128xi32, #tpu.memory_space<vmem>> -> memref<128xi32, #tpu.memory_space<vmem>>
      %dma_start3A_240 = arith.constant 0 : i32
      %dma_start3A_241 = arith.constant 0 : i32
      %dma_start3A_242 = tpu.memref_slice %arg2[%dma_start3A_240, %dma_start3A_241] : memref<10000x128xf32, #tpu.memory_space<hbm>> -> memref<10000x128xf32, #tpu.memory_space<hbm>>
      tpu.enqueue_indirect_dma source(%dma_start3A_242 : memref<10000x128xf32, #tpu.memory_space<hbm>>) target(%arg10 : memref<128x128xf32, #tpu.memory_space<vmem>>) offsets(%dma_start3A_239 : memref<128xi32, #tpu.memory_space<vmem>>) semaphore(%arg12 : memref<!tpu.dma_semaphore, #tpu.memory_space<semaphore_mem>>)
      %dma_start3A_243 = arith.constant 3 : i32
      %dma_start3A_244 = arith.constant 0 : i32
      %dma_start3A_245 = tpu.memref_slice %arg9[%rem3A_90, %dma_start3A_243, %dma_start3A_244] : memref<2x8x128xi32, #tpu.memory_space<vmem>> -> memref<1x1x128xi32, #tpu.memory_space<vmem>>
      %dma_start3A_246 = tpu.memref_squeeze %dma_start3A_245 : memref<1x1x128xi32, #tpu.memory_space<vmem>> -> memref<128xi32, #tpu.memory_space<vmem>>
      %dma_start3A_247 = arith.constant 0 : i32
      %dma_start3A_248 = arith.constant 0 : i32
      %dma_start3A_249 = tpu.memref_slice %arg7[%dma_start3A_247, %dma_start3A_248] : memref<10112x128xf32, #tpu.memory_space<vmem_shared>> -> memref<10112x128xf32, #tpu.memory_space<vmem_shared>>
      tpu.enqueue_indirect_dma source(%arg11 : memref<128x128xf32, #tpu.memory_space<vmem>>) target(%dma_start3A_249 : memref<10112x128xf32, #tpu.memory_space<vmem_shared>>) offsets(%dma_start3A_246 : memref<128xi32, #tpu.memory_space<vmem>>) semaphore(%arg15 : memref<!tpu.dma_semaphore, #tpu.memory_space<semaphore_mem>>) {add = true}
      %dma_wait3A_250 = arith.constant 0 : i32
      %dma_wait3A_251 = arith.constant 0 : i32
      %dma_wait3A_252 = arith.constant 0 : i32
      %dma_wait3A_253 = tpu.memref_slice %arg9[%dma_wait3A_250, %dma_wait3A_251, %dma_wait3A_252] : memref<2x8x128xi32, #tpu.memory_space<vmem>> -> memref<1x1x128xi32, #tpu.memory_space<vmem>>
      %dma_wait3A_254 = tpu.memref_squeeze %dma_wait3A_253 : memref<1x1x128xi32, #tpu.memory_space<vmem>> -> memref<128xi32, #tpu.memory_space<vmem>>
      %dma_wait3A_255 = arith.constant 0 : i32
      %dma_wait3A_256 = arith.constant 0 : i32
      %dma_wait3A_257 = tpu.memref_slice %arg17[%dma_wait3A_255, %dma_wait3A_256] : memref<10112x16xf32, #tpu.memory_space<vmem_shared>> -> memref<10112x16xf32, #tpu.memory_space<vmem_shared>>
      tpu.wait_indirect_dma semaphore(%arg19 : memref<!tpu.dma_semaphore, #tpu.memory_space<semaphore_mem>>) src(%arg18 : memref<128x16xf32, #tpu.memory_space<vmem>>) dst(%dma_wait3A_257 : memref<10112x16xf32, #tpu.memory_space<vmem_shared>>)
      %dma_start3A_258 = arith.constant 3 : i32
      %dma_start3A_259 = arith.constant 0 : i32
      %dma_start3A_260 = tpu.memref_slice %arg9[%rem3A_90, %dma_start3A_258, %dma_start3A_259] : memref<2x8x128xi32, #tpu.memory_space<vmem>> -> memref<1x1x128xi32, #tpu.memory_space<vmem>>
      %dma_start3A_261 = tpu.memref_squeeze %dma_start3A_260 : memref<1x1x128xi32, #tpu.memory_space<vmem>> -> memref<128xi32, #tpu.memory_space<vmem>>
      %dma_start3A_262 = arith.constant 0 : i32
      %dma_start3A_263 = arith.constant 0 : i32
      %dma_start3A_264 = tpu.memref_slice %arg17[%dma_start3A_262, %dma_start3A_263] : memref<10112x16xf32, #tpu.memory_space<vmem_shared>> -> memref<10112x16xf32, #tpu.memory_space<vmem_shared>>
      tpu.enqueue_indirect_dma source(%arg18 : memref<128x16xf32, #tpu.memory_space<vmem>>) target(%dma_start3A_264 : memref<10112x16xf32, #tpu.memory_space<vmem_shared>>) offsets(%dma_start3A_261 : memref<128xi32, #tpu.memory_space<vmem>>) semaphore(%arg19 : memref<!tpu.dma_semaphore, #tpu.memory_space<semaphore_mem>>) {add = true}
      %dma_wait3A_265 = arith.constant 4 : i32
      %dma_wait3A_266 = arith.constant 0 : i32
      %dma_wait3A_267 = tpu.memref_slice %arg8[%rem3A_90, %dma_wait3A_265, %dma_wait3A_266] : memref<2x8x128xi32, #tpu.memory_space<vmem>> -> memref<1x1x128xi32, #tpu.memory_space<vmem>>
      %dma_wait3A_268 = tpu.memref_squeeze %dma_wait3A_267 : memref<1x1x128xi32, #tpu.memory_space<vmem>> -> memref<128xi32, #tpu.memory_space<vmem>>
      %dma_wait3A_269 = arith.constant 0 : i32
      %dma_wait3A_270 = arith.constant 0 : i32
      %dma_wait3A_271 = tpu.memref_slice %arg2[%dma_wait3A_269, %dma_wait3A_270] : memref<10000x128xf32, #tpu.memory_space<hbm>> -> memref<10000x128xf32, #tpu.memory_space<hbm>>
      tpu.wait_indirect_dma semaphore(%arg12 : memref<!tpu.dma_semaphore, #tpu.memory_space<semaphore_mem>>) src(%dma_wait3A_271 : memref<10000x128xf32, #tpu.memory_space<hbm>>) dst(%arg10 : memref<128x128xf32, #tpu.memory_space<vmem>>)
      %dma_wait3A_272 = arith.constant 0 : i32
      %dma_wait3A_273 = arith.constant 0 : i32
      %dma_wait3A_274 = arith.constant 0 : i32
      %dma_wait3A_275 = tpu.memref_slice %arg9[%dma_wait3A_272, %dma_wait3A_273, %dma_wait3A_274] : memref<2x8x128xi32, #tpu.memory_space<vmem>> -> memref<1x1x128xi32, #tpu.memory_space<vmem>>
      %dma_wait3A_276 = tpu.memref_squeeze %dma_wait3A_275 : memref<1x1x128xi32, #tpu.memory_space<vmem>> -> memref<128xi32, #tpu.memory_space<vmem>>
      %dma_wait3A_277 = arith.constant 0 : i32
      %dma_wait3A_278 = arith.constant 0 : i32
      %dma_wait3A_279 = tpu.memref_slice %arg7[%dma_wait3A_277, %dma_wait3A_278] : memref<10112x128xf32, #tpu.memory_space<vmem_shared>> -> memref<10112x128xf32, #tpu.memory_space<vmem_shared>>
      tpu.wait_indirect_dma semaphore(%arg15 : memref<!tpu.dma_semaphore, #tpu.memory_space<semaphore_mem>>) src(%arg11 : memref<128x128xf32, #tpu.memory_space<vmem>>) dst(%dma_wait3A_279 : memref<10112x128xf32, #tpu.memory_space<vmem_shared>>)
      %dma_start3A_280 = arith.constant 5 : i32
      %dma_start3A_281 = arith.constant 0 : i32
      %dma_start3A_282 = tpu.memref_slice %arg8[%rem3A_90, %dma_start3A_280, %dma_start3A_281] : memref<2x8x128xi32, #tpu.memory_space<vmem>> -> memref<1x1x128xi32, #tpu.memory_space<vmem>>
      %dma_start3A_283 = tpu.memref_squeeze %dma_start3A_282 : memref<1x1x128xi32, #tpu.memory_space<vmem>> -> memref<128xi32, #tpu.memory_space<vmem>>
      %dma_start3A_284 = arith.constant 0 : i32
      %dma_start3A_285 = arith.constant 0 : i32
      %dma_start3A_286 = tpu.memref_slice %arg2[%dma_start3A_284, %dma_start3A_285] : memref<10000x128xf32, #tpu.memory_space<hbm>> -> memref<10000x128xf32, #tpu.memory_space<hbm>>
      tpu.enqueue_indirect_dma source(%dma_start3A_286 : memref<10000x128xf32, #tpu.memory_space<hbm>>) target(%arg11 : memref<128x128xf32, #tpu.memory_space<vmem>>) offsets(%dma_start3A_283 : memref<128xi32, #tpu.memory_space<vmem>>) semaphore(%arg13 : memref<!tpu.dma_semaphore, #tpu.memory_space<semaphore_mem>>)
      %dma_start3A_287 = arith.constant 4 : i32
      %dma_start3A_288 = arith.constant 0 : i32
      %dma_start3A_289 = tpu.memref_slice %arg9[%rem3A_90, %dma_start3A_287, %dma_start3A_288] : memref<2x8x128xi32, #tpu.memory_space<vmem>> -> memref<1x1x128xi32, #tpu.memory_space<vmem>>
      %dma_start3A_290 = tpu.memref_squeeze %dma_start3A_289 : memref<1x1x128xi32, #tpu.memory_space<vmem>> -> memref<128xi32, #tpu.memory_space<vmem>>
      %dma_start3A_291 = arith.constant 0 : i32
      %dma_start3A_292 = arith.constant 0 : i32
      %dma_start3A_293 = tpu.memref_slice %arg7[%dma_start3A_291, %dma_start3A_292] : memref<10112x128xf32, #tpu.memory_space<vmem_shared>> -> memref<10112x128xf32, #tpu.memory_space<vmem_shared>>
      tpu.enqueue_indirect_dma source(%arg10 : memref<128x128xf32, #tpu.memory_space<vmem>>) target(%dma_start3A_293 : memref<10112x128xf32, #tpu.memory_space<vmem_shared>>) offsets(%dma_start3A_290 : memref<128xi32, #tpu.memory_space<vmem>>) semaphore(%arg14 : memref<!tpu.dma_semaphore, #tpu.memory_space<semaphore_mem>>) {add = true}
      %dma_wait3A_294 = arith.constant 0 : i32
      %dma_wait3A_295 = arith.constant 0 : i32
      %dma_wait3A_296 = arith.constant 0 : i32
      %dma_wait3A_297 = tpu.memref_slice %arg9[%dma_wait3A_294, %dma_wait3A_295, %dma_wait3A_296] : memref<2x8x128xi32, #tpu.memory_space<vmem>> -> memref<1x1x128xi32, #tpu.memory_space<vmem>>
      %dma_wait3A_298 = tpu.memref_squeeze %dma_wait3A_297 : memref<1x1x128xi32, #tpu.memory_space<vmem>> -> memref<128xi32, #tpu.memory_space<vmem>>
      %dma_wait3A_299 = arith.constant 0 : i32
      %dma_wait3A_300 = arith.constant 0 : i32
      %dma_wait3A_301 = tpu.memref_slice %arg17[%dma_wait3A_299, %dma_wait3A_300] : memref<10112x16xf32, #tpu.memory_space<vmem_shared>> -> memref<10112x16xf32, #tpu.memory_space<vmem_shared>>
      tpu.wait_indirect_dma semaphore(%arg19 : memref<!tpu.dma_semaphore, #tpu.memory_space<semaphore_mem>>) src(%arg18 : memref<128x16xf32, #tpu.memory_space<vmem>>) dst(%dma_wait3A_301 : memref<10112x16xf32, #tpu.memory_space<vmem_shared>>)
      %dma_start3A_302 = arith.constant 4 : i32
      %dma_start3A_303 = arith.constant 0 : i32
      %dma_start3A_304 = tpu.memref_slice %arg9[%rem3A_90, %dma_start3A_302, %dma_start3A_303] : memref<2x8x128xi32, #tpu.memory_space<vmem>> -> memref<1x1x128xi32, #tpu.memory_space<vmem>>
      %dma_start3A_305 = tpu.memref_squeeze %dma_start3A_304 : memref<1x1x128xi32, #tpu.memory_space<vmem>> -> memref<128xi32, #tpu.memory_space<vmem>>
      %dma_start3A_306 = arith.constant 0 : i32
      %dma_start3A_307 = arith.constant 0 : i32
      %dma_start3A_308 = tpu.memref_slice %arg17[%dma_start3A_306, %dma_start3A_307] : memref<10112x16xf32, #tpu.memory_space<vmem_shared>> -> memref<10112x16xf32, #tpu.memory_space<vmem_shared>>
      tpu.enqueue_indirect_dma source(%arg18 : memref<128x16xf32, #tpu.memory_space<vmem>>) target(%dma_start3A_308 : memref<10112x16xf32, #tpu.memory_space<vmem_shared>>) offsets(%dma_start3A_305 : memref<128xi32, #tpu.memory_space<vmem>>) semaphore(%arg19 : memref<!tpu.dma_semaphore, #tpu.memory_space<semaphore_mem>>) {add = true}
      %dma_wait3A_309 = arith.constant 5 : i32
      %dma_wait3A_310 = arith.constant 0 : i32
      %dma_wait3A_311 = tpu.memref_slice %arg8[%rem3A_90, %dma_wait3A_309, %dma_wait3A_310] : memref<2x8x128xi32, #tpu.memory_space<vmem>> -> memref<1x1x128xi32, #tpu.memory_space<vmem>>
      %dma_wait3A_312 = tpu.memref_squeeze %dma_wait3A_311 : memref<1x1x128xi32, #tpu.memory_space<vmem>> -> memref<128xi32, #tpu.memory_space<vmem>>
      %dma_wait3A_313 = arith.constant 0 : i32
      %dma_wait3A_314 = arith.constant 0 : i32
      %dma_wait3A_315 = tpu.memref_slice %arg2[%dma_wait3A_313, %dma_wait3A_314] : memref<10000x128xf32, #tpu.memory_space<hbm>> -> memref<10000x128xf32, #tpu.memory_space<hbm>>
      tpu.wait_indirect_dma semaphore(%arg13 : memref<!tpu.dma_semaphore, #tpu.memory_space<semaphore_mem>>) src(%dma_wait3A_315 : memref<10000x128xf32, #tpu.memory_space<hbm>>) dst(%arg11 : memref<128x128xf32, #tpu.memory_space<vmem>>)
      %dma_wait3A_316 = arith.constant 0 : i32
      %dma_wait3A_317 = arith.constant 0 : i32
      %dma_wait3A_318 = arith.constant 0 : i32
      %dma_wait3A_319 = tpu.memref_slice %arg9[%dma_wait3A_316, %dma_wait3A_317, %dma_wait3A_318] : memref<2x8x128xi32, #tpu.memory_space<vmem>> -> memref<1x1x128xi32, #tpu.memory_space<vmem>>
      %dma_wait3A_320 = tpu.memref_squeeze %dma_wait3A_319 : memref<1x1x128xi32, #tpu.memory_space<vmem>> -> memref<128xi32, #tpu.memory_space<vmem>>
      %dma_wait3A_321 = arith.constant 0 : i32
      %dma_wait3A_322 = arith.constant 0 : i32
      %dma_wait3A_323 = tpu.memref_slice %arg7[%dma_wait3A_321, %dma_wait3A_322] : memref<10112x128xf32, #tpu.memory_space<vmem_shared>> -> memref<10112x128xf32, #tpu.memory_space<vmem_shared>>
      tpu.wait_indirect_dma semaphore(%arg14 : memref<!tpu.dma_semaphore, #tpu.memory_space<semaphore_mem>>) src(%arg10 : memref<128x128xf32, #tpu.memory_space<vmem>>) dst(%dma_wait3A_323 : memref<10112x128xf32, #tpu.memory_space<vmem_shared>>)
      %dma_start3A_324 = arith.constant 6 : i32
      %dma_start3A_325 = arith.constant 0 : i32
      %dma_start3A_326 = tpu.memref_slice %arg8[%rem3A_90, %dma_start3A_324, %dma_start3A_325] : memref<2x8x128xi32, #tpu.memory_space<vmem>> -> memref<1x1x128xi32, #tpu.memory_space<vmem>>
      %dma_start3A_327 = tpu.memref_squeeze %dma_start3A_326 : memref<1x1x128xi32, #tpu.memory_space<vmem>> -> memref<128xi32, #tpu.memory_space<vmem>>
      %dma_start3A_328 = arith.constant 0 : i32
      %dma_start3A_329 = arith.constant 0 : i32
      %dma_start3A_330 = tpu.memref_slice %arg2[%dma_start3A_328, %dma_start3A_329] : memref<10000x128xf32, #tpu.memory_space<hbm>> -> memref<10000x128xf32, #tpu.memory_space<hbm>>
      tpu.enqueue_indirect_dma source(%dma_start3A_330 : memref<10000x128xf32, #tpu.memory_space<hbm>>) target(%arg10 : memref<128x128xf32, #tpu.memory_space<vmem>>) offsets(%dma_start3A_327 : memref<128xi32, #tpu.memory_space<vmem>>) semaphore(%arg12 : memref<!tpu.dma_semaphore, #tpu.memory_space<semaphore_mem>>)
      %dma_start3A_331 = arith.constant 5 : i32
      %dma_start3A_332 = arith.constant 0 : i32
      %dma_start3A_333 = tpu.memref_slice %arg9[%rem3A_90, %dma_start3A_331, %dma_start3A_332] : memref<2x8x128xi32, #tpu.memory_space<vmem>> -> memref<1x1x128xi32, #tpu.memory_space<vmem>>
      %dma_start3A_334 = tpu.memref_squeeze %dma_start3A_333 : memref<1x1x128xi32, #tpu.memory_space<vmem>> -> memref<128xi32, #tpu.memory_space<vmem>>
      %dma_start3A_335 = arith.constant 0 : i32
      %dma_start3A_336 = arith.constant 0 : i32
      %dma_start3A_337 = tpu.memref_slice %arg7[%dma_start3A_335, %dma_start3A_336] : memref<10112x128xf32, #tpu.memory_space<vmem_shared>> -> memref<10112x128xf32, #tpu.memory_space<vmem_shared>>
      tpu.enqueue_indirect_dma source(%arg11 : memref<128x128xf32, #tpu.memory_space<vmem>>) target(%dma_start3A_337 : memref<10112x128xf32, #tpu.memory_space<vmem_shared>>) offsets(%dma_start3A_334 : memref<128xi32, #tpu.memory_space<vmem>>) semaphore(%arg15 : memref<!tpu.dma_semaphore, #tpu.memory_space<semaphore_mem>>) {add = true}
      %dma_wait3A_338 = arith.constant 0 : i32
      %dma_wait3A_339 = arith.constant 0 : i32
      %dma_wait3A_340 = arith.constant 0 : i32
      %dma_wait3A_341 = tpu.memref_slice %arg9[%dma_wait3A_338, %dma_wait3A_339, %dma_wait3A_340] : memref<2x8x128xi32, #tpu.memory_space<vmem>> -> memref<1x1x128xi32, #tpu.memory_space<vmem>>
      %dma_wait3A_342 = tpu.memref_squeeze %dma_wait3A_341 : memref<1x1x128xi32, #tpu.memory_space<vmem>> -> memref<128xi32, #tpu.memory_space<vmem>>
      %dma_wait3A_343 = arith.constant 0 : i32
      %dma_wait3A_344 = arith.constant 0 : i32
      %dma_wait3A_345 = tpu.memref_slice %arg17[%dma_wait3A_343, %dma_wait3A_344] : memref<10112x16xf32, #tpu.memory_space<vmem_shared>> -> memref<10112x16xf32, #tpu.memory_space<vmem_shared>>
      tpu.wait_indirect_dma semaphore(%arg19 : memref<!tpu.dma_semaphore, #tpu.memory_space<semaphore_mem>>) src(%arg18 : memref<128x16xf32, #tpu.memory_space<vmem>>) dst(%dma_wait3A_345 : memref<10112x16xf32, #tpu.memory_space<vmem_shared>>)
      %dma_start3A_346 = arith.constant 5 : i32
      %dma_start3A_347 = arith.constant 0 : i32
      %dma_start3A_348 = tpu.memref_slice %arg9[%rem3A_90, %dma_start3A_346, %dma_start3A_347] : memref<2x8x128xi32, #tpu.memory_space<vmem>> -> memref<1x1x128xi32, #tpu.memory_space<vmem>>
      %dma_start3A_349 = tpu.memref_squeeze %dma_start3A_348 : memref<1x1x128xi32, #tpu.memory_space<vmem>> -> memref<128xi32, #tpu.memory_space<vmem>>
      %dma_start3A_350 = arith.constant 0 : i32
      %dma_start3A_351 = arith.constant 0 : i32
      %dma_start3A_352 = tpu.memref_slice %arg17[%dma_start3A_350, %dma_start3A_351] : memref<10112x16xf32, #tpu.memory_space<vmem_shared>> -> memref<10112x16xf32, #tpu.memory_space<vmem_shared>>
      tpu.enqueue_indirect_dma source(%arg18 : memref<128x16xf32, #tpu.memory_space<vmem>>) target(%dma_start3A_352 : memref<10112x16xf32, #tpu.memory_space<vmem_shared>>) offsets(%dma_start3A_349 : memref<128xi32, #tpu.memory_space<vmem>>) semaphore(%arg19 : memref<!tpu.dma_semaphore, #tpu.memory_space<semaphore_mem>>) {add = true}
      %dma_wait3A_353 = arith.constant 6 : i32
      %dma_wait3A_354 = arith.constant 0 : i32
      %dma_wait3A_355 = tpu.memref_slice %arg8[%rem3A_90, %dma_wait3A_353, %dma_wait3A_354] : memref<2x8x128xi32, #tpu.memory_space<vmem>> -> memref<1x1x128xi32, #tpu.memory_space<vmem>>
      %dma_wait3A_356 = tpu.memref_squeeze %dma_wait3A_355 : memref<1x1x128xi32, #tpu.memory_space<vmem>> -> memref<128xi32, #tpu.memory_space<vmem>>
      %dma_wait3A_357 = arith.constant 0 : i32
      %dma_wait3A_358 = arith.constant 0 : i32
      %dma_wait3A_359 = tpu.memref_slice %arg2[%dma_wait3A_357, %dma_wait3A_358] : memref<10000x128xf32, #tpu.memory_space<hbm>> -> memref<10000x128xf32, #tpu.memory_space<hbm>>
      tpu.wait_indirect_dma semaphore(%arg12 : memref<!tpu.dma_semaphore, #tpu.memory_space<semaphore_mem>>) src(%dma_wait3A_359 : memref<10000x128xf32, #tpu.memory_space<hbm>>) dst(%arg10 : memref<128x128xf32, #tpu.memory_space<vmem>>)
      %dma_wait3A_360 = arith.constant 0 : i32
      %dma_wait3A_361 = arith.constant 0 : i32
      %dma_wait3A_362 = arith.constant 0 : i32
      %dma_wait3A_363 = tpu.memref_slice %arg9[%dma_wait3A_360, %dma_wait3A_361, %dma_wait3A_362] : memref<2x8x128xi32, #tpu.memory_space<vmem>> -> memref<1x1x128xi32, #tpu.memory_space<vmem>>
      %dma_wait3A_364 = tpu.memref_squeeze %dma_wait3A_363 : memref<1x1x128xi32, #tpu.memory_space<vmem>> -> memref<128xi32, #tpu.memory_space<vmem>>
      %dma_wait3A_365 = arith.constant 0 : i32
      %dma_wait3A_366 = arith.constant 0 : i32
      %dma_wait3A_367 = tpu.memref_slice %arg7[%dma_wait3A_365, %dma_wait3A_366] : memref<10112x128xf32, #tpu.memory_space<vmem_shared>> -> memref<10112x128xf32, #tpu.memory_space<vmem_shared>>
      tpu.wait_indirect_dma semaphore(%arg15 : memref<!tpu.dma_semaphore, #tpu.memory_space<semaphore_mem>>) src(%arg11 : memref<128x128xf32, #tpu.memory_space<vmem>>) dst(%dma_wait3A_367 : memref<10112x128xf32, #tpu.memory_space<vmem_shared>>)
      %dma_start3A_368 = arith.constant 7 : i32
      %dma_start3A_369 = arith.constant 0 : i32
      %dma_start3A_370 = tpu.memref_slice %arg8[%rem3A_90, %dma_start3A_368, %dma_start3A_369] : memref<2x8x128xi32, #tpu.memory_space<vmem>> -> memref<1x1x128xi32, #tpu.memory_space<vmem>>
      %dma_start3A_371 = tpu.memref_squeeze %dma_start3A_370 : memref<1x1x128xi32, #tpu.memory_space<vmem>> -> memref<128xi32, #tpu.memory_space<vmem>>
      %dma_start3A_372 = arith.constant 0 : i32
      %dma_start3A_373 = arith.constant 0 : i32
      %dma_start3A_374 = tpu.memref_slice %arg2[%dma_start3A_372, %dma_start3A_373] : memref<10000x128xf32, #tpu.memory_space<hbm>> -> memref<10000x128xf32, #tpu.memory_space<hbm>>
      tpu.enqueue_indirect_dma source(%dma_start3A_374 : memref<10000x128xf32, #tpu.memory_space<hbm>>) target(%arg11 : memref<128x128xf32, #tpu.memory_space<vmem>>) offsets(%dma_start3A_371 : memref<128xi32, #tpu.memory_space<vmem>>) semaphore(%arg13 : memref<!tpu.dma_semaphore, #tpu.memory_space<semaphore_mem>>)
      %dma_start3A_375 = arith.constant 6 : i32
      %dma_start3A_376 = arith.constant 0 : i32
      %dma_start3A_377 = tpu.memref_slice %arg9[%rem3A_90, %dma_start3A_375, %dma_start3A_376] : memref<2x8x128xi32, #tpu.memory_space<vmem>> -> memref<1x1x128xi32, #tpu.memory_space<vmem>>
      %dma_start3A_378 = tpu.memref_squeeze %dma_start3A_377 : memref<1x1x128xi32, #tpu.memory_space<vmem>> -> memref<128xi32, #tpu.memory_space<vmem>>
      %dma_start3A_379 = arith.constant 0 : i32
      %dma_start3A_380 = arith.constant 0 : i32
      %dma_start3A_381 = tpu.memref_slice %arg7[%dma_start3A_379, %dma_start3A_380] : memref<10112x128xf32, #tpu.memory_space<vmem_shared>> -> memref<10112x128xf32, #tpu.memory_space<vmem_shared>>
      tpu.enqueue_indirect_dma source(%arg10 : memref<128x128xf32, #tpu.memory_space<vmem>>) target(%dma_start3A_381 : memref<10112x128xf32, #tpu.memory_space<vmem_shared>>) offsets(%dma_start3A_378 : memref<128xi32, #tpu.memory_space<vmem>>) semaphore(%arg14 : memref<!tpu.dma_semaphore, #tpu.memory_space<semaphore_mem>>) {add = true}
      %dma_wait3A_382 = arith.constant 0 : i32
      %dma_wait3A_383 = arith.constant 0 : i32
      %dma_wait3A_384 = arith.constant 0 : i32
      %dma_wait3A_385 = tpu.memref_slice %arg9[%dma_wait3A_382, %dma_wait3A_383, %dma_wait3A_384] : memref<2x8x128xi32, #tpu.memory_space<vmem>> -> memref<1x1x128xi32, #tpu.memory_space<vmem>>
      %dma_wait3A_386 = tpu.memref_squeeze %dma_wait3A_385 : memref<1x1x128xi32, #tpu.memory_space<vmem>> -> memref<128xi32, #tpu.memory_space<vmem>>
      %dma_wait3A_387 = arith.constant 0 : i32
      %dma_wait3A_388 = arith.constant 0 : i32
      %dma_wait3A_389 = tpu.memref_slice %arg17[%dma_wait3A_387, %dma_wait3A_388] : memref<10112x16xf32, #tpu.memory_space<vmem_shared>> -> memref<10112x16xf32, #tpu.memory_space<vmem_shared>>
      tpu.wait_indirect_dma semaphore(%arg19 : memref<!tpu.dma_semaphore, #tpu.memory_space<semaphore_mem>>) src(%arg18 : memref<128x16xf32, #tpu.memory_space<vmem>>) dst(%dma_wait3A_389 : memref<10112x16xf32, #tpu.memory_space<vmem_shared>>)
      %dma_start3A_390 = arith.constant 6 : i32
      %dma_start3A_391 = arith.constant 0 : i32
      %dma_start3A_392 = tpu.memref_slice %arg9[%rem3A_90, %dma_start3A_390, %dma_start3A_391] : memref<2x8x128xi32, #tpu.memory_space<vmem>> -> memref<1x1x128xi32, #tpu.memory_space<vmem>>
      %dma_start3A_393 = tpu.memref_squeeze %dma_start3A_392 : memref<1x1x128xi32, #tpu.memory_space<vmem>> -> memref<128xi32, #tpu.memory_space<vmem>>
      %dma_start3A_394 = arith.constant 0 : i32
      %dma_start3A_395 = arith.constant 0 : i32
      %dma_start3A_396 = tpu.memref_slice %arg17[%dma_start3A_394, %dma_start3A_395] : memref<10112x16xf32, #tpu.memory_space<vmem_shared>> -> memref<10112x16xf32, #tpu.memory_space<vmem_shared>>
      tpu.enqueue_indirect_dma source(%arg18 : memref<128x16xf32, #tpu.memory_space<vmem>>) target(%dma_start3A_396 : memref<10112x16xf32, #tpu.memory_space<vmem_shared>>) offsets(%dma_start3A_393 : memref<128xi32, #tpu.memory_space<vmem>>) semaphore(%arg19 : memref<!tpu.dma_semaphore, #tpu.memory_space<semaphore_mem>>) {add = true}
      %dma_wait3A_397 = arith.constant 7 : i32
      %dma_wait3A_398 = arith.constant 0 : i32
      %dma_wait3A_399 = tpu.memref_slice %arg8[%rem3A_90, %dma_wait3A_397, %dma_wait3A_398] : memref<2x8x128xi32, #tpu.memory_space<vmem>> -> memref<1x1x128xi32, #tpu.memory_space<vmem>>
      %dma_wait3A_400 = tpu.memref_squeeze %dma_wait3A_399 : memref<1x1x128xi32, #tpu.memory_space<vmem>> -> memref<128xi32, #tpu.memory_space<vmem>>
      %dma_wait3A_401 = arith.constant 0 : i32
      %dma_wait3A_402 = arith.constant 0 : i32
      %dma_wait3A_403 = tpu.memref_slice %arg2[%dma_wait3A_401, %dma_wait3A_402] : memref<10000x128xf32, #tpu.memory_space<hbm>> -> memref<10000x128xf32, #tpu.memory_space<hbm>>
      tpu.wait_indirect_dma semaphore(%arg13 : memref<!tpu.dma_semaphore, #tpu.memory_space<semaphore_mem>>) src(%dma_wait3A_403 : memref<10000x128xf32, #tpu.memory_space<hbm>>) dst(%arg11 : memref<128x128xf32, #tpu.memory_space<vmem>>)
      %dma_wait3A_404 = arith.constant 0 : i32
      %dma_wait3A_405 = arith.constant 0 : i32
      %dma_wait3A_406 = arith.constant 0 : i32
      %dma_wait3A_407 = tpu.memref_slice %arg9[%dma_wait3A_404, %dma_wait3A_405, %dma_wait3A_406] : memref<2x8x128xi32, #tpu.memory_space<vmem>> -> memref<1x1x128xi32, #tpu.memory_space<vmem>>
      %dma_wait3A_408 = tpu.memref_squeeze %dma_wait3A_407 : memref<1x1x128xi32, #tpu.memory_space<vmem>> -> memref<128xi32, #tpu.memory_space<vmem>>
      %dma_wait3A_409 = arith.constant 0 : i32
      %dma_wait3A_410 = arith.constant 0 : i32
      %dma_wait3A_411 = tpu.memref_slice %arg7[%dma_wait3A_409, %dma_wait3A_410] : memref<10112x128xf32, #tpu.memory_space<vmem_shared>> -> memref<10112x128xf32, #tpu.memory_space<vmem_shared>>
      tpu.wait_indirect_dma semaphore(%arg14 : memref<!tpu.dma_semaphore, #tpu.memory_space<semaphore_mem>>) src(%arg10 : memref<128x128xf32, #tpu.memory_space<vmem>>) dst(%dma_wait3A_411 : memref<10112x128xf32, #tpu.memory_space<vmem_shared>>)
      %add3A_412 = arith.constant 1 : i32
      %add3A_413 = arith.addi %while3A_89, %add3A_412 : i32
      %lt3A_414 = arith.cmpi slt, %add3A_413, %select_n3A_4 : i32
      %convert_element_type3A_415 = arith.extui %lt3A_414 : i1 to i32
      %cond3A_416 = arith.constant 0 : i32
      %cond3A_417 = arith.cmpi ne, %convert_element_type3A_415, %cond3A_416 : i32
      scf.if %cond3A_417 {
        %dma_wait3A_440 = arith.constant 0 : i32
        %dma_wait3A_441 = arith.constant 0 : i32
        %dma_wait3A_442 = tpu.memref_slice %arg8[%sub3A_92, %dma_wait3A_440, %dma_wait3A_441] : memref<2x8x128xi32, #tpu.memory_space<vmem>> -> memref<1x8x128xi32, #tpu.memory_space<vmem>>
        %dma_wait3A_443 = tpu.memref_squeeze %dma_wait3A_442 : memref<1x8x128xi32, #tpu.memory_space<vmem>> -> memref<8x128xi32, #tpu.memory_space<vmem>>
        %dma_wait3A_444 = arith.constant 0 : i32
        %dma_wait3A_445 = tpu.memref_slice %arg3[%add3A, %dma_wait3A_444] : memref<2560x128xi32, #tpu.memory_space<hbm>> -> memref<8x128xi32, #tpu.memory_space<hbm>>
        %dma_wait3A_446 = arith.constant 0 : i32
        %dma_wait3A_447 = arith.constant 0 : i32
        %dma_wait3A_448 = tpu.memref_slice %arg8[%sub3A_92, %dma_wait3A_446, %dma_wait3A_447] : memref<2x8x128xi32, #tpu.memory_space<vmem>> -> memref<1x8x128xi32, #tpu.memory_space<vmem>>
        %dma_wait3A_449 = tpu.memref_squeeze %dma_wait3A_448 : memref<1x8x128xi32, #tpu.memory_space<vmem>> -> memref<8x128xi32, #tpu.memory_space<vmem>>
        %dma_wait3A_450 = arith.constant 0 : i32
        %dma_wait3A_451 = tpu.memref_slice %arg3[%add3A, %dma_wait3A_450] : memref<2560x128xi32, #tpu.memory_space<hbm>> -> memref<8x128xi32, #tpu.memory_space<hbm>>
        tpu.wait_dma2 semaphore(%arg16 : memref<!tpu.dma_semaphore, #tpu.memory_space<semaphore_mem>>) src(%dma_wait3A_451 : memref<8x128xi32, #tpu.memory_space<hbm>>) dst(%dma_wait3A_449 : memref<8x128xi32, #tpu.memory_space<vmem>>)
        %dma_wait3A_452 = arith.constant 0 : i32
        %dma_wait3A_453 = arith.constant 0 : i32
        %dma_wait3A_454 = tpu.memref_slice %arg9[%sub3A_92, %dma_wait3A_452, %dma_wait3A_453] : memref<2x8x128xi32, #tpu.memory_space<vmem>> -> memref<1x8x128xi32, #tpu.memory_space<vmem>>
        %dma_wait3A_455 = tpu.memref_squeeze %dma_wait3A_454 : memref<1x8x128xi32, #tpu.memory_space<vmem>> -> memref<8x128xi32, #tpu.memory_space<vmem>>
        %dma_wait3A_456 = arith.constant 0 : i32
        %dma_wait3A_457 = tpu.memref_slice %arg4[%add3A, %dma_wait3A_456] : memref<2560x128xi32, #tpu.memory_space<hbm>> -> memref<8x128xi32, #tpu.memory_space<hbm>>
        %dma_wait3A_458 = arith.constant 0 : i32
        %dma_wait3A_459 = arith.constant 0 : i32
        %dma_wait3A_460 = tpu.memref_slice %arg9[%sub3A_92, %dma_wait3A_458, %dma_wait3A_459] : memref<2x8x128xi32, #tpu.memory_space<vmem>> -> memref<1x8x128xi32, #tpu.memory_space<vmem>>
        %dma_wait3A_461 = tpu.memref_squeeze %dma_wait3A_460 : memref<1x8x128xi32, #tpu.memory_space<vmem>> -> memref<8x128xi32, #tpu.memory_space<vmem>>
        %dma_wait3A_462 = arith.constant 0 : i32
        %dma_wait3A_463 = tpu.memref_slice %arg4[%add3A, %dma_wait3A_462] : memref<2560x128xi32, #tpu.memory_space<hbm>> -> memref<8x128xi32, #tpu.memory_space<hbm>>
        tpu.wait_dma2 semaphore(%arg16 : memref<!tpu.dma_semaphore, #tpu.memory_space<semaphore_mem>>) src(%dma_wait3A_463 : memref<8x128xi32, #tpu.memory_space<hbm>>) dst(%dma_wait3A_461 : memref<8x128xi32, #tpu.memory_space<vmem>>)
        %dma_start3A_464 = arith.constant 0 : i32
        %dma_start3A_465 = arith.constant 0 : i32
        %dma_start3A_466 = tpu.memref_slice %arg8[%sub3A_92, %dma_start3A_464, %dma_start3A_465] : memref<2x8x128xi32, #tpu.memory_space<vmem>> -> memref<1x1x128xi32, #tpu.memory_space<vmem>>
        %dma_start3A_467 = tpu.memref_squeeze %dma_start3A_466 : memref<1x1x128xi32, #tpu.memory_space<vmem>> -> memref<128xi32, #tpu.memory_space<vmem>>
        %dma_start3A_468 = arith.constant 0 : i32
        %dma_start3A_469 = arith.constant 0 : i32
        %dma_start3A_470 = tpu.memref_slice %arg2[%dma_start3A_468, %dma_start3A_469] : memref<10000x128xf32, #tpu.memory_space<hbm>> -> memref<10000x128xf32, #tpu.memory_space<hbm>>
        tpu.enqueue_indirect_dma source(%dma_start3A_470 : memref<10000x128xf32, #tpu.memory_space<hbm>>) target(%arg10 : memref<128x128xf32, #tpu.memory_space<vmem>>) offsets(%dma_start3A_467 : memref<128xi32, #tpu.memory_space<vmem>>) semaphore(%arg12 : memref<!tpu.dma_semaphore, #tpu.memory_space<semaphore_mem>>)
      } else {
      }
      %dma_start3A_418 = arith.constant 7 : i32
      %dma_start3A_419 = arith.constant 0 : i32
      %dma_start3A_420 = tpu.memref_slice %arg9[%rem3A_90, %dma_start3A_418, %dma_start3A_419] : memref<2x8x128xi32, #tpu.memory_space<vmem>> -> memref<1x1x128xi32, #tpu.memory_space<vmem>>
      %dma_start3A_421 = tpu.memref_squeeze %dma_start3A_420 : memref<1x1x128xi32, #tpu.memory_space<vmem>> -> memref<128xi32, #tpu.memory_space<vmem>>
      %dma_start3A_422 = arith.constant 0 : i32
      %dma_start3A_423 = arith.constant 0 : i32
      %dma_start3A_424 = tpu.memref_slice %arg7[%dma_start3A_422, %dma_start3A_423] : memref<10112x128xf32, #tpu.memory_space<vmem_shared>> -> memref<10112x128xf32, #tpu.memory_space<vmem_shared>>
      tpu.enqueue_indirect_dma source(%arg11 : memref<128x128xf32, #tpu.memory_space<vmem>>) target(%dma_start3A_424 : memref<10112x128xf32, #tpu.memory_space<vmem_shared>>) offsets(%dma_start3A_421 : memref<128xi32, #tpu.memory_space<vmem>>) semaphore(%arg15 : memref<!tpu.dma_semaphore, #tpu.memory_space<semaphore_mem>>) {add = true}
      %dma_wait3A_425 = arith.constant 0 : i32
      %dma_wait3A_426 = arith.constant 0 : i32
      %dma_wait3A_427 = arith.constant 0 : i32
      %dma_wait3A_428 = tpu.memref_slice %arg9[%dma_wait3A_425, %dma_wait3A_426, %dma_wait3A_427] : memref<2x8x128xi32, #tpu.memory_space<vmem>> -> memref<1x1x128xi32, #tpu.memory_space<vmem>>
      %dma_wait3A_429 = tpu.memref_squeeze %dma_wait3A_428 : memref<1x1x128xi32, #tpu.memory_space<vmem>> -> memref<128xi32, #tpu.memory_space<vmem>>
      %dma_wait3A_430 = arith.constant 0 : i32
      %dma_wait3A_431 = arith.constant 0 : i32
      %dma_wait3A_432 = tpu.memref_slice %arg17[%dma_wait3A_430, %dma_wait3A_431] : memref<10112x16xf32, #tpu.memory_space<vmem_shared>> -> memref<10112x16xf32, #tpu.memory_space<vmem_shared>>
      tpu.wait_indirect_dma semaphore(%arg19 : memref<!tpu.dma_semaphore, #tpu.memory_space<semaphore_mem>>) src(%arg18 : memref<128x16xf32, #tpu.memory_space<vmem>>) dst(%dma_wait3A_432 : memref<10112x16xf32, #tpu.memory_space<vmem_shared>>)
      %dma_start3A_433 = arith.constant 7 : i32
      %dma_start3A_434 = arith.constant 0 : i32
      %dma_start3A_435 = tpu.memref_slice %arg9[%rem3A_90, %dma_start3A_433, %dma_start3A_434] : memref<2x8x128xi32, #tpu.memory_space<vmem>> -> memref<1x1x128xi32, #tpu.memory_space<vmem>>
      %dma_start3A_436 = tpu.memref_squeeze %dma_start3A_435 : memref<1x1x128xi32, #tpu.memory_space<vmem>> -> memref<128xi32, #tpu.memory_space<vmem>>
      %dma_start3A_437 = arith.constant 0 : i32
      %dma_start3A_438 = arith.constant 0 : i32
      %dma_start3A_439 = tpu.memref_slice %arg17[%dma_start3A_437, %dma_start3A_438] : memref<10112x16xf32, #tpu.memory_space<vmem_shared>> -> memref<10112x16xf32, #tpu.memory_space<vmem_shared>>
      tpu.enqueue_indirect_dma source(%arg18 : memref<128x16xf32, #tpu.memory_space<vmem>>) target(%dma_start3A_439 : memref<10112x16xf32, #tpu.memory_space<vmem_shared>>) offsets(%dma_start3A_436 : memref<128xi32, #tpu.memory_space<vmem>>) semaphore(%arg19 : memref<!tpu.dma_semaphore, #tpu.memory_space<semaphore_mem>>) {add = true}
    }
    %dma_wait3A = arith.constant 0 : i32
    %dma_wait3A_65 = arith.constant 0 : i32
    %dma_wait3A_66 = arith.constant 0 : i32
    %dma_wait3A_67 = tpu.memref_slice %arg9[%dma_wait3A, %dma_wait3A_65, %dma_wait3A_66] : memref<2x8x128xi32, #tpu.memory_space<vmem>> -> memref<1x1x128xi32, #tpu.memory_space<vmem>>
    %dma_wait3A_68 = tpu.memref_squeeze %dma_wait3A_67 : memref<1x1x128xi32, #tpu.memory_space<vmem>> -> memref<128xi32, #tpu.memory_space<vmem>>
    %dma_wait3A_69 = arith.constant 0 : i32
    %dma_wait3A_70 = arith.constant 0 : i32
    %dma_wait3A_71 = tpu.memref_slice %arg7[%dma_wait3A_69, %dma_wait3A_70] : memref<10112x128xf32, #tpu.memory_space<vmem_shared>> -> memref<10112x128xf32, #tpu.memory_space<vmem_shared>>
    tpu.wait_indirect_dma semaphore(%arg15 : memref<!tpu.dma_semaphore, #tpu.memory_space<semaphore_mem>>) src(%arg11 : memref<128x128xf32, #tpu.memory_space<vmem>>) dst(%dma_wait3A_71 : memref<10112x128xf32, #tpu.memory_space<vmem_shared>>)
    %dma_wait3A_72 = arith.constant 0 : i32
    %dma_wait3A_73 = arith.constant 0 : i32
    %dma_wait3A_74 = arith.constant 0 : i32
    %dma_wait3A_75 = tpu.memref_slice %arg9[%dma_wait3A_72, %dma_wait3A_73, %dma_wait3A_74] : memref<2x8x128xi32, #tpu.memory_space<vmem>> -> memref<1x1x128xi32, #tpu.memory_space<vmem>>
    %dma_wait3A_76 = tpu.memref_squeeze %dma_wait3A_75 : memref<1x1x128xi32, #tpu.memory_space<vmem>> -> memref<128xi32, #tpu.memory_space<vmem>>
    %dma_wait3A_77 = arith.constant 0 : i32
    %dma_wait3A_78 = arith.constant 0 : i32
    %dma_wait3A_79 = tpu.memref_slice %arg17[%dma_wait3A_77, %dma_wait3A_78] : memref<10112x16xf32, #tpu.memory_space<vmem_shared>> -> memref<10112x16xf32, #tpu.memory_space<vmem_shared>>
    tpu.wait_indirect_dma semaphore(%arg19 : memref<!tpu.dma_semaphore, #tpu.memory_space<semaphore_mem>>) src(%arg18 : memref<128x16xf32, #tpu.memory_space<vmem>>) dst(%dma_wait3A_79 : memref<10112x16xf32, #tpu.memory_space<vmem_shared>>)
    %barrier3A_80 = arith.constant 0 : index
    tpu.barrier barrier_id(%barrier3A_80)
    %mul3A_81 = arith.constant 632 : i32
    %mul3A_82 = arith.muli %arg1, %mul3A_81 : i32
    %mul3A_83 = arith.constant 632 : i32
    %mul3A_84 = arith.muli %arg1, %mul3A_83 : i32
    "tpu.region"() ({
      %run_scoped3A_89 = tpu.sem_alloc : memref<!tpu.dma_semaphore, #tpu.memory_space<semaphore_mem>>
      %dma_start3A_90 = arith.constant 0 : i32
      %dma_start3A_91 = tpu.memref_slice %arg5[%arg0, %mul3A_84, %dma_start3A_90] : memref<2x10112x128xf32, #tpu.memory_space<hbm>> -> memref<1x632x128xf32, #tpu.memory_space<hbm>>
      %dma_start3A_92 = tpu.memref_squeeze %dma_start3A_91 : memref<1x632x128xf32, #tpu.memory_space<hbm>> -> memref<632x128xf32, #tpu.memory_space<hbm>>
      %dma_start3A_93 = arith.constant 0 : i32
      %dma_start3A_94 = tpu.memref_slice %arg7[%mul3A_82, %dma_start3A_93] : memref<10112x128xf32, #tpu.memory_space<vmem_shared>> -> memref<632x128xf32, #tpu.memory_space<vmem_shared>>
      tpu.enqueue_dma source(%dma_start3A_94 : memref<632x128xf32, #tpu.memory_space<vmem_shared>>) target(%dma_start3A_92 : memref<632x128xf32, #tpu.memory_space<hbm>>) target_semaphore(%run_scoped3A_89 : memref<!tpu.dma_semaphore, #tpu.memory_space<semaphore_mem>>)
      %dma_wait3A_95 = arith.constant 0 : i32
      %dma_wait3A_96 = tpu.memref_slice %arg5[%arg0, %mul3A_84, %dma_wait3A_95] : memref<2x10112x128xf32, #tpu.memory_space<hbm>> -> memref<1x632x128xf32, #tpu.memory_space<hbm>>
      %dma_wait3A_97 = tpu.memref_squeeze %dma_wait3A_96 : memref<1x632x128xf32, #tpu.memory_space<hbm>> -> memref<632x128xf32, #tpu.memory_space<hbm>>
      %dma_wait3A_98 = arith.constant 0 : i32
      %dma_wait3A_99 = tpu.memref_slice %arg7[%mul3A_82, %dma_wait3A_98] : memref<10112x128xf32, #tpu.memory_space<vmem_shared>> -> memref<632x128xf32, #tpu.memory_space<vmem_shared>>
      tpu.wait_dma2 semaphore(%run_scoped3A_89 : memref<!tpu.dma_semaphore, #tpu.memory_space<semaphore_mem>>) src(%dma_wait3A_99 : memref<632x128xf32, #tpu.memory_space<vmem_shared>>) dst(%dma_wait3A_97 : memref<632x128xf32, #tpu.memory_space<hbm>>)
      tpu.yield
    }) : () -> ()
    %mul3A_85 = arith.constant 632 : i32
    %mul3A_86 = arith.muli %arg1, %mul3A_85 : i32
    %mul3A_87 = arith.constant 632 : i32
    %mul3A_88 = arith.muli %arg1, %mul3A_87 : i32
    "tpu.region"() ({
      %run_scoped3A_89 = tpu.sem_alloc : memref<!tpu.dma_semaphore, #tpu.memory_space<semaphore_mem>>
      %dma_start3A_90 = arith.constant 0 : i32
      %dma_start3A_91 = tpu.memref_slice %arg6[%arg0, %mul3A_88, %dma_start3A_90] : memref<2x10112x16xf32, #tpu.memory_space<hbm>> -> memref<1x632x16xf32, #tpu.memory_space<hbm>>
      %dma_start3A_92 = tpu.memref_squeeze %dma_start3A_91 : memref<1x632x16xf32, #tpu.memory_space<hbm>> -> memref<632x16xf32, #tpu.memory_space<hbm>>
      %dma_start3A_93 = arith.constant 0 : i32
      %dma_start3A_94 = tpu.memref_slice %arg17[%mul3A_86, %dma_start3A_93] : memref<10112x16xf32, #tpu.memory_space<vmem_shared>> -> memref<632x16xf32, #tpu.memory_space<vmem_shared>>
      tpu.enqueue_dma source(%dma_start3A_94 : memref<632x16xf32, #tpu.memory_space<vmem_shared>>) target(%dma_start3A_92 : memref<632x16xf32, #tpu.memory_space<hbm>>) target_semaphore(%run_scoped3A_89 : memref<!tpu.dma_semaphore, #tpu.memory_space<semaphore_mem>>)
      %dma_wait3A_95 = arith.constant 0 : i32
      %dma_wait3A_96 = tpu.memref_slice %arg6[%arg0, %mul3A_88, %dma_wait3A_95] : memref<2x10112x16xf32, #tpu.memory_space<hbm>> -> memref<1x632x16xf32, #tpu.memory_space<hbm>>
      %dma_wait3A_97 = tpu.memref_squeeze %dma_wait3A_96 : memref<1x632x16xf32, #tpu.memory_space<hbm>> -> memref<632x16xf32, #tpu.memory_space<hbm>>
      %dma_wait3A_98 = arith.constant 0 : i32
      %dma_wait3A_99 = tpu.memref_slice %arg17[%mul3A_86, %dma_wait3A_98] : memref<10112x16xf32, #tpu.memory_space<vmem_shared>> -> memref<632x16xf32, #tpu.memory_space<vmem_shared>>
      tpu.wait_dma2 semaphore(%run_scoped3A_89 : memref<!tpu.dma_semaphore, #tpu.memory_space<semaphore_mem>>) src(%dma_wait3A_99 : memref<632x16xf32, #tpu.memory_space<vmem_shared>>) dst(%dma_wait3A_97 : memref<632x16xf32, #tpu.memory_space<hbm>>)
      tpu.yield
    }) : () -> ()
    return
  }
}

module attributes {stable_mosaic.version = 14 : i64} {
  func.func @body(%arg0: i32, %arg1: memref<2x400x128xf32, #tpu.memory_space<vmem>>, %arg2: memref<2x400x16xf32, #tpu.memory_space<vmem>>, %arg3: memref<400x128xf32, #tpu.memory_space<vmem>>, %arg4: memref<128x128xf32, #tpu.memory_space<vmem>>, %arg5: memref<128x128xf32, #tpu.memory_space<vmem>>, %arg6: memref<1x128xf32, #tpu.memory_space<vmem>>, %arg7: memref<400x128xf32, #tpu.memory_space<vmem>>, %arg8: memref<400x128xf32, #tpu.memory_space<vmem>>) attributes {dimension_semantics = [#tpu.dimension_semantics<arbitrary>], iteration_bounds = array<i64: 25>, scalar_prefetch = 0 : i64, scratch_operands = 0 : i64, tpu.core_type = #tpu.core_type<tc>, window_params = [{transform_indices = @transform_0, window_bounds = array<i64: 2, 400, 128>}, {transform_indices = @transform_1, window_bounds = array<i64: 2, 400, 16>}, {transform_indices = @transform_2, window_bounds = array<i64: 400, 128>}, {pipeline_mode = #tpu.pipeline_mode<synchronous>, transform_indices = @transform_3, window_bounds = array<i64: 128, 128>}, {pipeline_mode = #tpu.pipeline_mode<synchronous>, transform_indices = @transform_4, window_bounds = array<i64: 128, 128>}, {pipeline_mode = #tpu.pipeline_mode<synchronous>, transform_indices = @transform_5, window_bounds = array<i64: 1, 128>}, {transform_indices = @transform_6, window_bounds = array<i64: 400, 128>}, {transform_indices = @transform_7, window_bounds = array<i64: 400, 128>}]} {
    %get3A = arith.constant 0 : index
    %get3A_0 = arith.constant 0 : index
    %get3A_1 = arith.constant 0 : index
    %get3A_2 = vector.load %arg2[%get3A, %get3A_0, %get3A_1] : memref<2x400x16xf32, #tpu.memory_space<vmem>>, vector<2x400x16xf32>
    %reduce_sum3A = arith.constant dense<0.000000e+00> : vector<400xf32>
    %reduce_sum3A_3 = vector.multi_reduction <add>, %get3A_2, %reduce_sum3A [0, 2] : vector<2x400x16xf32> to vector<400xf32>
    %mul3A = arith.constant 6.250000e-02 : f32
    %mul3A_4 = vector.broadcast %mul3A : f32 to vector<400xf32>
    %mul3A_5 = arith.mulf %reduce_sum3A_3, %mul3A_4 : vector<400xf32>
    %max3A = arith.constant 1.000000e+00 : f32
    %max3A_6 = vector.broadcast %max3A : f32 to vector<400xf32>
    %max3A_7 = arith.maximumf %mul3A_5, %max3A_6 : vector<400xf32>
    %div3A = arith.constant 1.000000e+00 : f32
    %div3A_8 = vector.broadcast %div3A : f32 to vector<400xf32>
    %div3A_9 = arith.divf %div3A_8, %max3A_7 : vector<400xf32>
    %broadcast_in_dim3A = vector.shape_cast %div3A_9 : vector<400xf32> to vector<400x1xf32>
    %broadcast_in_dim3A_10 = vector.shape_cast %broadcast_in_dim3A : vector<400x1xf32> to vector<400x1xf32>
    %broadcast_in_dim3A_11 = vector.broadcast %broadcast_in_dim3A_10 : vector<400x1xf32> to vector<400x128xf32>
    %get3A_12 = arith.constant 0 : index
    %get3A_13 = arith.constant 0 : index
    %get3A_14 = arith.constant 0 : index
    %get3A_15 = vector.load %arg1[%get3A_12, %get3A_13, %get3A_14] : memref<2x400x128xf32, #tpu.memory_space<vmem>>, vector<1x400x128xf32>
    %get3A_16 = vector.shape_cast %get3A_15 : vector<1x400x128xf32> to vector<400x128xf32>
    %get3A_17 = arith.constant 1 : index
    %get3A_18 = arith.constant 0 : index
    %get3A_19 = arith.constant 0 : index
    %get3A_20 = vector.load %arg1[%get3A_17, %get3A_18, %get3A_19] : memref<2x400x128xf32, #tpu.memory_space<vmem>>, vector<1x400x128xf32>
    %get3A_21 = vector.shape_cast %get3A_20 : vector<1x400x128xf32> to vector<400x128xf32>
    %add3A = arith.addf %get3A_16, %get3A_21 : vector<400x128xf32>
    %mul3A_22 = arith.mulf %add3A, %broadcast_in_dim3A_11 : vector<400x128xf32>
    %get3A_23 = arith.constant 0 : index
    %get3A_24 = arith.constant 0 : index
    %get3A_25 = vector.load %arg4[%get3A_23, %get3A_24] : memref<128x128xf32, #tpu.memory_space<vmem>>, vector<128x128xf32>
    %dot_general3A = arith.constant dense<0.000000e+00> : vector<400x128xf32>
    %dot_general3A_26 = tpu.matmul %mul3A_22, %get3A_25, %dot_general3A {dimension_numbers = #tpu.dot_dimension_numbers<[1], [0], [0], [1], [0, 0, 1, 1], [], []>, transpose_lhs_hint = false} : vector<400x128xf32>, vector<128x128xf32>, vector<400x128xf32> -> vector<400x128xf32>
    %get3A_27 = arith.constant 0 : index
    %get3A_28 = arith.constant 0 : index
    %get3A_29 = vector.load %arg3[%get3A_27, %get3A_28] : memref<400x128xf32, #tpu.memory_space<vmem>>, vector<400x128xf32>
    %get3A_30 = arith.constant 0 : index
    %get3A_31 = arith.constant 0 : index
    %get3A_32 = vector.load %arg5[%get3A_30, %get3A_31] : memref<128x128xf32, #tpu.memory_space<vmem>>, vector<128x128xf32>
    %dot_general3A_33 = arith.constant dense<0.000000e+00> : vector<400x128xf32>
    %dot_general3A_34 = tpu.matmul %get3A_29, %get3A_32, %dot_general3A_33 {dimension_numbers = #tpu.dot_dimension_numbers<[1], [0], [0], [1], [0, 0, 1, 1], [], []>, transpose_lhs_hint = false} : vector<400x128xf32>, vector<128x128xf32>, vector<400x128xf32> -> vector<400x128xf32>
    %add3A_35 = arith.addf %dot_general3A_26, %dot_general3A_34 : vector<400x128xf32>
    %get3A_36 = arith.constant 0 : index
    %get3A_37 = arith.constant 0 : index
    %get3A_38 = vector.load %arg6[%get3A_36, %get3A_37] : memref<1x128xf32, #tpu.memory_space<vmem>>, vector<1x128xf32>
    %add3A_39 = vector.broadcast %get3A_38 : vector<1x128xf32> to vector<400x128xf32>
    %add3A_40 = arith.addf %add3A_35, %add3A_39 : vector<400x128xf32>
    %max3A_41 = arith.constant 0.000000e+00 : f32
    %max3A_42 = vector.broadcast %max3A_41 : f32 to vector<400x128xf32>
    %max3A_43 = arith.maximumf %add3A_40, %max3A_42 : vector<400x128xf32>
    %swap3A = arith.constant 0 : index
    %swap3A_44 = arith.constant 0 : index
    %swap3A_45 = vector.load %arg7[%swap3A, %swap3A_44] : memref<400x128xf32, #tpu.memory_space<vmem>>, vector<400x128xf32>
    tpu.vector_store %arg7[%swap3A, %swap3A_44], %max3A_43 {strides = array<i32>} : memref<400x128xf32, #tpu.memory_space<vmem>>, vector<400x128xf32>,
    %swap3A_46 = arith.constant 0 : index
    %swap3A_47 = arith.constant 0 : index
    %swap3A_48 = vector.load %arg8[%swap3A_46, %swap3A_47] : memref<400x128xf32, #tpu.memory_space<vmem>>, vector<400x128xf32>
    tpu.vector_store %arg8[%swap3A_46, %swap3A_47], %broadcast_in_dim3A_11 {strides = array<i32>} : memref<400x128xf32, #tpu.memory_space<vmem>>, vector<400x128xf32>,
    return
  }
  func.func @transform_0(%arg0: i32) -> (i32, i32, i32) {
    %c0_i32 = arith.constant 0 : i32
    %c0_i32_0 = arith.constant 0 : i32
    %c0_i32_1 = arith.constant 0 : i32
    return %c0_i32, %arg0, %c0_i32_0 : i32, i32, i32
  }
  func.func @transform_1(%arg0: i32) -> (i32, i32, i32) {
    %c0_i32 = arith.constant 0 : i32
    %c0_i32_0 = arith.constant 0 : i32
    %c0_i32_1 = arith.constant 0 : i32
    return %c0_i32, %arg0, %c0_i32_0 : i32, i32, i32
  }
  func.func @transform_2(%arg0: i32) -> (i32, i32) {
    %c0_i32 = arith.constant 0 : i32
    %c0_i32_0 = arith.constant 0 : i32
    return %arg0, %c0_i32 : i32, i32
  }
  func.func @transform_3(%arg0: i32) -> (i32, i32) {
    %c0_i32 = arith.constant 0 : i32
    %c0_i32_0 = arith.constant 0 : i32
    %c0_i32_1 = arith.constant 0 : i32
    return %c0_i32, %c0_i32_0 : i32, i32
  }
  func.func @transform_4(%arg0: i32) -> (i32, i32) {
    %c0_i32 = arith.constant 0 : i32
    %c0_i32_0 = arith.constant 0 : i32
    %c0_i32_1 = arith.constant 0 : i32
    return %c0_i32, %c0_i32_0 : i32, i32
  }
  func.func @transform_5(%arg0: i32) -> (i32, i32) {
    %c0_i32 = arith.constant 0 : i32
    %c0_i32_0 = arith.constant 0 : i32
    %c0_i32_1 = arith.constant 0 : i32
    return %c0_i32, %c0_i32_0 : i32, i32
  }
  func.func @transform_6(%arg0: i32) -> (i32, i32) {
    %c0_i32 = arith.constant 0 : i32
    %c0_i32_0 = arith.constant 0 : i32
    return %arg0, %c0_i32 : i32, i32
  }
  func.func @transform_7(%arg0: i32) -> (i32, i32) {
    %c0_i32 = arith.constant 0 : i32
    %c0_i32_0 = arith.constant 0 : i32
    return %arg0, %c0_i32 : i32, i32
  }
}

module attributes {stable_mosaic.version = 14 : i64} {
  func.func @body(%arg0: i32, %arg1: memref<2x400x128xf32, #tpu.memory_space<vmem>>, %arg2: memref<400x128xf32, #tpu.memory_space<vmem>>, %arg3: memref<400x128xf32, #tpu.memory_space<vmem>>, %arg4: memref<128x128xf32, #tpu.memory_space<vmem>>, %arg5: memref<128x128xf32, #tpu.memory_space<vmem>>, %arg6: memref<1x128xf32, #tpu.memory_space<vmem>>, %arg7: memref<400x128xf32, #tpu.memory_space<vmem>>) attributes {dimension_semantics = [#tpu.dimension_semantics<arbitrary>], iteration_bounds = array<i64: 25>, scalar_prefetch = 0 : i64, scratch_operands = 0 : i64, tpu.core_type = #tpu.core_type<tc>, window_params = [{transform_indices = @transform_0, window_bounds = array<i64: 2, 400, 128>}, {transform_indices = @transform_1, window_bounds = array<i64: 400, 128>}, {transform_indices = @transform_2, window_bounds = array<i64: 400, 128>}, {pipeline_mode = #tpu.pipeline_mode<synchronous>, transform_indices = @transform_3, window_bounds = array<i64: 128, 128>}, {pipeline_mode = #tpu.pipeline_mode<synchronous>, transform_indices = @transform_4, window_bounds = array<i64: 128, 128>}, {pipeline_mode = #tpu.pipeline_mode<synchronous>, transform_indices = @transform_5, window_bounds = array<i64: 1, 128>}, {transform_indices = @transform_6, window_bounds = array<i64: 400, 128>}]} {
    %get3A = arith.constant 0 : index
    %get3A_0 = arith.constant 0 : index
    %get3A_1 = arith.constant 0 : index
    %get3A_2 = vector.load %arg1[%get3A, %get3A_0, %get3A_1] : memref<2x400x128xf32, #tpu.memory_space<vmem>>, vector<1x400x128xf32>
    %get3A_3 = vector.shape_cast %get3A_2 : vector<1x400x128xf32> to vector<400x128xf32>
    %get3A_4 = arith.constant 1 : index
    %get3A_5 = arith.constant 0 : index
    %get3A_6 = arith.constant 0 : index
    %get3A_7 = vector.load %arg1[%get3A_4, %get3A_5, %get3A_6] : memref<2x400x128xf32, #tpu.memory_space<vmem>>, vector<1x400x128xf32>
    %get3A_8 = vector.shape_cast %get3A_7 : vector<1x400x128xf32> to vector<400x128xf32>
    %add3A = arith.addf %get3A_3, %get3A_8 : vector<400x128xf32>
    %get3A_9 = arith.constant 0 : index
    %get3A_10 = arith.constant 0 : index
    %get3A_11 = vector.load %arg2[%get3A_9, %get3A_10] : memref<400x128xf32, #tpu.memory_space<vmem>>, vector<400x128xf32>
    %mul3A = arith.mulf %add3A, %get3A_11 : vector<400x128xf32>
    %get3A_12 = arith.constant 0 : index
    %get3A_13 = arith.constant 0 : index
    %get3A_14 = vector.load %arg4[%get3A_12, %get3A_13] : memref<128x128xf32, #tpu.memory_space<vmem>>, vector<128x128xf32>
    %dot_general3A = arith.constant dense<0.000000e+00> : vector<400x128xf32>
    %dot_general3A_15 = tpu.matmul %mul3A, %get3A_14, %dot_general3A {dimension_numbers = #tpu.dot_dimension_numbers<[1], [0], [0], [1], [0, 0, 1, 1], [], []>, transpose_lhs_hint = false} : vector<400x128xf32>, vector<128x128xf32>, vector<400x128xf32> -> vector<400x128xf32>
    %get3A_16 = arith.constant 0 : index
    %get3A_17 = arith.constant 0 : index
    %get3A_18 = vector.load %arg3[%get3A_16, %get3A_17] : memref<400x128xf32, #tpu.memory_space<vmem>>, vector<400x128xf32>
    %get3A_19 = arith.constant 0 : index
    %get3A_20 = arith.constant 0 : index
    %get3A_21 = vector.load %arg5[%get3A_19, %get3A_20] : memref<128x128xf32, #tpu.memory_space<vmem>>, vector<128x128xf32>
    %dot_general3A_22 = arith.constant dense<0.000000e+00> : vector<400x128xf32>
    %dot_general3A_23 = tpu.matmul %get3A_18, %get3A_21, %dot_general3A_22 {dimension_numbers = #tpu.dot_dimension_numbers<[1], [0], [0], [1], [0, 0, 1, 1], [], []>, transpose_lhs_hint = false} : vector<400x128xf32>, vector<128x128xf32>, vector<400x128xf32> -> vector<400x128xf32>
    %add3A_24 = arith.addf %dot_general3A_15, %dot_general3A_23 : vector<400x128xf32>
    %get3A_25 = arith.constant 0 : index
    %get3A_26 = arith.constant 0 : index
    %get3A_27 = vector.load %arg6[%get3A_25, %get3A_26] : memref<1x128xf32, #tpu.memory_space<vmem>>, vector<1x128xf32>
    %add3A_28 = vector.broadcast %get3A_27 : vector<1x128xf32> to vector<400x128xf32>
    %add3A_29 = arith.addf %add3A_24, %add3A_28 : vector<400x128xf32>
    %max3A = arith.constant 0.000000e+00 : f32
    %max3A_30 = vector.broadcast %max3A : f32 to vector<400x128xf32>
    %max3A_31 = arith.maximumf %add3A_29, %max3A_30 : vector<400x128xf32>
    %swap3A = arith.constant 0 : index
    %swap3A_32 = arith.constant 0 : index
    %swap3A_33 = vector.load %arg7[%swap3A, %swap3A_32] : memref<400x128xf32, #tpu.memory_space<vmem>>, vector<400x128xf32>
    tpu.vector_store %arg7[%swap3A, %swap3A_32], %max3A_31 {strides = array<i32>} : memref<400x128xf32, #tpu.memory_space<vmem>>, vector<400x128xf32>,
    return
  }
  func.func @transform_0(%arg0: i32) -> (i32, i32, i32) {
    %c0_i32 = arith.constant 0 : i32
    %c0_i32_0 = arith.constant 0 : i32
    %c0_i32_1 = arith.constant 0 : i32
    return %c0_i32, %arg0, %c0_i32_0 : i32, i32, i32
  }
  func.func @transform_1(%arg0: i32) -> (i32, i32) {
    %c0_i32 = arith.constant 0 : i32
    %c0_i32_0 = arith.constant 0 : i32
    return %arg0, %c0_i32 : i32, i32
  }
  func.func @transform_2(%arg0: i32) -> (i32, i32) {
    %c0_i32 = arith.constant 0 : i32
    %c0_i32_0 = arith.constant 0 : i32
    return %arg0, %c0_i32 : i32, i32
  }
  func.func @transform_3(%arg0: i32) -> (i32, i32) {
    %c0_i32 = arith.constant 0 : i32
    %c0_i32_0 = arith.constant 0 : i32
    %c0_i32_1 = arith.constant 0 : i32
    return %c0_i32, %c0_i32_0 : i32, i32
  }
  func.func @transform_4(%arg0: i32) -> (i32, i32) {
    %c0_i32 = arith.constant 0 : i32
    %c0_i32_0 = arith.constant 0 : i32
    %c0_i32_1 = arith.constant 0 : i32
    return %c0_i32, %c0_i32_0 : i32, i32
  }
  func.func @transform_5(%arg0: i32) -> (i32, i32) {
    %c0_i32 = arith.constant 0 : i32
    %c0_i32_0 = arith.constant 0 : i32
    %c0_i32_1 = arith.constant 0 : i32
    return %c0_i32, %c0_i32_0 : i32, i32
  }
  func.func @transform_6(%arg0: i32) -> (i32, i32) {
    %c0_i32 = arith.constant 0 : i32
    %c0_i32_0 = arith.constant 0 : i32
    return %arg0, %c0_i32 : i32, i32
  }
}

module attributes {stable_mosaic.version = 14 : i64} {
  func.func @body(%arg0: i32, %arg1: memref<2x400x128xf32, #tpu.memory_space<vmem>>, %arg2: memref<400x128xf32, #tpu.memory_space<vmem>>, %arg3: memref<400x128xf32, #tpu.memory_space<vmem>>, %arg4: memref<128x128xf32, #tpu.memory_space<vmem>>, %arg5: memref<128x128xf32, #tpu.memory_space<vmem>>, %arg6: memref<1x128xf32, #tpu.memory_space<vmem>>, %arg7: memref<400x128xf32, #tpu.memory_space<vmem>>) attributes {dimension_semantics = [#tpu.dimension_semantics<arbitrary>], iteration_bounds = array<i64: 25>, scalar_prefetch = 0 : i64, scratch_operands = 0 : i64, tpu.core_type = #tpu.core_type<tc>, window_params = [{transform_indices = @transform_0, window_bounds = array<i64: 2, 400, 128>}, {transform_indices = @transform_1, window_bounds = array<i64: 400, 128>}, {transform_indices = @transform_2, window_bounds = array<i64: 400, 128>}, {pipeline_mode = #tpu.pipeline_mode<synchronous>, transform_indices = @transform_3, window_bounds = array<i64: 128, 128>}, {pipeline_mode = #tpu.pipeline_mode<synchronous>, transform_indices = @transform_4, window_bounds = array<i64: 128, 128>}, {pipeline_mode = #tpu.pipeline_mode<synchronous>, transform_indices = @transform_5, window_bounds = array<i64: 1, 128>}, {transform_indices = @transform_6, window_bounds = array<i64: 400, 128>}]} {
    %get3A = arith.constant 0 : index
    %get3A_0 = arith.constant 0 : index
    %get3A_1 = arith.constant 0 : index
    %get3A_2 = vector.load %arg1[%get3A, %get3A_0, %get3A_1] : memref<2x400x128xf32, #tpu.memory_space<vmem>>, vector<1x400x128xf32>
    %get3A_3 = vector.shape_cast %get3A_2 : vector<1x400x128xf32> to vector<400x128xf32>
    %get3A_4 = arith.constant 1 : index
    %get3A_5 = arith.constant 0 : index
    %get3A_6 = arith.constant 0 : index
    %get3A_7 = vector.load %arg1[%get3A_4, %get3A_5, %get3A_6] : memref<2x400x128xf32, #tpu.memory_space<vmem>>, vector<1x400x128xf32>
    %get3A_8 = vector.shape_cast %get3A_7 : vector<1x400x128xf32> to vector<400x128xf32>
    %add3A = arith.addf %get3A_3, %get3A_8 : vector<400x128xf32>
    %get3A_9 = arith.constant 0 : index
    %get3A_10 = arith.constant 0 : index
    %get3A_11 = vector.load %arg2[%get3A_9, %get3A_10] : memref<400x128xf32, #tpu.memory_space<vmem>>, vector<400x128xf32>
    %mul3A = arith.mulf %add3A, %get3A_11 : vector<400x128xf32>
    %get3A_12 = arith.constant 0 : index
    %get3A_13 = arith.constant 0 : index
    %get3A_14 = vector.load %arg4[%get3A_12, %get3A_13] : memref<128x128xf32, #tpu.memory_space<vmem>>, vector<128x128xf32>
    %dot_general3A = arith.constant dense<0.000000e+00> : vector<400x128xf32>
    %dot_general3A_15 = tpu.matmul %mul3A, %get3A_14, %dot_general3A {dimension_numbers = #tpu.dot_dimension_numbers<[1], [0], [0], [1], [0, 0, 1, 1], [], []>, transpose_lhs_hint = false} : vector<400x128xf32>, vector<128x128xf32>, vector<400x128xf32> -> vector<400x128xf32>
    %get3A_16 = arith.constant 0 : index
    %get3A_17 = arith.constant 0 : index
    %get3A_18 = vector.load %arg3[%get3A_16, %get3A_17] : memref<400x128xf32, #tpu.memory_space<vmem>>, vector<400x128xf32>
    %get3A_19 = arith.constant 0 : index
    %get3A_20 = arith.constant 0 : index
    %get3A_21 = vector.load %arg5[%get3A_19, %get3A_20] : memref<128x128xf32, #tpu.memory_space<vmem>>, vector<128x128xf32>
    %dot_general3A_22 = arith.constant dense<0.000000e+00> : vector<400x128xf32>
    %dot_general3A_23 = tpu.matmul %get3A_18, %get3A_21, %dot_general3A_22 {dimension_numbers = #tpu.dot_dimension_numbers<[1], [0], [0], [1], [0, 0, 1, 1], [], []>, transpose_lhs_hint = false} : vector<400x128xf32>, vector<128x128xf32>, vector<400x128xf32> -> vector<400x128xf32>
    %add3A_24 = arith.addf %dot_general3A_15, %dot_general3A_23 : vector<400x128xf32>
    %get3A_25 = arith.constant 0 : index
    %get3A_26 = arith.constant 0 : index
    %get3A_27 = vector.load %arg6[%get3A_25, %get3A_26] : memref<1x128xf32, #tpu.memory_space<vmem>>, vector<1x128xf32>
    %add3A_28 = vector.broadcast %get3A_27 : vector<1x128xf32> to vector<400x128xf32>
    %add3A_29 = arith.addf %add3A_24, %add3A_28 : vector<400x128xf32>
    %swap3A = arith.constant 0 : index
    %swap3A_30 = arith.constant 0 : index
    %swap3A_31 = vector.load %arg7[%swap3A, %swap3A_30] : memref<400x128xf32, #tpu.memory_space<vmem>>, vector<400x128xf32>
    tpu.vector_store %arg7[%swap3A, %swap3A_30], %add3A_29 {strides = array<i32>} : memref<400x128xf32, #tpu.memory_space<vmem>>, vector<400x128xf32>,
    return
  }
  func.func @transform_0(%arg0: i32) -> (i32, i32, i32) {
    %c0_i32 = arith.constant 0 : i32
    %c0_i32_0 = arith.constant 0 : i32
    %c0_i32_1 = arith.constant 0 : i32
    return %c0_i32, %arg0, %c0_i32_0 : i32, i32, i32
  }
  func.func @transform_1(%arg0: i32) -> (i32, i32) {
    %c0_i32 = arith.constant 0 : i32
    %c0_i32_0 = arith.constant 0 : i32
    return %arg0, %c0_i32 : i32, i32
  }
  func.func @transform_2(%arg0: i32) -> (i32, i32) {
    %c0_i32 = arith.constant 0 : i32
    %c0_i32_0 = arith.constant 0 : i32
    return %arg0, %c0_i32 : i32, i32
  }
  func.func @transform_3(%arg0: i32) -> (i32, i32) {
    %c0_i32 = arith.constant 0 : i32
    %c0_i32_0 = arith.constant 0 : i32
    %c0_i32_1 = arith.constant 0 : i32
    return %c0_i32, %c0_i32_0 : i32, i32
  }
  func.func @transform_4(%arg0: i32) -> (i32, i32) {
    %c0_i32 = arith.constant 0 : i32
    %c0_i32_0 = arith.constant 0 : i32
    %c0_i32_1 = arith.constant 0 : i32
    return %c0_i32, %c0_i32_0 : i32, i32
  }
  func.func @transform_5(%arg0: i32) -> (i32, i32) {
    %c0_i32 = arith.constant 0 : i32
    %c0_i32_0 = arith.constant 0 : i32
    %c0_i32_1 = arith.constant 0 : i32
    return %c0_i32, %c0_i32_0 : i32, i32
  }
  func.func @transform_6(%arg0: i32) -> (i32, i32) {
    %c0_i32 = arith.constant 0 : i32
    %c0_i32_0 = arith.constant 0 : i32
    return %arg0, %c0_i32 : i32, i32
  }
}

</mosaic_0001>

<sc_bundles>
// kernel: kernel.11.cloned.1.call-start
scs
__scs_entry_jumppad:
0x0: {  	(pc) =	sbr.rel $0x88, $3  }
0x1: {  	(tag) =	ssettag $0x0;
	lr =	simm.s32 $0x1  }
0x2: {  	[smem:$0x3F96] =	sst lr;
	_ =	strace $0xD0000000  }
0x3: {  	_ = 	snop  }
0x4: {  	_ = 	snop  }
0x5: {  	_ = 	snop  }
0x6: {  	_ = 	snop  }
0x7: {  	_ = 	snop  }
__scs_overlays_trampoline_lowered:
0x8: {  	[smem:$0x3FA5] =	sst s0  }
0x9: {  	[smem:$0x3FA6] =	sst s1  }
0xa: {  	[smem:$0x3FA7] =	sst s2  }
0xb: {  	[smem:$0x3FA8] =	sst s3  }
0xc: {  	[smem:$0x3FA9] =	sst s4  }
0xd: {  	[smem:$0x3FAA] =	sst s5  }
0xe: {  	[smem:$0x3FAB] =	sst s6  }
0xf: {  	[smem:$0x3FAC] =	sst s7  }
0x10: {  	[smem:$0x3FAD] =	sst s8  }
0x11: {  	[smem:$0x3FAE] =	sst s9;
	s0 =	simm.s32 @!p0 $0x0  }
0x12: {  	s1 =	sld [smem:$0x3F94];
	s0 =	simm.s32 @p0 $0x1  }
0x13: {  	[smem:$0x3FAF] =	sst s0;
	s0 =	simm.s32 @!p1 $0x0  }
0x14: {  	s2 =	sld [smem:$0x3F93];
	s0 =	simm.s32 @p1 $0x1  }
0x15: {  	[smem:$0x3FB0] =	sst s0;
	s0 =	simm.s32 @!p2 $0x0  }
0x16: {  	s3 =	sld [smem:$0x3FDB];
	s0 =	simm.s32 @p2 $0x1  }
0x17: {  	s4 =	simm.s32 $0x1BF5;
	[smem:$0x3FB2] =	sst s0  }
0x18: {  	s0 =	sld [smem:$0x3F95];
	_ =	swait.ge [sflag:s4], $0x0  }
0x19: {  	s7 =	sld [smem:$0x3F96]  }
0x1a: {  	s8 =	sadd.s32 $0xFFFFE003, lr  }
0x1b: {  	s9 =	sadd.s32 $0xFFFFFEF7, lr;
	s5 =	simm.s32 $0xFFFFFFFF;
	p2 =	slt.u32 s8, $0xFFFFF086  }
0x1c: {  	p1 =	slt.u32 s9, $0xF7A;
	s5 =	simm.s32 @!p2 $0x0  }
0x1d: {  	s5 =	simm.s32 @p1 $0x1;
	p0 =	seq.s32 s7, s2  }
0x1e: {  	s7 =	smul.u32 @!p0 $0xF7A, s2;
	p2 =	seq.s32 @!p0 s5, $0x0  }
0x1f: {  	s9 =	smul.u32 $0xF7A, s1;
	s8 =	simm.s32 @!p0 $0x1BF5;
	p2 =	por !p2, p0  }
0x20: {  	[sflag:s8] =	ssyncset.s32 @!p0 $0xFFFFF086;
	s6 =	sadd.s32 @!p0 s3, s7;
	s7 =	simm.s32 @!p0 $0x108  }
0x21: {  	s3 =	sadd.s32 s3, s9;
	s6 =	sadd.s32 @!p0 $0x88, s6;
	s7 =	simm.s32 @p2 $0x1082  }
0x22: {  	[simem:s7], [sflag:s8] =	dma.local @!p0 [hbm:s6], $0xF7A  }
0x23: {  	s9 =	sor.u32 $0xD0000000, s2;
	s6 =	simm.s32 $0x108;
	_ =	swait.ge @!p0 [sflag:s8], $0x0  }
0x24: {  	s3 =	sadd.s32 $0x88, s3;
	s6 =	simm.s32 @!p1 $0x1082;
	[sflag:s4] =	ssyncset.s32 $0xFFFFF086  }
0x25: {  	[simem:s6], [sflag:s4] =	dma.local [hbm:s3], $0xF7A  }
0x26: {  	[smem:$0x3F96] =	sst s1;
	(tag) =	ssettag s2;
	_ =	strace s9  }
0x27: {  	s1 =	sld [smem:$0x3FA6]  }
0x28: {  	s2 =	sld [smem:$0x3FA7]  }
0x29: {  	s4 =	sld [smem:$0x3FA9]  }
0x2a: {  	p0 =	seq.s32 s5, $0x0;
	s5 =	sld [smem:$0x3FAA]  }
0x2b: {  	s6 =	sld [smem:$0x3FAB]  }
0x2c: {  	s7 =	sld [smem:$0x3FAC]  }
0x2d: {  	s3 =	simm.s32 $0x108;
	s8 =	sld [smem:$0x3FAD]  }
0x2e: {  	s3 =	simm.s32 @!p0 $0x1082;
	s9 =	sld [smem:$0x3FAE]  }
0x2f: {  	lr =	sadd.s32 s0, s3;
	s0 =	sld [smem:$0x3FA5]  }
0x30: {  	s3 =	sld [smem:$0x3FA8]  }
0x31: {  	[smem:$0x3FB1] =	sst s10  }
0x32: {  	s10 =	sld [smem:$0x3FAF];
	_ =	sdelay $0x3  }
0x33: {  	p0 =	seq.s32 s10, $0x1;
	s10 =	sld [smem:$0x3FB1];
	_ =	sdelay $0x3  }
0x34: {  	[smem:$0x3FB1] =	sst s10  }
0x35: {  	s10 =	sld [smem:$0x3FB0];
	_ =	sdelay $0x3  }
0x36: {  	p1 =	seq.s32 s10, $0x1;
	s10 =	sld [smem:$0x3FB1];
	_ =	sdelay $0x3  }
0x37: {  	[smem:$0x3FB1] =	sst s10  }
0x38: {  	s10 =	sld [smem:$0x3FB2]  }
0x39: {  	_ = 	snop;
	(pc) =	sbr.ind lr, $3  }
0x3a: {  	_ = 	snop  }
0x3b: {  	_ = 	snop  }
0x3c: {  	p2 =	seq.s32 s10, $0x1;
	s10 =	sld [smem:$0x3FB1]  }
0x3d: {  	_ =	shalt  }
0x3e: {  	_ =	shalt  }
0x3f: {  	_ =	shalt  }
0x40: {  	_ =	shalt  }
0x41: {  	_ =	shalt  }
0x42: {  	_ =	shalt  }
0x43: {  	_ =	shalt  }
0x44: {  	_ =	shalt  }
0x45: {  	_ =	shalt  }
0x46: {  	_ =	shalt  }
0x47: {  	_ =	shalt  }
0x48: {  	_ =	shalt  }
0x49: {  	_ =	shalt  }
0x4a: {  	_ =	shalt  }
0x4b: {  	_ =	shalt  }
0x4c: {  	_ =	shalt  }
0x4d: {  	_ =	shalt  }
0x4e: {  	_ =	shalt  }
0x4f: {  	_ =	shalt  }
0x50: {  	_ =	shalt  }
0x51: {  	_ =	shalt  }
0x52: {  	_ =	shalt  }
0x53: {  	_ =	shalt  }
0x54: {  	_ =	shalt  }
0x55: {  	_ =	shalt  }
0x56: {  	_ =	shalt  }
0x57: {  	_ =	shalt  }
0x58: {  	_ =	shalt  }
0x59: {  	_ =	shalt  }
0x5a: {  	_ =	shalt  }
0x5b: {  	_ =	shalt  }
0x5c: {  	_ =	shalt  }
0x5d: {  	_ =	shalt  }
0x5e: {  	_ =	shalt  }
0x5f: {  	_ =	shalt  }
0x60: {  	_ =	shalt  }
0x61: {  	_ =	shalt  }
0x62: {  	_ =	shalt  }
0x63: {  	_ =	shalt  }
0x64: {  	_ =	shalt  }
0x65: {  	_ =	shalt  }
0x66: {  	_ =	shalt  }
0x67: {  	_ =	shalt  }
0x68: {  	_ =	shalt  }
0x69: {  	_ =	shalt  }
0x6a: {  	_ =	shalt  }
0x6b: {  	_ =	shalt  }
0x6c: {  	_ =	shalt  }
0x6d: {  	_ =	shalt  }
0x6e: {  	_ =	shalt  }
0x6f: {  	_ =	shalt  }
0x70: {  	_ =	shalt  }
0x71: {  	_ =	shalt  }
0x72: {  	_ =	shalt  }
0x73: {  	_ =	shalt  }
0x74: {  	_ =	shalt  }
0x75: {  	_ =	shalt  }
0x76: {  	_ =	shalt  }
0x77: {  	_ =	shalt  }
0x78: {  	_ =	shalt  }
0x79: {  	_ =	shalt  }
0x7a: {  	_ =	shalt  }
0x7b: {  	_ =	shalt  }
0x7c: {  	_ =	shalt  }
0x7d: {  	_ =	shalt  }
0x7e: {  	_ =	shalt  }
0x7f: {  	_ =	shalt  }
0x80: {  	_ =	shalt  }
0x81: {  	_ =	shalt  }
0x82: {  	_ =	shalt  }
0x83: {  	_ =	shalt  }
0x84: {  	_ =	shalt  }
0x85: {  	_ =	shalt  }
0x86: {  	_ =	shalt  }
0x87: {  	_ =	shalt  }
.Lfunc_end0:
.L_simem_size_0:
called_computation.1_lowered:
.L_overlay_start_0:
0x88: {  	s2 =	sld [smem:$0x3FD9]  }
0x89: {  	s3 =	sld [smem:$0x3FFE];
	_ =	sdelay $0x1  }
0x8a: {  	s1 =	srdreg.scid  }
0x8b: {  	s0 =	sand.u32 $0x1, s1  }
0x8c: {  	s17 =	sshll.u32 s0, $0xA;
	s2 =	sadd.s32 s3, s2  }
0x8d: {  	s2 =	sadd.s32 s2, s17  }
0x8e: {  	[smem:$0x3FBD] =	sst s2  }
0x8f: {  	_ = 	snop  }
0x90: {  	s2 =	sld [smem:$0x3FD0];
	(tm) =	ssettm $0x1  }
0x91: {  	s18 =	sld [smem:$0x3FFB];
	_ =	sdelay $0x3  }
0x92: {  	_ =	strace s18  }
0x93: {  	s3 =	sld [smem:$0x3FFC];
	_ =	sdelay $0x3  }
0x94: {  	_ =	strace s3  }
0x95: {  	s3 =	sld [smem:$0x3FFD];
	_ =	sdelay $0x3  }
0x96: {  	_ =	strace s3  }
0x97: {  	_ =	strace $0x8FFFFFFF  }
0x98: {  	s19 =	sld [smem:$0x3FDB];
	_ =	sdelay $0x1  }
0x99: {  	s4 =	simm.s32 $_scs_section_size  }
0x9a: {  	s5 =	simm.s32 $_size__tile_overlayer_lowered;
	s6 =	simm.s32 $_tile_overlayer_lowered  }
0x9b: {  	s22 =	simm.s32 $0x1BFF;
	s21 =	sshll.u32 s6, $0x1;
	s3 =	sadd.s32 s4, s19  }
0x9c: {  	s7 =	simm.s32 $0x0;
	s20 =	sshll.u32 s5, $0x1;
	s5 =	sadd.s32 s21, s3  }
0x9d: {  	[timem:s7], [sflag:s22] =	dma.local [hbm:s5], s20  }
0x9e: {  	_ =	swait.ge [sflag:s22], s20  }
0x9f: {  	s4 =	ssub.s32 $0x0, s20;
	[sflag:s22] =	ssyncset.done $0x0  }
0xa0: {  	[sflag:s22] =	ssyncadd.s32 s4;
	_ =	sdelay $0x1  }
0xa1: {  	s23 =	simm.s32 $0x1B8B  }
0xa2: {  	_ =	swait.ge [sflag:s23], $0x1  }
0xa3: {  	[sflag:s23] =	ssyncset.done $0x0  }
0xa4: {  	s25 =	simm.s32 $0x1B8E;
	s24 =	sld [smem:$0x3FFE];
	[sflag:s23] =	ssyncadd.s32 $0xFFFFFFFF  }
0xa5: {  	s26 =	simm.s32 $execute0_lowered;
	[smem:$0x3FD2] =	sst s25  }
0xa6: {  	s5 =	sshll.u32 s26, $0x1;
	_ =	strace $0x80000049;
	[dreg:$0x1] =	wrdreg $0xFFFFFFFF  }
0xa7: {  	s28 =	simm.s32 $_size_execute0_lowered;
	s3 =	sadd.s32 s3, s5;
	[dreg:$0x0] =	wrdreg $0x0  }
0xa8: {  	s5 =	sshll.u32 s28, $0x1;
	[dreg:$0x2] =	wrdreg s3  }
0xa9: {  	[dreg:$0x3] =	wrdreg s5  }
0xaa: {  	[dreg:$0x4] =	wrdreg $0xC0  }
0xab: {  	_ =	task [dreg:s7], $0x5FFFF  }
0xac: {  	[dreg:$0x1] =	wrdreg $0xFFFFFFFF  }
0xad: {  	[dreg:$0x0] =	wrdreg $0x60  }
0xae: {  	[dreg:$0x2] =	wrdreg s2  }
0xaf: {  	[dreg:$0x3] =	wrdreg s24  }
0xb0: {  	[dreg:$0x4] =	wrdreg $0x0  }
0xb1: {  	[dreg:$0x5] =	wrdreg $0x9  }
0xb2: {  	_ =	task.clear_ibuf [dreg:s7], $0x6FFFF;
	_ =	strace $0x90000049  }
0xb3: {  	s29 =	simm.s32 $0x9;
	_ =	strace $0x8000004B  }
0xb4: {  	_ =	swait.ge [sflag:s29], $0x1  }
0xb5: {  	[sflag:s29] =	ssyncadd.s32 $0xFFFFFFFF  }
0xb6: {  	_ =	strace $0x9000004B  }
0xb7: {  	_ =	sfence  }
0xb8: {  	s30 =	sld [smem:$0x0];
	_ =	sdelay $0x2  }
0xb9: {  	s31 =	sshll.u32 s1, $0xD;
	s1 =	sshrl.u32 s1, $0x2  }
0xba: {  	s3 =	sand.u32 $0x4000, s31;
	s1 =	sadd.s32 s1, s30  }
0xbb: {  	s0 =	sor.u32 s3, s0;
	s1 =	sshll.u32 s1, $0x11  }
0xbc: {  	s0 =	sor.u32 s1, s0  }
0xbd: {  	s0 =	sadd.s32 $0x8F2B, s0  }
0xbe: {  	[sflag:s0] =	ssyncadd.remote.s32 $0x1  }
0xbf: {  	_ =	sfence.sel $0xFFFF  }
0xc0: {  	[dreg:$0x0] =	wrdreg $0xFFFFFFFF;
	(pc) =	sbr.abs _section_cstart, $3  }
0xc1: {  	[dreg:$0x1] =	wrdreg $0xFFFFFFFF  }
0xc2: {  	_ =	task.clear_ibuf [dreg:s7], $0x2FFFF;
	_ =	strace $0x9FFFFFFF  }
0xc3: {  	(tm) =	ssettm $0x7FFFFFFF  }
tec
execute0_lowered:
.L_overlay_start_1:
0x0: {  	(tag) =	ssettag $0x1  }
0x1: {  	s1 =	rddreg [dreg:$0x0]  }
0x2: {  	s2 =	rddreg [dreg:$0x1];
	s4 =	srdreg.scid  }
0x3: {  	s0 =	stileid.u32;
	s3 =	rddreg [dreg:$0x2];
	s11 =	simm.s32 $0x5  }
0x4: {  	s20 =	simm.s32 $0x6;
	s21 =	simm.s32 $0x13C00;
	s23 =	simm.s32 $0x80  }
0x5: {  	s24 =	simm.s32 $0x1;
	s28 =	simm.s32 $0x3;
	s9 =	smul.u32 $0x13C00, s0  }
0x6: {  	s14 =	sand.u32 $0x1, s4;
	s4 =	simm.s32 $0x0;
	s10 =	smul.u32 $0x4F000, s0  }
0x7: {  	s5 =	smul.u32 $0x13C000, s14;
	[smem:$0x7FF] =	sst s4;
	s8 =	ssub.s32 $0x2, s14  }
0x8: {  	p0 =	seq.s32 s14, $0x0;
	s12 =	sshll.u32 s14, $0x9;
	s18 =	sshll.u32 s14, $0x10  }
0x9: {  	_ =	strace $0x8000004A;
	s25 =	sshrl.u32 s8, $0x1;
	s11 =	simm.s32 @!p0 $0x7  }
0xa: {  	s10 =	sshrl.u32 s10, $0x2;
	s6 =	sadd.s32 s9, s5;
	s5 =	sadd.s32 $0xDA00, s2  }
0xb: {  	s17 =	ssub.s32 s8, s25;
	s8 =	simm.s32 $0x4;
	s15 =	sshll.u32 s0, s11  }
0xc: {  	s13 =	sadd.s32 s10, s3;
	s9 =	sadd.s32 s9, s3;
	s25 =	simm.s32 $0x18C00  }
0xd: {  	s7 =	sshrl.u32 s6, $0x3;
	s6 =	sadd.s32 $0x3A00, s2;
	s8 =	simm.s32 @!p0 $0x10  }
0xe: {  	s16 =	sadd.s32 s12, s15;
	s26 =	sadd.s32 $0x4000, s13;
	s29 =	sadd.s32 $0x8000, s13  }
0xf: {  	s30 =	sadd.s32 $0xC000, s13;
	s31 =	sadd.s32 $0x10000, s13;
	[dreg:$0x4] =	wrdreg s26  }
0x10: {  	s19 =	sshll.u32 s15, $0x7;
	s17 =	smax.u32 s17, $0x1;
	[dreg:$0x5] =	wrdreg s29  }
0x11: {  	s2 =	sadd.s32 s7, s2;
	s7 =	simm.s32 $0x4;
	[dreg:$0x6] =	wrdreg s30  }
0x12: {  	[dreg:$0x7] =	wrdreg s31;
	s16 =	sshll.u32 s16, $0x4;
	s18 =	sadd.s32 s19, s18  }
0x13: {  	s19 =	simm.s32 $0x14C00;
	s26 =	simm.s32 $0x2;
	s14 =	sadd.s32 s5, s16  }
0x14: {  	v0 =	vimm.f32 $0.0e+00;
	s15 =	sadd.s32 s6, s16;
	s16 =	sadd.s32 $0x17A00, s2;
	s18 =	sor.u32 $0x400, s18  }
.LBB2_1:
0x15: {  	s2 =	simm.s32 $0x0;
	s22 =	simm.s32 $0x200  }
.LBB2_2:
0x16: {  	p0 =	sne.s32 s22, $0xFE00;
	[tilespmem:s2+$0x14C70] =	vst v0  }
0x17: {  	[tilespmem:s2+$0x14C00] =	vst v0  }
0x18: {  	[tilespmem:s2+$0x14C10] =	vst v0  }
.Ltmp0:
0x19: {  	[tilespmem:s2+$0x14C20] =	vst v0;
	(pc) =	sbr.rel @p0 .LBB2_2-.Ltmp0, $4  }
0x1a: {  	[tilespmem:s2+$0x14C30] =	vst v0  }
0x1b: {  	[tilespmem:s2+$0x14C40] =	vst v0  }
0x1c: {  	[tilespmem:s2+$0x14C50] =	vst v0  }
0x1d: {  	[tilespmem:s2+$0x14C60] =	vst v0;
	s2 =	sshra.s32 s22, $0x2;
	s22 =	sadd.s32 $0x200, s22  }
0x1e: {  	[tilespmem:s2+$0x14C70] =	vst v0  }
0x1f: {  	[tilespmem:s2+$0x14C00] =	vst v0  }
0x20: {  	[tilespmem:s2+$0x14C10] =	vst v0  }
0x21: {  	[tilespmem:s2+$0x14C20] =	vst v0  }
0x22: {  	[tilespmem:s2+$0x14C30] =	vst v0  }
0x23: {  	[tilespmem:s2+$0x14C40] =	vst v0  }
0x24: {  	[tilespmem:s2+$0x14C50] =	vst v0  }
0x25: {  	[tilespmem:s2+$0x14C60] =	vst v0  }
0x26: {  	[spmem:s9] =	stream.linear.scatter [tilespmem:s19], [sflag:$0x6], $0x4000, $0x38;
	[tilespmem:$0x1CC00] =	vst v63  }
0x27: {  	_ =	swait.ge [sflag:s20], $0x4000  }
0x28: {  	[sflag:s20] =	ssyncset.done $0x0  }
0x29: {  	s0 =	rddreg [dreg:$0x4];
	[sflag:s20] =	ssyncadd.s32 $0xFFFFC000  }
0x2a: {  	[spmem:s0] =	stream.linear.scatter [tilespmem:s19], [sflag:$0x6], $0x4000, $0x38;
	[tilespmem:$0x1CC00] =	vst v63  }
0x2b: {  	_ =	swait.ge [sflag:s20], $0x4000  }
0x2c: {  	[sflag:s20] =	ssyncset.done $0x0  }
0x2d: {  	s10 =	rddreg [dreg:$0x5];
	[sflag:s20] =	ssyncadd.s32 $0xFFFFC000  }
0x2e: {  	[spmem:s10] =	stream.linear.scatter [tilespmem:s19], [sflag:$0x6], $0x4000, $0x38;
	[tilespmem:$0x1CC00] =	vst v63  }
0x2f: {  	_ =	swait.ge [sflag:s20], $0x4000  }
0x30: {  	[sflag:s20] =	ssyncset.done $0x0  }
0x31: {  	s11 =	rddreg [dreg:$0x6];
	[sflag:s20] =	ssyncadd.s32 $0xFFFFC000  }
0x32: {  	[spmem:s11] =	stream.linear.scatter [tilespmem:s19], [sflag:$0x6], $0x4000, $0x38;
	[tilespmem:$0x1CC00] =	vst v63  }
0x33: {  	_ =	swait.ge [sflag:s20], $0x4000  }
0x34: {  	[sflag:s20] =	ssyncset.done $0x0  }
0x35: {  	s12 =	rddreg [dreg:$0x7];
	[sflag:s20] =	ssyncadd.s32 $0xFFFFC000  }
0x36: {  	[spmem:s12] =	stream.linear.scatter [tilespmem:s19], [sflag:$0x6], $0x3C00, $0x38;
	[tilespmem:$0x1CC00] =	vst v63  }
0x37: {  	_ =	swait.ge [sflag:s20], $0x3C00  }
0x38: {  	[sflag:s20] =	ssyncset.done $0x0  }
0x39: {  	[sflag:s20] =	ssyncadd.s32 $0xFFFFC400  }
0x3a: {  	s13 =	simm.s32 $0x0;
	[bflag:$0x0] =	sbarrier.arrive $0xFFFF  }
0x3b: {  	[tilespmem:s21], [sflag:$0x6] =	stream.linear.gather [hbm4b:s14+s13], $0x400, $0x38;
	[tilespmem:$0x1CC00] =	vst v63  }
0x3c: {  	_ =	swait.ge [sflag:s20], $0x400  }
0x3d: {  	[sflag:s20] =	ssyncset.done $0x0  }
0x3e: {  	s22 =	simm.s32 $0x14400;
	[sflag:s20] =	ssyncadd.s32 $0xFFFFFC00  }
0x3f: {  	[tilespmem:s22], [sflag:$0x6] =	stream.linear.gather [hbm4b:s15+s13], $0x400, $0x38;
	[tilespmem:$0x1CC00] =	vst v63  }
0x40: {  	_ =	swait.ge [sflag:s20], $0x400  }
0x41: {  	[sflag:s20] =	ssyncset.done $0x0  }
0x42: {  	[sflag:s20] =	ssyncadd.s32 $0xFFFFFC00  }
0x43: {  	[tilespmem:s19], [sflag:$0x1] =	stream.indirect.gather [hbm4b:s1+s23], $0x80, s21, s23, $0xb8;
	[tilespmem:$0x1CC00] =	vst v63  }
0x44: {  	_ =	swait.ge [sflag:s24], $0x4000  }
0x45: {  	p0 =	por $0x1, $0x1;
	[sflag:s24] =	ssyncset.done $0x0  }
0x46: {  	s22 =	simm.s32 @!p0 $0x4;
	[sflag:s24] =	ssyncadd.s32 $0xFFFFC000  }
0x47: {  	s29 =	sand.u32 $0x1, s13;
	_ =	swait.ge @!p0 [sflag:s22], $0x4000  }
0x48: {  	s2 =	sshll.u32 s29, $0xA;
	[sflag:s22] =	ssyncset.done @!p0 $0x0  }
0x49: {  	s30 =	sadd.s32 $0x13C80, s2;
	[sflag:s22] =	ssyncadd.s32 @!p0 $0xFFFFC000  }
0x4a: {  	[tilespmem:s25], [sflag:$0x2] =	stream.indirect.gather [hbm4b:s1+s23], $0x80, s30, s23, $0xb8;
	[tilespmem:$0x1CC00] =	vst v63  }
0x4b: {  	s31 =	sadd.s32 $0x14400, s2  }
0x4c: {  	[spmem:s3] =	stream.indirect.scatter.add.f32 [tilespmem:s19], [sflag:$0x3], $0x80, s31, s23, $0xb8;
	[tilespmem:$0x1CC00] =	vst v63  }
0x4d: {  	_ =	swait.ge [sflag:s26], $0x4000  }
0x4e: {  	[sflag:s26] =	ssyncset.done $0x0  }
0x4f: {  	[sflag:s26] =	ssyncadd.s32 $0xFFFFC000  }
0x50: {  	_ =	swait.ge [sflag:s28], $0x4000  }
0x51: {  	[sflag:s28] =	ssyncset.done $0x0  }
0x52: {  	s0 =	sadd.s32 $0x13D00, s2;
	[sflag:s28] =	ssyncadd.s32 $0xFFFFC000  }
0x53: {  	[tilespmem:s19], [sflag:$0x1] =	stream.indirect.gather [hbm4b:s1+s23], $0x80, s0, s23, $0xb8;
	[tilespmem:$0x1CC00] =	vst v63  }
0x54: {  	s22 =	sxor.u32 $0x1, s29;
	s29 =	sadd.s32 $0x14480, s2;
	p0 =	sle.u32 s8, $0x1  }
0x55: {  	[spmem:s3] =	stream.indirect.scatter.add.f32 [tilespmem:s25], [sflag:$0x4], $0x80, s29, s23, $0xb8;
	[tilespmem:$0x1CC00] =	vst v63  }
0x56: {  	s30 =	sshrl.u32 @!p0 s18, $0x3;
	_ =	swait.ge [sflag:s24], $0x4000  }
0x57: {  	s31 =	sadd.s32 @!p0 s5, s30;
	s29 =	sshll.u32 @!p0 s22, $0xA;
	[sflag:s24] =	ssyncset.done $0x0  }
0x58: {  	s0 =	simm.s32 @!p0 $0x0;
	s22 =	sadd.s32 @!p0 $0x13C00, s29;
	[sflag:s24] =	ssyncadd.s32 $0xFFFFC000  }
0x59: {  	[tilespmem:s22], [sflag:$0x5] =	stream.linear.gather @!p0 [hbm4b:s31+s0], $0x400, $0x38;
	[tilespmem:$0x1CC00] =	vst v63  }
0x5a: {  	s30 =	sadd.s32 @!p0 s6, s30;
	s29 =	sadd.s32 @!p0 $0x14400, s29  }
0x5b: {  	[tilespmem:s29], [sflag:$0x5] =	stream.linear.gather @!p0 [hbm4b:s30+s0], $0x400, $0x38;
	[tilespmem:$0x1CC00] =	vst v63  }
0x5c: {  	_ =	swait.ge [sflag:s7], $0x4000  }
0x5d: {  	[sflag:s7] =	ssyncset.done $0x0  }
0x5e: {  	s10 =	sor.u32 $0x100, s2;
	s29 =	sadd.s32 $0x13D80, s2;
	[sflag:s7] =	ssyncadd.s32 $0xFFFFC000  }
0x5f: {  	[tilespmem:s25], [sflag:$0x2] =	stream.indirect.gather [hbm4b:s1+s23], $0x80, s29, s23, $0xb8;
	[tilespmem:$0x1CC00] =	vst v63  }
0x60: {  	s0 =	sadd.s32 $0x14400, s10  }
0x61: {  	[spmem:s3] =	stream.indirect.scatter.add.f32 [tilespmem:s19], [sflag:$0x3], $0x80, s0, s23, $0xb8;
	[tilespmem:$0x1CC00] =	vst v63  }
0x62: {  	_ =	swait.ge [sflag:s26], $0x4000  }
0x63: {  	[sflag:s26] =	ssyncset.done $0x0  }
0x64: {  	[sflag:s26] =	ssyncadd.s32 $0xFFFFC000  }
0x65: {  	_ =	swait.ge [sflag:s28], $0x4000  }
0x66: {  	[sflag:s28] =	ssyncset.done $0x0  }
0x67: {  	s11 =	sadd.s32 $0x13E00, s2;
	[sflag:s28] =	ssyncadd.s32 $0xFFFFC000  }
0x68: {  	[tilespmem:s19], [sflag:$0x1] =	stream.indirect.gather [hbm4b:s1+s23], $0x80, s11, s23, $0xb8;
	[tilespmem:$0x1CC00] =	vst v63  }
0x69: {  	s12 =	sadd.s32 $0x14580, s2  }
0x6a: {  	[spmem:s3] =	stream.indirect.scatter.add.f32 [tilespmem:s25], [sflag:$0x4], $0x80, s12, s23, $0xb8;
	[tilespmem:$0x1CC00] =	vst v63  }
0x6b: {  	_ =	swait.ge [sflag:s24], $0x4000  }
0x6c: {  	[sflag:s24] =	ssyncset.done $0x0  }
0x6d: {  	[sflag:s24] =	ssyncadd.s32 $0xFFFFC000  }
0x6e: {  	_ =	swait.ge [sflag:s7], $0x4000  }
0x6f: {  	[sflag:s7] =	ssyncset.done $0x0  }
0x70: {  	s13 =	sadd.s32 $0x13E80, s2;
	[sflag:s7] =	ssyncadd.s32 $0xFFFFC000  }
0x71: {  	[tilespmem:s25], [sflag:$0x2] =	stream.indirect.gather [hbm4b:s1+s23], $0x80, s13, s23, $0xb8;
	[tilespmem:$0x1CC00] =	vst v63  }
0x72: {  	s31 =	sadd.s32 $0x14600, s2  }
0x73: {  	[spmem:s3] =	stream.indirect.scatter.add.f32 [tilespmem:s19], [sflag:$0x3], $0x80, s31, s23, $0xb8;
	[tilespmem:$0x1CC00] =	vst v63  }
0x74: {  	_ =	swait.ge [sflag:s26], $0x4000  }
0x75: {  	[sflag:s26] =	ssyncset.done $0x0  }
0x76: {  	[sflag:s26] =	ssyncadd.s32 $0xFFFFC000  }
0x77: {  	_ =	swait.ge [sflag:s28], $0x4000  }
0x78: {  	[sflag:s28] =	ssyncset.done $0x0  }
0x79: {  	s10 =	sadd.s32 $0x13F00, s2;
	[sflag:s28] =	ssyncadd.s32 $0xFFFFC000  }
0x7a: {  	[tilespmem:s19], [sflag:$0x1] =	stream.indirect.gather [hbm4b:s1+s23], $0x80, s10, s23, $0xb8;
	[tilespmem:$0x1CC00] =	vst v63  }
0x7b: {  	s11 =	sadd.s32 $0x14680, s2  }
0x7c: {  	[spmem:s3] =	stream.indirect.scatter.add.f32 [tilespmem:s25], [sflag:$0x4], $0x80, s11, s23, $0xb8;
	[tilespmem:$0x1CC00] =	vst v63  }
0x7d: {  	_ =	swait.ge [sflag:s24], $0x4000  }
0x7e: {  	[sflag:s24] =	ssyncset.done $0x0  }
0x7f: {  	[sflag:s24] =	ssyncadd.s32 $0xFFFFC000  }
0x80: {  	_ =	swait.ge [sflag:s7], $0x4000  }
0x81: {  	[sflag:s7] =	ssyncset.done $0x0  }
0x82: {  	s12 =	sadd.s32 $0x13F80, s2;
	[sflag:s7] =	ssyncadd.s32 $0xFFFFC000  }
0x83: {  	[tilespmem:s25], [sflag:$0x2] =	stream.indirect.gather [hbm4b:s1+s23], $0x80, s12, s23, $0xb8;
	[tilespmem:$0x1CC00] =	vst v63  }
0x84: {  	s13 =	sadd.s32 $0x14700, s2  }
0x85: {  	[spmem:s3] =	stream.indirect.scatter.add.f32 [tilespmem:s19], [sflag:$0x3], $0x80, s13, s23, $0xb8;
	[tilespmem:$0x1CC00] =	vst v63  }
0x86: {  	_ =	swait.ge [sflag:s26], $0x4000  }
0x87: {  	[sflag:s26] =	ssyncset.done $0x0  }
0x88: {  	[sflag:s26] =	ssyncadd.s32 $0xFFFFC000  }
0x89: {  	_ =	swait.ge [sflag:s28], $0x4000  }
0x8a: {  	[sflag:s28] =	ssyncset.done $0x0  }
0x8b: {  	s0 =	simm.s32 @!p0 $0x5;
	[sflag:s28] =	ssyncadd.s32 $0xFFFFC000  }
0x8c: {  	_ =	swait.ge @!p0 [sflag:s0], $0x400  }
0x8d: {  	[sflag:s0] =	ssyncset.done @!p0 $0x0  }
0x8e: {  	[sflag:s0] =	ssyncadd.s32 @!p0 $0xFFFFFC00  }
0x8f: {  	_ =	swait.ge @!p0 [sflag:s0], $0x400  }
0x90: {  	[sflag:s0] =	ssyncset.done @!p0 $0x0  }
0x91: {  	s29 =	simm.s32 @!p0 $0x80;
	[sflag:s0] =	ssyncadd.s32 @!p0 $0xFFFFFC00;
	s0 =	simm.s32 @!p0 $0x14C00  }
0x92: {  	[tilespmem:s0], [sflag:$0x1] =	stream.indirect.gather @!p0 [hbm4b:s1+s29], $0x80, s22, s29, $0xb8;
	[tilespmem:$0x1CC00] =	vst v63  }
0x93: {  	p0 =	sne.s32 s8, $0x1  }
.Ltmp1:
0x94: {  	_ = 	snop;
	(pc) =	sbr.rel @!p0 .LBB2_5-.Ltmp1, $3  }
0x95: {  	_ =	sdelay $0x1  }
0x96: {  	s31 =	sor.u32 $0x380, s2  }
0x97: {  	s30 =	smov.u32 s18;
	s2 =	sadd.s32 $0x14400, s31;
	s29 =	simm.s32 $0x1  }
.LBB2_4:
0x98: {  	s30 =	sadd.s32 $0x400, s30;
	s0 =	smov.u32 s29;
	s29 =	sadd.s32 $0x1, s29  }
0x99: {  	[spmem:s3] =	stream.indirect.scatter.add.f32 [tilespmem:s25], [sflag:$0x4], $0x80, s2, s23, $0xb8;
	[tilespmem:$0x1CC00] =	vst v63  }
0x9a: {  	p1 =	seq.s32 s0, $0x0;
	p0 =	sne.s32 s8, s29;
	_ =	swait.ge [sflag:s24], $0x4000  }
0x9b: {  	s22 =	simm.s32 @!p1 $0x4;
	[sflag:s24] =	ssyncset.done $0x0  }
0x9c: {  	s0 =	sand.u32 $0x1, s0;
	[sflag:s24] =	ssyncadd.s32 $0xFFFFC000  }
0x9d: {  	s10 =	sxor.u32 $0x1, s0;
	s2 =	sshll.u32 s0, $0xA;
	_ =	swait.ge @!p1 [sflag:s22], $0x4000  }
0x9e: {  	s0 =	sadd.s32 $0x13C80, s2;
	s11 =	sor.u32 $0x100, s2;
	[sflag:s22] =	ssyncset.done @!p1 $0x0  }
0x9f: {  	s31 =	sor.u32 $0x380, s2;
	[sflag:s22] =	ssyncadd.s32 @!p1 $0xFFFFC000  }
0xa0: {  	[tilespmem:s25], [sflag:$0x2] =	stream.indirect.gather [hbm4b:s1+s23], $0x80, s0, s23, $0xb8;
	[tilespmem:$0x1CC00] =	vst v63  }
0xa1: {  	s0 =	sadd.s32 $0x14400, s2  }
0xa2: {  	[spmem:s3] =	stream.indirect.scatter.add.f32 [tilespmem:s19], [sflag:$0x3], $0x80, s0, s23, $0xb8;
	[tilespmem:$0x1CC00] =	vst v63  }
0xa3: {  	_ =	swait.ge [sflag:s26], $0x4000  }
0xa4: {  	[sflag:s26] =	ssyncset.done $0x0  }
0xa5: {  	[sflag:s26] =	ssyncadd.s32 $0xFFFFC000  }
0xa6: {  	_ =	swait.ge [sflag:s28], $0x4000  }
0xa7: {  	s0 =	sadd.s32 $0x13D00, s2;
	[sflag:s28] =	ssyncset.done $0x0  }
0xa8: {  	[sflag:s28] =	ssyncadd.s32 $0xFFFFC000  }
0xa9: {  	[tilespmem:s19], [sflag:$0x1] =	stream.indirect.gather [hbm4b:s1+s23], $0x80, s0, s23, $0xb8;
	[tilespmem:$0x1CC00] =	vst v63  }
0xaa: {  	p1 =	sge.u32 s29, s8;
	s0 =	sadd.s32 $0x14480, s2  }
0xab: {  	[spmem:s3] =	stream.indirect.scatter.add.f32 [tilespmem:s25], [sflag:$0x4], $0x80, s0, s23, $0xb8;
	[tilespmem:$0x1CC00] =	vst v63  }
0xac: {  	s0 =	sshll.u32 @!p1 s10, $0xA;
	s10 =	sshrl.u32 @!p1 s30, $0x3;
	_ =	swait.ge [sflag:s24], $0x4000  }
0xad: {  	s22 =	sadd.s32 @!p1 $0x13C00, s0;
	s12 =	sadd.s32 @!p1 s5, s10;
	[sflag:s24] =	ssyncset.done $0x0  }
0xae: {  	s13 =	simm.s32 @!p1 $0x0;
	s0 =	sadd.s32 @!p1 $0x14400, s0;
	[sflag:s24] =	ssyncadd.s32 $0xFFFFC000  }
0xaf: {  	[tilespmem:s22], [sflag:$0x5] =	stream.linear.gather @!p1 [hbm4b:s12+s13], $0x400, $0x38;
	[tilespmem:$0x1CC00] =	vst v63  }
0xb0: {  	s10 =	sadd.s32 @!p1 s6, s10  }
0xb1: {  	[tilespmem:s0], [sflag:$0x5] =	stream.linear.gather @!p1 [hbm4b:s10+s13], $0x400, $0x38;
	[tilespmem:$0x1CC00] =	vst v63  }
0xb2: {  	_ =	swait.ge [sflag:s7], $0x4000  }
0xb3: {  	s0 =	sadd.s32 $0x13D80, s2;
	[sflag:s7] =	ssyncset.done $0x0  }
0xb4: {  	s10 =	sadd.s32 $0x14400, s11;
	[sflag:s7] =	ssyncadd.s32 $0xFFFFC000  }
0xb5: {  	[tilespmem:s25], [sflag:$0x2] =	stream.indirect.gather [hbm4b:s1+s23], $0x80, s0, s23, $0xb8;
	[tilespmem:$0x1CC00] =	vst v63  }
0xb6: {  	_ = 	snop  }
0xb7: {  	[spmem:s3] =	stream.indirect.scatter.add.f32 [tilespmem:s19], [sflag:$0x3], $0x80, s10, s23, $0xb8;
	[tilespmem:$0x1CC00] =	vst v63  }
0xb8: {  	_ =	swait.ge [sflag:s26], $0x4000  }
0xb9: {  	[sflag:s26] =	ssyncset.done $0x0  }
0xba: {  	[sflag:s26] =	ssyncadd.s32 $0xFFFFC000  }
0xbb: {  	_ =	swait.ge [sflag:s28], $0x4000  }
0xbc: {  	s0 =	sadd.s32 $0x13E00, s2;
	[sflag:s28] =	ssyncset.done $0x0  }
0xbd: {  	s10 =	sadd.s32 $0x14580, s2;
	[sflag:s28] =	ssyncadd.s32 $0xFFFFC000  }
0xbe: {  	[tilespmem:s19], [sflag:$0x1] =	stream.indirect.gather [hbm4b:s1+s23], $0x80, s0, s23, $0xb8;
	[tilespmem:$0x1CC00] =	vst v63  }
0xbf: {  	_ = 	snop  }
0xc0: {  	[spmem:s3] =	stream.indirect.scatter.add.f32 [tilespmem:s25], [sflag:$0x4], $0x80, s10, s23, $0xb8;
	[tilespmem:$0x1CC00] =	vst v63  }
0xc1: {  	_ =	swait.ge [sflag:s24], $0x4000  }
0xc2: {  	[sflag:s24] =	ssyncset.done $0x0  }
0xc3: {  	[sflag:s24] =	ssyncadd.s32 $0xFFFFC000  }
0xc4: {  	_ =	swait.ge [sflag:s7], $0x4000  }
0xc5: {  	s0 =	sadd.s32 $0x13E80, s2;
	[sflag:s7] =	ssyncset.done $0x0  }
0xc6: {  	s10 =	sadd.s32 $0x14600, s2;
	[sflag:s7] =	ssyncadd.s32 $0xFFFFC000  }
0xc7: {  	[tilespmem:s25], [sflag:$0x2] =	stream.indirect.gather [hbm4b:s1+s23], $0x80, s0, s23, $0xb8;
	[tilespmem:$0x1CC00] =	vst v63  }
0xc8: {  	_ = 	snop  }
0xc9: {  	[spmem:s3] =	stream.indirect.scatter.add.f32 [tilespmem:s19], [sflag:$0x3], $0x80, s10, s23, $0xb8;
	[tilespmem:$0x1CC00] =	vst v63  }
0xca: {  	_ =	swait.ge [sflag:s26], $0x4000  }
0xcb: {  	[sflag:s26] =	ssyncset.done $0x0  }
0xcc: {  	[sflag:s26] =	ssyncadd.s32 $0xFFFFC000  }
0xcd: {  	_ =	swait.ge [sflag:s28], $0x4000  }
0xce: {  	s0 =	sadd.s32 $0x13F00, s2;
	[sflag:s28] =	ssyncset.done $0x0  }
0xcf: {  	s10 =	sadd.s32 $0x14680, s2;
	[sflag:s28] =	ssyncadd.s32 $0xFFFFC000  }
0xd0: {  	[tilespmem:s19], [sflag:$0x1] =	stream.indirect.gather [hbm4b:s1+s23], $0x80, s0, s23, $0xb8;
	[tilespmem:$0x1CC00] =	vst v63  }
0xd1: {  	_ = 	snop  }
0xd2: {  	[spmem:s3] =	stream.indirect.scatter.add.f32 [tilespmem:s25], [sflag:$0x4], $0x80, s10, s23, $0xb8;
	[tilespmem:$0x1CC00] =	vst v63  }
0xd3: {  	_ =	swait.ge [sflag:s24], $0x4000  }
0xd4: {  	[sflag:s24] =	ssyncset.done $0x0  }
0xd5: {  	[sflag:s24] =	ssyncadd.s32 $0xFFFFC000  }
0xd6: {  	_ =	swait.ge [sflag:s7], $0x4000  }
0xd7: {  	s0 =	sadd.s32 $0x13F80, s2;
	[sflag:s7] =	ssyncset.done $0x0  }
0xd8: {  	s2 =	sadd.s32 $0x14700, s2;
	[sflag:s7] =	ssyncadd.s32 $0xFFFFC000  }
0xd9: {  	[tilespmem:s25], [sflag:$0x2] =	stream.indirect.gather [hbm4b:s1+s23], $0x80, s0, s23, $0xb8;
	[tilespmem:$0x1CC00] =	vst v63  }
0xda: {  	_ = 	snop  }
0xdb: {  	[spmem:s3] =	stream.indirect.scatter.add.f32 [tilespmem:s19], [sflag:$0x3], $0x80, s2, s23, $0xb8;
	[tilespmem:$0x1CC00] =	vst v63  }
0xdc: {  	_ =	swait.ge [sflag:s26], $0x4000  }
0xdd: {  	[sflag:s26] =	ssyncset.done $0x0  }
0xde: {  	[sflag:s26] =	ssyncadd.s32 $0xFFFFC000  }
0xdf: {  	_ =	swait.ge [sflag:s28], $0x4000  }
0xe0: {  	s0 =	simm.s32 @!p1 $0x5;
	[sflag:s28] =	ssyncset.done $0x0  }
0xe1: {  	[sflag:s28] =	ssyncadd.s32 $0xFFFFC000  }
0xe2: {  	_ =	swait.ge @!p1 [sflag:s0], $0x400  }
0xe3: {  	[sflag:s0] =	ssyncset.done @!p1 $0x0  }
.Ltmp2:
0xe4: {  	[sflag:s0] =	ssyncadd.s32 @!p1 $0xFFFFFC00;
	(pc) =	sbr.rel @p0 .LBB2_4-.Ltmp2, $4  }
0xe5: {  	_ =	swait.ge @!p1 [sflag:s0], $0x400  }
0xe6: {  	s11 =	simm.s32 @!p1 $0x14C00;
	s10 =	simm.s32 @!p1 $0x80;
	[sflag:s0] =	ssyncset.done @!p1 $0x0  }
0xe7: {  	s2 =	sadd.s32 $0x14400, s31;
	[sflag:s0] =	ssyncadd.s32 @!p1 $0xFFFFFC00  }
0xe8: {  	[tilespmem:s11], [sflag:$0x1] =	stream.indirect.gather @!p1 [hbm4b:s1+s10], $0x80, s22, s10, $0xb8;
	[tilespmem:$0x1CC00] =	vst v63  }
.LBB2_5:
0xe9: {  	[spmem:s3] =	stream.indirect.scatter.add.f32 [tilespmem:s25], [sflag:$0x4], $0x80, s2, s23, $0xb8;
	[tilespmem:$0x1CC00] =	vst v63  }
0xea: {  	s0 =	stileid.u32;
	_ =	swait.ge [sflag:s7], $0x4000  }
0xeb: {  	s31 =	sshrl.u32 s9, $0x3;
	s4 =	sadd.s32 $0x1, s4;
	[sflag:s7] =	ssyncset.done $0x0  }
0xec: {  	s0 =	sshll.u32 s0, $0x6;
	p0 =	sne.s32 s4, s17;
	[sflag:s7] =	ssyncadd.s32 $0xFFFFC000  }
.Ltmp3:
0xed: {  	s0 =	sor.u32 $0x1C06, s0;
	[bflag:$0x0] =	sbarrier.arrive $0xFFFF;
	(pc) =	sbr.rel @p0 .LBB2_1-.Ltmp3, $4  }
0xee: {  	[hbm:s16], [sflag:s0] =	dma.local [spmem:s31], $0x2780  }
0xef: {  	_ =	swait.ge [sflag:s20], $0x2780  }
0xf0: {  	[sflag:s20] =	ssyncset.done $0x0  }
0xf1: {  	[sflag:s20] =	ssyncadd.s32 $0xFFFFD880  }
0xf2: {  	_ =	sfence.sel $0x180000  }
0xf3: {  	[bflag:$0x0] =	sbarrier.arrive $0xFFFF  }
0xf4: {  	_ =	strace $0x9000004A  }
0xf5: {  	s0 =	stileid.u32;
	[bflag:$0x2] =	sbarrier.arrive $0xFFFF  }
0xf6: {  	p0 =	sne.s32 s0, $0x0;
	s0 =	rddreg [dreg:$0x3]  }
0xf7: {  	s0 =	sadd.s32 @!p0 $0x100000, s0  }
0xf8: {  	[sflag:s0] =	ssyncadd.tile.s32 @!p0 $0x1;
	_ =	shalt  }
.Lfunc_end2:
_tile_overlayer_lowered:
.L_overlay_start_2:
0xf9: {  	(tag) =	ssettag $0x2  }
0xfa: {  	s0 =	rddreg [dreg:$0x0];
	s2 =	stileid.u32  }
0xfb: {  	s1 =	rddreg [dreg:$0x1];
	p0 =	sne.s32 s2, $0x0  }
0xfc: {  	s3 =	rddreg [dreg:$0x2];
	[bflag:$0x3] =	sbarrier.arrive $0xFFFF;
	s2 =	simm.s32 @!p0 $0x1C06  }
0xfd: {  	[timem:s3], [sflag:s2] =	dma.local @!p0 [hbm:s0], s1  }
0xfe: {  	s0 =	simm.s32 @!p0 $0x6  }
0xff: {  	_ =	swait.ge @!p0 [sflag:s0], s1  }
0x100: {  	s1 =	ssub.s32 @!p0 $0x0, s1;
	[sflag:s0] =	ssyncset.done @!p0 $0x0  }
0x101: {  	[sflag:s0] =	ssyncadd.s32 @!p0 s1  }
0x102: {  	[bflag:$0x3] =	sbarrier.arrive $0xFFFF  }
0x103: {  	_ =	shalt  }

// kernel: kernel.14.cloned.1.call-start
scs
__scs_entry_jumppad:
0x0: {  	(pc) =	sbr.rel $0x88, $3  }
0x1: {  	(tag) =	ssettag $0x0;
	lr =	simm.s32 $0x1  }
0x2: {  	[smem:$0x3F96] =	sst lr;
	_ =	strace $0xD0000000  }
0x3: {  	_ = 	snop  }
0x4: {  	_ = 	snop  }
0x5: {  	_ = 	snop  }
0x6: {  	_ = 	snop  }
0x7: {  	_ = 	snop  }
__scs_overlays_trampoline_lowered:
0x8: {  	[smem:$0x3FA5] =	sst s0  }
0x9: {  	[smem:$0x3FA6] =	sst s1  }
0xa: {  	[smem:$0x3FA7] =	sst s2  }
0xb: {  	[smem:$0x3FA8] =	sst s3  }
0xc: {  	[smem:$0x3FA9] =	sst s4  }
0xd: {  	[smem:$0x3FAA] =	sst s5  }
0xe: {  	[smem:$0x3FAB] =	sst s6  }
0xf: {  	[smem:$0x3FAC] =	sst s7  }
0x10: {  	[smem:$0x3FAD] =	sst s8  }
0x11: {  	[smem:$0x3FAE] =	sst s9;
	s0 =	simm.s32 @!p0 $0x0  }
0x12: {  	s1 =	sld [smem:$0x3F94];
	s0 =	simm.s32 @p0 $0x1  }
0x13: {  	[smem:$0x3FAF] =	sst s0;
	s0 =	simm.s32 @!p1 $0x0  }
0x14: {  	s2 =	sld [smem:$0x3F93];
	s0 =	simm.s32 @p1 $0x1  }
0x15: {  	[smem:$0x3FB0] =	sst s0;
	s0 =	simm.s32 @!p2 $0x0  }
0x16: {  	s3 =	sld [smem:$0x3FDB];
	s0 =	simm.s32 @p2 $0x1  }
0x17: {  	s4 =	simm.s32 $0x1BF5;
	[smem:$0x3FB2] =	sst s0  }
0x18: {  	s0 =	sld [smem:$0x3F95];
	_ =	swait.ge [sflag:s4], $0x0  }
0x19: {  	s7 =	sld [smem:$0x3F96]  }
0x1a: {  	s8 =	sadd.s32 $0xFFFFE003, lr  }
0x1b: {  	s9 =	sadd.s32 $0xFFFFFEF7, lr;
	s5 =	simm.s32 $0xFFFFFFFF;
	p2 =	slt.u32 s8, $0xFFFFF086  }
0x1c: {  	p1 =	slt.u32 s9, $0xF7A;
	s5 =	simm.s32 @!p2 $0x0  }
0x1d: {  	s5 =	simm.s32 @p1 $0x1;
	p0 =	seq.s32 s7, s2  }
0x1e: {  	s7 =	smul.u32 @!p0 $0xF7A, s2;
	p2 =	seq.s32 @!p0 s5, $0x0  }
0x1f: {  	s9 =	smul.u32 $0xF7A, s1;
	s8 =	simm.s32 @!p0 $0x1BF5;
	p2 =	por !p2, p0  }
0x20: {  	[sflag:s8] =	ssyncset.s32 @!p0 $0xFFFFF086;
	s6 =	sadd.s32 @!p0 s3, s7;
	s7 =	simm.s32 @!p0 $0x108  }
0x21: {  	s3 =	sadd.s32 s3, s9;
	s6 =	sadd.s32 @!p0 $0x88, s6;
	s7 =	simm.s32 @p2 $0x1082  }
0x22: {  	[simem:s7], [sflag:s8] =	dma.local @!p0 [hbm:s6], $0xF7A  }
0x23: {  	s9 =	sor.u32 $0xD0000000, s2;
	s6 =	simm.s32 $0x108;
	_ =	swait.ge @!p0 [sflag:s8], $0x0  }
0x24: {  	s3 =	sadd.s32 $0x88, s3;
	s6 =	simm.s32 @!p1 $0x1082;
	[sflag:s4] =	ssyncset.s32 $0xFFFFF086  }
0x25: {  	[simem:s6], [sflag:s4] =	dma.local [hbm:s3], $0xF7A  }
0x26: {  	[smem:$0x3F96] =	sst s1;
	(tag) =	ssettag s2;
	_ =	strace s9  }
0x27: {  	s1 =	sld [smem:$0x3FA6]  }
0x28: {  	s2 =	sld [smem:$0x3FA7]  }
0x29: {  	s4 =	sld [smem:$0x3FA9]  }
0x2a: {  	p0 =	seq.s32 s5, $0x0;
	s5 =	sld [smem:$0x3FAA]  }
0x2b: {  	s6 =	sld [smem:$0x3FAB]  }
0x2c: {  	s7 =	sld [smem:$0x3FAC]  }
0x2d: {  	s3 =	simm.s32 $0x108;
	s8 =	sld [smem:$0x3FAD]  }
0x2e: {  	s3 =	simm.s32 @!p0 $0x1082;
	s9 =	sld [smem:$0x3FAE]  }
0x2f: {  	lr =	sadd.s32 s0, s3;
	s0 =	sld [smem:$0x3FA5]  }
0x30: {  	s3 =	sld [smem:$0x3FA8]  }
0x31: {  	[smem:$0x3FB1] =	sst s10  }
0x32: {  	s10 =	sld [smem:$0x3FAF];
	_ =	sdelay $0x3  }
0x33: {  	p0 =	seq.s32 s10, $0x1;
	s10 =	sld [smem:$0x3FB1];
	_ =	sdelay $0x3  }
0x34: {  	[smem:$0x3FB1] =	sst s10  }
0x35: {  	s10 =	sld [smem:$0x3FB0];
	_ =	sdelay $0x3  }
0x36: {  	p1 =	seq.s32 s10, $0x1;
	s10 =	sld [smem:$0x3FB1];
	_ =	sdelay $0x3  }
0x37: {  	[smem:$0x3FB1] =	sst s10  }
0x38: {  	s10 =	sld [smem:$0x3FB2]  }
0x39: {  	_ = 	snop;
	(pc) =	sbr.ind lr, $3  }
0x3a: {  	_ = 	snop  }
0x3b: {  	_ = 	snop  }
0x3c: {  	p2 =	seq.s32 s10, $0x1;
	s10 =	sld [smem:$0x3FB1]  }
0x3d: {  	_ =	shalt  }
0x3e: {  	_ =	shalt  }
0x3f: {  	_ =	shalt  }
0x40: {  	_ =	shalt  }
0x41: {  	_ =	shalt  }
0x42: {  	_ =	shalt  }
0x43: {  	_ =	shalt  }
0x44: {  	_ =	shalt  }
0x45: {  	_ =	shalt  }
0x46: {  	_ =	shalt  }
0x47: {  	_ =	shalt  }
0x48: {  	_ =	shalt  }
0x49: {  	_ =	shalt  }
0x4a: {  	_ =	shalt  }
0x4b: {  	_ =	shalt  }
0x4c: {  	_ =	shalt  }
0x4d: {  	_ =	shalt  }
0x4e: {  	_ =	shalt  }
0x4f: {  	_ =	shalt  }
0x50: {  	_ =	shalt  }
0x51: {  	_ =	shalt  }
0x52: {  	_ =	shalt  }
0x53: {  	_ =	shalt  }
0x54: {  	_ =	shalt  }
0x55: {  	_ =	shalt  }
0x56: {  	_ =	shalt  }
0x57: {  	_ =	shalt  }
0x58: {  	_ =	shalt  }
0x59: {  	_ =	shalt  }
0x5a: {  	_ =	shalt  }
0x5b: {  	_ =	shalt  }
0x5c: {  	_ =	shalt  }
0x5d: {  	_ =	shalt  }
0x5e: {  	_ =	shalt  }
0x5f: {  	_ =	shalt  }
0x60: {  	_ =	shalt  }
0x61: {  	_ =	shalt  }
0x62: {  	_ =	shalt  }
0x63: {  	_ =	shalt  }
0x64: {  	_ =	shalt  }
0x65: {  	_ =	shalt  }
0x66: {  	_ =	shalt  }
0x67: {  	_ =	shalt  }
0x68: {  	_ =	shalt  }
0x69: {  	_ =	shalt  }
0x6a: {  	_ =	shalt  }
0x6b: {  	_ =	shalt  }
0x6c: {  	_ =	shalt  }
0x6d: {  	_ =	shalt  }
0x6e: {  	_ =	shalt  }
0x6f: {  	_ =	shalt  }
0x70: {  	_ =	shalt  }
0x71: {  	_ =	shalt  }
0x72: {  	_ =	shalt  }
0x73: {  	_ =	shalt  }
0x74: {  	_ =	shalt  }
0x75: {  	_ =	shalt  }
0x76: {  	_ =	shalt  }
0x77: {  	_ =	shalt  }
0x78: {  	_ =	shalt  }
0x79: {  	_ =	shalt  }
0x7a: {  	_ =	shalt  }
0x7b: {  	_ =	shalt  }
0x7c: {  	_ =	shalt  }
0x7d: {  	_ =	shalt  }
0x7e: {  	_ =	shalt  }
0x7f: {  	_ =	shalt  }
0x80: {  	_ =	shalt  }
0x81: {  	_ =	shalt  }
0x82: {  	_ =	shalt  }
0x83: {  	_ =	shalt  }
0x84: {  	_ =	shalt  }
0x85: {  	_ =	shalt  }
0x86: {  	_ =	shalt  }
0x87: {  	_ =	shalt  }
.Lfunc_end0:
.L_simem_size_0:
called_computation.2_lowered:
.L_overlay_start_0:
0x88: {  	s2 =	sld [smem:$0x3FD9]  }
0x89: {  	s3 =	sld [smem:$0x3FFE];
	_ =	sdelay $0x1  }
0x8a: {  	s1 =	srdreg.scid  }
0x8b: {  	s0 =	sand.u32 $0x1, s1  }
0x8c: {  	s17 =	sshll.u32 s0, $0xA;
	s2 =	sadd.s32 s3, s2  }
0x8d: {  	s2 =	sadd.s32 s2, s17  }
0x8e: {  	[smem:$0x3FBD] =	sst s2  }
0x8f: {  	_ = 	snop  }
0x90: {  	s2 =	sld [smem:$0x3FD0];
	(tm) =	ssettm $0x1  }
0x91: {  	s18 =	sld [smem:$0x3FFB];
	_ =	sdelay $0x3  }
0x92: {  	_ =	strace s18  }
0x93: {  	s3 =	sld [smem:$0x3FFC];
	_ =	sdelay $0x3  }
0x94: {  	_ =	strace s3  }
0x95: {  	s3 =	sld [smem:$0x3FFD];
	_ =	sdelay $0x3  }
0x96: {  	_ =	strace s3  }
0x97: {  	_ =	strace $0x8FFFFFFF  }
0x98: {  	s19 =	sld [smem:$0x3FDB];
	_ =	sdelay $0x1  }
0x99: {  	s4 =	simm.s32 $_scs_section_size  }
0x9a: {  	s5 =	simm.s32 $_size__tile_overlayer_lowered;
	s6 =	simm.s32 $_tile_overlayer_lowered  }
0x9b: {  	s22 =	simm.s32 $0x1BFF;
	s21 =	sshll.u32 s6, $0x1;
	s3 =	sadd.s32 s4, s19  }
0x9c: {  	s7 =	simm.s32 $0x0;
	s20 =	sshll.u32 s5, $0x1;
	s5 =	sadd.s32 s21, s3  }
0x9d: {  	[timem:s7], [sflag:s22] =	dma.local [hbm:s5], s20  }
0x9e: {  	_ =	swait.ge [sflag:s22], s20  }
0x9f: {  	s4 =	ssub.s32 $0x0, s20;
	[sflag:s22] =	ssyncset.done $0x0  }
0xa0: {  	[sflag:s22] =	ssyncadd.s32 s4;
	_ =	sdelay $0x1  }
0xa1: {  	s23 =	simm.s32 $0x1B8B  }
0xa2: {  	_ =	swait.ge [sflag:s23], $0x1  }
0xa3: {  	[sflag:s23] =	ssyncset.done $0x0  }
0xa4: {  	s25 =	simm.s32 $0x1B8E;
	s24 =	sld [smem:$0x3FFE];
	[sflag:s23] =	ssyncadd.s32 $0xFFFFFFFF  }
0xa5: {  	s26 =	simm.s32 $execute0_lowered;
	[smem:$0x3FD2] =	sst s25  }
0xa6: {  	s5 =	sshll.u32 s26, $0x1;
	_ =	strace $0x8000004C;
	[dreg:$0x1] =	wrdreg $0xFFFFFFFF  }
0xa7: {  	s28 =	simm.s32 $_size_execute0_lowered;
	s3 =	sadd.s32 s3, s5;
	[dreg:$0x0] =	wrdreg $0x0  }
0xa8: {  	s5 =	sshll.u32 s28, $0x1;
	[dreg:$0x2] =	wrdreg s3  }
0xa9: {  	[dreg:$0x3] =	wrdreg s5  }
0xaa: {  	[dreg:$0x4] =	wrdreg $0xC0  }
0xab: {  	_ =	task [dreg:s7], $0x5FFFF  }
0xac: {  	[dreg:$0x1] =	wrdreg $0xFFFFFFFF  }
0xad: {  	[dreg:$0x0] =	wrdreg $0x60  }
0xae: {  	[dreg:$0x2] =	wrdreg s2  }
0xaf: {  	[dreg:$0x3] =	wrdreg s24  }
0xb0: {  	[dreg:$0x4] =	wrdreg $0x0  }
0xb1: {  	[dreg:$0x5] =	wrdreg $0x9  }
0xb2: {  	_ =	task.clear_ibuf [dreg:s7], $0x6FFFF;
	_ =	strace $0x9000004C  }
0xb3: {  	s29 =	simm.s32 $0x9;
	_ =	strace $0x8000004E  }
0xb4: {  	_ =	swait.ge [sflag:s29], $0x1  }
0xb5: {  	[sflag:s29] =	ssyncadd.s32 $0xFFFFFFFF  }
0xb6: {  	_ =	strace $0x9000004E  }
0xb7: {  	_ =	sfence  }
0xb8: {  	s30 =	sld [smem:$0x0];
	_ =	sdelay $0x2  }
0xb9: {  	s31 =	sshll.u32 s1, $0xD;
	s1 =	sshrl.u32 s1, $0x2  }
0xba: {  	s3 =	sand.u32 $0x4000, s31;
	s1 =	sadd.s32 s1, s30  }
0xbb: {  	s0 =	sor.u32 s3, s0;
	s1 =	sshll.u32 s1, $0x11  }
0xbc: {  	s0 =	sor.u32 s1, s0  }
0xbd: {  	s0 =	sadd.s32 $0x8F2B, s0  }
0xbe: {  	[sflag:s0] =	ssyncadd.remote.s32 $0x1  }
0xbf: {  	_ =	sfence.sel $0xFFFF  }
0xc0: {  	[dreg:$0x0] =	wrdreg $0xFFFFFFFF;
	(pc) =	sbr.abs _section_cstart, $3  }
0xc1: {  	[dreg:$0x1] =	wrdreg $0xFFFFFFFF  }
0xc2: {  	_ =	task.clear_ibuf [dreg:s7], $0x2FFFF;
	_ =	strace $0x9FFFFFFF  }
0xc3: {  	(tm) =	ssettm $0x7FFFFFFF  }
tec
execute0_lowered:
.L_overlay_start_1:
0x0: {  	(tag) =	ssettag $0x1  }
0x1: {  	s1 =	rddreg [dreg:$0x0]  }
0x2: {  	s2 =	rddreg [dreg:$0x1];
	s4 =	srdreg.scid  }
0x3: {  	s0 =	stileid.u32;
	s3 =	rddreg [dreg:$0x2];
	s11 =	simm.s32 $0x5  }
0x4: {  	s20 =	simm.s32 $0x6;
	s21 =	simm.s32 $0x13C00;
	s23 =	simm.s32 $0x80  }
0x5: {  	s24 =	simm.s32 $0x1;
	s28 =	simm.s32 $0x3;
	s9 =	smul.u32 $0x13C00, s0  }
0x6: {  	s14 =	sand.u32 $0x1, s4;
	s4 =	simm.s32 $0x0;
	s10 =	smul.u32 $0x4F000, s0  }
0x7: {  	s5 =	smul.u32 $0x13C000, s14;
	[smem:$0x7FF] =	sst s4;
	s8 =	ssub.s32 $0x2, s14  }
0x8: {  	p0 =	seq.s32 s14, $0x0;
	s12 =	sshll.u32 s14, $0x9;
	s18 =	sshll.u32 s14, $0x10  }
0x9: {  	_ =	strace $0x8000004D;
	s25 =	sshrl.u32 s8, $0x1;
	s11 =	simm.s32 @!p0 $0x7  }
0xa: {  	s10 =	sshrl.u32 s10, $0x2;
	s6 =	sadd.s32 s9, s5;
	s5 =	sadd.s32 $0xDA00, s2  }
0xb: {  	s17 =	ssub.s32 s8, s25;
	s8 =	simm.s32 $0x4;
	s15 =	sshll.u32 s0, s11  }
0xc: {  	s13 =	sadd.s32 s10, s3;
	s9 =	sadd.s32 s9, s3;
	s25 =	simm.s32 $0x18C00  }
0xd: {  	s7 =	sshrl.u32 s6, $0x3;
	s6 =	sadd.s32 $0x3A00, s2;
	s8 =	simm.s32 @!p0 $0x10  }
0xe: {  	s16 =	sadd.s32 s12, s15;
	s26 =	sadd.s32 $0x4000, s13;
	s29 =	sadd.s32 $0x8000, s13  }
0xf: {  	s30 =	sadd.s32 $0xC000, s13;
	s31 =	sadd.s32 $0x10000, s13;
	[dreg:$0x4] =	wrdreg s26  }
0x10: {  	s19 =	sshll.u32 s15, $0x7;
	s17 =	smax.u32 s17, $0x1;
	[dreg:$0x5] =	wrdreg s29  }
0x11: {  	s2 =	sadd.s32 s7, s2;
	s7 =	simm.s32 $0x4;
	[dreg:$0x6] =	wrdreg s30  }
0x12: {  	[dreg:$0x7] =	wrdreg s31;
	s16 =	sshll.u32 s16, $0x4;
	s18 =	sadd.s32 s19, s18  }
0x13: {  	s19 =	simm.s32 $0x14C00;
	s26 =	simm.s32 $0x2;
	s14 =	sadd.s32 s5, s16  }
0x14: {  	v0 =	vimm.f32 $0.0e+00;
	s15 =	sadd.s32 s6, s16;
	s16 =	sadd.s32 $0x17A00, s2;
	s18 =	sor.u32 $0x400, s18  }
.LBB2_1:
0x15: {  	s2 =	simm.s32 $0x0;
	s22 =	simm.s32 $0x200  }
.LBB2_2:
0x16: {  	p0 =	sne.s32 s22, $0xFE00;
	[tilespmem:s2+$0x14C70] =	vst v0  }
0x17: {  	[tilespmem:s2+$0x14C00] =	vst v0  }
0x18: {  	[tilespmem:s2+$0x14C10] =	vst v0  }
.Ltmp0:
0x19: {  	[tilespmem:s2+$0x14C20] =	vst v0;
	(pc) =	sbr.rel @p0 .LBB2_2-.Ltmp0, $4  }
0x1a: {  	[tilespmem:s2+$0x14C30] =	vst v0  }
0x1b: {  	[tilespmem:s2+$0x14C40] =	vst v0  }
0x1c: {  	[tilespmem:s2+$0x14C50] =	vst v0  }
0x1d: {  	[tilespmem:s2+$0x14C60] =	vst v0;
	s2 =	sshra.s32 s22, $0x2;
	s22 =	sadd.s32 $0x200, s22  }
0x1e: {  	[tilespmem:s2+$0x14C70] =	vst v0  }
0x1f: {  	[tilespmem:s2+$0x14C00] =	vst v0  }
0x20: {  	[tilespmem:s2+$0x14C10] =	vst v0  }
0x21: {  	[tilespmem:s2+$0x14C20] =	vst v0  }
0x22: {  	[tilespmem:s2+$0x14C30] =	vst v0  }
0x23: {  	[tilespmem:s2+$0x14C40] =	vst v0  }
0x24: {  	[tilespmem:s2+$0x14C50] =	vst v0  }
0x25: {  	[tilespmem:s2+$0x14C60] =	vst v0  }
0x26: {  	[spmem:s9] =	stream.linear.scatter [tilespmem:s19], [sflag:$0x6], $0x4000, $0x38;
	[tilespmem:$0x1CC00] =	vst v63  }
0x27: {  	_ =	swait.ge [sflag:s20], $0x4000  }
0x28: {  	[sflag:s20] =	ssyncset.done $0x0  }
0x29: {  	s0 =	rddreg [dreg:$0x4];
	[sflag:s20] =	ssyncadd.s32 $0xFFFFC000  }
0x2a: {  	[spmem:s0] =	stream.linear.scatter [tilespmem:s19], [sflag:$0x6], $0x4000, $0x38;
	[tilespmem:$0x1CC00] =	vst v63  }
0x2b: {  	_ =	swait.ge [sflag:s20], $0x4000  }
0x2c: {  	[sflag:s20] =	ssyncset.done $0x0  }
0x2d: {  	s10 =	rddreg [dreg:$0x5];
	[sflag:s20] =	ssyncadd.s32 $0xFFFFC000  }
0x2e: {  	[spmem:s10] =	stream.linear.scatter [tilespmem:s19], [sflag:$0x6], $0x4000, $0x38;
	[tilespmem:$0x1CC00] =	vst v63  }
0x2f: {  	_ =	swait.ge [sflag:s20], $0x4000  }
0x30: {  	[sflag:s20] =	ssyncset.done $0x0  }
0x31: {  	s11 =	rddreg [dreg:$0x6];
	[sflag:s20] =	ssyncadd.s32 $0xFFFFC000  }
0x32: {  	[spmem:s11] =	stream.linear.scatter [tilespmem:s19], [sflag:$0x6], $0x4000, $0x38;
	[tilespmem:$0x1CC00] =	vst v63  }
0x33: {  	_ =	swait.ge [sflag:s20], $0x4000  }
0x34: {  	[sflag:s20] =	ssyncset.done $0x0  }
0x35: {  	s12 =	rddreg [dreg:$0x7];
	[sflag:s20] =	ssyncadd.s32 $0xFFFFC000  }
0x36: {  	[spmem:s12] =	stream.linear.scatter [tilespmem:s19], [sflag:$0x6], $0x3C00, $0x38;
	[tilespmem:$0x1CC00] =	vst v63  }
0x37: {  	_ =	swait.ge [sflag:s20], $0x3C00  }
0x38: {  	[sflag:s20] =	ssyncset.done $0x0  }
0x39: {  	[sflag:s20] =	ssyncadd.s32 $0xFFFFC400  }
0x3a: {  	s13 =	simm.s32 $0x0;
	[bflag:$0x0] =	sbarrier.arrive $0xFFFF  }
0x3b: {  	[tilespmem:s21], [sflag:$0x6] =	stream.linear.gather [hbm4b:s14+s13], $0x400, $0x38;
	[tilespmem:$0x1CC00] =	vst v63  }
0x3c: {  	_ =	swait.ge [sflag:s20], $0x400  }
0x3d: {  	[sflag:s20] =	ssyncset.done $0x0  }
0x3e: {  	s22 =	simm.s32 $0x14400;
	[sflag:s20] =	ssyncadd.s32 $0xFFFFFC00  }
0x3f: {  	[tilespmem:s22], [sflag:$0x6] =	stream.linear.gather [hbm4b:s15+s13], $0x400, $0x38;
	[tilespmem:$0x1CC00] =	vst v63  }
0x40: {  	_ =	swait.ge [sflag:s20], $0x400  }
0x41: {  	[sflag:s20] =	ssyncset.done $0x0  }
0x42: {  	[sflag:s20] =	ssyncadd.s32 $0xFFFFFC00  }
0x43: {  	[tilespmem:s19], [sflag:$0x1] =	stream.indirect.gather [hbm4b:s1+s23], $0x80, s21, s23, $0xb8;
	[tilespmem:$0x1CC00] =	vst v63  }
0x44: {  	_ =	swait.ge [sflag:s24], $0x4000  }
0x45: {  	p0 =	por $0x1, $0x1;
	[sflag:s24] =	ssyncset.done $0x0  }
0x46: {  	s22 =	simm.s32 @!p0 $0x4;
	[sflag:s24] =	ssyncadd.s32 $0xFFFFC000  }
0x47: {  	s29 =	sand.u32 $0x1, s13;
	_ =	swait.ge @!p0 [sflag:s22], $0x4000  }
0x48: {  	s2 =	sshll.u32 s29, $0xA;
	[sflag:s22] =	ssyncset.done @!p0 $0x0  }
0x49: {  	s30 =	sadd.s32 $0x13C80, s2;
	[sflag:s22] =	ssyncadd.s32 @!p0 $0xFFFFC000  }
0x4a: {  	[tilespmem:s25], [sflag:$0x2] =	stream.indirect.gather [hbm4b:s1+s23], $0x80, s30, s23, $0xb8;
	[tilespmem:$0x1CC00] =	vst v63  }
0x4b: {  	s31 =	sadd.s32 $0x14400, s2  }
0x4c: {  	[spmem:s3] =	stream.indirect.scatter.add.f32 [tilespmem:s19], [sflag:$0x3], $0x80, s31, s23, $0xb8;
	[tilespmem:$0x1CC00] =	vst v63  }
0x4d: {  	_ =	swait.ge [sflag:s26], $0x4000  }
0x4e: {  	[sflag:s26] =	ssyncset.done $0x0  }
0x4f: {  	[sflag:s26] =	ssyncadd.s32 $0xFFFFC000  }
0x50: {  	_ =	swait.ge [sflag:s28], $0x4000  }
0x51: {  	[sflag:s28] =	ssyncset.done $0x0  }
0x52: {  	s0 =	sadd.s32 $0x13D00, s2;
	[sflag:s28] =	ssyncadd.s32 $0xFFFFC000  }
0x53: {  	[tilespmem:s19], [sflag:$0x1] =	stream.indirect.gather [hbm4b:s1+s23], $0x80, s0, s23, $0xb8;
	[tilespmem:$0x1CC00] =	vst v63  }
0x54: {  	s22 =	sxor.u32 $0x1, s29;
	s29 =	sadd.s32 $0x14480, s2;
	p0 =	sle.u32 s8, $0x1  }
0x55: {  	[spmem:s3] =	stream.indirect.scatter.add.f32 [tilespmem:s25], [sflag:$0x4], $0x80, s29, s23, $0xb8;
	[tilespmem:$0x1CC00] =	vst v63  }
0x56: {  	s30 =	sshrl.u32 @!p0 s18, $0x3;
	_ =	swait.ge [sflag:s24], $0x4000  }
0x57: {  	s31 =	sadd.s32 @!p0 s5, s30;
	s29 =	sshll.u32 @!p0 s22, $0xA;
	[sflag:s24] =	ssyncset.done $0x0  }
0x58: {  	s0 =	simm.s32 @!p0 $0x0;
	s22 =	sadd.s32 @!p0 $0x13C00, s29;
	[sflag:s24] =	ssyncadd.s32 $0xFFFFC000  }
0x59: {  	[tilespmem:s22], [sflag:$0x5] =	stream.linear.gather @!p0 [hbm4b:s31+s0], $0x400, $0x38;
	[tilespmem:$0x1CC00] =	vst v63  }
0x5a: {  	s30 =	sadd.s32 @!p0 s6, s30;
	s29 =	sadd.s32 @!p0 $0x14400, s29  }
0x5b: {  	[tilespmem:s29], [sflag:$0x5] =	stream.linear.gather @!p0 [hbm4b:s30+s0], $0x400, $0x38;
	[tilespmem:$0x1CC00] =	vst v63  }
0x5c: {  	_ =	swait.ge [sflag:s7], $0x4000  }
0x5d: {  	[sflag:s7] =	ssyncset.done $0x0  }
0x5e: {  	s10 =	sor.u32 $0x100, s2;
	s29 =	sadd.s32 $0x13D80, s2;
	[sflag:s7] =	ssyncadd.s32 $0xFFFFC000  }
0x5f: {  	[tilespmem:s25], [sflag:$0x2] =	stream.indirect.gather [hbm4b:s1+s23], $0x80, s29, s23, $0xb8;
	[tilespmem:$0x1CC00] =	vst v63  }
0x60: {  	s0 =	sadd.s32 $0x14400, s10  }
0x61: {  	[spmem:s3] =	stream.indirect.scatter.add.f32 [tilespmem:s19], [sflag:$0x3], $0x80, s0, s23, $0xb8;
	[tilespmem:$0x1CC00] =	vst v63  }
0x62: {  	_ =	swait.ge [sflag:s26], $0x4000  }
0x63: {  	[sflag:s26] =	ssyncset.done $0x0  }
0x64: {  	[sflag:s26] =	ssyncadd.s32 $0xFFFFC000  }
0x65: {  	_ =	swait.ge [sflag:s28], $0x4000  }
0x66: {  	[sflag:s28] =	ssyncset.done $0x0  }
0x67: {  	s11 =	sadd.s32 $0x13E00, s2;
	[sflag:s28] =	ssyncadd.s32 $0xFFFFC000  }
0x68: {  	[tilespmem:s19], [sflag:$0x1] =	stream.indirect.gather [hbm4b:s1+s23], $0x80, s11, s23, $0xb8;
	[tilespmem:$0x1CC00] =	vst v63  }
0x69: {  	s12 =	sadd.s32 $0x14580, s2  }
0x6a: {  	[spmem:s3] =	stream.indirect.scatter.add.f32 [tilespmem:s25], [sflag:$0x4], $0x80, s12, s23, $0xb8;
	[tilespmem:$0x1CC00] =	vst v63  }
0x6b: {  	_ =	swait.ge [sflag:s24], $0x4000  }
0x6c: {  	[sflag:s24] =	ssyncset.done $0x0  }
0x6d: {  	[sflag:s24] =	ssyncadd.s32 $0xFFFFC000  }
0x6e: {  	_ =	swait.ge [sflag:s7], $0x4000  }
0x6f: {  	[sflag:s7] =	ssyncset.done $0x0  }
0x70: {  	s13 =	sadd.s32 $0x13E80, s2;
	[sflag:s7] =	ssyncadd.s32 $0xFFFFC000  }
0x71: {  	[tilespmem:s25], [sflag:$0x2] =	stream.indirect.gather [hbm4b:s1+s23], $0x80, s13, s23, $0xb8;
	[tilespmem:$0x1CC00] =	vst v63  }
0x72: {  	s31 =	sadd.s32 $0x14600, s2  }
0x73: {  	[spmem:s3] =	stream.indirect.scatter.add.f32 [tilespmem:s19], [sflag:$0x3], $0x80, s31, s23, $0xb8;
	[tilespmem:$0x1CC00] =	vst v63  }
0x74: {  	_ =	swait.ge [sflag:s26], $0x4000  }
0x75: {  	[sflag:s26] =	ssyncset.done $0x0  }
0x76: {  	[sflag:s26] =	ssyncadd.s32 $0xFFFFC000  }
0x77: {  	_ =	swait.ge [sflag:s28], $0x4000  }
0x78: {  	[sflag:s28] =	ssyncset.done $0x0  }
0x79: {  	s10 =	sadd.s32 $0x13F00, s2;
	[sflag:s28] =	ssyncadd.s32 $0xFFFFC000  }
0x7a: {  	[tilespmem:s19], [sflag:$0x1] =	stream.indirect.gather [hbm4b:s1+s23], $0x80, s10, s23, $0xb8;
	[tilespmem:$0x1CC00] =	vst v63  }
0x7b: {  	s11 =	sadd.s32 $0x14680, s2  }
0x7c: {  	[spmem:s3] =	stream.indirect.scatter.add.f32 [tilespmem:s25], [sflag:$0x4], $0x80, s11, s23, $0xb8;
	[tilespmem:$0x1CC00] =	vst v63  }
0x7d: {  	_ =	swait.ge [sflag:s24], $0x4000  }
0x7e: {  	[sflag:s24] =	ssyncset.done $0x0  }
0x7f: {  	[sflag:s24] =	ssyncadd.s32 $0xFFFFC000  }
0x80: {  	_ =	swait.ge [sflag:s7], $0x4000  }
0x81: {  	[sflag:s7] =	ssyncset.done $0x0  }
0x82: {  	s12 =	sadd.s32 $0x13F80, s2;
	[sflag:s7] =	ssyncadd.s32 $0xFFFFC000  }
0x83: {  	[tilespmem:s25], [sflag:$0x2] =	stream.indirect.gather [hbm4b:s1+s23], $0x80, s12, s23, $0xb8;
	[tilespmem:$0x1CC00] =	vst v63  }
0x84: {  	s13 =	sadd.s32 $0x14700, s2  }
0x85: {  	[spmem:s3] =	stream.indirect.scatter.add.f32 [tilespmem:s19], [sflag:$0x3], $0x80, s13, s23, $0xb8;
	[tilespmem:$0x1CC00] =	vst v63  }
0x86: {  	_ =	swait.ge [sflag:s26], $0x4000  }
0x87: {  	[sflag:s26] =	ssyncset.done $0x0  }
0x88: {  	[sflag:s26] =	ssyncadd.s32 $0xFFFFC000  }
0x89: {  	_ =	swait.ge [sflag:s28], $0x4000  }
0x8a: {  	[sflag:s28] =	ssyncset.done $0x0  }
0x8b: {  	s0 =	simm.s32 @!p0 $0x5;
	[sflag:s28] =	ssyncadd.s32 $0xFFFFC000  }
0x8c: {  	_ =	swait.ge @!p0 [sflag:s0], $0x400  }
0x8d: {  	[sflag:s0] =	ssyncset.done @!p0 $0x0  }
0x8e: {  	[sflag:s0] =	ssyncadd.s32 @!p0 $0xFFFFFC00  }
0x8f: {  	_ =	swait.ge @!p0 [sflag:s0], $0x400  }
0x90: {  	[sflag:s0] =	ssyncset.done @!p0 $0x0  }
0x91: {  	s29 =	simm.s32 @!p0 $0x80;
	[sflag:s0] =	ssyncadd.s32 @!p0 $0xFFFFFC00;
	s0 =	simm.s32 @!p0 $0x14C00  }
0x92: {  	[tilespmem:s0], [sflag:$0x1] =	stream.indirect.gather @!p0 [hbm4b:s1+s29], $0x80, s22, s29, $0xb8;
	[tilespmem:$0x1CC00] =	vst v63  }
0x93: {  	p0 =	sne.s32 s8, $0x1  }
.Ltmp1:
0x94: {  	_ = 	snop;
	(pc) =	sbr.rel @!p0 .LBB2_5-.Ltmp1, $3  }
0x95: {  	_ =	sdelay $0x1  }
0x96: {  	s31 =	sor.u32 $0x380, s2  }
0x97: {  	s30 =	smov.u32 s18;
	s2 =	sadd.s32 $0x14400, s31;
	s29 =	simm.s32 $0x1  }
.LBB2_4:
0x98: {  	s30 =	sadd.s32 $0x400, s30;
	s0 =	smov.u32 s29;
	s29 =	sadd.s32 $0x1, s29  }
0x99: {  	[spmem:s3] =	stream.indirect.scatter.add.f32 [tilespmem:s25], [sflag:$0x4], $0x80, s2, s23, $0xb8;
	[tilespmem:$0x1CC00] =	vst v63  }
0x9a: {  	p1 =	seq.s32 s0, $0x0;
	p0 =	sne.s32 s8, s29;
	_ =	swait.ge [sflag:s24], $0x4000  }
0x9b: {  	s22 =	simm.s32 @!p1 $0x4;
	[sflag:s24] =	ssyncset.done $0x0  }
0x9c: {  	s0 =	sand.u32 $0x1, s0;
	[sflag:s24] =	ssyncadd.s32 $0xFFFFC000  }
0x9d: {  	s10 =	sxor.u32 $0x1, s0;
	s2 =	sshll.u32 s0, $0xA;
	_ =	swait.ge @!p1 [sflag:s22], $0x4000  }
0x9e: {  	s0 =	sadd.s32 $0x13C80, s2;
	s11 =	sor.u32 $0x100, s2;
	[sflag:s22] =	ssyncset.done @!p1 $0x0  }
0x9f: {  	s31 =	sor.u32 $0x380, s2;
	[sflag:s22] =	ssyncadd.s32 @!p1 $0xFFFFC000  }
0xa0: {  	[tilespmem:s25], [sflag:$0x2] =	stream.indirect.gather [hbm4b:s1+s23], $0x80, s0, s23, $0xb8;
	[tilespmem:$0x1CC00] =	vst v63  }
0xa1: {  	s0 =	sadd.s32 $0x14400, s2  }
0xa2: {  	[spmem:s3] =	stream.indirect.scatter.add.f32 [tilespmem:s19], [sflag:$0x3], $0x80, s0, s23, $0xb8;
	[tilespmem:$0x1CC00] =	vst v63  }
0xa3: {  	_ =	swait.ge [sflag:s26], $0x4000  }
0xa4: {  	[sflag:s26] =	ssyncset.done $0x0  }
0xa5: {  	[sflag:s26] =	ssyncadd.s32 $0xFFFFC000  }
0xa6: {  	_ =	swait.ge [sflag:s28], $0x4000  }
0xa7: {  	s0 =	sadd.s32 $0x13D00, s2;
	[sflag:s28] =	ssyncset.done $0x0  }
0xa8: {  	[sflag:s28] =	ssyncadd.s32 $0xFFFFC000  }
0xa9: {  	[tilespmem:s19], [sflag:$0x1] =	stream.indirect.gather [hbm4b:s1+s23], $0x80, s0, s23, $0xb8;
	[tilespmem:$0x1CC00] =	vst v63  }
0xaa: {  	p1 =	sge.u32 s29, s8;
	s0 =	sadd.s32 $0x14480, s2  }
0xab: {  	[spmem:s3] =	stream.indirect.scatter.add.f32 [tilespmem:s25], [sflag:$0x4], $0x80, s0, s23, $0xb8;
	[tilespmem:$0x1CC00] =	vst v63  }
0xac: {  	s0 =	sshll.u32 @!p1 s10, $0xA;
	s10 =	sshrl.u32 @!p1 s30, $0x3;
	_ =	swait.ge [sflag:s24], $0x4000  }
0xad: {  	s22 =	sadd.s32 @!p1 $0x13C00, s0;
	s12 =	sadd.s32 @!p1 s5, s10;
	[sflag:s24] =	ssyncset.done $0x0  }
0xae: {  	s13 =	simm.s32 @!p1 $0x0;
	s0 =	sadd.s32 @!p1 $0x14400, s0;
	[sflag:s24] =	ssyncadd.s32 $0xFFFFC000  }
0xaf: {  	[tilespmem:s22], [sflag:$0x5] =	stream.linear.gather @!p1 [hbm4b:s12+s13], $0x400, $0x38;
	[tilespmem:$0x1CC00] =	vst v63  }
0xb0: {  	s10 =	sadd.s32 @!p1 s6, s10  }
0xb1: {  	[tilespmem:s0], [sflag:$0x5] =	stream.linear.gather @!p1 [hbm4b:s10+s13], $0x400, $0x38;
	[tilespmem:$0x1CC00] =	vst v63  }
0xb2: {  	_ =	swait.ge [sflag:s7], $0x4000  }
0xb3: {  	s0 =	sadd.s32 $0x13D80, s2;
	[sflag:s7] =	ssyncset.done $0x0  }
0xb4: {  	s10 =	sadd.s32 $0x14400, s11;
	[sflag:s7] =	ssyncadd.s32 $0xFFFFC000  }
0xb5: {  	[tilespmem:s25], [sflag:$0x2] =	stream.indirect.gather [hbm4b:s1+s23], $0x80, s0, s23, $0xb8;
	[tilespmem:$0x1CC00] =	vst v63  }
0xb6: {  	_ = 	snop  }
0xb7: {  	[spmem:s3] =	stream.indirect.scatter.add.f32 [tilespmem:s19], [sflag:$0x3], $0x80, s10, s23, $0xb8;
	[tilespmem:$0x1CC00] =	vst v63  }
0xb8: {  	_ =	swait.ge [sflag:s26], $0x4000  }
0xb9: {  	[sflag:s26] =	ssyncset.done $0x0  }
0xba: {  	[sflag:s26] =	ssyncadd.s32 $0xFFFFC000  }
0xbb: {  	_ =	swait.ge [sflag:s28], $0x4000  }
0xbc: {  	s0 =	sadd.s32 $0x13E00, s2;
	[sflag:s28] =	ssyncset.done $0x0  }
0xbd: {  	s10 =	sadd.s32 $0x14580, s2;
	[sflag:s28] =	ssyncadd.s32 $0xFFFFC000  }
0xbe: {  	[tilespmem:s19], [sflag:$0x1] =	stream.indirect.gather [hbm4b:s1+s23], $0x80, s0, s23, $0xb8;
	[tilespmem:$0x1CC00] =	vst v63  }
0xbf: {  	_ = 	snop  }
0xc0: {  	[spmem:s3] =	stream.indirect.scatter.add.f32 [tilespmem:s25], [sflag:$0x4], $0x80, s10, s23, $0xb8;
	[tilespmem:$0x1CC00] =	vst v63  }
0xc1: {  	_ =	swait.ge [sflag:s24], $0x4000  }
0xc2: {  	[sflag:s24] =	ssyncset.done $0x0  }
0xc3: {  	[sflag:s24] =	ssyncadd.s32 $0xFFFFC000  }
0xc4: {  	_ =	swait.ge [sflag:s7], $0x4000  }
0xc5: {  	s0 =	sadd.s32 $0x13E80, s2;
	[sflag:s7] =	ssyncset.done $0x0  }
0xc6: {  	s10 =	sadd.s32 $0x14600, s2;
	[sflag:s7] =	ssyncadd.s32 $0xFFFFC000  }
0xc7: {  	[tilespmem:s25], [sflag:$0x2] =	stream.indirect.gather [hbm4b:s1+s23], $0x80, s0, s23, $0xb8;
	[tilespmem:$0x1CC00] =	vst v63  }
0xc8: {  	_ = 	snop  }
0xc9: {  	[spmem:s3] =	stream.indirect.scatter.add.f32 [tilespmem:s19], [sflag:$0x3], $0x80, s10, s23, $0xb8;
	[tilespmem:$0x1CC00] =	vst v63  }
0xca: {  	_ =	swait.ge [sflag:s26], $0x4000  }
0xcb: {  	[sflag:s26] =	ssyncset.done $0x0  }
0xcc: {  	[sflag:s26] =	ssyncadd.s32 $0xFFFFC000  }
0xcd: {  	_ =	swait.ge [sflag:s28], $0x4000  }
0xce: {  	s0 =	sadd.s32 $0x13F00, s2;
	[sflag:s28] =	ssyncset.done $0x0  }
0xcf: {  	s10 =	sadd.s32 $0x14680, s2;
	[sflag:s28] =	ssyncadd.s32 $0xFFFFC000  }
0xd0: {  	[tilespmem:s19], [sflag:$0x1] =	stream.indirect.gather [hbm4b:s1+s23], $0x80, s0, s23, $0xb8;
	[tilespmem:$0x1CC00] =	vst v63  }
0xd1: {  	_ = 	snop  }
0xd2: {  	[spmem:s3] =	stream.indirect.scatter.add.f32 [tilespmem:s25], [sflag:$0x4], $0x80, s10, s23, $0xb8;
	[tilespmem:$0x1CC00] =	vst v63  }
0xd3: {  	_ =	swait.ge [sflag:s24], $0x4000  }
0xd4: {  	[sflag:s24] =	ssyncset.done $0x0  }
0xd5: {  	[sflag:s24] =	ssyncadd.s32 $0xFFFFC000  }
0xd6: {  	_ =	swait.ge [sflag:s7], $0x4000  }
0xd7: {  	s0 =	sadd.s32 $0x13F80, s2;
	[sflag:s7] =	ssyncset.done $0x0  }
0xd8: {  	s2 =	sadd.s32 $0x14700, s2;
	[sflag:s7] =	ssyncadd.s32 $0xFFFFC000  }
0xd9: {  	[tilespmem:s25], [sflag:$0x2] =	stream.indirect.gather [hbm4b:s1+s23], $0x80, s0, s23, $0xb8;
	[tilespmem:$0x1CC00] =	vst v63  }
0xda: {  	_ = 	snop  }
0xdb: {  	[spmem:s3] =	stream.indirect.scatter.add.f32 [tilespmem:s19], [sflag:$0x3], $0x80, s2, s23, $0xb8;
	[tilespmem:$0x1CC00] =	vst v63  }
0xdc: {  	_ =	swait.ge [sflag:s26], $0x4000  }
0xdd: {  	[sflag:s26] =	ssyncset.done $0x0  }
0xde: {  	[sflag:s26] =	ssyncadd.s32 $0xFFFFC000  }
0xdf: {  	_ =	swait.ge [sflag:s28], $0x4000  }
0xe0: {  	s0 =	simm.s32 @!p1 $0x5;
	[sflag:s28] =	ssyncset.done $0x0  }
0xe1: {  	[sflag:s28] =	ssyncadd.s32 $0xFFFFC000  }
0xe2: {  	_ =	swait.ge @!p1 [sflag:s0], $0x400  }
0xe3: {  	[sflag:s0] =	ssyncset.done @!p1 $0x0  }
.Ltmp2:
0xe4: {  	[sflag:s0] =	ssyncadd.s32 @!p1 $0xFFFFFC00;
	(pc) =	sbr.rel @p0 .LBB2_4-.Ltmp2, $4  }
0xe5: {  	_ =	swait.ge @!p1 [sflag:s0], $0x400  }
0xe6: {  	s11 =	simm.s32 @!p1 $0x14C00;
	s10 =	simm.s32 @!p1 $0x80;
	[sflag:s0] =	ssyncset.done @!p1 $0x0  }
0xe7: {  	s2 =	sadd.s32 $0x14400, s31;
	[sflag:s0] =	ssyncadd.s32 @!p1 $0xFFFFFC00  }
0xe8: {  	[tilespmem:s11], [sflag:$0x1] =	stream.indirect.gather @!p1 [hbm4b:s1+s10], $0x80, s22, s10, $0xb8;
	[tilespmem:$0x1CC00] =	vst v63  }
.LBB2_5:
0xe9: {  	[spmem:s3] =	stream.indirect.scatter.add.f32 [tilespmem:s25], [sflag:$0x4], $0x80, s2, s23, $0xb8;
	[tilespmem:$0x1CC00] =	vst v63  }
0xea: {  	s0 =	stileid.u32;
	_ =	swait.ge [sflag:s7], $0x4000  }
0xeb: {  	s31 =	sshrl.u32 s9, $0x3;
	s4 =	sadd.s32 $0x1, s4;
	[sflag:s7] =	ssyncset.done $0x0  }
0xec: {  	s0 =	sshll.u32 s0, $0x6;
	p0 =	sne.s32 s4, s17;
	[sflag:s7] =	ssyncadd.s32 $0xFFFFC000  }
.Ltmp3:
0xed: {  	s0 =	sor.u32 $0x1C06, s0;
	[bflag:$0x0] =	sbarrier.arrive $0xFFFF;
	(pc) =	sbr.rel @p0 .LBB2_1-.Ltmp3, $4  }
0xee: {  	[hbm:s16], [sflag:s0] =	dma.local [spmem:s31], $0x2780  }
0xef: {  	_ =	swait.ge [sflag:s20], $0x2780  }
0xf0: {  	[sflag:s20] =	ssyncset.done $0x0  }
0xf1: {  	[sflag:s20] =	ssyncadd.s32 $0xFFFFD880  }
0xf2: {  	_ =	sfence.sel $0x180000  }
0xf3: {  	[bflag:$0x0] =	sbarrier.arrive $0xFFFF  }
0xf4: {  	_ =	strace $0x9000004D  }
0xf5: {  	s0 =	stileid.u32;
	[bflag:$0x2] =	sbarrier.arrive $0xFFFF  }
0xf6: {  	p0 =	sne.s32 s0, $0x0;
	s0 =	rddreg [dreg:$0x3]  }
0xf7: {  	s0 =	sadd.s32 @!p0 $0x100000, s0  }
0xf8: {  	[sflag:s0] =	ssyncadd.tile.s32 @!p0 $0x1;
	_ =	shalt  }
.Lfunc_end2:
_tile_overlayer_lowered:
.L_overlay_start_2:
0xf9: {  	(tag) =	ssettag $0x2  }
0xfa: {  	s0 =	rddreg [dreg:$0x0];
	s2 =	stileid.u32  }
0xfb: {  	s1 =	rddreg [dreg:$0x1];
	p0 =	sne.s32 s2, $0x0  }
0xfc: {  	s3 =	rddreg [dreg:$0x2];
	[bflag:$0x3] =	sbarrier.arrive $0xFFFF;
	s2 =	simm.s32 @!p0 $0x1C06  }
0xfd: {  	[timem:s3], [sflag:s2] =	dma.local @!p0 [hbm:s0], s1  }
0xfe: {  	s0 =	simm.s32 @!p0 $0x6  }
0xff: {  	_ =	swait.ge @!p0 [sflag:s0], s1  }
0x100: {  	s1 =	ssub.s32 @!p0 $0x0, s1;
	[sflag:s0] =	ssyncset.done @!p0 $0x0  }
0x101: {  	[sflag:s0] =	ssyncadd.s32 @!p0 s1  }
0x102: {  	[bflag:$0x3] =	sbarrier.arrive $0xFFFF  }
0x103: {  	_ =	shalt  }

// kernel: kernel.8.cloned.1.call-start
scs
__scs_entry_jumppad:
0x0: {  	(pc) =	sbr.rel $0x88, $3  }
0x1: {  	(tag) =	ssettag $0x0;
	lr =	simm.s32 $0x1  }
0x2: {  	[smem:$0x3F96] =	sst lr;
	_ =	strace $0xD0000000  }
0x3: {  	_ = 	snop  }
0x4: {  	_ = 	snop  }
0x5: {  	_ = 	snop  }
0x6: {  	_ = 	snop  }
0x7: {  	_ = 	snop  }
__scs_overlays_trampoline_lowered:
0x8: {  	[smem:$0x3FA5] =	sst s0  }
0x9: {  	[smem:$0x3FA6] =	sst s1  }
0xa: {  	[smem:$0x3FA7] =	sst s2  }
0xb: {  	[smem:$0x3FA8] =	sst s3  }
0xc: {  	[smem:$0x3FA9] =	sst s4  }
0xd: {  	[smem:$0x3FAA] =	sst s5  }
0xe: {  	[smem:$0x3FAB] =	sst s6  }
0xf: {  	[smem:$0x3FAC] =	sst s7  }
0x10: {  	[smem:$0x3FAD] =	sst s8  }
0x11: {  	[smem:$0x3FAE] =	sst s9;
	s0 =	simm.s32 @!p0 $0x0  }
0x12: {  	s1 =	sld [smem:$0x3F94];
	s0 =	simm.s32 @p0 $0x1  }
0x13: {  	[smem:$0x3FAF] =	sst s0;
	s0 =	simm.s32 @!p1 $0x0  }
0x14: {  	s2 =	sld [smem:$0x3F93];
	s0 =	simm.s32 @p1 $0x1  }
0x15: {  	[smem:$0x3FB0] =	sst s0;
	s0 =	simm.s32 @!p2 $0x0  }
0x16: {  	s3 =	sld [smem:$0x3FDB];
	s0 =	simm.s32 @p2 $0x1  }
0x17: {  	s4 =	simm.s32 $0x1BF5;
	[smem:$0x3FB2] =	sst s0  }
0x18: {  	s0 =	sld [smem:$0x3F95];
	_ =	swait.ge [sflag:s4], $0x0  }
0x19: {  	s7 =	sld [smem:$0x3F96]  }
0x1a: {  	s8 =	sadd.s32 $0xFFFFE003, lr  }
0x1b: {  	s9 =	sadd.s32 $0xFFFFFEF7, lr;
	s5 =	simm.s32 $0xFFFFFFFF;
	p2 =	slt.u32 s8, $0xFFFFF086  }
0x1c: {  	p1 =	slt.u32 s9, $0xF7A;
	s5 =	simm.s32 @!p2 $0x0  }
0x1d: {  	s5 =	simm.s32 @p1 $0x1;
	p0 =	seq.s32 s7, s2  }
0x1e: {  	s7 =	smul.u32 @!p0 $0xF7A, s2;
	p2 =	seq.s32 @!p0 s5, $0x0  }
0x1f: {  	s9 =	smul.u32 $0xF7A, s1;
	s8 =	simm.s32 @!p0 $0x1BF5;
	p2 =	por !p2, p0  }
0x20: {  	[sflag:s8] =	ssyncset.s32 @!p0 $0xFFFFF086;
	s6 =	sadd.s32 @!p0 s3, s7;
	s7 =	simm.s32 @!p0 $0x108  }
0x21: {  	s3 =	sadd.s32 s3, s9;
	s6 =	sadd.s32 @!p0 $0x88, s6;
	s7 =	simm.s32 @p2 $0x1082  }
0x22: {  	[simem:s7], [sflag:s8] =	dma.local @!p0 [hbm:s6], $0xF7A  }
0x23: {  	s9 =	sor.u32 $0xD0000000, s2;
	s6 =	simm.s32 $0x108;
	_ =	swait.ge @!p0 [sflag:s8], $0x0  }
0x24: {  	s3 =	sadd.s32 $0x88, s3;
	s6 =	simm.s32 @!p1 $0x1082;
	[sflag:s4] =	ssyncset.s32 $0xFFFFF086  }
0x25: {  	[simem:s6], [sflag:s4] =	dma.local [hbm:s3], $0xF7A  }
0x26: {  	[smem:$0x3F96] =	sst s1;
	(tag) =	ssettag s2;
	_ =	strace s9  }
0x27: {  	s1 =	sld [smem:$0x3FA6]  }
0x28: {  	s2 =	sld [smem:$0x3FA7]  }
0x29: {  	s4 =	sld [smem:$0x3FA9]  }
0x2a: {  	p0 =	seq.s32 s5, $0x0;
	s5 =	sld [smem:$0x3FAA]  }
0x2b: {  	s6 =	sld [smem:$0x3FAB]  }
0x2c: {  	s7 =	sld [smem:$0x3FAC]  }
0x2d: {  	s3 =	simm.s32 $0x108;
	s8 =	sld [smem:$0x3FAD]  }
0x2e: {  	s3 =	simm.s32 @!p0 $0x1082;
	s9 =	sld [smem:$0x3FAE]  }
0x2f: {  	lr =	sadd.s32 s0, s3;
	s0 =	sld [smem:$0x3FA5]  }
0x30: {  	s3 =	sld [smem:$0x3FA8]  }
0x31: {  	[smem:$0x3FB1] =	sst s10  }
0x32: {  	s10 =	sld [smem:$0x3FAF];
	_ =	sdelay $0x3  }
0x33: {  	p0 =	seq.s32 s10, $0x1;
	s10 =	sld [smem:$0x3FB1];
	_ =	sdelay $0x3  }
0x34: {  	[smem:$0x3FB1] =	sst s10  }
0x35: {  	s10 =	sld [smem:$0x3FB0];
	_ =	sdelay $0x3  }
0x36: {  	p1 =	seq.s32 s10, $0x1;
	s10 =	sld [smem:$0x3FB1];
	_ =	sdelay $0x3  }
0x37: {  	[smem:$0x3FB1] =	sst s10  }
0x38: {  	s10 =	sld [smem:$0x3FB2]  }
0x39: {  	_ = 	snop;
	(pc) =	sbr.ind lr, $3  }
0x3a: {  	_ = 	snop  }
0x3b: {  	_ = 	snop  }
0x3c: {  	p2 =	seq.s32 s10, $0x1;
	s10 =	sld [smem:$0x3FB1]  }
0x3d: {  	_ =	shalt  }
0x3e: {  	_ =	shalt  }
0x3f: {  	_ =	shalt  }
0x40: {  	_ =	shalt  }
0x41: {  	_ =	shalt  }
0x42: {  	_ =	shalt  }
0x43: {  	_ =	shalt  }
0x44: {  	_ =	shalt  }
0x45: {  	_ =	shalt  }
0x46: {  	_ =	shalt  }
0x47: {  	_ =	shalt  }
0x48: {  	_ =	shalt  }
0x49: {  	_ =	shalt  }
0x4a: {  	_ =	shalt  }
0x4b: {  	_ =	shalt  }
0x4c: {  	_ =	shalt  }
0x4d: {  	_ =	shalt  }
0x4e: {  	_ =	shalt  }
0x4f: {  	_ =	shalt  }
0x50: {  	_ =	shalt  }
0x51: {  	_ =	shalt  }
0x52: {  	_ =	shalt  }
0x53: {  	_ =	shalt  }
0x54: {  	_ =	shalt  }
0x55: {  	_ =	shalt  }
0x56: {  	_ =	shalt  }
0x57: {  	_ =	shalt  }
0x58: {  	_ =	shalt  }
0x59: {  	_ =	shalt  }
0x5a: {  	_ =	shalt  }
0x5b: {  	_ =	shalt  }
0x5c: {  	_ =	shalt  }
0x5d: {  	_ =	shalt  }
0x5e: {  	_ =	shalt  }
0x5f: {  	_ =	shalt  }
0x60: {  	_ =	shalt  }
0x61: {  	_ =	shalt  }
0x62: {  	_ =	shalt  }
0x63: {  	_ =	shalt  }
0x64: {  	_ =	shalt  }
0x65: {  	_ =	shalt  }
0x66: {  	_ =	shalt  }
0x67: {  	_ =	shalt  }
0x68: {  	_ =	shalt  }
0x69: {  	_ =	shalt  }
0x6a: {  	_ =	shalt  }
0x6b: {  	_ =	shalt  }
0x6c: {  	_ =	shalt  }
0x6d: {  	_ =	shalt  }
0x6e: {  	_ =	shalt  }
0x6f: {  	_ =	shalt  }
0x70: {  	_ =	shalt  }
0x71: {  	_ =	shalt  }
0x72: {  	_ =	shalt  }
0x73: {  	_ =	shalt  }
0x74: {  	_ =	shalt  }
0x75: {  	_ =	shalt  }
0x76: {  	_ =	shalt  }
0x77: {  	_ =	shalt  }
0x78: {  	_ =	shalt  }
0x79: {  	_ =	shalt  }
0x7a: {  	_ =	shalt  }
0x7b: {  	_ =	shalt  }
0x7c: {  	_ =	shalt  }
0x7d: {  	_ =	shalt  }
0x7e: {  	_ =	shalt  }
0x7f: {  	_ =	shalt  }
0x80: {  	_ =	shalt  }
0x81: {  	_ =	shalt  }
0x82: {  	_ =	shalt  }
0x83: {  	_ =	shalt  }
0x84: {  	_ =	shalt  }
0x85: {  	_ =	shalt  }
0x86: {  	_ =	shalt  }
0x87: {  	_ =	shalt  }
.Lfunc_end0:
.L_simem_size_0:
called_computation_lowered:
.L_overlay_start_0:
0x88: {  	s2 =	sld [smem:$0x3FD9]  }
0x89: {  	s3 =	sld [smem:$0x3FFE];
	_ =	sdelay $0x1  }
0x8a: {  	s1 =	srdreg.scid  }
0x8b: {  	s0 =	sand.u32 $0x1, s1  }
0x8c: {  	s17 =	sshll.u32 s0, $0xA;
	s2 =	sadd.s32 s3, s2  }
0x8d: {  	s2 =	sadd.s32 s2, s17  }
0x8e: {  	[smem:$0x3FBD] =	sst s2  }
0x8f: {  	_ = 	snop  }
0x90: {  	s2 =	sld [smem:$0x3FC9]  }
0x91: {  	s18 =	sld [smem:$0x3FD0];
	(tm) =	ssettm $0x1  }
0x92: {  	s4 =	sld [smem:$0x3FFB];
	_ =	sdelay $0x3  }
0x93: {  	_ =	strace s4  }
0x94: {  	s4 =	sld [smem:$0x3FFC];
	_ =	sdelay $0x3  }
0x95: {  	_ =	strace s4  }
0x96: {  	s4 =	sld [smem:$0x3FFD];
	_ =	sdelay $0x3  }
0x97: {  	_ =	strace s4  }
0x98: {  	_ =	strace $0x8FFFFFFF  }
0x99: {  	s19 =	sld [smem:$0x3FDB];
	_ =	sdelay $0x1  }
0x9a: {  	s5 =	simm.s32 $_scs_section_size  }
0x9b: {  	s6 =	simm.s32 $_size__tile_overlayer_lowered;
	s7 =	simm.s32 $_tile_overlayer_lowered  }
0x9c: {  	s22 =	simm.s32 $0x1BFF;
	s21 =	sshll.u32 s7, $0x1;
	s4 =	sadd.s32 s5, s19  }
0x9d: {  	s8 =	simm.s32 $0x0;
	s20 =	sshll.u32 s6, $0x1;
	s6 =	sadd.s32 s21, s4  }
0x9e: {  	[timem:s8], [sflag:s22] =	dma.local [hbm:s6], s20  }
0x9f: {  	_ =	swait.ge [sflag:s22], s20  }
0xa0: {  	s5 =	ssub.s32 $0x0, s20;
	[sflag:s22] =	ssyncset.done $0x0  }
0xa1: {  	[sflag:s22] =	ssyncadd.s32 s5;
	_ =	sdelay $0x1  }
0xa2: {  	s23 =	simm.s32 $0x1B8B  }
0xa3: {  	_ =	swait.ge [sflag:s23], $0x1  }
0xa4: {  	[sflag:s23] =	ssyncset.done $0x0  }
0xa5: {  	s25 =	simm.s32 $0x1B8E;
	s24 =	sld [smem:$0x3FFE];
	[sflag:s23] =	ssyncadd.s32 $0xFFFFFFFF  }
0xa6: {  	s26 =	simm.s32 $execute0_lowered;
	[smem:$0x3FD2] =	sst s25  }
0xa7: {  	s6 =	sshll.u32 s26, $0x1;
	_ =	strace $0x80000046;
	[dreg:$0x1] =	wrdreg $0xFFFFFFFF  }
0xa8: {  	s28 =	simm.s32 $_size_execute0_lowered;
	s4 =	sadd.s32 s4, s6;
	[dreg:$0x0] =	wrdreg $0x0  }
0xa9: {  	s6 =	sshll.u32 s28, $0x1;
	[dreg:$0x2] =	wrdreg s4  }
0xaa: {  	[dreg:$0x3] =	wrdreg s6  }
0xab: {  	[dreg:$0x4] =	wrdreg $0xC0  }
0xac: {  	_ =	task [dreg:s8], $0x5FFFF  }
0xad: {  	[dreg:$0x1] =	wrdreg $0xFFFFFFFF  }
0xae: {  	[dreg:$0x0] =	wrdreg $0x60  }
0xaf: {  	[dreg:$0x2] =	wrdreg s2  }
0xb0: {  	[dreg:$0x3] =	wrdreg s24  }
0xb1: {  	[dreg:$0x4] =	wrdreg s18  }
0xb2: {  	[dreg:$0x5] =	wrdreg $0x0  }
0xb3: {  	[dreg:$0x6] =	wrdreg $0x1CC000  }
0xb4: {  	[dreg:$0x7] =	wrdreg $0x9  }
0xb5: {  	_ =	task.clear_ibuf [dreg:s8], $0x8FFFF;
	_ =	strace $0x90000046  }
0xb6: {  	s29 =	simm.s32 $0x9;
	_ =	strace $0x80000048  }
0xb7: {  	_ =	swait.ge [sflag:s29], $0x1  }
0xb8: {  	[sflag:s29] =	ssyncadd.s32 $0xFFFFFFFF  }
0xb9: {  	_ =	strace $0x90000048  }
0xba: {  	_ =	sfence  }
0xbb: {  	s30 =	sld [smem:$0x0];
	_ =	sdelay $0x2  }
0xbc: {  	s31 =	sshll.u32 s1, $0xD;
	s1 =	sshrl.u32 s1, $0x2  }
0xbd: {  	s3 =	sand.u32 $0x4000, s31;
	s1 =	sadd.s32 s1, s30  }
0xbe: {  	s0 =	sor.u32 s3, s0;
	s1 =	sshll.u32 s1, $0x11  }
0xbf: {  	s0 =	sor.u32 s1, s0  }
0xc0: {  	s0 =	sadd.s32 $0x8F2B, s0  }
0xc1: {  	[sflag:s0] =	ssyncadd.remote.s32 $0x1  }
0xc2: {  	_ =	sfence.sel $0xFFFF  }
0xc3: {  	[dreg:$0x0] =	wrdreg $0xFFFFFFFF;
	(pc) =	sbr.abs _section_cstart, $3  }
0xc4: {  	[dreg:$0x1] =	wrdreg $0xFFFFFFFF  }
0xc5: {  	_ =	task.clear_ibuf [dreg:s8], $0x2FFFF;
	_ =	strace $0x9FFFFFFF  }
0xc6: {  	(tm) =	ssettm $0x7FFFFFFF  }
0xc7: {  	_ =	shalt  }
tec
execute0_lowered:
.L_overlay_start_1:
0x0: {  	(tag) =	ssettag $0x1  }
0x1: {  	s0 =	rddreg [dreg:$0x0]  }
0x2: {  	s1 =	rddreg [dreg:$0x1]  }
0x3: {  	s2 =	rddreg [dreg:$0x2]  }
0x4: {  	s3 =	rddreg [dreg:$0x3];
	s5 =	srdreg.scid  }
0x5: {  	s16 =	stileid.u32;
	s4 =	rddreg [dreg:$0x4]  }
0x6: {  	s13 =	simm.s32 $0x5;
	s28 =	simm.s32 $0x7;
	s10 =	smul.u32 $0x13C00, s16  }
0x7: {  	s29 =	simm.s32 $0x1F380;
	s11 =	sand.u32 $0x1, s5;
	s14 =	smul.u32 $0x278, s16  }
0x8: {  	s31 =	simm.s32 $0x1;
	s5 =	simm.s32 $0x0;
	s6 =	smul.u32 $0x13C000, s11  }
0x9: {  	[smem:$0x7FF] =	sst s5;
	s8 =	ssub.s32 $0x2, s11;
	p0 =	seq.s32 s11, $0x0  }
0xa: {  	s15 =	sshll.u32 s11, $0x9;
	s20 =	smul.u32 $0x27800, s11;
	s11 =	sshll.u32 s11, $0x10  }
0xb: {  	_ =	strace $0x80000047;
	s12 =	sshrl.u32 s8, $0x1;
	s13 =	simm.s32 @!p0 $0x7  }
0xc: {  	s17 =	sadd.s32 $0x80, s14;
	s19 =	sadd.s32 $0x100, s14;
	s26 =	sadd.s32 $0x180, s14  }
0xd: {  	s14 =	sadd.s32 $0x200, s14;
	s7 =	sadd.s32 s10, s6;
	s6 =	sadd.s32 $0xDA00, s1  }
0xe: {  	s12 =	ssub.s32 s8, s12;
	s8 =	simm.s32 $0x4;
	s13 =	sshll.u32 s16, s13  }
0xf: {  	s16 =	smul.u32 $0x2780, s16;
	s18 =	sshll.u32 s17, $0x7;
	s10 =	sadd.s32 s10, s3  }
0x10: {  	s25 =	sshll.u32 s19, $0x7;
	s21 =	sshll.u32 s26, $0x7;
	s30 =	sshll.u32 s14, $0x7  }
0x11: {  	s17 =	sshll.u32 s17, $0x4;
	s23 =	sshll.u32 s14, $0x4;
	s9 =	sshrl.u32 s7, $0x3  }
0x12: {  	s7 =	sadd.s32 $0x3A00, s1;
	s15 =	sadd.s32 s15, s13;
	s18 =	sadd.s32 s18, s3  }
0x13: {  	s21 =	sadd.s32 s21, s3;
	s13 =	sshll.u32 s13, $0x7;
	s1 =	sadd.s32 s9, s1  }
0x14: {  	s9 =	simm.s32 $0x4;
	[dreg:$0x6] =	wrdreg s18;
	s18 =	sadd.s32 s25, s3  }
0x15: {  	s20 =	sadd.s32 s16, s20;
	[dreg:$0x8] =	wrdreg s21;
	s16 =	sadd.s32 s16, s4  }
0x16: {  	s21 =	sshll.u32 s26, $0x4;
	s24 =	sshll.u32 s15, $0x4;
	s25 =	sadd.s32 s13, s11  }
0x17: {  	s11 =	simm.s32 $0x2;
	[dreg:$0x7] =	wrdreg s18;
	s22 =	sadd.s32 s21, s4  }
0x18: {  	s13 =	simm.s32 $0x6;
	s26 =	sadd.s32 s6, s24;
	[dreg:$0xd] =	wrdreg s22  }
0x19: {  	s20 =	sshrl.u32 s20, $0x3;
	s1 =	sadd.s32 $0x17A00, s1;
	[dreg:$0xf] =	wrdreg s26  }
0x1a: {  	s9 =	simm.s32 @!p0 $0x10;
	s2 =	sadd.s32 s2, s20;
	[dreg:$0x11] =	wrdreg s1  }
0x1b: {  	s15 =	sor.u32 $0x400, s25;
	[dreg:$0x9] =	wrdreg s2;
	s2 =	sadd.s32 s30, s3  }
0x1c: {  	s20 =	sshll.u32 s19, $0x4;
	s30 =	sadd.s32 s7, s24;
	[dreg:$0xa] =	wrdreg s2  }
0x1d: {  	s26 =	simm.s32 $0x14C00;
	s2 =	sadd.s32 s17, s4;
	[dreg:$0x10] =	wrdreg s30  }
0x1e: {  	s1 =	simm.s32 $0x18C00;
	[dreg:$0xb] =	wrdreg s2;
	s2 =	sadd.s32 s20, s4  }
0x1f: {  	s24 =	smax.u32 s12, $0x1;
	[dreg:$0xc] =	wrdreg s2;
	s2 =	sadd.s32 s23, s4  }
0x20: {  	v0 =	vimm.f32 $0.0e+00;
	v1 =	vimm.f32 $1.000000000e+00;
	s12 =	simm.s32 $0x3;
	[dreg:$0xe] =	wrdreg s2;
	s2 =	simm.s32 $0x80  }
.LBB2_1:
0x21: {  	s14 =	simm.s32 $0x14C40  }
0x22: {  	[tilespmem:s14+$0xFFFFFFD0] =	vst v0  }
0x23: {  	[tilespmem:s14+$0xFFFFFFE0] =	vst v0  }
0x24: {  	[tilespmem:s14+$0xFFFFFFF0] =	vst v0  }
0x25: {  	[tilespmem:s14+$0x0] =	vst v0  }
0x26: {  	[tilespmem:s14+$0x10] =	vst v0  }
0x27: {  	[tilespmem:s14+$0x20] =	vst v0  }
0x28: {  	[tilespmem:s14+$0x30] =	vst v0  }
0x29: {  	s18 =	simm.s32 $0x0;
	s17 =	simm.s32 $0x40;
	[tilespmem:s14+$0xFFFFFFC0] =	vst v0  }
.LBB2_2:
0x2a: {  	p0 =	sne.s32 s17, $0x1FC0;
	[tilespmem:s18+$0x1F380] =	vst v0;
	s14 =	sadd.s32 $0x80, s14  }
0x2b: {  	[tilespmem:s14+$0xFFFFFFD0] =	vst v0  }
0x2c: {  	[tilespmem:s14+$0xFFFFFFE0] =	vst v0  }
0x2d: {  	[tilespmem:s14+$0xFFFFFFF0] =	vst v0  }
.Ltmp0:
0x2e: {  	[tilespmem:s14+$0x0] =	vst v0;
	(pc) =	sbr.rel @p0 .LBB2_2-.Ltmp0, $4  }
0x2f: {  	[tilespmem:s14+$0x10] =	vst v0  }
0x30: {  	[tilespmem:s14+$0x20] =	vst v0  }
0x31: {  	[tilespmem:s14+$0x30] =	vst v0  }
0x32: {  	s18 =	sshra.s32 s17, $0x2;
	s17 =	sadd.s32 $0x40, s17;
	[tilespmem:s14+$0xFFFFFFC0] =	vst v0  }
0x33: {  	[tilespmem:s18+$0x1F380] =	vst v0  }
0x34: {  	[spmem:s10] =	stream.linear.scatter [tilespmem:s26], [sflag:$0x7], $0x4000, $0x38;
	[tilespmem:$0x1FB80] =	vst v63  }
0x35: {  	_ =	swait.ge [sflag:s28], $0x4000  }
0x36: {  	[sflag:s28] =	ssyncset.done $0x0  }
0x37: {  	s14 =	rddreg [dreg:$0x6];
	[sflag:s28] =	ssyncadd.s32 $0xFFFFC000  }
0x38: {  	[spmem:s14] =	stream.linear.scatter [tilespmem:s26], [sflag:$0x7], $0x4000, $0x38;
	[tilespmem:$0x1FB80] =	vst v63  }
0x39: {  	_ =	swait.ge [sflag:s28], $0x4000  }
0x3a: {  	[sflag:s28] =	ssyncset.done $0x0  }
0x3b: {  	s19 =	rddreg [dreg:$0x7];
	[sflag:s28] =	ssyncadd.s32 $0xFFFFC000  }
0x3c: {  	[spmem:s19] =	stream.linear.scatter [tilespmem:s26], [sflag:$0x7], $0x4000, $0x38;
	[tilespmem:$0x1FB80] =	vst v63  }
0x3d: {  	_ =	swait.ge [sflag:s28], $0x4000  }
0x3e: {  	[sflag:s28] =	ssyncset.done $0x0  }
0x3f: {  	s20 =	rddreg [dreg:$0x8];
	[sflag:s28] =	ssyncadd.s32 $0xFFFFC000  }
0x40: {  	[spmem:s20] =	stream.linear.scatter [tilespmem:s26], [sflag:$0x7], $0x4000, $0x38;
	[tilespmem:$0x1FB80] =	vst v63  }
0x41: {  	_ =	swait.ge [sflag:s28], $0x4000  }
0x42: {  	[sflag:s28] =	ssyncset.done $0x0  }
0x43: {  	s21 =	rddreg [dreg:$0xa];
	[sflag:s28] =	ssyncadd.s32 $0xFFFFC000  }
0x44: {  	[spmem:s21] =	stream.linear.scatter [tilespmem:s26], [sflag:$0x7], $0x3C00, $0x38;
	[tilespmem:$0x1FB80] =	vst v63  }
0x45: {  	_ =	swait.ge [sflag:s28], $0x3C00  }
0x46: {  	[sflag:s28] =	ssyncset.done $0x0  }
0x47: {  	[sflag:s28] =	ssyncadd.s32 $0xFFFFC400  }
0x48: {  	[spmem:s16] =	stream.linear.scatter [tilespmem:s29], [sflag:$0x7], $0x800, $0x38;
	[tilespmem:$0x1FB80] =	vst v63  }
0x49: {  	_ =	swait.ge [sflag:s28], $0x800  }
0x4a: {  	[sflag:s28] =	ssyncset.done $0x0  }
0x4b: {  	s22 =	rddreg [dreg:$0xb];
	[sflag:s28] =	ssyncadd.s32 $0xFFFFF800  }
0x4c: {  	[spmem:s22] =	stream.linear.scatter [tilespmem:s29], [sflag:$0x7], $0x800, $0x38;
	[tilespmem:$0x1FB80] =	vst v63  }
0x4d: {  	_ =	swait.ge [sflag:s28], $0x800  }
0x4e: {  	[sflag:s28] =	ssyncset.done $0x0  }
0x4f: {  	s23 =	rddreg [dreg:$0xc];
	[sflag:s28] =	ssyncadd.s32 $0xFFFFF800  }
0x50: {  	[spmem:s23] =	stream.linear.scatter [tilespmem:s29], [sflag:$0x7], $0x800, $0x38;
	[tilespmem:$0x1FB80] =	vst v63  }
0x51: {  	_ =	swait.ge [sflag:s28], $0x800  }
0x52: {  	[sflag:s28] =	ssyncset.done $0x0  }
0x53: {  	s25 =	rddreg [dreg:$0xd];
	[sflag:s28] =	ssyncadd.s32 $0xFFFFF800  }
0x54: {  	[spmem:s25] =	stream.linear.scatter [tilespmem:s29], [sflag:$0x7], $0x800, $0x38;
	[tilespmem:$0x1FB80] =	vst v63  }
0x55: {  	_ =	swait.ge [sflag:s28], $0x800  }
0x56: {  	[sflag:s28] =	ssyncset.done $0x0  }
0x57: {  	s30 =	rddreg [dreg:$0xe];
	[sflag:s28] =	ssyncadd.s32 $0xFFFFF800  }
0x58: {  	[spmem:s30] =	stream.linear.scatter [tilespmem:s29], [sflag:$0x7], $0x780, $0x38;
	[tilespmem:$0x1FB80] =	vst v63  }
0x59: {  	_ =	swait.ge [sflag:s28], $0x780  }
0x5a: {  	[sflag:s28] =	ssyncset.done $0x0  }
0x5b: {  	s17 =	simm.s32 $0x0;
	s14 =	simm.s32 $0x40;
	[sflag:s28] =	ssyncadd.s32 $0xFFFFF880  }
.LBB2_4:
0x5c: {  	p0 =	sne.s32 s14, $0x1FC0;
	[tilespmem:s17+$0x1F380] =	vst v1;
	s17 =	smov.u32 s14;
	s14 =	sadd.s32 $0x40, s14  }
.Ltmp1:
0x5d: {  	(pc) =	sbr.rel @p0 .LBB2_4-.Ltmp1, $2  }
0x5e: {  	_ =	sdelay $0x2  }
0x5f: {  	s17 =	sshra.s32 s17, $0x2  }
0x60: {  	[tilespmem:s17+$0x1F380] =	vst v1  }
0x61: {  	[bflag:$0x0] =	sbarrier.arrive $0xFFFF  }
0x62: {  	s14 =	simm.s32 $0x0;
	s18 =	simm.s32 $0x13C00;
	s23 =	rddreg [dreg:$0xf]  }
0x63: {  	[tilespmem:s18], [sflag:$0x7] =	stream.linear.gather [hbm4b:s23+s14], $0x400, $0x38;
	[tilespmem:$0x1FB80] =	vst v63  }
0x64: {  	_ =	swait.ge [sflag:s28], $0x400  }
0x65: {  	[sflag:s28] =	ssyncset.done $0x0  }
0x66: {  	s19 =	simm.s32 $0x14400;
	s25 =	rddreg [dreg:$0x10];
	[sflag:s28] =	ssyncadd.s32 $0xFFFFFC00  }
0x67: {  	[tilespmem:s19], [sflag:$0x7] =	stream.linear.gather [hbm4b:s25+s14], $0x400, $0x38;
	[tilespmem:$0x1FB80] =	vst v63  }
0x68: {  	_ =	swait.ge [sflag:s28], $0x400  }
0x69: {  	[sflag:s28] =	ssyncset.done $0x0  }
0x6a: {  	[sflag:s28] =	ssyncadd.s32 $0xFFFFFC00  }
0x6b: {  	[tilespmem:s26], [sflag:$0x1] =	stream.indirect.gather [hbm4b:s0+s2], $0x80, s18, s2, $0xb8;
	[tilespmem:$0x1FB80] =	vst v63  }
0x6c: {  	_ =	swait.ge [sflag:s31], $0x4000  }
0x6d: {  	p0 =	por $0x1, $0x1;
	[sflag:s31] =	ssyncset.done $0x0  }
0x6e: {  	s17 =	simm.s32 @!p0 $0x4;
	[sflag:s31] =	ssyncadd.s32 $0xFFFFC000  }
0x6f: {  	s30 =	sand.u32 $0x1, s14;
	_ =	swait.ge @!p0 [sflag:s17], $0x4000  }
0x70: {  	s14 =	sshll.u32 s30, $0xA;
	[sflag:s17] =	ssyncset.done @!p0 $0x0  }
0x71: {  	s19 =	sadd.s32 $0x13C80, s14;
	[sflag:s17] =	ssyncadd.s32 @!p0 $0xFFFFC000  }
0x72: {  	[tilespmem:s1], [sflag:$0x2] =	stream.indirect.gather [hbm4b:s0+s2], $0x80, s19, s2, $0xb8;
	[tilespmem:$0x1FB80] =	vst v63  }
0x73: {  	s20 =	sadd.s32 $0x14400, s14;
	s19 =	simm.s32 @!p0 $0x6  }
0x74: {  	[spmem:s3] =	stream.indirect.scatter.add.f32 [tilespmem:s26], [sflag:$0x3], $0x80, s20, s2, $0xb8;
	[tilespmem:$0x1FB80] =	vst v63  }
0x75: {  	_ =	swait.ge @!p0 [sflag:s19], $0x800  }
0x76: {  	[sflag:s19] =	ssyncset.done @!p0 $0x0  }
0x77: {  	[sflag:s19] =	ssyncadd.s32 @!p0 $0xFFFFF800  }
0x78: {  	[spmem:s4] =	stream.indirect.scatter.add.f32 [tilespmem:s29], [sflag:$0x6], $0x10, s20, s2, $0xb8;
	[tilespmem:$0x1FB80] =	vst v63  }
0x79: {  	_ =	swait.ge [sflag:s11], $0x4000  }
0x7a: {  	[sflag:s11] =	ssyncset.done $0x0  }
0x7b: {  	[sflag:s11] =	ssyncadd.s32 $0xFFFFC000  }
0x7c: {  	_ =	swait.ge [sflag:s12], $0x4000  }
0x7d: {  	[sflag:s12] =	ssyncset.done $0x0  }
0x7e: {  	s21 =	sor.u32 $0x80, s14;
	s22 =	sadd.s32 $0x13D00, s14;
	[sflag:s12] =	ssyncadd.s32 $0xFFFFC000  }
0x7f: {  	[tilespmem:s26], [sflag:$0x1] =	stream.indirect.gather [hbm4b:s0+s2], $0x80, s22, s2, $0xb8;
	[tilespmem:$0x1FB80] =	vst v63  }
0x80: {  	s17 =	sadd.s32 $0x14400, s21  }
0x81: {  	[spmem:s3] =	stream.indirect.scatter.add.f32 [tilespmem:s1], [sflag:$0x4], $0x80, s17, s2, $0xb8;
	[tilespmem:$0x1FB80] =	vst v63  }
0x82: {  	_ =	swait.ge [sflag:s13], $0x800  }
0x83: {  	[sflag:s13] =	ssyncset.done $0x0  }
0x84: {  	p0 =	sle.u32 s9, $0x1;
	[sflag:s13] =	ssyncadd.s32 $0xFFFFF800  }
0x85: {  	[spmem:s4] =	stream.indirect.scatter.add.f32 [tilespmem:s29], [sflag:$0x6], $0x10, s17, s2, $0xb8;
	[tilespmem:$0x1FB80] =	vst v63  }
0x86: {  	s19 =	sshrl.u32 @!p0 s15, $0x3;
	s17 =	sxor.u32 $0x1, s30;
	_ =	swait.ge [sflag:s31], $0x4000  }
0x87: {  	s25 =	simm.s32 @!p0 $0x0;
	s18 =	sshll.u32 @!p0 s17, $0xA;
	[sflag:s31] =	ssyncset.done $0x0  }
0x88: {  	s20 =	sadd.s32 @!p0 s6, s19;
	s17 =	sadd.s32 @!p0 $0x13C00, s18;
	[sflag:s31] =	ssyncadd.s32 $0xFFFFC000  }
0x89: {  	[tilespmem:s17], [sflag:$0x5] =	stream.linear.gather @!p0 [hbm4b:s20+s25], $0x400, $0x38;
	[tilespmem:$0x1FB80] =	vst v63  }
0x8a: {  	s19 =	sadd.s32 @!p0 s7, s19;
	s18 =	sadd.s32 @!p0 $0x14400, s18  }
0x8b: {  	[tilespmem:s18], [sflag:$0x5] =	stream.linear.gather @!p0 [hbm4b:s19+s25], $0x400, $0x38;
	[tilespmem:$0x1FB80] =	vst v63  }
0x8c: {  	_ =	swait.ge [sflag:s8], $0x4000  }
0x8d: {  	[sflag:s8] =	ssyncset.done $0x0  }
0x8e: {  	s23 =	sor.u32 $0x100, s14;
	s25 =	sadd.s32 $0x13D80, s14;
	[sflag:s8] =	ssyncadd.s32 $0xFFFFC000  }
0x8f: {  	[tilespmem:s1], [sflag:$0x2] =	stream.indirect.gather [hbm4b:s0+s2], $0x80, s25, s2, $0xb8;
	[tilespmem:$0x1FB80] =	vst v63  }
0x90: {  	s18 =	sadd.s32 $0x14400, s23  }
0x91: {  	[spmem:s3] =	stream.indirect.scatter.add.f32 [tilespmem:s26], [sflag:$0x3], $0x80, s18, s2, $0xb8;
	[tilespmem:$0x1FB80] =	vst v63  }
0x92: {  	_ =	swait.ge [sflag:s13], $0x800  }
0x93: {  	[sflag:s13] =	ssyncset.done $0x0  }
0x94: {  	[sflag:s13] =	ssyncadd.s32 $0xFFFFF800  }
0x95: {  	[spmem:s4] =	stream.indirect.scatter.add.f32 [tilespmem:s29], [sflag:$0x6], $0x10, s18, s2, $0xb8;
	[tilespmem:$0x1FB80] =	vst v63  }
0x96: {  	_ =	swait.ge [sflag:s11], $0x4000  }
0x97: {  	[sflag:s11] =	ssyncset.done $0x0  }
0x98: {  	[sflag:s11] =	ssyncadd.s32 $0xFFFFC000  }
0x99: {  	_ =	swait.ge [sflag:s12], $0x4000  }
0x9a: {  	[sflag:s12] =	ssyncset.done $0x0  }
0x9b: {  	s30 =	sadd.s32 $0x13E00, s14;
	[sflag:s12] =	ssyncadd.s32 $0xFFFFC000  }
0x9c: {  	[tilespmem:s26], [sflag:$0x1] =	stream.indirect.gather [hbm4b:s0+s2], $0x80, s30, s2, $0xb8;
	[tilespmem:$0x1FB80] =	vst v63  }
0x9d: {  	s19 =	sadd.s32 $0x14580, s14  }
0x9e: {  	[spmem:s3] =	stream.indirect.scatter.add.f32 [tilespmem:s1], [sflag:$0x4], $0x80, s19, s2, $0xb8;
	[tilespmem:$0x1FB80] =	vst v63  }
0x9f: {  	_ =	swait.ge [sflag:s13], $0x800  }
0xa0: {  	[sflag:s13] =	ssyncset.done $0x0  }
0xa1: {  	[sflag:s13] =	ssyncadd.s32 $0xFFFFF800  }
0xa2: {  	[spmem:s4] =	stream.indirect.scatter.add.f32 [tilespmem:s29], [sflag:$0x6], $0x10, s19, s2, $0xb8;
	[tilespmem:$0x1FB80] =	vst v63  }
0xa3: {  	_ =	swait.ge [sflag:s31], $0x4000  }
0xa4: {  	[sflag:s31] =	ssyncset.done $0x0  }
0xa5: {  	[sflag:s31] =	ssyncadd.s32 $0xFFFFC000  }
0xa6: {  	_ =	swait.ge [sflag:s8], $0x4000  }
0xa7: {  	[sflag:s8] =	ssyncset.done $0x0  }
0xa8: {  	s20 =	sadd.s32 $0x13E80, s14;
	[sflag:s8] =	ssyncadd.s32 $0xFFFFC000  }
0xa9: {  	[tilespmem:s1], [sflag:$0x2] =	stream.indirect.gather [hbm4b:s0+s2], $0x80, s20, s2, $0xb8;
	[tilespmem:$0x1FB80] =	vst v63  }
0xaa: {  	s21 =	sadd.s32 $0x14600, s14  }
0xab: {  	[spmem:s3] =	stream.indirect.scatter.add.f32 [tilespmem:s26], [sflag:$0x3], $0x80, s21, s2, $0xb8;
	[tilespmem:$0x1FB80] =	vst v63  }
0xac: {  	_ =	swait.ge [sflag:s13], $0x800  }
0xad: {  	[sflag:s13] =	ssyncset.done $0x0  }
0xae: {  	[sflag:s13] =	ssyncadd.s32 $0xFFFFF800  }
0xaf: {  	[spmem:s4] =	stream.indirect.scatter.add.f32 [tilespmem:s29], [sflag:$0x6], $0x10, s21, s2, $0xb8;
	[tilespmem:$0x1FB80] =	vst v63  }
0xb0: {  	_ =	swait.ge [sflag:s11], $0x4000  }
0xb1: {  	[sflag:s11] =	ssyncset.done $0x0  }
0xb2: {  	[sflag:s11] =	ssyncadd.s32 $0xFFFFC000  }
0xb3: {  	_ =	swait.ge [sflag:s12], $0x4000  }
0xb4: {  	[sflag:s12] =	ssyncset.done $0x0  }
0xb5: {  	s22 =	sadd.s32 $0x13F00, s14;
	[sflag:s12] =	ssyncadd.s32 $0xFFFFC000  }
0xb6: {  	[tilespmem:s26], [sflag:$0x1] =	stream.indirect.gather [hbm4b:s0+s2], $0x80, s22, s2, $0xb8;
	[tilespmem:$0x1FB80] =	vst v63  }
0xb7: {  	s23 =	sadd.s32 $0x14680, s14  }
0xb8: {  	[spmem:s3] =	stream.indirect.scatter.add.f32 [tilespmem:s1], [sflag:$0x4], $0x80, s23, s2, $0xb8;
	[tilespmem:$0x1FB80] =	vst v63  }
0xb9: {  	_ =	swait.ge [sflag:s13], $0x800  }
0xba: {  	[sflag:s13] =	ssyncset.done $0x0  }
0xbb: {  	[sflag:s13] =	ssyncadd.s32 $0xFFFFF800  }
0xbc: {  	[spmem:s4] =	stream.indirect.scatter.add.f32 [tilespmem:s29], [sflag:$0x6], $0x10, s23, s2, $0xb8;
	[tilespmem:$0x1FB80] =	vst v63  }
0xbd: {  	_ =	swait.ge [sflag:s31], $0x4000  }
0xbe: {  	[sflag:s31] =	ssyncset.done $0x0  }
0xbf: {  	[sflag:s31] =	ssyncadd.s32 $0xFFFFC000  }
0xc0: {  	_ =	swait.ge [sflag:s8], $0x4000  }
0xc1: {  	[sflag:s8] =	ssyncset.done $0x0  }
0xc2: {  	s25 =	sadd.s32 $0x13F80, s14;
	[sflag:s8] =	ssyncadd.s32 $0xFFFFC000  }
0xc3: {  	[tilespmem:s1], [sflag:$0x2] =	stream.indirect.gather [hbm4b:s0+s2], $0x80, s25, s2, $0xb8;
	[tilespmem:$0x1FB80] =	vst v63  }
0xc4: {  	s30 =	sadd.s32 $0x14700, s14  }
0xc5: {  	[spmem:s3] =	stream.indirect.scatter.add.f32 [tilespmem:s26], [sflag:$0x3], $0x80, s30, s2, $0xb8;
	[tilespmem:$0x1FB80] =	vst v63  }
0xc6: {  	_ =	swait.ge [sflag:s13], $0x800  }
0xc7: {  	[sflag:s13] =	ssyncset.done $0x0  }
0xc8: {  	[sflag:s13] =	ssyncadd.s32 $0xFFFFF800  }
0xc9: {  	[spmem:s4] =	stream.indirect.scatter.add.f32 [tilespmem:s29], [sflag:$0x6], $0x10, s30, s2, $0xb8;
	[tilespmem:$0x1FB80] =	vst v63  }
0xca: {  	_ =	swait.ge [sflag:s11], $0x4000  }
0xcb: {  	[sflag:s11] =	ssyncset.done $0x0  }
0xcc: {  	[sflag:s11] =	ssyncadd.s32 $0xFFFFC000  }
0xcd: {  	_ =	swait.ge [sflag:s12], $0x4000  }
0xce: {  	[sflag:s12] =	ssyncset.done $0x0  }
0xcf: {  	s18 =	simm.s32 @!p0 $0x5;
	[sflag:s12] =	ssyncadd.s32 $0xFFFFC000  }
0xd0: {  	_ =	swait.ge @!p0 [sflag:s18], $0x400  }
0xd1: {  	[sflag:s18] =	ssyncset.done @!p0 $0x0  }
0xd2: {  	[sflag:s18] =	ssyncadd.s32 @!p0 $0xFFFFFC00  }
0xd3: {  	_ =	swait.ge @!p0 [sflag:s18], $0x400  }
0xd4: {  	[sflag:s18] =	ssyncset.done @!p0 $0x0  }
0xd5: {  	s19 =	simm.s32 @!p0 $0x80;
	[sflag:s18] =	ssyncadd.s32 @!p0 $0xFFFFFC00;
	s18 =	simm.s32 @!p0 $0x14C00  }
0xd6: {  	[tilespmem:s18], [sflag:$0x1] =	stream.indirect.gather @!p0 [hbm4b:s0+s19], $0x80, s17, s19, $0xb8;
	[tilespmem:$0x1FB80] =	vst v63  }
0xd7: {  	p0 =	sne.s32 s9, $0x1  }
.Ltmp2:
0xd8: {  	s14 =	sor.u32 $0x380, s14;
	(pc) =	sbr.rel @!p0 .LBB2_7-.Ltmp2, $4  }
0xd9: {  	s17 =	sadd.s32 $0x14400, s14  }
0xda: {  	[spmem:s3] =	stream.indirect.scatter.add.f32 [tilespmem:s1], [sflag:$0x4], $0x80, s17, s2, $0xb8;
	[tilespmem:$0x1FB80] =	vst v63  }
0xdb: {  	_ =	swait.ge [sflag:s13], $0x800  }
0xdc: {  	s25 =	smov.u32 s15;
	s14 =	simm.s32 $0x1;
	[sflag:s13] =	ssyncset.done $0x0  }
.LBB2_6:
0xdd: {  	[sflag:s13] =	ssyncadd.s32 $0xFFFFF800  }
0xde: {  	s25 =	sadd.s32 $0x400, s25;
	s18 =	smov.u32 s14;
	s14 =	sadd.s32 $0x1, s14  }
0xdf: {  	[spmem:s4] =	stream.indirect.scatter.add.f32 [tilespmem:s29], [sflag:$0x6], $0x10, s17, s2, $0xb8;
	[tilespmem:$0x1FB80] =	vst v63  }
0xe0: {  	p0 =	sne.s32 s9, s14;
	_ =	swait.ge [sflag:s31], $0x4000  }
0xe1: {  	p1 =	seq.s32 s18, $0x0;
	[sflag:s31] =	ssyncset.done $0x0  }
0xe2: {  	s17 =	simm.s32 @!p1 $0x4;
	[sflag:s31] =	ssyncadd.s32 $0xFFFFC000  }
0xe3: {  	s18 =	sand.u32 $0x1, s18;
	_ =	swait.ge @!p1 [sflag:s17], $0x4000  }
0xe4: {  	s19 =	sxor.u32 $0x1, s18;
	s18 =	sshll.u32 s18, $0xA;
	[sflag:s17] =	ssyncset.done @!p1 $0x0  }
0xe5: {  	s30 =	sor.u32 $0x80, s18;
	[sflag:s17] =	ssyncadd.s32 @!p1 $0xFFFFC000;
	s17 =	sadd.s32 $0x13C80, s18  }
0xe6: {  	[tilespmem:s1], [sflag:$0x2] =	stream.indirect.gather [hbm4b:s0+s2], $0x80, s17, s2, $0xb8;
	[tilespmem:$0x1FB80] =	vst v63  }
0xe7: {  	s22 =	simm.s32 @!p1 $0x6;
	s21 =	sadd.s32 $0x14400, s18;
	s20 =	sor.u32 $0x100, s18  }
0xe8: {  	[spmem:s3] =	stream.indirect.scatter.add.f32 [tilespmem:s26], [sflag:$0x3], $0x80, s21, s2, $0xb8;
	[tilespmem:$0x1FB80] =	vst v63  }
0xe9: {  	s17 =	sor.u32 $0x380, s18;
	_ =	swait.ge @!p1 [sflag:s22], $0x800  }
0xea: {  	[sflag:s22] =	ssyncset.done @!p1 $0x0  }
0xeb: {  	[sflag:s22] =	ssyncadd.s32 @!p1 $0xFFFFF800  }
0xec: {  	[spmem:s4] =	stream.indirect.scatter.add.f32 [tilespmem:s29], [sflag:$0x6], $0x10, s21, s2, $0xb8;
	[tilespmem:$0x1FB80] =	vst v63  }
0xed: {  	_ =	swait.ge [sflag:s11], $0x4000  }
0xee: {  	[sflag:s11] =	ssyncset.done $0x0  }
0xef: {  	[sflag:s11] =	ssyncadd.s32 $0xFFFFC000  }
0xf0: {  	_ =	swait.ge [sflag:s12], $0x4000  }
0xf1: {  	[sflag:s12] =	ssyncset.done $0x0  }
0xf2: {  	s21 =	sadd.s32 $0x13D00, s18;
	[sflag:s12] =	ssyncadd.s32 $0xFFFFC000  }
0xf3: {  	[tilespmem:s26], [sflag:$0x1] =	stream.indirect.gather [hbm4b:s0+s2], $0x80, s21, s2, $0xb8;
	[tilespmem:$0x1FB80] =	vst v63  }
0xf4: {  	s21 =	sadd.s32 $0x14400, s30  }
0xf5: {  	[spmem:s3] =	stream.indirect.scatter.add.f32 [tilespmem:s1], [sflag:$0x4], $0x80, s21, s2, $0xb8;
	[tilespmem:$0x1FB80] =	vst v63  }
0xf6: {  	_ =	swait.ge [sflag:s13], $0x800  }
0xf7: {  	[sflag:s13] =	ssyncset.done $0x0  }
0xf8: {  	[sflag:s13] =	ssyncadd.s32 $0xFFFFF800  }
0xf9: {  	[spmem:s4] =	stream.indirect.scatter.add.f32 [tilespmem:s29], [sflag:$0x6], $0x10, s21, s2, $0xb8;
	[tilespmem:$0x1FB80] =	vst v63  }
0xfa: {  	p1 =	sge.u32 s14, s9;
	_ =	swait.ge [sflag:s31], $0x4000  }
0xfb: {  	s22 =	sshrl.u32 @!p1 s25, $0x3;
	s21 =	sshll.u32 @!p1 s19, $0xA;
	[sflag:s31] =	ssyncset.done $0x0  }
0xfc: {  	s30 =	sadd.s32 @!p1 s6, s22;
	s19 =	sadd.s32 @!p1 $0x13C00, s21;
	[sflag:s31] =	ssyncadd.s32 $0xFFFFC000  }
0xfd: {  	s23 =	simm.s32 @!p1 $0x0;
	s22 =	sadd.s32 @!p1 s7, s22;
	s21 =	sadd.s32 @!p1 $0x14400, s21  }
0xfe: {  	[tilespmem:s19], [sflag:$0x5] =	stream.linear.gather @!p1 [hbm4b:s30+s23], $0x400, $0x38;
	[tilespmem:$0x1FB80] =	vst v63  }
0xff: {  	_ = 	snop  }
0x100: {  	[tilespmem:s21], [sflag:$0x5] =	stream.linear.gather @!p1 [hbm4b:s22+s23], $0x400, $0x38;
	[tilespmem:$0x1FB80] =	vst v63  }
0x101: {  	_ =	swait.ge [sflag:s8], $0x4000  }
0x102: {  	s21 =	sadd.s32 $0x13D80, s18;
	[sflag:s8] =	ssyncset.done $0x0  }
0x103: {  	s20 =	sadd.s32 $0x14400, s20;
	[sflag:s8] =	ssyncadd.s32 $0xFFFFC000  }
0x104: {  	[tilespmem:s1], [sflag:$0x2] =	stream.indirect.gather [hbm4b:s0+s2], $0x80, s21, s2, $0xb8;
	[tilespmem:$0x1FB80] =	vst v63  }
0x105: {  	_ = 	snop  }
0x106: {  	[spmem:s3] =	stream.indirect.scatter.add.f32 [tilespmem:s26], [sflag:$0x3], $0x80, s20, s2, $0xb8;
	[tilespmem:$0x1FB80] =	vst v63  }
0x107: {  	_ =	swait.ge [sflag:s13], $0x800  }
0x108: {  	[sflag:s13] =	ssyncset.done $0x0  }
0x109: {  	[sflag:s13] =	ssyncadd.s32 $0xFFFFF800  }
0x10a: {  	[spmem:s4] =	stream.indirect.scatter.add.f32 [tilespmem:s29], [sflag:$0x6], $0x10, s20, s2, $0xb8;
	[tilespmem:$0x1FB80] =	vst v63  }
0x10b: {  	_ =	swait.ge [sflag:s11], $0x4000  }
0x10c: {  	[sflag:s11] =	ssyncset.done $0x0  }
0x10d: {  	[sflag:s11] =	ssyncadd.s32 $0xFFFFC000  }
0x10e: {  	_ =	swait.ge [sflag:s12], $0x4000  }
0x10f: {  	s20 =	sadd.s32 $0x13E00, s18;
	[sflag:s12] =	ssyncset.done $0x0  }
0x110: {  	s21 =	sadd.s32 $0x14580, s18;
	[sflag:s12] =	ssyncadd.s32 $0xFFFFC000  }
0x111: {  	[tilespmem:s26], [sflag:$0x1] =	stream.indirect.gather [hbm4b:s0+s2], $0x80, s20, s2, $0xb8;
	[tilespmem:$0x1FB80] =	vst v63  }
0x112: {  	_ = 	snop  }
0x113: {  	[spmem:s3] =	stream.indirect.scatter.add.f32 [tilespmem:s1], [sflag:$0x4], $0x80, s21, s2, $0xb8;
	[tilespmem:$0x1FB80] =	vst v63  }
0x114: {  	_ =	swait.ge [sflag:s13], $0x800  }
0x115: {  	[sflag:s13] =	ssyncset.done $0x0  }
0x116: {  	[sflag:s13] =	ssyncadd.s32 $0xFFFFF800  }
0x117: {  	[spmem:s4] =	stream.indirect.scatter.add.f32 [tilespmem:s29], [sflag:$0x6], $0x10, s21, s2, $0xb8;
	[tilespmem:$0x1FB80] =	vst v63  }
0x118: {  	_ =	swait.ge [sflag:s31], $0x4000  }
0x119: {  	[sflag:s31] =	ssyncset.done $0x0  }
0x11a: {  	[sflag:s31] =	ssyncadd.s32 $0xFFFFC000  }
0x11b: {  	_ =	swait.ge [sflag:s8], $0x4000  }
0x11c: {  	s20 =	sadd.s32 $0x13E80, s18;
	[sflag:s8] =	ssyncset.done $0x0  }
0x11d: {  	s21 =	sadd.s32 $0x14600, s18;
	[sflag:s8] =	ssyncadd.s32 $0xFFFFC000  }
0x11e: {  	[tilespmem:s1], [sflag:$0x2] =	stream.indirect.gather [hbm4b:s0+s2], $0x80, s20, s2, $0xb8;
	[tilespmem:$0x1FB80] =	vst v63  }
0x11f: {  	_ = 	snop  }
0x120: {  	[spmem:s3] =	stream.indirect.scatter.add.f32 [tilespmem:s26], [sflag:$0x3], $0x80, s21, s2, $0xb8;
	[tilespmem:$0x1FB80] =	vst v63  }
0x121: {  	_ =	swait.ge [sflag:s13], $0x800  }
0x122: {  	[sflag:s13] =	ssyncset.done $0x0  }
0x123: {  	[sflag:s13] =	ssyncadd.s32 $0xFFFFF800  }
0x124: {  	[spmem:s4] =	stream.indirect.scatter.add.f32 [tilespmem:s29], [sflag:$0x6], $0x10, s21, s2, $0xb8;
	[tilespmem:$0x1FB80] =	vst v63  }
0x125: {  	_ =	swait.ge [sflag:s11], $0x4000  }
0x126: {  	[sflag:s11] =	ssyncset.done $0x0  }
0x127: {  	[sflag:s11] =	ssyncadd.s32 $0xFFFFC000  }
0x128: {  	_ =	swait.ge [sflag:s12], $0x4000  }
0x129: {  	s20 =	sadd.s32 $0x13F00, s18;
	[sflag:s12] =	ssyncset.done $0x0  }
0x12a: {  	s21 =	sadd.s32 $0x14680, s18;
	[sflag:s12] =	ssyncadd.s32 $0xFFFFC000  }
0x12b: {  	[tilespmem:s26], [sflag:$0x1] =	stream.indirect.gather [hbm4b:s0+s2], $0x80, s20, s2, $0xb8;
	[tilespmem:$0x1FB80] =	vst v63  }
0x12c: {  	_ = 	snop  }
0x12d: {  	[spmem:s3] =	stream.indirect.scatter.add.f32 [tilespmem:s1], [sflag:$0x4], $0x80, s21, s2, $0xb8;
	[tilespmem:$0x1FB80] =	vst v63  }
0x12e: {  	_ =	swait.ge [sflag:s13], $0x800  }
0x12f: {  	[sflag:s13] =	ssyncset.done $0x0  }
0x130: {  	[sflag:s13] =	ssyncadd.s32 $0xFFFFF800  }
0x131: {  	[spmem:s4] =	stream.indirect.scatter.add.f32 [tilespmem:s29], [sflag:$0x6], $0x10, s21, s2, $0xb8;
	[tilespmem:$0x1FB80] =	vst v63  }
0x132: {  	_ =	swait.ge [sflag:s31], $0x4000  }
0x133: {  	[sflag:s31] =	ssyncset.done $0x0  }
0x134: {  	[sflag:s31] =	ssyncadd.s32 $0xFFFFC000  }
0x135: {  	_ =	swait.ge [sflag:s8], $0x4000  }
0x136: {  	s20 =	sadd.s32 $0x13F80, s18;
	[sflag:s8] =	ssyncset.done $0x0  }
0x137: {  	s18 =	sadd.s32 $0x14700, s18;
	[sflag:s8] =	ssyncadd.s32 $0xFFFFC000  }
0x138: {  	[tilespmem:s1], [sflag:$0x2] =	stream.indirect.gather [hbm4b:s0+s2], $0x80, s20, s2, $0xb8;
	[tilespmem:$0x1FB80] =	vst v63  }
0x139: {  	_ = 	snop  }
0x13a: {  	[spmem:s3] =	stream.indirect.scatter.add.f32 [tilespmem:s26], [sflag:$0x3], $0x80, s18, s2, $0xb8;
	[tilespmem:$0x1FB80] =	vst v63  }
0x13b: {  	_ =	swait.ge [sflag:s13], $0x800  }
0x13c: {  	[sflag:s13] =	ssyncset.done $0x0  }
0x13d: {  	[sflag:s13] =	ssyncadd.s32 $0xFFFFF800  }
0x13e: {  	[spmem:s4] =	stream.indirect.scatter.add.f32 [tilespmem:s29], [sflag:$0x6], $0x10, s18, s2, $0xb8;
	[tilespmem:$0x1FB80] =	vst v63  }
0x13f: {  	_ =	swait.ge [sflag:s11], $0x4000  }
0x140: {  	[sflag:s11] =	ssyncset.done $0x0  }
0x141: {  	[sflag:s11] =	ssyncadd.s32 $0xFFFFC000  }
0x142: {  	_ =	swait.ge [sflag:s12], $0x4000  }
0x143: {  	s18 =	simm.s32 @!p1 $0x5;
	[sflag:s12] =	ssyncset.done $0x0  }
0x144: {  	[sflag:s12] =	ssyncadd.s32 $0xFFFFC000  }
0x145: {  	_ =	swait.ge @!p1 [sflag:s18], $0x400  }
0x146: {  	[sflag:s18] =	ssyncset.done @!p1 $0x0  }
0x147: {  	[sflag:s18] =	ssyncadd.s32 @!p1 $0xFFFFFC00  }
0x148: {  	_ =	swait.ge @!p1 [sflag:s18], $0x400  }
0x149: {  	s21 =	simm.s32 @!p1 $0x14C00;
	s20 =	simm.s32 @!p1 $0x80;
	[sflag:s18] =	ssyncset.done @!p1 $0x0  }
0x14a: {  	s17 =	sadd.s32 $0x14400, s17;
	[sflag:s18] =	ssyncadd.s32 @!p1 $0xFFFFFC00  }
0x14b: {  	[tilespmem:s21], [sflag:$0x1] =	stream.indirect.gather @!p1 [hbm4b:s0+s20], $0x80, s19, s20, $0xb8;
	[tilespmem:$0x1FB80] =	vst v63  }
.Ltmp3:
0x14c: {  	_ = 	snop;
	(pc) =	sbr.rel @p0 .LBB2_6-.Ltmp3, $4  }
0x14d: {  	_ = 	snop  }
0x14e: {  	[spmem:s3] =	stream.indirect.scatter.add.f32 [tilespmem:s1], [sflag:$0x4], $0x80, s17, s2, $0xb8;
	[tilespmem:$0x1FB80] =	vst v63  }
0x14f: {  	_ =	swait.ge [sflag:s13], $0x800  }
0x150: {  	[sflag:s13] =	ssyncset.done $0x0  }
.LBB2_7:
0x151: {  	[sflag:s13] =	ssyncadd.s32 $0xFFFFF800  }
0x152: {  	[spmem:s4] =	stream.indirect.scatter.add.f32 [tilespmem:s29], [sflag:$0x6], $0x10, s17, s2, $0xb8;
	[tilespmem:$0x1FB80] =	vst v63  }
0x153: {  	_ =	swait.ge [sflag:s8], $0x4000  }
0x154: {  	[sflag:s8] =	ssyncset.done $0x0  }
0x155: {  	[sflag:s8] =	ssyncadd.s32 $0xFFFFC000  }
0x156: {  	_ =	swait.ge [sflag:s13], $0x800  }
0x157: {  	[sflag:s13] =	ssyncset.done $0x0  }
0x158: {  	s14 =	stileid.u32;
	[sflag:s13] =	ssyncadd.s32 $0xFFFFF800  }
0x159: {  	s14 =	sshll.u32 s14, $0x6;
	[bflag:$0x0] =	sbarrier.arrive $0xFFFF  }
0x15a: {  	s23 =	sshrl.u32 s10, $0x3;
	s14 =	sor.u32 $0x1C07, s14;
	s18 =	rddreg [dreg:$0x11]  }
0x15b: {  	[hbm:s18], [sflag:s14] =	dma.local [spmem:s23], $0x2780  }
0x15c: {  	s5 =	sadd.s32 $0x1, s5;
	_ =	swait.ge [sflag:s28], $0x2780  }
0x15d: {  	s25 =	sshrl.u32 s16, $0x3;
	p0 =	sne.s32 s5, s24;
	[sflag:s28] =	ssyncset.done $0x0  }
.Ltmp4:
0x15e: {  	s30 =	rddreg [dreg:$0x9];
	[sflag:s28] =	ssyncadd.s32 $0xFFFFD880;
	(pc) =	sbr.rel @p0 .LBB2_1-.Ltmp4, $4  }
0x15f: {  	[hbm:s30], [sflag:s14] =	dma.local [spmem:s25], $0x4F0  }
0x160: {  	_ =	swait.ge [sflag:s28], $0x4F0  }
0x161: {  	[sflag:s28] =	ssyncset.done $0x0  }
0x162: {  	[sflag:s28] =	ssyncadd.s32 $0xFFFFFB10  }
0x163: {  	_ =	sfence.sel $0x180000  }
0x164: {  	[bflag:$0x0] =	sbarrier.arrive $0xFFFF  }
0x165: {  	_ =	strace $0x90000047  }
0x166: {  	s0 =	stileid.u32;
	[bflag:$0x2] =	sbarrier.arrive $0xFFFF  }
0x167: {  	p0 =	sne.s32 s0, $0x0;
	s0 =	rddreg [dreg:$0x5]  }
0x168: {  	s0 =	sadd.s32 @!p0 $0x100000, s0  }
0x169: {  	[sflag:s0] =	ssyncadd.tile.s32 @!p0 $0x1;
	_ =	shalt  }
.Lfunc_end2:
_tile_overlayer_lowered:
.L_overlay_start_2:
0x16a: {  	(tag) =	ssettag $0x2  }
0x16b: {  	s0 =	rddreg [dreg:$0x0];
	s2 =	stileid.u32  }
0x16c: {  	s1 =	rddreg [dreg:$0x1];
	p0 =	sne.s32 s2, $0x0  }
0x16d: {  	s3 =	rddreg [dreg:$0x2];
	[bflag:$0x3] =	sbarrier.arrive $0xFFFF;
	s2 =	simm.s32 @!p0 $0x1C07  }
0x16e: {  	[timem:s3], [sflag:s2] =	dma.local @!p0 [hbm:s0], s1  }
0x16f: {  	s0 =	simm.s32 @!p0 $0x7  }
0x170: {  	_ =	swait.ge @!p0 [sflag:s0], s1  }
0x171: {  	s1 =	ssub.s32 @!p0 $0x0, s1;
	[sflag:s0] =	ssyncset.done @!p0 $0x0  }
0x172: {  	[sflag:s0] =	ssyncadd.s32 @!p0 s1  }
0x173: {  	[bflag:$0x3] =	sbarrier.arrive $0xFFFF  }
0x174: {  	_ =	shalt  }

</sc_bundles>
